<compile_context>
chip_gen: v7x
topology: tpu7x:2x2x1
jax: 0.10.2.dev20260603
libtpu: 0.0.44.dev20260713+nightly
codegen_flags: <defaults>
</compile_context>

<pallas_src>
import functools

import jax
import jax.numpy as jnp
from jax import lax
from jax.experimental import pallas as pl
from jax.experimental.pallas import tpu as pltpu
from jax.experimental.pallas import tpu_sc as plsc

N = 10000
E = 320000
H = 128
C = 32

NC = 2
NS = 16
NW = NC * NS
KC = 128
EPTS = E // NW
NCHS = -(-EPTS // KC)
PADS = NCHS * KC - EPTS
EPTD = E // NS
NCHD = -(-EPTD // KC)
PADD = NCHD * KC - EPTD
TRASH = 16
W1 = 624
ZC = 104


def _zero_buf(buf, nrows, width):
    zv = jnp.zeros((16,), jnp.float32)

    def zrow(i, _):
        for j in range(width // 16):
            buf[i, pl.ds(j * 16, 16)] = zv
        return 0

    lax.fori_loop(0, nrows, zrow, 0)


def _zero_acc_slice(zbuf, acc, s):
    base = s * W1
    for t in range(W1 // ZC):
        pltpu.sync_copy(zbuf.at[pl.ds(0, ZC)],
                        acc.at[pl.ds(base + t * ZC, ZC)])

    @pl.when(s == NS - 1)
    def _():
        pltpu.sync_copy(zbuf.at[pl.ds(0, 16)], acc.at[pl.ds(NS * W1, 16)])


def _writeout_slice(acc, out_hbm, s, pre):
    base = s * W1
    pltpu.sync_copy(acc.at[pl.ds(base, W1)],
                    out_hbm.at[pre + (pl.ds(base, W1),)])

    @pl.when(s == NS - 1)
    def _():
        pltpu.sync_copy(acc.at[pl.ds(NS * W1, 16)],
                        out_hbm.at[pre + (pl.ds(NS * W1, 16),)])


def _make_sc_segsum(Hw):
    mesh = plsc.VectorSubcoreMesh(core_axis_name="c", subcore_axis_name="s")

    @functools.partial(
        pl.kernel, mesh=mesh,
        out_type=jax.ShapeDtypeStruct((NC, N, Hw), jnp.float32),
        scratch_types=[
            pltpu.VMEM((NCHS, KC), jnp.int32),
            pltpu.VMEM((NCHS, KC), jnp.int32),
            pltpu.VMEM((KC, Hw), jnp.float32),
            pltpu.VMEM_SHARED((N + TRASH, Hw), jnp.float32),
            pltpu.SemaphoreType.DMA,
        ],
    )
    def k(y_hbm, src_hbm, dst_hbm, out_hbm, srcv, dstv, rows, acc, sem):
        c = lax.axis_index("c")
        s = lax.axis_index("s")
        w = c * NS + s

        _zero_buf(rows, KC, Hw)
        _zero_acc_slice(rows, acc, s)
        pltpu.sync_copy(src_hbm.at[w], srcv)
        pltpu.sync_copy(dst_hbm.at[w], dstv)
        plsc.subcore_barrier()

        def step(j, _):
            pltpu.async_copy(y_hbm.at[srcv.at[j]], rows, sem).wait()
            pltpu.sync_copy(rows, acc.at[dstv.at[j]], add=True)
            return 0

        lax.fori_loop(0, NCHS, step, 0)
        plsc.subcore_barrier()
        _writeout_slice(acc, out_hbm, s, (c,))

    return k


def _make_sc_deg():
    mesh = plsc.VectorSubcoreMesh(core_axis_name="c", subcore_axis_name="s")

    @functools.partial(
        pl.kernel, mesh=mesh,
        out_type=jax.ShapeDtypeStruct((NC, N, H), jnp.float32),
        scratch_types=[
            pltpu.VMEM((NCHS, KC), jnp.int32),
            pltpu.VMEM((KC, H), jnp.float32),
            pltpu.VMEM_SHARED((N + TRASH, H), jnp.float32),
        ],
    )
    def k(dst_hbm, out_hbm, dstv, ones, acc):
        c = lax.axis_index("c")
        s = lax.axis_index("s")
        w = c * NS + s

        _zero_buf(ones, KC, H)
        _zero_acc_slice(ones, acc, s)
        ov = jnp.ones((16,), jnp.float32)

        def orow(i, _):
            for j in range(H // 16):
                ones[i, pl.ds(j * 16, 16)] = ov
            return 0

        lax.fori_loop(0, KC, orow, 0)
        pltpu.sync_copy(dst_hbm.at[w], dstv)
        plsc.subcore_barrier()

        def step(j, _):
            pltpu.sync_copy(ones, acc.at[dstv.at[j]], add=True)
            return 0

        lax.fori_loop(0, NCHS, step, 0)
        plsc.subcore_barrier()
        _writeout_slice(acc, out_hbm, s, (c,))

    return k


BN = 1000


def _proj_body_plain(a_ref, wr_ref, wo_ref, y_ref, r_ref):
    a = a_ref[...]
    y_ref[...] = jnp.dot(a, wr_ref[...], preferred_element_type=jnp.float32)
    r_ref[...] = jnp.dot(a, wo_ref[...], preferred_element_type=jnp.float32)


def _proj_body_affine(a_ref, stats_ref, g_ref, b_ref, wr_ref, wo_ref,
                      y_ref, r_ref):
    st = stats_ref[...]
    m = st[0:1] / N
    var = st[1:2] / N - m * m
    scale = g_ref[...] * lax.rsqrt(var + 1e-5)
    shift = b_ref[...] - m * scale
    a = a_ref[...] * scale + shift
    y_ref[...] = jnp.dot(a, wr_ref[...], preferred_element_type=jnp.float32)
    r_ref[...] = jnp.dot(a, wo_ref[...], preferred_element_type=jnp.float32)


def _make_project(Din, Dy, Dr, affine):
    full = lambda shape: pl.BlockSpec(shape, lambda i: (0,) * len(shape))
    in_specs = [pl.BlockSpec((BN, Din), lambda i: (i, 0))]
    if affine:
        in_specs += [full((2, Din)), full((1, Din)), full((1, Din))]
    in_specs += [full((Din, Dy)), full((Din, Dr))]
    return pl.pallas_call(
        _proj_body_affine if affine else _proj_body_plain,
        grid=(N // BN,),
        in_specs=in_specs,
        out_specs=[pl.BlockSpec((BN, Dy), lambda i: (i, 0)),
                   pl.BlockSpec((BN, Dr), lambda i: (i, 0))],
        out_shape=[jax.ShapeDtypeStruct((N, Dy), jnp.float32),
                   jax.ShapeDtypeStruct((N, Dr), jnp.float32)],
    )


def _combine_body(s_ref, deg_ref, r_ref, a_ref, stats_ref):
    ssum = s_ref[0] + s_ref[1]
    d = deg_ref[0, :, 0:1] + deg_ref[1, :, 0:1]
    inv = 1.0 / jnp.maximum(d, 1.0)
    a = jnp.maximum(ssum * inv + r_ref[...], 0.0)
    a_ref[...] = a
    upd = jnp.concatenate(
        [jnp.sum(a, axis=0, keepdims=True),
         jnp.sum(a * a, axis=0, keepdims=True)], axis=0)
    i = pl.program_id(0)

    @pl.when(i == 0)
    def _():
        stats_ref[...] = upd

    @pl.when(i > 0)
    def _():
        stats_ref[...] += upd


def _make_combine(Hw):
    return pl.pallas_call(
        _combine_body,
        grid=(N // BN,),
        in_specs=[
            pl.BlockSpec((NC, BN, Hw), lambda i: (0, i, 0)),
            pl.BlockSpec((NC, BN, H), lambda i: (0, i, 0)),
            pl.BlockSpec((BN, Hw), lambda i: (i, 0)),
        ],
        out_specs=[
            pl.BlockSpec((BN, Hw), lambda i: (i, 0)),
            pl.BlockSpec((2, Hw), lambda i: (0, 0)),
        ],
        out_shape=[
            jax.ShapeDtypeStruct((N, Hw), jnp.float32),
            jax.ShapeDtypeStruct((2, Hw), jnp.float32),
        ],
    )


def _final_body(s_ref, deg_ref, r_ref, o_ref):
    u = (s_ref[0] + s_ref[1])[:, :C]
    d = deg_ref[0, :, 0:1] + deg_ref[1, :, 0:1]
    inv = 1.0 / jnp.maximum(d, 1.0)
    u = u * inv + r_ref[...]
    mx = jnp.max(u, axis=1, keepdims=True)
    lse = jnp.log(jnp.sum(jnp.exp(u - mx), axis=1, keepdims=True)) + mx
    o_ref[...] = u - lse


def _make_final():
    return pl.pallas_call(
        _final_body,
        grid=(N // BN,),
        in_specs=[
            pl.BlockSpec((NC, BN, H), lambda i: (0, i, 0)),
            pl.BlockSpec((NC, BN, H), lambda i: (0, i, 0)),
            pl.BlockSpec((BN, C), lambda i: (i, 0)),
        ],
        out_specs=pl.BlockSpec((BN, C), lambda i: (i, 0)),
        out_shape=jax.ShapeDtypeStruct((N, C), jnp.float32),
    )


def _pad_edges(idx, groups, pad):
    g = idx.reshape(groups, E // groups)
    return jnp.concatenate([g, pad], axis=1).reshape(groups, -1, KC)


def _trash_pad(groups, pad_slots):
    return jnp.broadcast_to(
        N + (jnp.arange(pad_slots, dtype=jnp.int32) % 8), (groups, pad_slots))


def kernel(x, edge_index, W_rel_p, W_root_p, g0, b0,
           W_rel_1, W_root_1, g1, b1,
           W_rel_2, W_root_2, g2, b2,
           W_rel_3, W_root_3, g3, b3,
           W_rel_f, W_root_f):
    src32 = _pad_edges(edge_index[0], NW, jnp.zeros((NW, PADS), jnp.int32))
    dst32 = _pad_edges(edge_index[1], NW, _trash_pad(NW, PADS))

    sc_h = _make_sc_segsum(H)
    sc_deg = _make_sc_deg()
    proj0 = _make_project(H, H, H, False)
    proj_h = _make_project(H, H, H, True)
    proj_f = _make_project(H, H, C, True)
    wrf_pad = jnp.concatenate(
        [W_rel_f, jnp.zeros((H, H - C), jnp.float32)], axis=1)
    combine = _make_combine(H)
    final = _make_final()

    deg = sc_deg(dst32)
    y, r = proj0(x, W_rel_p, W_root_p)
    s = sc_h(y, src32, dst32)
    a, stats = combine(s, deg, r)
    for (g, b, Wr, Wo) in ((g0, b0, W_rel_1, W_root_1),
                           (g1, b1, W_rel_2, W_root_2),
                           (g2, b2, W_rel_3, W_root_3)):
        y, r = proj_h(a, stats, g.reshape(1, H), b.reshape(1, H), Wr, Wo)
        s = sc_h(y, src32, dst32)
        a, stats = combine(s, deg, r)
    y, r = proj_f(a, stats, g3.reshape(1, H), b3.reshape(1, H),
                  wrf_pad, W_root_f)
    s = sc_h(y, src32, dst32)
    return final(s, deg, r)

# --- scband reference (transcript-rebuilt; emitter-appended) ---
"""Pipeline reference for scband-graph-conv-model-31035433680973 (READ-ONLY COPY).

The authoritative reference and input builder live on the scoring server;
editing this copy changes nothing except your own understanding.
"""

import jax, jax.numpy as jnp
import numpy as np

N = 10000
E = 320000
D = 128
H = 128
C = 32


def setup_inputs(seed: int = 0) -> dict:
    key = jax.random.key(seed)
    ks = jax.random.split(key, 24)
    inp = {}
    inp["x"] = jax.random.normal(ks[0], (N, D), dtype=jnp.float32)
    inp["edge_index"] = jax.random.randint(ks[1], (2, E), 0, N, dtype=jnp.int32)
    s = 0.05
    # proj layer (D -> H)
    inp["W_rel_p"] = jax.random.normal(ks[2], (D, H), dtype=jnp.float32) * s
    inp["W_root_p"] = jax.random.normal(ks[3], (D, H), dtype=jnp.float32) * s
    inp["g0"] = jnp.ones((H,), dtype=jnp.float32)
    inp["b0"] = jnp.zeros((H,), dtype=jnp.float32)
    # 3 hidden conv layers (H -> H)
    inp["W_rel_1"] = jax.random.normal(ks[4], (H, H), dtype=jnp.float32) * s
    inp["W_root_1"] = jax.random.normal(ks[5], (H, H), dtype=jnp.float32) * s
    inp["g1"] = jnp.ones((H,), dtype=jnp.float32)
    inp["b1"] = jnp.zeros((H,), dtype=jnp.float32)
    inp["W_rel_2"] = jax.random.normal(ks[6], (H, H), dtype=jnp.float32) * s
    inp["W_root_2"] = jax.random.normal(ks[7], (H, H), dtype=jnp.float32) * s
    inp["g2"] = jnp.ones((H,), dtype=jnp.float32)
    inp["b2"] = jnp.zeros((H,), dtype=jnp.float32)
    inp["W_rel_3"] = jax.random.normal(ks[8], (H, H), dtype=jnp.float32) * s
    inp["W_root_3"] = jax.random.normal(ks[9], (H, H), dtype=jnp.float32) * s
    inp["g3"] = jnp.ones((H,), dtype=jnp.float32)
    inp["b3"] = jnp.zeros((H,), dtype=jnp.float32)
    # final layer (H -> C)
    inp["W_rel_f"] = jax.random.normal(ks[10], (H, C), dtype=jnp.float32) * s
    inp["W_root_f"] = jax.random.normal(ks[11], (H, C), dtype=jnp.float32) * s
    return inp


def _gconv(x, edge_index, W_rel, W_root):
    # GraphConv with aggr='mean', use_W1=True, no bias
    src = edge_index[0]
    dst = edge_index[1]
    msgs = x[src]  # gather x_j
    summed = jax.ops.segment_sum(msgs, dst, num_segments=x.shape[0])
    deg = jax.ops.segment_sum(jnp.ones((edge_index.shape[1],), dtype=x.dtype), dst, num_segments=x.shape[0])
    agg = summed / jnp.clip(deg, 1.0)[:, None]
    return agg @ W_rel + x @ W_root


def _bn(x, g, b):
    # BatchNorm1d over node dimension (training-mode batch stats)
    m = jnp.mean(x, axis=0)
    v = jnp.var(x, axis=0)
    return g * (x - m) / jnp.sqrt(v + 1e-5) + b


def reference(x, edge_index, W_rel_p, W_root_p, g0, b0,
              W_rel_1, W_root_1, g1, b1,
              W_rel_2, W_root_2, g2, b2,
              W_rel_3, W_root_3, g3, b3,
              W_rel_f, W_root_f):
    h = _gconv(x, edge_index, W_rel_p, W_root_p)
    h = jax.nn.relu(h)
    h = _bn(h, g0, b0)
    h = _gconv(h, edge_index, W_rel_1, W_root_1)
    h = jax.nn.relu(h)
    h = _bn(h, g1, b1)
    h = _gconv(h, edge_index, W_rel_2, W_root_2)
    h = jax.nn.relu(h)
    h = _bn(h, g2, b2)
    h = _gconv(h, edge_index, W_rel_3, W_root_3)
    h = jax.nn.relu(h)
    h = _bn(h, g3, b3)
    h = _gconv(h, edge_index, W_rel_f, W_root_f)
    return jax.nn.log_softmax(h, axis=1)

if __name__ == "__main__":
    import jax
    _d = setup_inputs()
    print(jax.jit(kernel)(*tuple(_d.values())))

</pallas_src>

<mosaic_0001>
#map = affine_map<(d0, d1) -> (0, 0)>
#map1 = affine_map<(d0, d1) -> (0, 0, 0)>
module attributes {stable_mosaic.version = 14 : i64} {
  func.func @k(%arg0: i32, %arg1: i32, %arg2: memref<10000x128xf32, #tpu.memory_space<hbm>>, %arg3: memref<32x79x128xi32, #tpu.memory_space<hbm>>, %arg4: memref<32x79x128xi32, #tpu.memory_space<hbm>>, %arg5: memref<2x10000x128xf32, #tpu.memory_space<hbm>>, %arg6: memref<79x128xi32, #tpu.memory_space<vmem>>, %arg7: memref<79x128xi32, #tpu.memory_space<vmem>>, %arg8: memref<128x128xf32, #tpu.memory_space<vmem>>, %arg9: memref<10016x128xf32, #tpu.memory_space<vmem_shared>>, %arg10: memref<!tpu.dma_semaphore, #tpu.memory_space<semaphore_mem>>) attributes {dimension_semantics = [#tpu.dimension_semantics<core_parallel>, #tpu.dimension_semantics<subcore_parallel>], iteration_bounds = array<i64: 2, 16>, scalar_prefetch = 0 : i64, scratch_operands = 5 : i64, tpu.core_type = #tpu.core_type<sc_vector_subcore>, window_params = [{transform_indices = #map}, {transform_indices = #map1}, {transform_indices = #map1}, {transform_indices = #map1}]} {
    %mul3A = arith.constant 16 : i32
    %mul3A_0 = arith.muli %arg0, %mul3A : i32
    %add3A = arith.addi %mul3A_0, %arg1 : i32
    %broadcast_in_dim3A = arith.constant 0.000000e+00 : f32
    %broadcast_in_dim3A_1 = vector.broadcast %broadcast_in_dim3A : f32 to vector<16xf32>
    %scan3A = arith.constant 0 : i32
    %scan3A_2 = arith.constant 0 : i32
    %scan3A_3 = arith.constant 128 : i32
    %scan3A_4 = arith.addi %scan3A_2, %scan3A_3 : i32
    %scan3A_5 = arith.constant 1 : i32
    %scan3A_6 = scf.for %scan3A_39 = %scan3A_2 to %scan3A_4 step %scan3A_5 iter_args(%scan3A_40 = %scan3A) -> (i32)  : i32 {
      %swap3A = arith.index_cast %scan3A_39 : i32 to index
      %swap3A_41 = arith.constant 0 : index
      %swap3A_42 = tpu.vector_load %arg8[%swap3A, %swap3A_41] {strides = array<i32>} : memref<128x128xf32, #tpu.memory_space<vmem>>, vector<1x16xf32>,
      %swap3A_43 = vector.shape_cast %swap3A_42 : vector<1x16xf32> to vector<16xf32>
      %swap3A_44 = vector.shape_cast %broadcast_in_dim3A_1 : vector<16xf32> to vector<1x16xf32>
      tpu.vector_store %arg8[%swap3A, %swap3A_41], %swap3A_44 {strides = array<i32>} : memref<128x128xf32, #tpu.memory_space<vmem>>, vector<1x16xf32>,
      %swap3A_45 = arith.index_cast %scan3A_39 : i32 to index
      %swap3A_46 = arith.constant 16 : index
      %swap3A_47 = tpu.vector_load %arg8[%swap3A_45, %swap3A_46] {strides = array<i32>} : memref<128x128xf32, #tpu.memory_space<vmem>>, vector<1x16xf32>,
      %swap3A_48 = vector.shape_cast %swap3A_47 : vector<1x16xf32> to vector<16xf32>
      %swap3A_49 = vector.shape_cast %broadcast_in_dim3A_1 : vector<16xf32> to vector<1x16xf32>
      tpu.vector_store %arg8[%swap3A_45, %swap3A_46], %swap3A_49 {strides = array<i32>} : memref<128x128xf32, #tpu.memory_space<vmem>>, vector<1x16xf32>,
      %swap3A_50 = arith.index_cast %scan3A_39 : i32 to index
      %swap3A_51 = arith.constant 32 : index
      %swap3A_52 = tpu.vector_load %arg8[%swap3A_50, %swap3A_51] {strides = array<i32>} : memref<128x128xf32, #tpu.memory_space<vmem>>, vector<1x16xf32>,
      %swap3A_53 = vector.shape_cast %swap3A_52 : vector<1x16xf32> to vector<16xf32>
      %swap3A_54 = vector.shape_cast %broadcast_in_dim3A_1 : vector<16xf32> to vector<1x16xf32>
      tpu.vector_store %arg8[%swap3A_50, %swap3A_51], %swap3A_54 {strides = array<i32>} : memref<128x128xf32, #tpu.memory_space<vmem>>, vector<1x16xf32>,
      %swap3A_55 = arith.index_cast %scan3A_39 : i32 to index
      %swap3A_56 = arith.constant 48 : index
      %swap3A_57 = tpu.vector_load %arg8[%swap3A_55, %swap3A_56] {strides = array<i32>} : memref<128x128xf32, #tpu.memory_space<vmem>>, vector<1x16xf32>,
      %swap3A_58 = vector.shape_cast %swap3A_57 : vector<1x16xf32> to vector<16xf32>
      %swap3A_59 = vector.shape_cast %broadcast_in_dim3A_1 : vector<16xf32> to vector<1x16xf32>
      tpu.vector_store %arg8[%swap3A_55, %swap3A_56], %swap3A_59 {strides = array<i32>} : memref<128x128xf32, #tpu.memory_space<vmem>>, vector<1x16xf32>,
      %swap3A_60 = arith.index_cast %scan3A_39 : i32 to index
      %swap3A_61 = arith.constant 64 : index
      %swap3A_62 = tpu.vector_load %arg8[%swap3A_60, %swap3A_61] {strides = array<i32>} : memref<128x128xf32, #tpu.memory_space<vmem>>, vector<1x16xf32>,
      %swap3A_63 = vector.shape_cast %swap3A_62 : vector<1x16xf32> to vector<16xf32>
      %swap3A_64 = vector.shape_cast %broadcast_in_dim3A_1 : vector<16xf32> to vector<1x16xf32>
      tpu.vector_store %arg8[%swap3A_60, %swap3A_61], %swap3A_64 {strides = array<i32>} : memref<128x128xf32, #tpu.memory_space<vmem>>, vector<1x16xf32>,
      %swap3A_65 = arith.index_cast %scan3A_39 : i32 to index
      %swap3A_66 = arith.constant 80 : index
      %swap3A_67 = tpu.vector_load %arg8[%swap3A_65, %swap3A_66] {strides = array<i32>} : memref<128x128xf32, #tpu.memory_space<vmem>>, vector<1x16xf32>,
      %swap3A_68 = vector.shape_cast %swap3A_67 : vector<1x16xf32> to vector<16xf32>
      %swap3A_69 = vector.shape_cast %broadcast_in_dim3A_1 : vector<16xf32> to vector<1x16xf32>
      tpu.vector_store %arg8[%swap3A_65, %swap3A_66], %swap3A_69 {strides = array<i32>} : memref<128x128xf32, #tpu.memory_space<vmem>>, vector<1x16xf32>,
      %swap3A_70 = arith.index_cast %scan3A_39 : i32 to index
      %swap3A_71 = arith.constant 96 : index
      %swap3A_72 = tpu.vector_load %arg8[%swap3A_70, %swap3A_71] {strides = array<i32>} : memref<128x128xf32, #tpu.memory_space<vmem>>, vector<1x16xf32>,
      %swap3A_73 = vector.shape_cast %swap3A_72 : vector<1x16xf32> to vector<16xf32>
      %swap3A_74 = vector.shape_cast %broadcast_in_dim3A_1 : vector<16xf32> to vector<1x16xf32>
      tpu.vector_store %arg8[%swap3A_70, %swap3A_71], %swap3A_74 {strides = array<i32>} : memref<128x128xf32, #tpu.memory_space<vmem>>, vector<1x16xf32>,
      %swap3A_75 = arith.index_cast %scan3A_39 : i32 to index
      %swap3A_76 = arith.constant 112 : index
      %swap3A_77 = tpu.vector_load %arg8[%swap3A_75, %swap3A_76] {strides = array<i32>} : memref<128x128xf32, #tpu.memory_space<vmem>>, vector<1x16xf32>,
      %swap3A_78 = vector.shape_cast %swap3A_77 : vector<1x16xf32> to vector<16xf32>
      %swap3A_79 = vector.shape_cast %broadcast_in_dim3A_1 : vector<16xf32> to vector<1x16xf32>
      tpu.vector_store %arg8[%swap3A_75, %swap3A_76], %swap3A_79 {strides = array<i32>} : memref<128x128xf32, #tpu.memory_space<vmem>>, vector<1x16xf32>,
      %scan3A_80 = arith.constant 0 : i32
      scf.yield %scan3A_80 : i32
    }
    %scan3A_7 = arith.constant 128 : i32
    %mul3A_8 = arith.constant 624 : i32
    %mul3A_9 = arith.muli %arg1, %mul3A_8 : i32
    %add3A_10 = arith.constant 0 : i32
    %add3A_11 = arith.addi %mul3A_9, %add3A_10 : i32
    "tpu.region"() ({
      %run_scoped3A = tpu.sem_alloc : memref<!tpu.dma_semaphore, #tpu.memory_space<semaphore_mem>>
      %dma_start3A = arith.constant 0 : i32
      %dma_start3A_39 = arith.constant 0 : i32
      %dma_start3A_40 = tpu.memref_slice %arg8[%dma_start3A, %dma_start3A_39] : memref<128x128xf32, #tpu.memory_space<vmem>> -> memref<104x128xf32, #tpu.memory_space<vmem>>
      %dma_start3A_41 = arith.constant 0 : i32
      %dma_start3A_42 = tpu.memref_slice %arg9[%add3A_11, %dma_start3A_41] : memref<10016x128xf32, #tpu.memory_space<vmem_shared>> -> memref<104x128xf32, #tpu.memory_space<vmem_shared>>
      %dma_start3A_43 = arith.constant 0 : i32
      %dma_start3A_44 = tpu.memref_slice %arg9[%add3A_11, %dma_start3A_43] : memref<10016x128xf32, #tpu.memory_space<vmem_shared>> -> memref<104x128xf32, #tpu.memory_space<vmem_shared>>
      %dma_start3A_45 = arith.constant 0 : i32
      %dma_start3A_46 = arith.constant 0 : i32
      %dma_start3A_47 = tpu.memref_slice %arg8[%dma_start3A_45, %dma_start3A_46] : memref<128x128xf32, #tpu.memory_space<vmem>> -> memref<104x128xf32, #tpu.memory_space<vmem>>
      tpu.enqueue_dma source(%dma_start3A_47 : memref<104x128xf32, #tpu.memory_space<vmem>>) target(%dma_start3A_44 : memref<104x128xf32, #tpu.memory_space<vmem_shared>>) target_semaphore(%run_scoped3A : memref<!tpu.dma_semaphore, #tpu.memory_space<semaphore_mem>>)
      %dma_wait3A = arith.constant 0 : i32
      %dma_wait3A_48 = arith.constant 0 : i32
      %dma_wait3A_49 = tpu.memref_slice %arg8[%dma_wait3A, %dma_wait3A_48] : memref<128x128xf32, #tpu.memory_space<vmem>> -> memref<104x128xf32, #tpu.memory_space<vmem>>
      %dma_wait3A_50 = arith.constant 0 : i32
      %dma_wait3A_51 = tpu.memref_slice %arg9[%add3A_11, %dma_wait3A_50] : memref<10016x128xf32, #tpu.memory_space<vmem_shared>> -> memref<104x128xf32, #tpu.memory_space<vmem_shared>>
      %dma_wait3A_52 = arith.constant 0 : i32
      %dma_wait3A_53 = tpu.memref_slice %arg9[%add3A_11, %dma_wait3A_52] : memref<10016x128xf32, #tpu.memory_space<vmem_shared>> -> memref<104x128xf32, #tpu.memory_space<vmem_shared>>
      %dma_wait3A_54 = arith.constant 0 : i32
      %dma_wait3A_55 = arith.constant 0 : i32
      %dma_wait3A_56 = tpu.memref_slice %arg8[%dma_wait3A_54, %dma_wait3A_55] : memref<128x128xf32, #tpu.memory_space<vmem>> -> memref<104x128xf32, #tpu.memory_space<vmem>>
      tpu.wait_dma2 semaphore(%run_scoped3A : memref<!tpu.dma_semaphore, #tpu.memory_space<semaphore_mem>>) src(%dma_wait3A_56 : memref<104x128xf32, #tpu.memory_space<vmem>>) dst(%dma_wait3A_53 : memref<104x128xf32, #tpu.memory_space<vmem_shared>>)
      tpu.yield
    }) : () -> ()
    %add3A_12 = arith.constant 104 : i32
    %add3A_13 = arith.addi %mul3A_9, %add3A_12 : i32
    "tpu.region"() ({
      %run_scoped3A = tpu.sem_alloc : memref<!tpu.dma_semaphore, #tpu.memory_space<semaphore_mem>>
      %dma_start3A = arith.constant 0 : i32
      %dma_start3A_39 = arith.constant 0 : i32
      %dma_start3A_40 = tpu.memref_slice %arg8[%dma_start3A, %dma_start3A_39] : memref<128x128xf32, #tpu.memory_space<vmem>> -> memref<104x128xf32, #tpu.memory_space<vmem>>
      %dma_start3A_41 = arith.constant 0 : i32
      %dma_start3A_42 = tpu.memref_slice %arg9[%add3A_13, %dma_start3A_41] : memref<10016x128xf32, #tpu.memory_space<vmem_shared>> -> memref<104x128xf32, #tpu.memory_space<vmem_shared>>
      %dma_start3A_43 = arith.constant 0 : i32
      %dma_start3A_44 = tpu.memref_slice %arg9[%add3A_13, %dma_start3A_43] : memref<10016x128xf32, #tpu.memory_space<vmem_shared>> -> memref<104x128xf32, #tpu.memory_space<vmem_shared>>
      %dma_start3A_45 = arith.constant 0 : i32
      %dma_start3A_46 = arith.constant 0 : i32
      %dma_start3A_47 = tpu.memref_slice %arg8[%dma_start3A_45, %dma_start3A_46] : memref<128x128xf32, #tpu.memory_space<vmem>> -> memref<104x128xf32, #tpu.memory_space<vmem>>
      tpu.enqueue_dma source(%dma_start3A_47 : memref<104x128xf32, #tpu.memory_space<vmem>>) target(%dma_start3A_44 : memref<104x128xf32, #tpu.memory_space<vmem_shared>>) target_semaphore(%run_scoped3A : memref<!tpu.dma_semaphore, #tpu.memory_space<semaphore_mem>>)
      %dma_wait3A = arith.constant 0 : i32
      %dma_wait3A_48 = arith.constant 0 : i32
      %dma_wait3A_49 = tpu.memref_slice %arg8[%dma_wait3A, %dma_wait3A_48] : memref<128x128xf32, #tpu.memory_space<vmem>> -> memref<104x128xf32, #tpu.memory_space<vmem>>
      %dma_wait3A_50 = arith.constant 0 : i32
      %dma_wait3A_51 = tpu.memref_slice %arg9[%add3A_13, %dma_wait3A_50] : memref<10016x128xf32, #tpu.memory_space<vmem_shared>> -> memref<104x128xf32, #tpu.memory_space<vmem_shared>>
      %dma_wait3A_52 = arith.constant 0 : i32
      %dma_wait3A_53 = tpu.memref_slice %arg9[%add3A_13, %dma_wait3A_52] : memref<10016x128xf32, #tpu.memory_space<vmem_shared>> -> memref<104x128xf32, #tpu.memory_space<vmem_shared>>
      %dma_wait3A_54 = arith.constant 0 : i32
      %dma_wait3A_55 = arith.constant 0 : i32
      %dma_wait3A_56 = tpu.memref_slice %arg8[%dma_wait3A_54, %dma_wait3A_55] : memref<128x128xf32, #tpu.memory_space<vmem>> -> memref<104x128xf32, #tpu.memory_space<vmem>>
      tpu.wait_dma2 semaphore(%run_scoped3A : memref<!tpu.dma_semaphore, #tpu.memory_space<semaphore_mem>>) src(%dma_wait3A_56 : memref<104x128xf32, #tpu.memory_space<vmem>>) dst(%dma_wait3A_53 : memref<104x128xf32, #tpu.memory_space<vmem_shared>>)
      tpu.yield
    }) : () -> ()
    %add3A_14 = arith.constant 208 : i32
    %add3A_15 = arith.addi %mul3A_9, %add3A_14 : i32
    "tpu.region"() ({
      %run_scoped3A = tpu.sem_alloc : memref<!tpu.dma_semaphore, #tpu.memory_space<semaphore_mem>>
      %dma_start3A = arith.constant 0 : i32
      %dma_start3A_39 = arith.constant 0 : i32
      %dma_start3A_40 = tpu.memref_slice %arg8[%dma_start3A, %dma_start3A_39] : memref<128x128xf32, #tpu.memory_space<vmem>> -> memref<104x128xf32, #tpu.memory_space<vmem>>
      %dma_start3A_41 = arith.constant 0 : i32
      %dma_start3A_42 = tpu.memref_slice %arg9[%add3A_15, %dma_start3A_41] : memref<10016x128xf32, #tpu.memory_space<vmem_shared>> -> memref<104x128xf32, #tpu.memory_space<vmem_shared>>
      %dma_start3A_43 = arith.constant 0 : i32
      %dma_start3A_44 = tpu.memref_slice %arg9[%add3A_15, %dma_start3A_43] : memref<10016x128xf32, #tpu.memory_space<vmem_shared>> -> memref<104x128xf32, #tpu.memory_space<vmem_shared>>
      %dma_start3A_45 = arith.constant 0 : i32
      %dma_start3A_46 = arith.constant 0 : i32
      %dma_start3A_47 = tpu.memref_slice %arg8[%dma_start3A_45, %dma_start3A_46] : memref<128x128xf32, #tpu.memory_space<vmem>> -> memref<104x128xf32, #tpu.memory_space<vmem>>
      tpu.enqueue_dma source(%dma_start3A_47 : memref<104x128xf32, #tpu.memory_space<vmem>>) target(%dma_start3A_44 : memref<104x128xf32, #tpu.memory_space<vmem_shared>>) target_semaphore(%run_scoped3A : memref<!tpu.dma_semaphore, #tpu.memory_space<semaphore_mem>>)
      %dma_wait3A = arith.constant 0 : i32
      %dma_wait3A_48 = arith.constant 0 : i32
      %dma_wait3A_49 = tpu.memref_slice %arg8[%dma_wait3A, %dma_wait3A_48] : memref<128x128xf32, #tpu.memory_space<vmem>> -> memref<104x128xf32, #tpu.memory_space<vmem>>
      %dma_wait3A_50 = arith.constant 0 : i32
      %dma_wait3A_51 = tpu.memref_slice %arg9[%add3A_15, %dma_wait3A_50] : memref<10016x128xf32, #tpu.memory_space<vmem_shared>> -> memref<104x128xf32, #tpu.memory_space<vmem_shared>>
      %dma_wait3A_52 = arith.constant 0 : i32
      %dma_wait3A_53 = tpu.memref_slice %arg9[%add3A_15, %dma_wait3A_52] : memref<10016x128xf32, #tpu.memory_space<vmem_shared>> -> memref<104x128xf32, #tpu.memory_space<vmem_shared>>
      %dma_wait3A_54 = arith.constant 0 : i32
      %dma_wait3A_55 = arith.constant 0 : i32
      %dma_wait3A_56 = tpu.memref_slice %arg8[%dma_wait3A_54, %dma_wait3A_55] : memref<128x128xf32, #tpu.memory_space<vmem>> -> memref<104x128xf32, #tpu.memory_space<vmem>>
      tpu.wait_dma2 semaphore(%run_scoped3A : memref<!tpu.dma_semaphore, #tpu.memory_space<semaphore_mem>>) src(%dma_wait3A_56 : memref<104x128xf32, #tpu.memory_space<vmem>>) dst(%dma_wait3A_53 : memref<104x128xf32, #tpu.memory_space<vmem_shared>>)
      tpu.yield
    }) : () -> ()
    %add3A_16 = arith.constant 312 : i32
    %add3A_17 = arith.addi %mul3A_9, %add3A_16 : i32
    "tpu.region"() ({
      %run_scoped3A = tpu.sem_alloc : memref<!tpu.dma_semaphore, #tpu.memory_space<semaphore_mem>>
      %dma_start3A = arith.constant 0 : i32
      %dma_start3A_39 = arith.constant 0 : i32
      %dma_start3A_40 = tpu.memref_slice %arg8[%dma_start3A, %dma_start3A_39] : memref<128x128xf32, #tpu.memory_space<vmem>> -> memref<104x128xf32, #tpu.memory_space<vmem>>
      %dma_start3A_41 = arith.constant 0 : i32
      %dma_start3A_42 = tpu.memref_slice %arg9[%add3A_17, %dma_start3A_41] : memref<10016x128xf32, #tpu.memory_space<vmem_shared>> -> memref<104x128xf32, #tpu.memory_space<vmem_shared>>
      %dma_start3A_43 = arith.constant 0 : i32
      %dma_start3A_44 = tpu.memref_slice %arg9[%add3A_17, %dma_start3A_43] : memref<10016x128xf32, #tpu.memory_space<vmem_shared>> -> memref<104x128xf32, #tpu.memory_space<vmem_shared>>
      %dma_start3A_45 = arith.constant 0 : i32
      %dma_start3A_46 = arith.constant 0 : i32
      %dma_start3A_47 = tpu.memref_slice %arg8[%dma_start3A_45, %dma_start3A_46] : memref<128x128xf32, #tpu.memory_space<vmem>> -> memref<104x128xf32, #tpu.memory_space<vmem>>
      tpu.enqueue_dma source(%dma_start3A_47 : memref<104x128xf32, #tpu.memory_space<vmem>>) target(%dma_start3A_44 : memref<104x128xf32, #tpu.memory_space<vmem_shared>>) target_semaphore(%run_scoped3A : memref<!tpu.dma_semaphore, #tpu.memory_space<semaphore_mem>>)
      %dma_wait3A = arith.constant 0 : i32
      %dma_wait3A_48 = arith.constant 0 : i32
      %dma_wait3A_49 = tpu.memref_slice %arg8[%dma_wait3A, %dma_wait3A_48] : memref<128x128xf32, #tpu.memory_space<vmem>> -> memref<104x128xf32, #tpu.memory_space<vmem>>
      %dma_wait3A_50 = arith.constant 0 : i32
      %dma_wait3A_51 = tpu.memref_slice %arg9[%add3A_17, %dma_wait3A_50] : memref<10016x128xf32, #tpu.memory_space<vmem_shared>> -> memref<104x128xf32, #tpu.memory_space<vmem_shared>>
      %dma_wait3A_52 = arith.constant 0 : i32
      %dma_wait3A_53 = tpu.memref_slice %arg9[%add3A_17, %dma_wait3A_52] : memref<10016x128xf32, #tpu.memory_space<vmem_shared>> -> memref<104x128xf32, #tpu.memory_space<vmem_shared>>
      %dma_wait3A_54 = arith.constant 0 : i32
      %dma_wait3A_55 = arith.constant 0 : i32
      %dma_wait3A_56 = tpu.memref_slice %arg8[%dma_wait3A_54, %dma_wait3A_55] : memref<128x128xf32, #tpu.memory_space<vmem>> -> memref<104x128xf32, #tpu.memory_space<vmem>>
      tpu.wait_dma2 semaphore(%run_scoped3A : memref<!tpu.dma_semaphore, #tpu.memory_space<semaphore_mem>>) src(%dma_wait3A_56 : memref<104x128xf32, #tpu.memory_space<vmem>>) dst(%dma_wait3A_53 : memref<104x128xf32, #tpu.memory_space<vmem_shared>>)
      tpu.yield
    }) : () -> ()
    %add3A_18 = arith.constant 416 : i32
    %add3A_19 = arith.addi %mul3A_9, %add3A_18 : i32
    "tpu.region"() ({
      %run_scoped3A = tpu.sem_alloc : memref<!tpu.dma_semaphore, #tpu.memory_space<semaphore_mem>>
      %dma_start3A = arith.constant 0 : i32
      %dma_start3A_39 = arith.constant 0 : i32
      %dma_start3A_40 = tpu.memref_slice %arg8[%dma_start3A, %dma_start3A_39] : memref<128x128xf32, #tpu.memory_space<vmem>> -> memref<104x128xf32, #tpu.memory_space<vmem>>
      %dma_start3A_41 = arith.constant 0 : i32
      %dma_start3A_42 = tpu.memref_slice %arg9[%add3A_19, %dma_start3A_41] : memref<10016x128xf32, #tpu.memory_space<vmem_shared>> -> memref<104x128xf32, #tpu.memory_space<vmem_shared>>
      %dma_start3A_43 = arith.constant 0 : i32
      %dma_start3A_44 = tpu.memref_slice %arg9[%add3A_19, %dma_start3A_43] : memref<10016x128xf32, #tpu.memory_space<vmem_shared>> -> memref<104x128xf32, #tpu.memory_space<vmem_shared>>
      %dma_start3A_45 = arith.constant 0 : i32
      %dma_start3A_46 = arith.constant 0 : i32
      %dma_start3A_47 = tpu.memref_slice %arg8[%dma_start3A_45, %dma_start3A_46] : memref<128x128xf32, #tpu.memory_space<vmem>> -> memref<104x128xf32, #tpu.memory_space<vmem>>
      tpu.enqueue_dma source(%dma_start3A_47 : memref<104x128xf32, #tpu.memory_space<vmem>>) target(%dma_start3A_44 : memref<104x128xf32, #tpu.memory_space<vmem_shared>>) target_semaphore(%run_scoped3A : memref<!tpu.dma_semaphore, #tpu.memory_space<semaphore_mem>>)
      %dma_wait3A = arith.constant 0 : i32
      %dma_wait3A_48 = arith.constant 0 : i32
      %dma_wait3A_49 = tpu.memref_slice %arg8[%dma_wait3A, %dma_wait3A_48] : memref<128x128xf32, #tpu.memory_space<vmem>> -> memref<104x128xf32, #tpu.memory_space<vmem>>
      %dma_wait3A_50 = arith.constant 0 : i32
      %dma_wait3A_51 = tpu.memref_slice %arg9[%add3A_19, %dma_wait3A_50] : memref<10016x128xf32, #tpu.memory_space<vmem_shared>> -> memref<104x128xf32, #tpu.memory_space<vmem_shared>>
      %dma_wait3A_52 = arith.constant 0 : i32
      %dma_wait3A_53 = tpu.memref_slice %arg9[%add3A_19, %dma_wait3A_52] : memref<10016x128xf32, #tpu.memory_space<vmem_shared>> -> memref<104x128xf32, #tpu.memory_space<vmem_shared>>
      %dma_wait3A_54 = arith.constant 0 : i32
      %dma_wait3A_55 = arith.constant 0 : i32
      %dma_wait3A_56 = tpu.memref_slice %arg8[%dma_wait3A_54, %dma_wait3A_55] : memref<128x128xf32, #tpu.memory_space<vmem>> -> memref<104x128xf32, #tpu.memory_space<vmem>>
      tpu.wait_dma2 semaphore(%run_scoped3A : memref<!tpu.dma_semaphore, #tpu.memory_space<semaphore_mem>>) src(%dma_wait3A_56 : memref<104x128xf32, #tpu.memory_space<vmem>>) dst(%dma_wait3A_53 : memref<104x128xf32, #tpu.memory_space<vmem_shared>>)
      tpu.yield
    }) : () -> ()
    %add3A_20 = arith.constant 520 : i32
    %add3A_21 = arith.addi %mul3A_9, %add3A_20 : i32
    "tpu.region"() ({
      %run_scoped3A = tpu.sem_alloc : memref<!tpu.dma_semaphore, #tpu.memory_space<semaphore_mem>>
      %dma_start3A = arith.constant 0 : i32
      %dma_start3A_39 = arith.constant 0 : i32
      %dma_start3A_40 = tpu.memref_slice %arg8[%dma_start3A, %dma_start3A_39] : memref<128x128xf32, #tpu.memory_space<vmem>> -> memref<104x128xf32, #tpu.memory_space<vmem>>
      %dma_start3A_41 = arith.constant 0 : i32
      %dma_start3A_42 = tpu.memref_slice %arg9[%add3A_21, %dma_start3A_41] : memref<10016x128xf32, #tpu.memory_space<vmem_shared>> -> memref<104x128xf32, #tpu.memory_space<vmem_shared>>
      %dma_start3A_43 = arith.constant 0 : i32
      %dma_start3A_44 = tpu.memref_slice %arg9[%add3A_21, %dma_start3A_43] : memref<10016x128xf32, #tpu.memory_space<vmem_shared>> -> memref<104x128xf32, #tpu.memory_space<vmem_shared>>
      %dma_start3A_45 = arith.constant 0 : i32
      %dma_start3A_46 = arith.constant 0 : i32
      %dma_start3A_47 = tpu.memref_slice %arg8[%dma_start3A_45, %dma_start3A_46] : memref<128x128xf32, #tpu.memory_space<vmem>> -> memref<104x128xf32, #tpu.memory_space<vmem>>
      tpu.enqueue_dma source(%dma_start3A_47 : memref<104x128xf32, #tpu.memory_space<vmem>>) target(%dma_start3A_44 : memref<104x128xf32, #tpu.memory_space<vmem_shared>>) target_semaphore(%run_scoped3A : memref<!tpu.dma_semaphore, #tpu.memory_space<semaphore_mem>>)
      %dma_wait3A = arith.constant 0 : i32
      %dma_wait3A_48 = arith.constant 0 : i32
      %dma_wait3A_49 = tpu.memref_slice %arg8[%dma_wait3A, %dma_wait3A_48] : memref<128x128xf32, #tpu.memory_space<vmem>> -> memref<104x128xf32, #tpu.memory_space<vmem>>
      %dma_wait3A_50 = arith.constant 0 : i32
      %dma_wait3A_51 = tpu.memref_slice %arg9[%add3A_21, %dma_wait3A_50] : memref<10016x128xf32, #tpu.memory_space<vmem_shared>> -> memref<104x128xf32, #tpu.memory_space<vmem_shared>>
      %dma_wait3A_52 = arith.constant 0 : i32
      %dma_wait3A_53 = tpu.memref_slice %arg9[%add3A_21, %dma_wait3A_52] : memref<10016x128xf32, #tpu.memory_space<vmem_shared>> -> memref<104x128xf32, #tpu.memory_space<vmem_shared>>
      %dma_wait3A_54 = arith.constant 0 : i32
      %dma_wait3A_55 = arith.constant 0 : i32
      %dma_wait3A_56 = tpu.memref_slice %arg8[%dma_wait3A_54, %dma_wait3A_55] : memref<128x128xf32, #tpu.memory_space<vmem>> -> memref<104x128xf32, #tpu.memory_space<vmem>>
      tpu.wait_dma2 semaphore(%run_scoped3A : memref<!tpu.dma_semaphore, #tpu.memory_space<semaphore_mem>>) src(%dma_wait3A_56 : memref<104x128xf32, #tpu.memory_space<vmem>>) dst(%dma_wait3A_53 : memref<104x128xf32, #tpu.memory_space<vmem_shared>>)
      tpu.yield
    }) : () -> ()
    %eq3A = arith.constant 15 : i32
    %eq3A_22 = arith.cmpi eq, %arg1, %eq3A : i32
    %convert_element_type3A = arith.extui %eq3A_22 : i1 to i32
    %cond3A = arith.constant 0 : i32
    %cond3A_23 = arith.cmpi ne, %convert_element_type3A, %cond3A : i32
    scf.if %cond3A_23 {
      "tpu.region"() ({
        %run_scoped3A = tpu.sem_alloc : memref<!tpu.dma_semaphore, #tpu.memory_space<semaphore_mem>>
        %dma_start3A = arith.constant 0 : i32
        %dma_start3A_39 = arith.constant 0 : i32
        %dma_start3A_40 = tpu.memref_slice %arg8[%dma_start3A, %dma_start3A_39] : memref<128x128xf32, #tpu.memory_space<vmem>> -> memref<16x128xf32, #tpu.memory_space<vmem>>
        %dma_start3A_41 = arith.constant 9984 : i32
        %dma_start3A_42 = arith.constant 0 : i32
        %dma_start3A_43 = tpu.memref_slice %arg9[%dma_start3A_41, %dma_start3A_42] : memref<10016x128xf32, #tpu.memory_space<vmem_shared>> -> memref<16x128xf32, #tpu.memory_space<vmem_shared>>
        %dma_start3A_44 = arith.constant 9984 : i32
        %dma_start3A_45 = arith.constant 0 : i32
        %dma_start3A_46 = tpu.memref_slice %arg9[%dma_start3A_44, %dma_start3A_45] : memref<10016x128xf32, #tpu.memory_space<vmem_shared>> -> memref<16x128xf32, #tpu.memory_space<vmem_shared>>
        %dma_start3A_47 = arith.constant 0 : i32
        %dma_start3A_48 = arith.constant 0 : i32
        %dma_start3A_49 = tpu.memref_slice %arg8[%dma_start3A_47, %dma_start3A_48] : memref<128x128xf32, #tpu.memory_space<vmem>> -> memref<16x128xf32, #tpu.memory_space<vmem>>
        tpu.enqueue_dma source(%dma_start3A_49 : memref<16x128xf32, #tpu.memory_space<vmem>>) target(%dma_start3A_46 : memref<16x128xf32, #tpu.memory_space<vmem_shared>>) target_semaphore(%run_scoped3A : memref<!tpu.dma_semaphore, #tpu.memory_space<semaphore_mem>>)
        %dma_wait3A = arith.constant 0 : i32
        %dma_wait3A_50 = arith.constant 0 : i32
        %dma_wait3A_51 = tpu.memref_slice %arg8[%dma_wait3A, %dma_wait3A_50] : memref<128x128xf32, #tpu.memory_space<vmem>> -> memref<16x128xf32, #tpu.memory_space<vmem>>
        %dma_wait3A_52 = arith.constant 9984 : i32
        %dma_wait3A_53 = arith.constant 0 : i32
        %dma_wait3A_54 = tpu.memref_slice %arg9[%dma_wait3A_52, %dma_wait3A_53] : memref<10016x128xf32, #tpu.memory_space<vmem_shared>> -> memref<16x128xf32, #tpu.memory_space<vmem_shared>>
        %dma_wait3A_55 = arith.constant 9984 : i32
        %dma_wait3A_56 = arith.constant 0 : i32
        %dma_wait3A_57 = tpu.memref_slice %arg9[%dma_wait3A_55, %dma_wait3A_56] : memref<10016x128xf32, #tpu.memory_space<vmem_shared>> -> memref<16x128xf32, #tpu.memory_space<vmem_shared>>
        %dma_wait3A_58 = arith.constant 0 : i32
        %dma_wait3A_59 = arith.constant 0 : i32
        %dma_wait3A_60 = tpu.memref_slice %arg8[%dma_wait3A_58, %dma_wait3A_59] : memref<128x128xf32, #tpu.memory_space<vmem>> -> memref<16x128xf32, #tpu.memory_space<vmem>>
        tpu.wait_dma2 semaphore(%run_scoped3A : memref<!tpu.dma_semaphore, #tpu.memory_space<semaphore_mem>>) src(%dma_wait3A_60 : memref<16x128xf32, #tpu.memory_space<vmem>>) dst(%dma_wait3A_57 : memref<16x128xf32, #tpu.memory_space<vmem_shared>>)
        tpu.yield
      }) : () -> ()
    } else {
    }
    "tpu.region"() ({
      %run_scoped3A = tpu.sem_alloc : memref<!tpu.dma_semaphore, #tpu.memory_space<semaphore_mem>>
      %dma_start3A = arith.constant 0 : i32
      %dma_start3A_39 = arith.constant 0 : i32
      %dma_start3A_40 = tpu.memref_slice %arg3[%add3A, %dma_start3A, %dma_start3A_39] : memref<32x79x128xi32, #tpu.memory_space<hbm>> -> memref<1x79x128xi32, #tpu.memory_space<hbm>>
      %dma_start3A_41 = tpu.memref_squeeze %dma_start3A_40 : memref<1x79x128xi32, #tpu.memory_space<hbm>> -> memref<79x128xi32, #tpu.memory_space<hbm>>
      %dma_start3A_42 = arith.constant 0 : i32
      %dma_start3A_43 = arith.constant 0 : i32
      %dma_start3A_44 = tpu.memref_slice %arg3[%add3A, %dma_start3A_42, %dma_start3A_43] : memref<32x79x128xi32, #tpu.memory_space<hbm>> -> memref<1x79x128xi32, #tpu.memory_space<hbm>>
      %dma_start3A_45 = tpu.memref_squeeze %dma_start3A_44 : memref<1x79x128xi32, #tpu.memory_space<hbm>> -> memref<79x128xi32, #tpu.memory_space<hbm>>
      tpu.enqueue_dma source(%dma_start3A_45 : memref<79x128xi32, #tpu.memory_space<hbm>>) target(%arg6 : memref<79x128xi32, #tpu.memory_space<vmem>>) target_semaphore(%run_scoped3A : memref<!tpu.dma_semaphore, #tpu.memory_space<semaphore_mem>>)
      %dma_wait3A = arith.constant 0 : i32
      %dma_wait3A_46 = arith.constant 0 : i32
      %dma_wait3A_47 = tpu.memref_slice %arg3[%add3A, %dma_wait3A, %dma_wait3A_46] : memref<32x79x128xi32, #tpu.memory_space<hbm>> -> memref<1x79x128xi32, #tpu.memory_space<hbm>>
      %dma_wait3A_48 = tpu.memref_squeeze %dma_wait3A_47 : memref<1x79x128xi32, #tpu.memory_space<hbm>> -> memref<79x128xi32, #tpu.memory_space<hbm>>
      %dma_wait3A_49 = arith.constant 0 : i32
      %dma_wait3A_50 = arith.constant 0 : i32
      %dma_wait3A_51 = tpu.memref_slice %arg3[%add3A, %dma_wait3A_49, %dma_wait3A_50] : memref<32x79x128xi32, #tpu.memory_space<hbm>> -> memref<1x79x128xi32, #tpu.memory_space<hbm>>
      %dma_wait3A_52 = tpu.memref_squeeze %dma_wait3A_51 : memref<1x79x128xi32, #tpu.memory_space<hbm>> -> memref<79x128xi32, #tpu.memory_space<hbm>>
      tpu.wait_dma2 semaphore(%run_scoped3A : memref<!tpu.dma_semaphore, #tpu.memory_space<semaphore_mem>>) src(%dma_wait3A_52 : memref<79x128xi32, #tpu.memory_space<hbm>>) dst(%arg6 : memref<79x128xi32, #tpu.memory_space<vmem>>)
      tpu.yield
    }) : () -> ()
    "tpu.region"() ({
      %run_scoped3A = tpu.sem_alloc : memref<!tpu.dma_semaphore, #tpu.memory_space<semaphore_mem>>
      %dma_start3A = arith.constant 0 : i32
      %dma_start3A_39 = arith.constant 0 : i32
      %dma_start3A_40 = tpu.memref_slice %arg4[%add3A, %dma_start3A, %dma_start3A_39] : memref<32x79x128xi32, #tpu.memory_space<hbm>> -> memref<1x79x128xi32, #tpu.memory_space<hbm>>
      %dma_start3A_41 = tpu.memref_squeeze %dma_start3A_40 : memref<1x79x128xi32, #tpu.memory_space<hbm>> -> memref<79x128xi32, #tpu.memory_space<hbm>>
      %dma_start3A_42 = arith.constant 0 : i32
      %dma_start3A_43 = arith.constant 0 : i32
      %dma_start3A_44 = tpu.memref_slice %arg4[%add3A, %dma_start3A_42, %dma_start3A_43] : memref<32x79x128xi32, #tpu.memory_space<hbm>> -> memref<1x79x128xi32, #tpu.memory_space<hbm>>
      %dma_start3A_45 = tpu.memref_squeeze %dma_start3A_44 : memref<1x79x128xi32, #tpu.memory_space<hbm>> -> memref<79x128xi32, #tpu.memory_space<hbm>>
      tpu.enqueue_dma source(%dma_start3A_45 : memref<79x128xi32, #tpu.memory_space<hbm>>) target(%arg7 : memref<79x128xi32, #tpu.memory_space<vmem>>) target_semaphore(%run_scoped3A : memref<!tpu.dma_semaphore, #tpu.memory_space<semaphore_mem>>)
      %dma_wait3A = arith.constant 0 : i32
      %dma_wait3A_46 = arith.constant 0 : i32
      %dma_wait3A_47 = tpu.memref_slice %arg4[%add3A, %dma_wait3A, %dma_wait3A_46] : memref<32x79x128xi32, #tpu.memory_space<hbm>> -> memref<1x79x128xi32, #tpu.memory_space<hbm>>
      %dma_wait3A_48 = tpu.memref_squeeze %dma_wait3A_47 : memref<1x79x128xi32, #tpu.memory_space<hbm>> -> memref<79x128xi32, #tpu.memory_space<hbm>>
      %dma_wait3A_49 = arith.constant 0 : i32
      %dma_wait3A_50 = arith.constant 0 : i32
      %dma_wait3A_51 = tpu.memref_slice %arg4[%add3A, %dma_wait3A_49, %dma_wait3A_50] : memref<32x79x128xi32, #tpu.memory_space<hbm>> -> memref<1x79x128xi32, #tpu.memory_space<hbm>>
      %dma_wait3A_52 = tpu.memref_squeeze %dma_wait3A_51 : memref<1x79x128xi32, #tpu.memory_space<hbm>> -> memref<79x128xi32, #tpu.memory_space<hbm>>
      tpu.wait_dma2 semaphore(%run_scoped3A : memref<!tpu.dma_semaphore, #tpu.memory_space<semaphore_mem>>) src(%dma_wait3A_52 : memref<79x128xi32, #tpu.memory_space<hbm>>) dst(%arg7 : memref<79x128xi32, #tpu.memory_space<vmem>>)
      tpu.yield
    }) : () -> ()
    %barrier3A = arith.constant 0 : index
    tpu.barrier barrier_id(%barrier3A)
    %scan3A_24 = arith.constant 0 : i32
    %scan3A_25 = arith.constant 0 : i32
    %scan3A_26 = arith.constant 79 : i32
    %scan3A_27 = arith.addi %scan3A_25, %scan3A_26 : i32
    %scan3A_28 = arith.constant 1 : i32
    %scan3A_29 = scf.for %scan3A_39 = %scan3A_25 to %scan3A_27 step %scan3A_28 iter_args(%scan3A_40 = %scan3A_24) -> (i32)  : i32 {
      %dma_start3A = arith.constant 0 : i32
      %dma_start3A_41 = tpu.memref_slice %arg6[%scan3A_39, %dma_start3A] : memref<79x128xi32, #tpu.memory_space<vmem>> -> memref<1x128xi32, #tpu.memory_space<vmem>>
      %dma_start3A_42 = tpu.memref_squeeze %dma_start3A_41 : memref<1x128xi32, #tpu.memory_space<vmem>> -> memref<128xi32, #tpu.memory_space<vmem>>
      %dma_start3A_43 = arith.constant 0 : i32
      %dma_start3A_44 = arith.constant 0 : i32
      %dma_start3A_45 = tpu.memref_slice %arg2[%dma_start3A_43, %dma_start3A_44] : memref<10000x128xf32, #tpu.memory_space<hbm>> -> memref<10000x128xf32, #tpu.memory_space<hbm>>
      tpu.enqueue_indirect_dma source(%dma_start3A_45 : memref<10000x128xf32, #tpu.memory_space<hbm>>) target(%arg8 : memref<128x128xf32, #tpu.memory_space<vmem>>) offsets(%dma_start3A_42 : memref<128xi32, #tpu.memory_space<vmem>>) semaphore(%arg10 : memref<!tpu.dma_semaphore, #tpu.memory_space<semaphore_mem>>)
      %dma_wait3A = arith.constant 0 : i32
      %dma_wait3A_46 = tpu.memref_slice %arg6[%scan3A_39, %dma_wait3A] : memref<79x128xi32, #tpu.memory_space<vmem>> -> memref<1x128xi32, #tpu.memory_space<vmem>>
      %dma_wait3A_47 = tpu.memref_squeeze %dma_wait3A_46 : memref<1x128xi32, #tpu.memory_space<vmem>> -> memref<128xi32, #tpu.memory_space<vmem>>
      %dma_wait3A_48 = arith.constant 0 : i32
      %dma_wait3A_49 = arith.constant 0 : i32
      %dma_wait3A_50 = tpu.memref_slice %arg2[%dma_wait3A_48, %dma_wait3A_49] : memref<10000x128xf32, #tpu.memory_space<hbm>> -> memref<10000x128xf32, #tpu.memory_space<hbm>>
      tpu.wait_indirect_dma semaphore(%arg10 : memref<!tpu.dma_semaphore, #tpu.memory_space<semaphore_mem>>) src(%dma_wait3A_50 : memref<10000x128xf32, #tpu.memory_space<hbm>>) dst(%arg8 : memref<128x128xf32, #tpu.memory_space<vmem>>)
      "tpu.region"() ({
        %run_scoped3A = tpu.sem_alloc : memref<!tpu.dma_semaphore, #tpu.memory_space<semaphore_mem>>
        %dma_start3A_52 = arith.constant 0 : i32
        %dma_start3A_53 = tpu.memref_slice %arg7[%scan3A_39, %dma_start3A_52] : memref<79x128xi32, #tpu.memory_space<vmem>> -> memref<1x128xi32, #tpu.memory_space<vmem>>
        %dma_start3A_54 = tpu.memref_squeeze %dma_start3A_53 : memref<1x128xi32, #tpu.memory_space<vmem>> -> memref<128xi32, #tpu.memory_space<vmem>>
        %dma_start3A_55 = arith.constant 0 : i32
        %dma_start3A_56 = arith.constant 0 : i32
        %dma_start3A_57 = tpu.memref_slice %arg9[%dma_start3A_55, %dma_start3A_56] : memref<10016x128xf32, #tpu.memory_space<vmem_shared>> -> memref<10016x128xf32, #tpu.memory_space<vmem_shared>>
        tpu.enqueue_indirect_dma source(%arg8 : memref<128x128xf32, #tpu.memory_space<vmem>>) target(%dma_start3A_57 : memref<10016x128xf32, #tpu.memory_space<vmem_shared>>) offsets(%dma_start3A_54 : memref<128xi32, #tpu.memory_space<vmem>>) semaphore(%run_scoped3A : memref<!tpu.dma_semaphore, #tpu.memory_space<semaphore_mem>>) {add = true}
        %dma_wait3A_58 = arith.constant 0 : i32
        %dma_wait3A_59 = tpu.memref_slice %arg7[%scan3A_39, %dma_wait3A_58] : memref<79x128xi32, #tpu.memory_space<vmem>> -> memref<1x128xi32, #tpu.memory_space<vmem>>
        %dma_wait3A_60 = tpu.memref_squeeze %dma_wait3A_59 : memref<1x128xi32, #tpu.memory_space<vmem>> -> memref<128xi32, #tpu.memory_space<vmem>>
        %dma_wait3A_61 = arith.constant 0 : i32
        %dma_wait3A_62 = arith.constant 0 : i32
        %dma_wait3A_63 = tpu.memref_slice %arg9[%dma_wait3A_61, %dma_wait3A_62] : memref<10016x128xf32, #tpu.memory_space<vmem_shared>> -> memref<10016x128xf32, #tpu.memory_space<vmem_shared>>
        tpu.wait_indirect_dma semaphore(%run_scoped3A : memref<!tpu.dma_semaphore, #tpu.memory_space<semaphore_mem>>) src(%arg8 : memref<128x128xf32, #tpu.memory_space<vmem>>) dst(%dma_wait3A_63 : memref<10016x128xf32, #tpu.memory_space<vmem_shared>>)
        tpu.yield
      }) : () -> ()
      %scan3A_51 = arith.constant 0 : i32
      scf.yield %scan3A_51 : i32
    }
    %scan3A_30 = arith.constant 79 : i32
    %barrier3A_31 = arith.constant 0 : index
    tpu.barrier barrier_id(%barrier3A_31)
    %mul3A_32 = arith.constant 624 : i32
    %mul3A_33 = arith.muli %arg1, %mul3A_32 : i32
    "tpu.region"() ({
      %run_scoped3A = tpu.sem_alloc : memref<!tpu.dma_semaphore, #tpu.memory_space<semaphore_mem>>
      %dma_start3A = arith.constant 0 : i32
      %dma_start3A_39 = tpu.memref_slice %arg5[%arg0, %mul3A_33, %dma_start3A] : memref<2x10000x128xf32, #tpu.memory_space<hbm>> -> memref<1x624x128xf32, #tpu.memory_space<hbm>>
      %dma_start3A_40 = tpu.memref_squeeze %dma_start3A_39 : memref<1x624x128xf32, #tpu.memory_space<hbm>> -> memref<624x128xf32, #tpu.memory_space<hbm>>
      %dma_start3A_41 = arith.constant 0 : i32
      %dma_start3A_42 = tpu.memref_slice %arg9[%mul3A_33, %dma_start3A_41] : memref<10016x128xf32, #tpu.memory_space<vmem_shared>> -> memref<624x128xf32, #tpu.memory_space<vmem_shared>>
      tpu.enqueue_dma source(%dma_start3A_42 : memref<624x128xf32, #tpu.memory_space<vmem_shared>>) target(%dma_start3A_40 : memref<624x128xf32, #tpu.memory_space<hbm>>) target_semaphore(%run_scoped3A : memref<!tpu.dma_semaphore, #tpu.memory_space<semaphore_mem>>)
      %dma_wait3A = arith.constant 0 : i32
      %dma_wait3A_43 = tpu.memref_slice %arg5[%arg0, %mul3A_33, %dma_wait3A] : memref<2x10000x128xf32, #tpu.memory_space<hbm>> -> memref<1x624x128xf32, #tpu.memory_space<hbm>>
      %dma_wait3A_44 = tpu.memref_squeeze %dma_wait3A_43 : memref<1x624x128xf32, #tpu.memory_space<hbm>> -> memref<624x128xf32, #tpu.memory_space<hbm>>
      %dma_wait3A_45 = arith.constant 0 : i32
      %dma_wait3A_46 = tpu.memref_slice %arg9[%mul3A_33, %dma_wait3A_45] : memref<10016x128xf32, #tpu.memory_space<vmem_shared>> -> memref<624x128xf32, #tpu.memory_space<vmem_shared>>
      tpu.wait_dma2 semaphore(%run_scoped3A : memref<!tpu.dma_semaphore, #tpu.memory_space<semaphore_mem>>) src(%dma_wait3A_46 : memref<624x128xf32, #tpu.memory_space<vmem_shared>>) dst(%dma_wait3A_44 : memref<624x128xf32, #tpu.memory_space<hbm>>)
      tpu.yield
    }) : () -> ()
    %eq3A_34 = arith.constant 15 : i32
    %eq3A_35 = arith.cmpi eq, %arg1, %eq3A_34 : i32
    %convert_element_type3A_36 = arith.extui %eq3A_35 : i1 to i32
    %cond3A_37 = arith.constant 0 : i32
    %cond3A_38 = arith.cmpi ne, %convert_element_type3A_36, %cond3A_37 : i32
    scf.if %cond3A_38 {
      "tpu.region"() ({
        %run_scoped3A = tpu.sem_alloc : memref<!tpu.dma_semaphore, #tpu.memory_space<semaphore_mem>>
        %dma_start3A = arith.constant 9984 : i32
        %dma_start3A_39 = arith.constant 0 : i32
        %dma_start3A_40 = tpu.memref_slice %arg5[%arg0, %dma_start3A, %dma_start3A_39] : memref<2x10000x128xf32, #tpu.memory_space<hbm>> -> memref<1x16x128xf32, #tpu.memory_space<hbm>>
        %dma_start3A_41 = tpu.memref_squeeze %dma_start3A_40 : memref<1x16x128xf32, #tpu.memory_space<hbm>> -> memref<16x128xf32, #tpu.memory_space<hbm>>
        %dma_start3A_42 = arith.constant 9984 : i32
        %dma_start3A_43 = arith.constant 0 : i32
        %dma_start3A_44 = tpu.memref_slice %arg9[%dma_start3A_42, %dma_start3A_43] : memref<10016x128xf32, #tpu.memory_space<vmem_shared>> -> memref<16x128xf32, #tpu.memory_space<vmem_shared>>
        tpu.enqueue_dma source(%dma_start3A_44 : memref<16x128xf32, #tpu.memory_space<vmem_shared>>) target(%dma_start3A_41 : memref<16x128xf32, #tpu.memory_space<hbm>>) target_semaphore(%run_scoped3A : memref<!tpu.dma_semaphore, #tpu.memory_space<semaphore_mem>>)
        %dma_wait3A = arith.constant 9984 : i32
        %dma_wait3A_45 = arith.constant 0 : i32
        %dma_wait3A_46 = tpu.memref_slice %arg5[%arg0, %dma_wait3A, %dma_wait3A_45] : memref<2x10000x128xf32, #tpu.memory_space<hbm>> -> memref<1x16x128xf32, #tpu.memory_space<hbm>>
        %dma_wait3A_47 = tpu.memref_squeeze %dma_wait3A_46 : memref<1x16x128xf32, #tpu.memory_space<hbm>> -> memref<16x128xf32, #tpu.memory_space<hbm>>
        %dma_wait3A_48 = arith.constant 9984 : i32
        %dma_wait3A_49 = arith.constant 0 : i32
        %dma_wait3A_50 = tpu.memref_slice %arg9[%dma_wait3A_48, %dma_wait3A_49] : memref<10016x128xf32, #tpu.memory_space<vmem_shared>> -> memref<16x128xf32, #tpu.memory_space<vmem_shared>>
        tpu.wait_dma2 semaphore(%run_scoped3A : memref<!tpu.dma_semaphore, #tpu.memory_space<semaphore_mem>>) src(%dma_wait3A_50 : memref<16x128xf32, #tpu.memory_space<vmem_shared>>) dst(%dma_wait3A_47 : memref<16x128xf32, #tpu.memory_space<hbm>>)
        tpu.yield
      }) : () -> ()
    } else {
    }
    return
  }
}

#map = affine_map<(d0, d1) -> (0, 0, 0)>
module attributes {stable_mosaic.version = 14 : i64} {
  func.func @k(%arg0: i32, %arg1: i32, %arg2: memref<32x79x128xi32, #tpu.memory_space<hbm>>, %arg3: memref<2x10000x128xf32, #tpu.memory_space<hbm>>, %arg4: memref<79x128xi32, #tpu.memory_space<vmem>>, %arg5: memref<128x128xf32, #tpu.memory_space<vmem>>, %arg6: memref<10016x128xf32, #tpu.memory_space<vmem_shared>>) attributes {dimension_semantics = [#tpu.dimension_semantics<core_parallel>, #tpu.dimension_semantics<subcore_parallel>], iteration_bounds = array<i64: 2, 16>, scalar_prefetch = 0 : i64, scratch_operands = 3 : i64, tpu.core_type = #tpu.core_type<sc_vector_subcore>, window_params = [{transform_indices = #map}, {transform_indices = #map}]} {
    %mul3A = arith.constant 16 : i32
    %mul3A_0 = arith.muli %arg0, %mul3A : i32
    %add3A = arith.addi %mul3A_0, %arg1 : i32
    %broadcast_in_dim3A = arith.constant 0.000000e+00 : f32
    %broadcast_in_dim3A_1 = vector.broadcast %broadcast_in_dim3A : f32 to vector<16xf32>
    %scan3A = arith.constant 0 : i32
    %scan3A_2 = arith.constant 0 : i32
    %scan3A_3 = arith.constant 128 : i32
    %scan3A_4 = arith.addi %scan3A_2, %scan3A_3 : i32
    %scan3A_5 = arith.constant 1 : i32
    %scan3A_6 = scf.for %scan3A_48 = %scan3A_2 to %scan3A_4 step %scan3A_5 iter_args(%scan3A_49 = %scan3A) -> (i32)  : i32 {
      %swap3A = arith.index_cast %scan3A_48 : i32 to index
      %swap3A_50 = arith.constant 0 : index
      %swap3A_51 = tpu.vector_load %arg5[%swap3A, %swap3A_50] {strides = array<i32>} : memref<128x128xf32, #tpu.memory_space<vmem>>, vector<1x16xf32>,
      %swap3A_52 = vector.shape_cast %swap3A_51 : vector<1x16xf32> to vector<16xf32>
      %swap3A_53 = vector.shape_cast %broadcast_in_dim3A_1 : vector<16xf32> to vector<1x16xf32>
      tpu.vector_store %arg5[%swap3A, %swap3A_50], %swap3A_53 {strides = array<i32>} : memref<128x128xf32, #tpu.memory_space<vmem>>, vector<1x16xf32>,
      %swap3A_54 = arith.index_cast %scan3A_48 : i32 to index
      %swap3A_55 = arith.constant 16 : index
      %swap3A_56 = tpu.vector_load %arg5[%swap3A_54, %swap3A_55] {strides = array<i32>} : memref<128x128xf32, #tpu.memory_space<vmem>>, vector<1x16xf32>,
      %swap3A_57 = vector.shape_cast %swap3A_56 : vector<1x16xf32> to vector<16xf32>
      %swap3A_58 = vector.shape_cast %broadcast_in_dim3A_1 : vector<16xf32> to vector<1x16xf32>
      tpu.vector_store %arg5[%swap3A_54, %swap3A_55], %swap3A_58 {strides = array<i32>} : memref<128x128xf32, #tpu.memory_space<vmem>>, vector<1x16xf32>,
      %swap3A_59 = arith.index_cast %scan3A_48 : i32 to index
      %swap3A_60 = arith.constant 32 : index
      %swap3A_61 = tpu.vector_load %arg5[%swap3A_59, %swap3A_60] {strides = array<i32>} : memref<128x128xf32, #tpu.memory_space<vmem>>, vector<1x16xf32>,
      %swap3A_62 = vector.shape_cast %swap3A_61 : vector<1x16xf32> to vector<16xf32>
      %swap3A_63 = vector.shape_cast %broadcast_in_dim3A_1 : vector<16xf32> to vector<1x16xf32>
      tpu.vector_store %arg5[%swap3A_59, %swap3A_60], %swap3A_63 {strides = array<i32>} : memref<128x128xf32, #tpu.memory_space<vmem>>, vector<1x16xf32>,
      %swap3A_64 = arith.index_cast %scan3A_48 : i32 to index
      %swap3A_65 = arith.constant 48 : index
      %swap3A_66 = tpu.vector_load %arg5[%swap3A_64, %swap3A_65] {strides = array<i32>} : memref<128x128xf32, #tpu.memory_space<vmem>>, vector<1x16xf32>,
      %swap3A_67 = vector.shape_cast %swap3A_66 : vector<1x16xf32> to vector<16xf32>
      %swap3A_68 = vector.shape_cast %broadcast_in_dim3A_1 : vector<16xf32> to vector<1x16xf32>
      tpu.vector_store %arg5[%swap3A_64, %swap3A_65], %swap3A_68 {strides = array<i32>} : memref<128x128xf32, #tpu.memory_space<vmem>>, vector<1x16xf32>,
      %swap3A_69 = arith.index_cast %scan3A_48 : i32 to index
      %swap3A_70 = arith.constant 64 : index
      %swap3A_71 = tpu.vector_load %arg5[%swap3A_69, %swap3A_70] {strides = array<i32>} : memref<128x128xf32, #tpu.memory_space<vmem>>, vector<1x16xf32>,
      %swap3A_72 = vector.shape_cast %swap3A_71 : vector<1x16xf32> to vector<16xf32>
      %swap3A_73 = vector.shape_cast %broadcast_in_dim3A_1 : vector<16xf32> to vector<1x16xf32>
      tpu.vector_store %arg5[%swap3A_69, %swap3A_70], %swap3A_73 {strides = array<i32>} : memref<128x128xf32, #tpu.memory_space<vmem>>, vector<1x16xf32>,
      %swap3A_74 = arith.index_cast %scan3A_48 : i32 to index
      %swap3A_75 = arith.constant 80 : index
      %swap3A_76 = tpu.vector_load %arg5[%swap3A_74, %swap3A_75] {strides = array<i32>} : memref<128x128xf32, #tpu.memory_space<vmem>>, vector<1x16xf32>,
      %swap3A_77 = vector.shape_cast %swap3A_76 : vector<1x16xf32> to vector<16xf32>
      %swap3A_78 = vector.shape_cast %broadcast_in_dim3A_1 : vector<16xf32> to vector<1x16xf32>
      tpu.vector_store %arg5[%swap3A_74, %swap3A_75], %swap3A_78 {strides = array<i32>} : memref<128x128xf32, #tpu.memory_space<vmem>>, vector<1x16xf32>,
      %swap3A_79 = arith.index_cast %scan3A_48 : i32 to index
      %swap3A_80 = arith.constant 96 : index
      %swap3A_81 = tpu.vector_load %arg5[%swap3A_79, %swap3A_80] {strides = array<i32>} : memref<128x128xf32, #tpu.memory_space<vmem>>, vector<1x16xf32>,
      %swap3A_82 = vector.shape_cast %swap3A_81 : vector<1x16xf32> to vector<16xf32>
      %swap3A_83 = vector.shape_cast %broadcast_in_dim3A_1 : vector<16xf32> to vector<1x16xf32>
      tpu.vector_store %arg5[%swap3A_79, %swap3A_80], %swap3A_83 {strides = array<i32>} : memref<128x128xf32, #tpu.memory_space<vmem>>, vector<1x16xf32>,
      %swap3A_84 = arith.index_cast %scan3A_48 : i32 to index
      %swap3A_85 = arith.constant 112 : index
      %swap3A_86 = tpu.vector_load %arg5[%swap3A_84, %swap3A_85] {strides = array<i32>} : memref<128x128xf32, #tpu.memory_space<vmem>>, vector<1x16xf32>,
      %swap3A_87 = vector.shape_cast %swap3A_86 : vector<1x16xf32> to vector<16xf32>
      %swap3A_88 = vector.shape_cast %broadcast_in_dim3A_1 : vector<16xf32> to vector<1x16xf32>
      tpu.vector_store %arg5[%swap3A_84, %swap3A_85], %swap3A_88 {strides = array<i32>} : memref<128x128xf32, #tpu.memory_space<vmem>>, vector<1x16xf32>,
      %scan3A_89 = arith.constant 0 : i32
      scf.yield %scan3A_89 : i32
    }
    %scan3A_7 = arith.constant 128 : i32
    %mul3A_8 = arith.constant 624 : i32
    %mul3A_9 = arith.muli %arg1, %mul3A_8 : i32
    %add3A_10 = arith.constant 0 : i32
    %add3A_11 = arith.addi %mul3A_9, %add3A_10 : i32
    "tpu.region"() ({
      %run_scoped3A = tpu.sem_alloc : memref<!tpu.dma_semaphore, #tpu.memory_space<semaphore_mem>>
      %dma_start3A = arith.constant 0 : i32
      %dma_start3A_48 = arith.constant 0 : i32
      %dma_start3A_49 = tpu.memref_slice %arg5[%dma_start3A, %dma_start3A_48] : memref<128x128xf32, #tpu.memory_space<vmem>> -> memref<104x128xf32, #tpu.memory_space<vmem>>
      %dma_start3A_50 = arith.constant 0 : i32
      %dma_start3A_51 = tpu.memref_slice %arg6[%add3A_11, %dma_start3A_50] : memref<10016x128xf32, #tpu.memory_space<vmem_shared>> -> memref<104x128xf32, #tpu.memory_space<vmem_shared>>
      %dma_start3A_52 = arith.constant 0 : i32
      %dma_start3A_53 = tpu.memref_slice %arg6[%add3A_11, %dma_start3A_52] : memref<10016x128xf32, #tpu.memory_space<vmem_shared>> -> memref<104x128xf32, #tpu.memory_space<vmem_shared>>
      %dma_start3A_54 = arith.constant 0 : i32
      %dma_start3A_55 = arith.constant 0 : i32
      %dma_start3A_56 = tpu.memref_slice %arg5[%dma_start3A_54, %dma_start3A_55] : memref<128x128xf32, #tpu.memory_space<vmem>> -> memref<104x128xf32, #tpu.memory_space<vmem>>
      tpu.enqueue_dma source(%dma_start3A_56 : memref<104x128xf32, #tpu.memory_space<vmem>>) target(%dma_start3A_53 : memref<104x128xf32, #tpu.memory_space<vmem_shared>>) target_semaphore(%run_scoped3A : memref<!tpu.dma_semaphore, #tpu.memory_space<semaphore_mem>>)
      %dma_wait3A = arith.constant 0 : i32
      %dma_wait3A_57 = arith.constant 0 : i32
      %dma_wait3A_58 = tpu.memref_slice %arg5[%dma_wait3A, %dma_wait3A_57] : memref<128x128xf32, #tpu.memory_space<vmem>> -> memref<104x128xf32, #tpu.memory_space<vmem>>
      %dma_wait3A_59 = arith.constant 0 : i32
      %dma_wait3A_60 = tpu.memref_slice %arg6[%add3A_11, %dma_wait3A_59] : memref<10016x128xf32, #tpu.memory_space<vmem_shared>> -> memref<104x128xf32, #tpu.memory_space<vmem_shared>>
      %dma_wait3A_61 = arith.constant 0 : i32
      %dma_wait3A_62 = tpu.memref_slice %arg6[%add3A_11, %dma_wait3A_61] : memref<10016x128xf32, #tpu.memory_space<vmem_shared>> -> memref<104x128xf32, #tpu.memory_space<vmem_shared>>
      %dma_wait3A_63 = arith.constant 0 : i32
      %dma_wait3A_64 = arith.constant 0 : i32
      %dma_wait3A_65 = tpu.memref_slice %arg5[%dma_wait3A_63, %dma_wait3A_64] : memref<128x128xf32, #tpu.memory_space<vmem>> -> memref<104x128xf32, #tpu.memory_space<vmem>>
      tpu.wait_dma2 semaphore(%run_scoped3A : memref<!tpu.dma_semaphore, #tpu.memory_space<semaphore_mem>>) src(%dma_wait3A_65 : memref<104x128xf32, #tpu.memory_space<vmem>>) dst(%dma_wait3A_62 : memref<104x128xf32, #tpu.memory_space<vmem_shared>>)
      tpu.yield
    }) : () -> ()
    %add3A_12 = arith.constant 104 : i32
    %add3A_13 = arith.addi %mul3A_9, %add3A_12 : i32
    "tpu.region"() ({
      %run_scoped3A = tpu.sem_alloc : memref<!tpu.dma_semaphore, #tpu.memory_space<semaphore_mem>>
      %dma_start3A = arith.constant 0 : i32
      %dma_start3A_48 = arith.constant 0 : i32
      %dma_start3A_49 = tpu.memref_slice %arg5[%dma_start3A, %dma_start3A_48] : memref<128x128xf32, #tpu.memory_space<vmem>> -> memref<104x128xf32, #tpu.memory_space<vmem>>
      %dma_start3A_50 = arith.constant 0 : i32
      %dma_start3A_51 = tpu.memref_slice %arg6[%add3A_13, %dma_start3A_50] : memref<10016x128xf32, #tpu.memory_space<vmem_shared>> -> memref<104x128xf32, #tpu.memory_space<vmem_shared>>
      %dma_start3A_52 = arith.constant 0 : i32
      %dma_start3A_53 = tpu.memref_slice %arg6[%add3A_13, %dma_start3A_52] : memref<10016x128xf32, #tpu.memory_space<vmem_shared>> -> memref<104x128xf32, #tpu.memory_space<vmem_shared>>
      %dma_start3A_54 = arith.constant 0 : i32
      %dma_start3A_55 = arith.constant 0 : i32
      %dma_start3A_56 = tpu.memref_slice %arg5[%dma_start3A_54, %dma_start3A_55] : memref<128x128xf32, #tpu.memory_space<vmem>> -> memref<104x128xf32, #tpu.memory_space<vmem>>
      tpu.enqueue_dma source(%dma_start3A_56 : memref<104x128xf32, #tpu.memory_space<vmem>>) target(%dma_start3A_53 : memref<104x128xf32, #tpu.memory_space<vmem_shared>>) target_semaphore(%run_scoped3A : memref<!tpu.dma_semaphore, #tpu.memory_space<semaphore_mem>>)
      %dma_wait3A = arith.constant 0 : i32
      %dma_wait3A_57 = arith.constant 0 : i32
      %dma_wait3A_58 = tpu.memref_slice %arg5[%dma_wait3A, %dma_wait3A_57] : memref<128x128xf32, #tpu.memory_space<vmem>> -> memref<104x128xf32, #tpu.memory_space<vmem>>
      %dma_wait3A_59 = arith.constant 0 : i32
      %dma_wait3A_60 = tpu.memref_slice %arg6[%add3A_13, %dma_wait3A_59] : memref<10016x128xf32, #tpu.memory_space<vmem_shared>> -> memref<104x128xf32, #tpu.memory_space<vmem_shared>>
      %dma_wait3A_61 = arith.constant 0 : i32
      %dma_wait3A_62 = tpu.memref_slice %arg6[%add3A_13, %dma_wait3A_61] : memref<10016x128xf32, #tpu.memory_space<vmem_shared>> -> memref<104x128xf32, #tpu.memory_space<vmem_shared>>
      %dma_wait3A_63 = arith.constant 0 : i32
      %dma_wait3A_64 = arith.constant 0 : i32
      %dma_wait3A_65 = tpu.memref_slice %arg5[%dma_wait3A_63, %dma_wait3A_64] : memref<128x128xf32, #tpu.memory_space<vmem>> -> memref<104x128xf32, #tpu.memory_space<vmem>>
      tpu.wait_dma2 semaphore(%run_scoped3A : memref<!tpu.dma_semaphore, #tpu.memory_space<semaphore_mem>>) src(%dma_wait3A_65 : memref<104x128xf32, #tpu.memory_space<vmem>>) dst(%dma_wait3A_62 : memref<104x128xf32, #tpu.memory_space<vmem_shared>>)
      tpu.yield
    }) : () -> ()
    %add3A_14 = arith.constant 208 : i32
    %add3A_15 = arith.addi %mul3A_9, %add3A_14 : i32
    "tpu.region"() ({
      %run_scoped3A = tpu.sem_alloc : memref<!tpu.dma_semaphore, #tpu.memory_space<semaphore_mem>>
      %dma_start3A = arith.constant 0 : i32
      %dma_start3A_48 = arith.constant 0 : i32
      %dma_start3A_49 = tpu.memref_slice %arg5[%dma_start3A, %dma_start3A_48] : memref<128x128xf32, #tpu.memory_space<vmem>> -> memref<104x128xf32, #tpu.memory_space<vmem>>
      %dma_start3A_50 = arith.constant 0 : i32
      %dma_start3A_51 = tpu.memref_slice %arg6[%add3A_15, %dma_start3A_50] : memref<10016x128xf32, #tpu.memory_space<vmem_shared>> -> memref<104x128xf32, #tpu.memory_space<vmem_shared>>
      %dma_start3A_52 = arith.constant 0 : i32
      %dma_start3A_53 = tpu.memref_slice %arg6[%add3A_15, %dma_start3A_52] : memref<10016x128xf32, #tpu.memory_space<vmem_shared>> -> memref<104x128xf32, #tpu.memory_space<vmem_shared>>
      %dma_start3A_54 = arith.constant 0 : i32
      %dma_start3A_55 = arith.constant 0 : i32
      %dma_start3A_56 = tpu.memref_slice %arg5[%dma_start3A_54, %dma_start3A_55] : memref<128x128xf32, #tpu.memory_space<vmem>> -> memref<104x128xf32, #tpu.memory_space<vmem>>
      tpu.enqueue_dma source(%dma_start3A_56 : memref<104x128xf32, #tpu.memory_space<vmem>>) target(%dma_start3A_53 : memref<104x128xf32, #tpu.memory_space<vmem_shared>>) target_semaphore(%run_scoped3A : memref<!tpu.dma_semaphore, #tpu.memory_space<semaphore_mem>>)
      %dma_wait3A = arith.constant 0 : i32
      %dma_wait3A_57 = arith.constant 0 : i32
      %dma_wait3A_58 = tpu.memref_slice %arg5[%dma_wait3A, %dma_wait3A_57] : memref<128x128xf32, #tpu.memory_space<vmem>> -> memref<104x128xf32, #tpu.memory_space<vmem>>
      %dma_wait3A_59 = arith.constant 0 : i32
      %dma_wait3A_60 = tpu.memref_slice %arg6[%add3A_15, %dma_wait3A_59] : memref<10016x128xf32, #tpu.memory_space<vmem_shared>> -> memref<104x128xf32, #tpu.memory_space<vmem_shared>>
      %dma_wait3A_61 = arith.constant 0 : i32
      %dma_wait3A_62 = tpu.memref_slice %arg6[%add3A_15, %dma_wait3A_61] : memref<10016x128xf32, #tpu.memory_space<vmem_shared>> -> memref<104x128xf32, #tpu.memory_space<vmem_shared>>
      %dma_wait3A_63 = arith.constant 0 : i32
      %dma_wait3A_64 = arith.constant 0 : i32
      %dma_wait3A_65 = tpu.memref_slice %arg5[%dma_wait3A_63, %dma_wait3A_64] : memref<128x128xf32, #tpu.memory_space<vmem>> -> memref<104x128xf32, #tpu.memory_space<vmem>>
      tpu.wait_dma2 semaphore(%run_scoped3A : memref<!tpu.dma_semaphore, #tpu.memory_space<semaphore_mem>>) src(%dma_wait3A_65 : memref<104x128xf32, #tpu.memory_space<vmem>>) dst(%dma_wait3A_62 : memref<104x128xf32, #tpu.memory_space<vmem_shared>>)
      tpu.yield
    }) : () -> ()
    %add3A_16 = arith.constant 312 : i32
    %add3A_17 = arith.addi %mul3A_9, %add3A_16 : i32
    "tpu.region"() ({
      %run_scoped3A = tpu.sem_alloc : memref<!tpu.dma_semaphore, #tpu.memory_space<semaphore_mem>>
      %dma_start3A = arith.constant 0 : i32
      %dma_start3A_48 = arith.constant 0 : i32
      %dma_start3A_49 = tpu.memref_slice %arg5[%dma_start3A, %dma_start3A_48] : memref<128x128xf32, #tpu.memory_space<vmem>> -> memref<104x128xf32, #tpu.memory_space<vmem>>
      %dma_start3A_50 = arith.constant 0 : i32
      %dma_start3A_51 = tpu.memref_slice %arg6[%add3A_17, %dma_start3A_50] : memref<10016x128xf32, #tpu.memory_space<vmem_shared>> -> memref<104x128xf32, #tpu.memory_space<vmem_shared>>
      %dma_start3A_52 = arith.constant 0 : i32
      %dma_start3A_53 = tpu.memref_slice %arg6[%add3A_17, %dma_start3A_52] : memref<10016x128xf32, #tpu.memory_space<vmem_shared>> -> memref<104x128xf32, #tpu.memory_space<vmem_shared>>
      %dma_start3A_54 = arith.constant 0 : i32
      %dma_start3A_55 = arith.constant 0 : i32
      %dma_start3A_56 = tpu.memref_slice %arg5[%dma_start3A_54, %dma_start3A_55] : memref<128x128xf32, #tpu.memory_space<vmem>> -> memref<104x128xf32, #tpu.memory_space<vmem>>
      tpu.enqueue_dma source(%dma_start3A_56 : memref<104x128xf32, #tpu.memory_space<vmem>>) target(%dma_start3A_53 : memref<104x128xf32, #tpu.memory_space<vmem_shared>>) target_semaphore(%run_scoped3A : memref<!tpu.dma_semaphore, #tpu.memory_space<semaphore_mem>>)
      %dma_wait3A = arith.constant 0 : i32
      %dma_wait3A_57 = arith.constant 0 : i32
      %dma_wait3A_58 = tpu.memref_slice %arg5[%dma_wait3A, %dma_wait3A_57] : memref<128x128xf32, #tpu.memory_space<vmem>> -> memref<104x128xf32, #tpu.memory_space<vmem>>
      %dma_wait3A_59 = arith.constant 0 : i32
      %dma_wait3A_60 = tpu.memref_slice %arg6[%add3A_17, %dma_wait3A_59] : memref<10016x128xf32, #tpu.memory_space<vmem_shared>> -> memref<104x128xf32, #tpu.memory_space<vmem_shared>>
      %dma_wait3A_61 = arith.constant 0 : i32
      %dma_wait3A_62 = tpu.memref_slice %arg6[%add3A_17, %dma_wait3A_61] : memref<10016x128xf32, #tpu.memory_space<vmem_shared>> -> memref<104x128xf32, #tpu.memory_space<vmem_shared>>
      %dma_wait3A_63 = arith.constant 0 : i32
      %dma_wait3A_64 = arith.constant 0 : i32
      %dma_wait3A_65 = tpu.memref_slice %arg5[%dma_wait3A_63, %dma_wait3A_64] : memref<128x128xf32, #tpu.memory_space<vmem>> -> memref<104x128xf32, #tpu.memory_space<vmem>>
      tpu.wait_dma2 semaphore(%run_scoped3A : memref<!tpu.dma_semaphore, #tpu.memory_space<semaphore_mem>>) src(%dma_wait3A_65 : memref<104x128xf32, #tpu.memory_space<vmem>>) dst(%dma_wait3A_62 : memref<104x128xf32, #tpu.memory_space<vmem_shared>>)
      tpu.yield
    }) : () -> ()
    %add3A_18 = arith.constant 416 : i32
    %add3A_19 = arith.addi %mul3A_9, %add3A_18 : i32
    "tpu.region"() ({
      %run_scoped3A = tpu.sem_alloc : memref<!tpu.dma_semaphore, #tpu.memory_space<semaphore_mem>>
      %dma_start3A = arith.constant 0 : i32
      %dma_start3A_48 = arith.constant 0 : i32
      %dma_start3A_49 = tpu.memref_slice %arg5[%dma_start3A, %dma_start3A_48] : memref<128x128xf32, #tpu.memory_space<vmem>> -> memref<104x128xf32, #tpu.memory_space<vmem>>
      %dma_start3A_50 = arith.constant 0 : i32
      %dma_start3A_51 = tpu.memref_slice %arg6[%add3A_19, %dma_start3A_50] : memref<10016x128xf32, #tpu.memory_space<vmem_shared>> -> memref<104x128xf32, #tpu.memory_space<vmem_shared>>
      %dma_start3A_52 = arith.constant 0 : i32
      %dma_start3A_53 = tpu.memref_slice %arg6[%add3A_19, %dma_start3A_52] : memref<10016x128xf32, #tpu.memory_space<vmem_shared>> -> memref<104x128xf32, #tpu.memory_space<vmem_shared>>
      %dma_start3A_54 = arith.constant 0 : i32
      %dma_start3A_55 = arith.constant 0 : i32
      %dma_start3A_56 = tpu.memref_slice %arg5[%dma_start3A_54, %dma_start3A_55] : memref<128x128xf32, #tpu.memory_space<vmem>> -> memref<104x128xf32, #tpu.memory_space<vmem>>
      tpu.enqueue_dma source(%dma_start3A_56 : memref<104x128xf32, #tpu.memory_space<vmem>>) target(%dma_start3A_53 : memref<104x128xf32, #tpu.memory_space<vmem_shared>>) target_semaphore(%run_scoped3A : memref<!tpu.dma_semaphore, #tpu.memory_space<semaphore_mem>>)
      %dma_wait3A = arith.constant 0 : i32
      %dma_wait3A_57 = arith.constant 0 : i32
      %dma_wait3A_58 = tpu.memref_slice %arg5[%dma_wait3A, %dma_wait3A_57] : memref<128x128xf32, #tpu.memory_space<vmem>> -> memref<104x128xf32, #tpu.memory_space<vmem>>
      %dma_wait3A_59 = arith.constant 0 : i32
      %dma_wait3A_60 = tpu.memref_slice %arg6[%add3A_19, %dma_wait3A_59] : memref<10016x128xf32, #tpu.memory_space<vmem_shared>> -> memref<104x128xf32, #tpu.memory_space<vmem_shared>>
      %dma_wait3A_61 = arith.constant 0 : i32
      %dma_wait3A_62 = tpu.memref_slice %arg6[%add3A_19, %dma_wait3A_61] : memref<10016x128xf32, #tpu.memory_space<vmem_shared>> -> memref<104x128xf32, #tpu.memory_space<vmem_shared>>
      %dma_wait3A_63 = arith.constant 0 : i32
      %dma_wait3A_64 = arith.constant 0 : i32
      %dma_wait3A_65 = tpu.memref_slice %arg5[%dma_wait3A_63, %dma_wait3A_64] : memref<128x128xf32, #tpu.memory_space<vmem>> -> memref<104x128xf32, #tpu.memory_space<vmem>>
      tpu.wait_dma2 semaphore(%run_scoped3A : memref<!tpu.dma_semaphore, #tpu.memory_space<semaphore_mem>>) src(%dma_wait3A_65 : memref<104x128xf32, #tpu.memory_space<vmem>>) dst(%dma_wait3A_62 : memref<104x128xf32, #tpu.memory_space<vmem_shared>>)
      tpu.yield
    }) : () -> ()
    %add3A_20 = arith.constant 520 : i32
    %add3A_21 = arith.addi %mul3A_9, %add3A_20 : i32
    "tpu.region"() ({
      %run_scoped3A = tpu.sem_alloc : memref<!tpu.dma_semaphore, #tpu.memory_space<semaphore_mem>>
      %dma_start3A = arith.constant 0 : i32
      %dma_start3A_48 = arith.constant 0 : i32
      %dma_start3A_49 = tpu.memref_slice %arg5[%dma_start3A, %dma_start3A_48] : memref<128x128xf32, #tpu.memory_space<vmem>> -> memref<104x128xf32, #tpu.memory_space<vmem>>
      %dma_start3A_50 = arith.constant 0 : i32
      %dma_start3A_51 = tpu.memref_slice %arg6[%add3A_21, %dma_start3A_50] : memref<10016x128xf32, #tpu.memory_space<vmem_shared>> -> memref<104x128xf32, #tpu.memory_space<vmem_shared>>
      %dma_start3A_52 = arith.constant 0 : i32
      %dma_start3A_53 = tpu.memref_slice %arg6[%add3A_21, %dma_start3A_52] : memref<10016x128xf32, #tpu.memory_space<vmem_shared>> -> memref<104x128xf32, #tpu.memory_space<vmem_shared>>
      %dma_start3A_54 = arith.constant 0 : i32
      %dma_start3A_55 = arith.constant 0 : i32
      %dma_start3A_56 = tpu.memref_slice %arg5[%dma_start3A_54, %dma_start3A_55] : memref<128x128xf32, #tpu.memory_space<vmem>> -> memref<104x128xf32, #tpu.memory_space<vmem>>
      tpu.enqueue_dma source(%dma_start3A_56 : memref<104x128xf32, #tpu.memory_space<vmem>>) target(%dma_start3A_53 : memref<104x128xf32, #tpu.memory_space<vmem_shared>>) target_semaphore(%run_scoped3A : memref<!tpu.dma_semaphore, #tpu.memory_space<semaphore_mem>>)
      %dma_wait3A = arith.constant 0 : i32
      %dma_wait3A_57 = arith.constant 0 : i32
      %dma_wait3A_58 = tpu.memref_slice %arg5[%dma_wait3A, %dma_wait3A_57] : memref<128x128xf32, #tpu.memory_space<vmem>> -> memref<104x128xf32, #tpu.memory_space<vmem>>
      %dma_wait3A_59 = arith.constant 0 : i32
      %dma_wait3A_60 = tpu.memref_slice %arg6[%add3A_21, %dma_wait3A_59] : memref<10016x128xf32, #tpu.memory_space<vmem_shared>> -> memref<104x128xf32, #tpu.memory_space<vmem_shared>>
      %dma_wait3A_61 = arith.constant 0 : i32
      %dma_wait3A_62 = tpu.memref_slice %arg6[%add3A_21, %dma_wait3A_61] : memref<10016x128xf32, #tpu.memory_space<vmem_shared>> -> memref<104x128xf32, #tpu.memory_space<vmem_shared>>
      %dma_wait3A_63 = arith.constant 0 : i32
      %dma_wait3A_64 = arith.constant 0 : i32
      %dma_wait3A_65 = tpu.memref_slice %arg5[%dma_wait3A_63, %dma_wait3A_64] : memref<128x128xf32, #tpu.memory_space<vmem>> -> memref<104x128xf32, #tpu.memory_space<vmem>>
      tpu.wait_dma2 semaphore(%run_scoped3A : memref<!tpu.dma_semaphore, #tpu.memory_space<semaphore_mem>>) src(%dma_wait3A_65 : memref<104x128xf32, #tpu.memory_space<vmem>>) dst(%dma_wait3A_62 : memref<104x128xf32, #tpu.memory_space<vmem_shared>>)
      tpu.yield
    }) : () -> ()
    %eq3A = arith.constant 15 : i32
    %eq3A_22 = arith.cmpi eq, %arg1, %eq3A : i32
    %convert_element_type3A = arith.extui %eq3A_22 : i1 to i32
    %cond3A = arith.constant 0 : i32
    %cond3A_23 = arith.cmpi ne, %convert_element_type3A, %cond3A : i32
    scf.if %cond3A_23 {
      "tpu.region"() ({
        %run_scoped3A = tpu.sem_alloc : memref<!tpu.dma_semaphore, #tpu.memory_space<semaphore_mem>>
        %dma_start3A = arith.constant 0 : i32
        %dma_start3A_48 = arith.constant 0 : i32
        %dma_start3A_49 = tpu.memref_slice %arg5[%dma_start3A, %dma_start3A_48] : memref<128x128xf32, #tpu.memory_space<vmem>> -> memref<16x128xf32, #tpu.memory_space<vmem>>
        %dma_start3A_50 = arith.constant 9984 : i32
        %dma_start3A_51 = arith.constant 0 : i32
        %dma_start3A_52 = tpu.memref_slice %arg6[%dma_start3A_50, %dma_start3A_51] : memref<10016x128xf32, #tpu.memory_space<vmem_shared>> -> memref<16x128xf32, #tpu.memory_space<vmem_shared>>
        %dma_start3A_53 = arith.constant 9984 : i32
        %dma_start3A_54 = arith.constant 0 : i32
        %dma_start3A_55 = tpu.memref_slice %arg6[%dma_start3A_53, %dma_start3A_54] : memref<10016x128xf32, #tpu.memory_space<vmem_shared>> -> memref<16x128xf32, #tpu.memory_space<vmem_shared>>
        %dma_start3A_56 = arith.constant 0 : i32
        %dma_start3A_57 = arith.constant 0 : i32
        %dma_start3A_58 = tpu.memref_slice %arg5[%dma_start3A_56, %dma_start3A_57] : memref<128x128xf32, #tpu.memory_space<vmem>> -> memref<16x128xf32, #tpu.memory_space<vmem>>
        tpu.enqueue_dma source(%dma_start3A_58 : memref<16x128xf32, #tpu.memory_space<vmem>>) target(%dma_start3A_55 : memref<16x128xf32, #tpu.memory_space<vmem_shared>>) target_semaphore(%run_scoped3A : memref<!tpu.dma_semaphore, #tpu.memory_space<semaphore_mem>>)
        %dma_wait3A = arith.constant 0 : i32
        %dma_wait3A_59 = arith.constant 0 : i32
        %dma_wait3A_60 = tpu.memref_slice %arg5[%dma_wait3A, %dma_wait3A_59] : memref<128x128xf32, #tpu.memory_space<vmem>> -> memref<16x128xf32, #tpu.memory_space<vmem>>
        %dma_wait3A_61 = arith.constant 9984 : i32
        %dma_wait3A_62 = arith.constant 0 : i32
        %dma_wait3A_63 = tpu.memref_slice %arg6[%dma_wait3A_61, %dma_wait3A_62] : memref<10016x128xf32, #tpu.memory_space<vmem_shared>> -> memref<16x128xf32, #tpu.memory_space<vmem_shared>>
        %dma_wait3A_64 = arith.constant 9984 : i32
        %dma_wait3A_65 = arith.constant 0 : i32
        %dma_wait3A_66 = tpu.memref_slice %arg6[%dma_wait3A_64, %dma_wait3A_65] : memref<10016x128xf32, #tpu.memory_space<vmem_shared>> -> memref<16x128xf32, #tpu.memory_space<vmem_shared>>
        %dma_wait3A_67 = arith.constant 0 : i32
        %dma_wait3A_68 = arith.constant 0 : i32
        %dma_wait3A_69 = tpu.memref_slice %arg5[%dma_wait3A_67, %dma_wait3A_68] : memref<128x128xf32, #tpu.memory_space<vmem>> -> memref<16x128xf32, #tpu.memory_space<vmem>>
        tpu.wait_dma2 semaphore(%run_scoped3A : memref<!tpu.dma_semaphore, #tpu.memory_space<semaphore_mem>>) src(%dma_wait3A_69 : memref<16x128xf32, #tpu.memory_space<vmem>>) dst(%dma_wait3A_66 : memref<16x128xf32, #tpu.memory_space<vmem_shared>>)
        tpu.yield
      }) : () -> ()
    } else {
    }
    %broadcast_in_dim3A_24 = arith.constant 1.000000e+00 : f32
    %broadcast_in_dim3A_25 = vector.broadcast %broadcast_in_dim3A_24 : f32 to vector<16xf32>
    %scan3A_26 = arith.constant 0 : i32
    %scan3A_27 = arith.constant 0 : i32
    %scan3A_28 = arith.constant 128 : i32
    %scan3A_29 = arith.addi %scan3A_27, %scan3A_28 : i32
    %scan3A_30 = arith.constant 1 : i32
    %scan3A_31 = scf.for %scan3A_48 = %scan3A_27 to %scan3A_29 step %scan3A_30 iter_args(%scan3A_49 = %scan3A_26) -> (i32)  : i32 {
      %swap3A = arith.index_cast %scan3A_48 : i32 to index
      %swap3A_50 = arith.constant 0 : index
      %swap3A_51 = tpu.vector_load %arg5[%swap3A, %swap3A_50] {strides = array<i32>} : memref<128x128xf32, #tpu.memory_space<vmem>>, vector<1x16xf32>,
      %swap3A_52 = vector.shape_cast %swap3A_51 : vector<1x16xf32> to vector<16xf32>
      %swap3A_53 = vector.shape_cast %broadcast_in_dim3A_25 : vector<16xf32> to vector<1x16xf32>
      tpu.vector_store %arg5[%swap3A, %swap3A_50], %swap3A_53 {strides = array<i32>} : memref<128x128xf32, #tpu.memory_space<vmem>>, vector<1x16xf32>,
      %swap3A_54 = arith.index_cast %scan3A_48 : i32 to index
      %swap3A_55 = arith.constant 16 : index
      %swap3A_56 = tpu.vector_load %arg5[%swap3A_54, %swap3A_55] {strides = array<i32>} : memref<128x128xf32, #tpu.memory_space<vmem>>, vector<1x16xf32>,
      %swap3A_57 = vector.shape_cast %swap3A_56 : vector<1x16xf32> to vector<16xf32>
      %swap3A_58 = vector.shape_cast %broadcast_in_dim3A_25 : vector<16xf32> to vector<1x16xf32>
      tpu.vector_store %arg5[%swap3A_54, %swap3A_55], %swap3A_58 {strides = array<i32>} : memref<128x128xf32, #tpu.memory_space<vmem>>, vector<1x16xf32>,
      %swap3A_59 = arith.index_cast %scan3A_48 : i32 to index
      %swap3A_60 = arith.constant 32 : index
      %swap3A_61 = tpu.vector_load %arg5[%swap3A_59, %swap3A_60] {strides = array<i32>} : memref<128x128xf32, #tpu.memory_space<vmem>>, vector<1x16xf32>,
      %swap3A_62 = vector.shape_cast %swap3A_61 : vector<1x16xf32> to vector<16xf32>
      %swap3A_63 = vector.shape_cast %broadcast_in_dim3A_25 : vector<16xf32> to vector<1x16xf32>
      tpu.vector_store %arg5[%swap3A_59, %swap3A_60], %swap3A_63 {strides = array<i32>} : memref<128x128xf32, #tpu.memory_space<vmem>>, vector<1x16xf32>,
      %swap3A_64 = arith.index_cast %scan3A_48 : i32 to index
      %swap3A_65 = arith.constant 48 : index
      %swap3A_66 = tpu.vector_load %arg5[%swap3A_64, %swap3A_65] {strides = array<i32>} : memref<128x128xf32, #tpu.memory_space<vmem>>, vector<1x16xf32>,
      %swap3A_67 = vector.shape_cast %swap3A_66 : vector<1x16xf32> to vector<16xf32>
      %swap3A_68 = vector.shape_cast %broadcast_in_dim3A_25 : vector<16xf32> to vector<1x16xf32>
      tpu.vector_store %arg5[%swap3A_64, %swap3A_65], %swap3A_68 {strides = array<i32>} : memref<128x128xf32, #tpu.memory_space<vmem>>, vector<1x16xf32>,
      %swap3A_69 = arith.index_cast %scan3A_48 : i32 to index
      %swap3A_70 = arith.constant 64 : index
      %swap3A_71 = tpu.vector_load %arg5[%swap3A_69, %swap3A_70] {strides = array<i32>} : memref<128x128xf32, #tpu.memory_space<vmem>>, vector<1x16xf32>,
      %swap3A_72 = vector.shape_cast %swap3A_71 : vector<1x16xf32> to vector<16xf32>
      %swap3A_73 = vector.shape_cast %broadcast_in_dim3A_25 : vector<16xf32> to vector<1x16xf32>
      tpu.vector_store %arg5[%swap3A_69, %swap3A_70], %swap3A_73 {strides = array<i32>} : memref<128x128xf32, #tpu.memory_space<vmem>>, vector<1x16xf32>,
      %swap3A_74 = arith.index_cast %scan3A_48 : i32 to index
      %swap3A_75 = arith.constant 80 : index
      %swap3A_76 = tpu.vector_load %arg5[%swap3A_74, %swap3A_75] {strides = array<i32>} : memref<128x128xf32, #tpu.memory_space<vmem>>, vector<1x16xf32>,
      %swap3A_77 = vector.shape_cast %swap3A_76 : vector<1x16xf32> to vector<16xf32>
      %swap3A_78 = vector.shape_cast %broadcast_in_dim3A_25 : vector<16xf32> to vector<1x16xf32>
      tpu.vector_store %arg5[%swap3A_74, %swap3A_75], %swap3A_78 {strides = array<i32>} : memref<128x128xf32, #tpu.memory_space<vmem>>, vector<1x16xf32>,
      %swap3A_79 = arith.index_cast %scan3A_48 : i32 to index
      %swap3A_80 = arith.constant 96 : index
      %swap3A_81 = tpu.vector_load %arg5[%swap3A_79, %swap3A_80] {strides = array<i32>} : memref<128x128xf32, #tpu.memory_space<vmem>>, vector<1x16xf32>,
      %swap3A_82 = vector.shape_cast %swap3A_81 : vector<1x16xf32> to vector<16xf32>
      %swap3A_83 = vector.shape_cast %broadcast_in_dim3A_25 : vector<16xf32> to vector<1x16xf32>
      tpu.vector_store %arg5[%swap3A_79, %swap3A_80], %swap3A_83 {strides = array<i32>} : memref<128x128xf32, #tpu.memory_space<vmem>>, vector<1x16xf32>,
      %swap3A_84 = arith.index_cast %scan3A_48 : i32 to index
      %swap3A_85 = arith.constant 112 : index
      %swap3A_86 = tpu.vector_load %arg5[%swap3A_84, %swap3A_85] {strides = array<i32>} : memref<128x128xf32, #tpu.memory_space<vmem>>, vector<1x16xf32>,
      %swap3A_87 = vector.shape_cast %swap3A_86 : vector<1x16xf32> to vector<16xf32>
      %swap3A_88 = vector.shape_cast %broadcast_in_dim3A_25 : vector<16xf32> to vector<1x16xf32>
      tpu.vector_store %arg5[%swap3A_84, %swap3A_85], %swap3A_88 {strides = array<i32>} : memref<128x128xf32, #tpu.memory_space<vmem>>, vector<1x16xf32>,
      %scan3A_89 = arith.constant 0 : i32
      scf.yield %scan3A_89 : i32
    }
    %scan3A_32 = arith.constant 128 : i32
    "tpu.region"() ({
      %run_scoped3A = tpu.sem_alloc : memref<!tpu.dma_semaphore, #tpu.memory_space<semaphore_mem>>
      %dma_start3A = arith.constant 0 : i32
      %dma_start3A_48 = arith.constant 0 : i32
      %dma_start3A_49 = tpu.memref_slice %arg2[%add3A, %dma_start3A, %dma_start3A_48] : memref<32x79x128xi32, #tpu.memory_space<hbm>> -> memref<1x79x128xi32, #tpu.memory_space<hbm>>
      %dma_start3A_50 = tpu.memref_squeeze %dma_start3A_49 : memref<1x79x128xi32, #tpu.memory_space<hbm>> -> memref<79x128xi32, #tpu.memory_space<hbm>>
      %dma_start3A_51 = arith.constant 0 : i32
      %dma_start3A_52 = arith.constant 0 : i32
      %dma_start3A_53 = tpu.memref_slice %arg2[%add3A, %dma_start3A_51, %dma_start3A_52] : memref<32x79x128xi32, #tpu.memory_space<hbm>> -> memref<1x79x128xi32, #tpu.memory_space<hbm>>
      %dma_start3A_54 = tpu.memref_squeeze %dma_start3A_53 : memref<1x79x128xi32, #tpu.memory_space<hbm>> -> memref<79x128xi32, #tpu.memory_space<hbm>>
      tpu.enqueue_dma source(%dma_start3A_54 : memref<79x128xi32, #tpu.memory_space<hbm>>) target(%arg4 : memref<79x128xi32, #tpu.memory_space<vmem>>) target_semaphore(%run_scoped3A : memref<!tpu.dma_semaphore, #tpu.memory_space<semaphore_mem>>)
      %dma_wait3A = arith.constant 0 : i32
      %dma_wait3A_55 = arith.constant 0 : i32
      %dma_wait3A_56 = tpu.memref_slice %arg2[%add3A, %dma_wait3A, %dma_wait3A_55] : memref<32x79x128xi32, #tpu.memory_space<hbm>> -> memref<1x79x128xi32, #tpu.memory_space<hbm>>
      %dma_wait3A_57 = tpu.memref_squeeze %dma_wait3A_56 : memref<1x79x128xi32, #tpu.memory_space<hbm>> -> memref<79x128xi32, #tpu.memory_space<hbm>>
      %dma_wait3A_58 = arith.constant 0 : i32
      %dma_wait3A_59 = arith.constant 0 : i32
      %dma_wait3A_60 = tpu.memref_slice %arg2[%add3A, %dma_wait3A_58, %dma_wait3A_59] : memref<32x79x128xi32, #tpu.memory_space<hbm>> -> memref<1x79x128xi32, #tpu.memory_space<hbm>>
      %dma_wait3A_61 = tpu.memref_squeeze %dma_wait3A_60 : memref<1x79x128xi32, #tpu.memory_space<hbm>> -> memref<79x128xi32, #tpu.memory_space<hbm>>
      tpu.wait_dma2 semaphore(%run_scoped3A : memref<!tpu.dma_semaphore, #tpu.memory_space<semaphore_mem>>) src(%dma_wait3A_61 : memref<79x128xi32, #tpu.memory_space<hbm>>) dst(%arg4 : memref<79x128xi32, #tpu.memory_space<vmem>>)
      tpu.yield
    }) : () -> ()
    %barrier3A = arith.constant 0 : index
    tpu.barrier barrier_id(%barrier3A)
    %scan3A_33 = arith.constant 0 : i32
    %scan3A_34 = arith.constant 0 : i32
    %scan3A_35 = arith.constant 79 : i32
    %scan3A_36 = arith.addi %scan3A_34, %scan3A_35 : i32
    %scan3A_37 = arith.constant 1 : i32
    %scan3A_38 = scf.for %scan3A_48 = %scan3A_34 to %scan3A_36 step %scan3A_37 iter_args(%scan3A_49 = %scan3A_33) -> (i32)  : i32 {
      "tpu.region"() ({
        %run_scoped3A = tpu.sem_alloc : memref<!tpu.dma_semaphore, #tpu.memory_space<semaphore_mem>>
        %dma_start3A = arith.constant 0 : i32
        %dma_start3A_51 = tpu.memref_slice %arg4[%scan3A_48, %dma_start3A] : memref<79x128xi32, #tpu.memory_space<vmem>> -> memref<1x128xi32, #tpu.memory_space<vmem>>
        %dma_start3A_52 = tpu.memref_squeeze %dma_start3A_51 : memref<1x128xi32, #tpu.memory_space<vmem>> -> memref<128xi32, #tpu.memory_space<vmem>>
        %dma_start3A_53 = arith.constant 0 : i32
        %dma_start3A_54 = arith.constant 0 : i32
        %dma_start3A_55 = tpu.memref_slice %arg6[%dma_start3A_53, %dma_start3A_54] : memref<10016x128xf32, #tpu.memory_space<vmem_shared>> -> memref<10016x128xf32, #tpu.memory_space<vmem_shared>>
        tpu.enqueue_indirect_dma source(%arg5 : memref<128x128xf32, #tpu.memory_space<vmem>>) target(%dma_start3A_55 : memref<10016x128xf32, #tpu.memory_space<vmem_shared>>) offsets(%dma_start3A_52 : memref<128xi32, #tpu.memory_space<vmem>>) semaphore(%run_scoped3A : memref<!tpu.dma_semaphore, #tpu.memory_space<semaphore_mem>>) {add = true}
        %dma_wait3A = arith.constant 0 : i32
        %dma_wait3A_56 = tpu.memref_slice %arg4[%scan3A_48, %dma_wait3A] : memref<79x128xi32, #tpu.memory_space<vmem>> -> memref<1x128xi32, #tpu.memory_space<vmem>>
        %dma_wait3A_57 = tpu.memref_squeeze %dma_wait3A_56 : memref<1x128xi32, #tpu.memory_space<vmem>> -> memref<128xi32, #tpu.memory_space<vmem>>
        %dma_wait3A_58 = arith.constant 0 : i32
        %dma_wait3A_59 = arith.constant 0 : i32
        %dma_wait3A_60 = tpu.memref_slice %arg6[%dma_wait3A_58, %dma_wait3A_59] : memref<10016x128xf32, #tpu.memory_space<vmem_shared>> -> memref<10016x128xf32, #tpu.memory_space<vmem_shared>>
        tpu.wait_indirect_dma semaphore(%run_scoped3A : memref<!tpu.dma_semaphore, #tpu.memory_space<semaphore_mem>>) src(%arg5 : memref<128x128xf32, #tpu.memory_space<vmem>>) dst(%dma_wait3A_60 : memref<10016x128xf32, #tpu.memory_space<vmem_shared>>)
        tpu.yield
      }) : () -> ()
      %scan3A_50 = arith.constant 0 : i32
      scf.yield %scan3A_50 : i32
    }
    %scan3A_39 = arith.constant 79 : i32
    %barrier3A_40 = arith.constant 0 : index
    tpu.barrier barrier_id(%barrier3A_40)
    %mul3A_41 = arith.constant 624 : i32
    %mul3A_42 = arith.muli %arg1, %mul3A_41 : i32
    "tpu.region"() ({
      %run_scoped3A = tpu.sem_alloc : memref<!tpu.dma_semaphore, #tpu.memory_space<semaphore_mem>>
      %dma_start3A = arith.constant 0 : i32
      %dma_start3A_48 = tpu.memref_slice %arg3[%arg0, %mul3A_42, %dma_start3A] : memref<2x10000x128xf32, #tpu.memory_space<hbm>> -> memref<1x624x128xf32, #tpu.memory_space<hbm>>
      %dma_start3A_49 = tpu.memref_squeeze %dma_start3A_48 : memref<1x624x128xf32, #tpu.memory_space<hbm>> -> memref<624x128xf32, #tpu.memory_space<hbm>>
      %dma_start3A_50 = arith.constant 0 : i32
      %dma_start3A_51 = tpu.memref_slice %arg6[%mul3A_42, %dma_start3A_50] : memref<10016x128xf32, #tpu.memory_space<vmem_shared>> -> memref<624x128xf32, #tpu.memory_space<vmem_shared>>
      tpu.enqueue_dma source(%dma_start3A_51 : memref<624x128xf32, #tpu.memory_space<vmem_shared>>) target(%dma_start3A_49 : memref<624x128xf32, #tpu.memory_space<hbm>>) target_semaphore(%run_scoped3A : memref<!tpu.dma_semaphore, #tpu.memory_space<semaphore_mem>>)
      %dma_wait3A = arith.constant 0 : i32
      %dma_wait3A_52 = tpu.memref_slice %arg3[%arg0, %mul3A_42, %dma_wait3A] : memref<2x10000x128xf32, #tpu.memory_space<hbm>> -> memref<1x624x128xf32, #tpu.memory_space<hbm>>
      %dma_wait3A_53 = tpu.memref_squeeze %dma_wait3A_52 : memref<1x624x128xf32, #tpu.memory_space<hbm>> -> memref<624x128xf32, #tpu.memory_space<hbm>>
      %dma_wait3A_54 = arith.constant 0 : i32
      %dma_wait3A_55 = tpu.memref_slice %arg6[%mul3A_42, %dma_wait3A_54] : memref<10016x128xf32, #tpu.memory_space<vmem_shared>> -> memref<624x128xf32, #tpu.memory_space<vmem_shared>>
      tpu.wait_dma2 semaphore(%run_scoped3A : memref<!tpu.dma_semaphore, #tpu.memory_space<semaphore_mem>>) src(%dma_wait3A_55 : memref<624x128xf32, #tpu.memory_space<vmem_shared>>) dst(%dma_wait3A_53 : memref<624x128xf32, #tpu.memory_space<hbm>>)
      tpu.yield
    }) : () -> ()
    %eq3A_43 = arith.constant 15 : i32
    %eq3A_44 = arith.cmpi eq, %arg1, %eq3A_43 : i32
    %convert_element_type3A_45 = arith.extui %eq3A_44 : i1 to i32
    %cond3A_46 = arith.constant 0 : i32
    %cond3A_47 = arith.cmpi ne, %convert_element_type3A_45, %cond3A_46 : i32
    scf.if %cond3A_47 {
      "tpu.region"() ({
        %run_scoped3A = tpu.sem_alloc : memref<!tpu.dma_semaphore, #tpu.memory_space<semaphore_mem>>
        %dma_start3A = arith.constant 9984 : i32
        %dma_start3A_48 = arith.constant 0 : i32
        %dma_start3A_49 = tpu.memref_slice %arg3[%arg0, %dma_start3A, %dma_start3A_48] : memref<2x10000x128xf32, #tpu.memory_space<hbm>> -> memref<1x16x128xf32, #tpu.memory_space<hbm>>
        %dma_start3A_50 = tpu.memref_squeeze %dma_start3A_49 : memref<1x16x128xf32, #tpu.memory_space<hbm>> -> memref<16x128xf32, #tpu.memory_space<hbm>>
        %dma_start3A_51 = arith.constant 9984 : i32
        %dma_start3A_52 = arith.constant 0 : i32
        %dma_start3A_53 = tpu.memref_slice %arg6[%dma_start3A_51, %dma_start3A_52] : memref<10016x128xf32, #tpu.memory_space<vmem_shared>> -> memref<16x128xf32, #tpu.memory_space<vmem_shared>>
        tpu.enqueue_dma source(%dma_start3A_53 : memref<16x128xf32, #tpu.memory_space<vmem_shared>>) target(%dma_start3A_50 : memref<16x128xf32, #tpu.memory_space<hbm>>) target_semaphore(%run_scoped3A : memref<!tpu.dma_semaphore, #tpu.memory_space<semaphore_mem>>)
        %dma_wait3A = arith.constant 9984 : i32
        %dma_wait3A_54 = arith.constant 0 : i32
        %dma_wait3A_55 = tpu.memref_slice %arg3[%arg0, %dma_wait3A, %dma_wait3A_54] : memref<2x10000x128xf32, #tpu.memory_space<hbm>> -> memref<1x16x128xf32, #tpu.memory_space<hbm>>
        %dma_wait3A_56 = tpu.memref_squeeze %dma_wait3A_55 : memref<1x16x128xf32, #tpu.memory_space<hbm>> -> memref<16x128xf32, #tpu.memory_space<hbm>>
        %dma_wait3A_57 = arith.constant 9984 : i32
        %dma_wait3A_58 = arith.constant 0 : i32
        %dma_wait3A_59 = tpu.memref_slice %arg6[%dma_wait3A_57, %dma_wait3A_58] : memref<10016x128xf32, #tpu.memory_space<vmem_shared>> -> memref<16x128xf32, #tpu.memory_space<vmem_shared>>
        tpu.wait_dma2 semaphore(%run_scoped3A : memref<!tpu.dma_semaphore, #tpu.memory_space<semaphore_mem>>) src(%dma_wait3A_59 : memref<16x128xf32, #tpu.memory_space<vmem_shared>>) dst(%dma_wait3A_56 : memref<16x128xf32, #tpu.memory_space<hbm>>)
        tpu.yield
      }) : () -> ()
    } else {
    }
    return
  }
}

#map = affine_map<(d0, d1) -> (0, 0)>
#map1 = affine_map<(d0, d1) -> (0, 0, 0)>
module attributes {stable_mosaic.version = 14 : i64} {
  func.func @k(%arg0: i32, %arg1: i32, %arg2: memref<10000x128xf32, #tpu.memory_space<hbm>>, %arg3: memref<32x79x128xi32, #tpu.memory_space<hbm>>, %arg4: memref<32x79x128xi32, #tpu.memory_space<hbm>>, %arg5: memref<2x10000x128xf32, #tpu.memory_space<hbm>>, %arg6: memref<79x128xi32, #tpu.memory_space<vmem>>, %arg7: memref<79x128xi32, #tpu.memory_space<vmem>>, %arg8: memref<128x128xf32, #tpu.memory_space<vmem>>, %arg9: memref<10016x128xf32, #tpu.memory_space<vmem_shared>>, %arg10: memref<!tpu.dma_semaphore, #tpu.memory_space<semaphore_mem>>) attributes {dimension_semantics = [#tpu.dimension_semantics<core_parallel>, #tpu.dimension_semantics<subcore_parallel>], iteration_bounds = array<i64: 2, 16>, scalar_prefetch = 0 : i64, scratch_operands = 5 : i64, tpu.core_type = #tpu.core_type<sc_vector_subcore>, window_params = [{transform_indices = #map}, {transform_indices = #map1}, {transform_indices = #map1}, {transform_indices = #map1}]} {
    %mul3A = arith.constant 16 : i32
    %mul3A_0 = arith.muli %arg0, %mul3A : i32
    %add3A = arith.addi %mul3A_0, %arg1 : i32
    %broadcast_in_dim3A = arith.constant 0.000000e+00 : f32
    %broadcast_in_dim3A_1 = vector.broadcast %broadcast_in_dim3A : f32 to vector<16xf32>
    %scan3A = arith.constant 0 : i32
    %scan3A_2 = arith.constant 0 : i32
    %scan3A_3 = arith.constant 128 : i32
    %scan3A_4 = arith.addi %scan3A_2, %scan3A_3 : i32
    %scan3A_5 = arith.constant 1 : i32
    %scan3A_6 = scf.for %scan3A_39 = %scan3A_2 to %scan3A_4 step %scan3A_5 iter_args(%scan3A_40 = %scan3A) -> (i32)  : i32 {
      %swap3A = arith.index_cast %scan3A_39 : i32 to index
      %swap3A_41 = arith.constant 0 : index
      %swap3A_42 = tpu.vector_load %arg8[%swap3A, %swap3A_41] {strides = array<i32>} : memref<128x128xf32, #tpu.memory_space<vmem>>, vector<1x16xf32>,
      %swap3A_43 = vector.shape_cast %swap3A_42 : vector<1x16xf32> to vector<16xf32>
      %swap3A_44 = vector.shape_cast %broadcast_in_dim3A_1 : vector<16xf32> to vector<1x16xf32>
      tpu.vector_store %arg8[%swap3A, %swap3A_41], %swap3A_44 {strides = array<i32>} : memref<128x128xf32, #tpu.memory_space<vmem>>, vector<1x16xf32>,
      %swap3A_45 = arith.index_cast %scan3A_39 : i32 to index
      %swap3A_46 = arith.constant 16 : index
      %swap3A_47 = tpu.vector_load %arg8[%swap3A_45, %swap3A_46] {strides = array<i32>} : memref<128x128xf32, #tpu.memory_space<vmem>>, vector<1x16xf32>,
      %swap3A_48 = vector.shape_cast %swap3A_47 : vector<1x16xf32> to vector<16xf32>
      %swap3A_49 = vector.shape_cast %broadcast_in_dim3A_1 : vector<16xf32> to vector<1x16xf32>
      tpu.vector_store %arg8[%swap3A_45, %swap3A_46], %swap3A_49 {strides = array<i32>} : memref<128x128xf32, #tpu.memory_space<vmem>>, vector<1x16xf32>,
      %swap3A_50 = arith.index_cast %scan3A_39 : i32 to index
      %swap3A_51 = arith.constant 32 : index
      %swap3A_52 = tpu.vector_load %arg8[%swap3A_50, %swap3A_51] {strides = array<i32>} : memref<128x128xf32, #tpu.memory_space<vmem>>, vector<1x16xf32>,
      %swap3A_53 = vector.shape_cast %swap3A_52 : vector<1x16xf32> to vector<16xf32>
      %swap3A_54 = vector.shape_cast %broadcast_in_dim3A_1 : vector<16xf32> to vector<1x16xf32>
      tpu.vector_store %arg8[%swap3A_50, %swap3A_51], %swap3A_54 {strides = array<i32>} : memref<128x128xf32, #tpu.memory_space<vmem>>, vector<1x16xf32>,
      %swap3A_55 = arith.index_cast %scan3A_39 : i32 to index
      %swap3A_56 = arith.constant 48 : index
      %swap3A_57 = tpu.vector_load %arg8[%swap3A_55, %swap3A_56] {strides = array<i32>} : memref<128x128xf32, #tpu.memory_space<vmem>>, vector<1x16xf32>,
      %swap3A_58 = vector.shape_cast %swap3A_57 : vector<1x16xf32> to vector<16xf32>
      %swap3A_59 = vector.shape_cast %broadcast_in_dim3A_1 : vector<16xf32> to vector<1x16xf32>
      tpu.vector_store %arg8[%swap3A_55, %swap3A_56], %swap3A_59 {strides = array<i32>} : memref<128x128xf32, #tpu.memory_space<vmem>>, vector<1x16xf32>,
      %swap3A_60 = arith.index_cast %scan3A_39 : i32 to index
      %swap3A_61 = arith.constant 64 : index
      %swap3A_62 = tpu.vector_load %arg8[%swap3A_60, %swap3A_61] {strides = array<i32>} : memref<128x128xf32, #tpu.memory_space<vmem>>, vector<1x16xf32>,
      %swap3A_63 = vector.shape_cast %swap3A_62 : vector<1x16xf32> to vector<16xf32>
      %swap3A_64 = vector.shape_cast %broadcast_in_dim3A_1 : vector<16xf32> to vector<1x16xf32>
      tpu.vector_store %arg8[%swap3A_60, %swap3A_61], %swap3A_64 {strides = array<i32>} : memref<128x128xf32, #tpu.memory_space<vmem>>, vector<1x16xf32>,
      %swap3A_65 = arith.index_cast %scan3A_39 : i32 to index
      %swap3A_66 = arith.constant 80 : index
      %swap3A_67 = tpu.vector_load %arg8[%swap3A_65, %swap3A_66] {strides = array<i32>} : memref<128x128xf32, #tpu.memory_space<vmem>>, vector<1x16xf32>,
      %swap3A_68 = vector.shape_cast %swap3A_67 : vector<1x16xf32> to vector<16xf32>
      %swap3A_69 = vector.shape_cast %broadcast_in_dim3A_1 : vector<16xf32> to vector<1x16xf32>
      tpu.vector_store %arg8[%swap3A_65, %swap3A_66], %swap3A_69 {strides = array<i32>} : memref<128x128xf32, #tpu.memory_space<vmem>>, vector<1x16xf32>,
      %swap3A_70 = arith.index_cast %scan3A_39 : i32 to index
      %swap3A_71 = arith.constant 96 : index
      %swap3A_72 = tpu.vector_load %arg8[%swap3A_70, %swap3A_71] {strides = array<i32>} : memref<128x128xf32, #tpu.memory_space<vmem>>, vector<1x16xf32>,
      %swap3A_73 = vector.shape_cast %swap3A_72 : vector<1x16xf32> to vector<16xf32>
      %swap3A_74 = vector.shape_cast %broadcast_in_dim3A_1 : vector<16xf32> to vector<1x16xf32>
      tpu.vector_store %arg8[%swap3A_70, %swap3A_71], %swap3A_74 {strides = array<i32>} : memref<128x128xf32, #tpu.memory_space<vmem>>, vector<1x16xf32>,
      %swap3A_75 = arith.index_cast %scan3A_39 : i32 to index
      %swap3A_76 = arith.constant 112 : index
      %swap3A_77 = tpu.vector_load %arg8[%swap3A_75, %swap3A_76] {strides = array<i32>} : memref<128x128xf32, #tpu.memory_space<vmem>>, vector<1x16xf32>,
      %swap3A_78 = vector.shape_cast %swap3A_77 : vector<1x16xf32> to vector<16xf32>
      %swap3A_79 = vector.shape_cast %broadcast_in_dim3A_1 : vector<16xf32> to vector<1x16xf32>
      tpu.vector_store %arg8[%swap3A_75, %swap3A_76], %swap3A_79 {strides = array<i32>} : memref<128x128xf32, #tpu.memory_space<vmem>>, vector<1x16xf32>,
      %scan3A_80 = arith.constant 0 : i32
      scf.yield %scan3A_80 : i32
    }
    %scan3A_7 = arith.constant 128 : i32
    %mul3A_8 = arith.constant 624 : i32
    %mul3A_9 = arith.muli %arg1, %mul3A_8 : i32
    %add3A_10 = arith.constant 0 : i32
    %add3A_11 = arith.addi %mul3A_9, %add3A_10 : i32
    "tpu.region"() ({
      %run_scoped3A = tpu.sem_alloc : memref<!tpu.dma_semaphore, #tpu.memory_space<semaphore_mem>>
      %dma_start3A = arith.constant 0 : i32
      %dma_start3A_39 = arith.constant 0 : i32
      %dma_start3A_40 = tpu.memref_slice %arg8[%dma_start3A, %dma_start3A_39] : memref<128x128xf32, #tpu.memory_space<vmem>> -> memref<104x128xf32, #tpu.memory_space<vmem>>
      %dma_start3A_41 = arith.constant 0 : i32
      %dma_start3A_42 = tpu.memref_slice %arg9[%add3A_11, %dma_start3A_41] : memref<10016x128xf32, #tpu.memory_space<vmem_shared>> -> memref<104x128xf32, #tpu.memory_space<vmem_shared>>
      %dma_start3A_43 = arith.constant 0 : i32
      %dma_start3A_44 = tpu.memref_slice %arg9[%add3A_11, %dma_start3A_43] : memref<10016x128xf32, #tpu.memory_space<vmem_shared>> -> memref<104x128xf32, #tpu.memory_space<vmem_shared>>
      %dma_start3A_45 = arith.constant 0 : i32
      %dma_start3A_46 = arith.constant 0 : i32
      %dma_start3A_47 = tpu.memref_slice %arg8[%dma_start3A_45, %dma_start3A_46] : memref<128x128xf32, #tpu.memory_space<vmem>> -> memref<104x128xf32, #tpu.memory_space<vmem>>
      tpu.enqueue_dma source(%dma_start3A_47 : memref<104x128xf32, #tpu.memory_space<vmem>>) target(%dma_start3A_44 : memref<104x128xf32, #tpu.memory_space<vmem_shared>>) target_semaphore(%run_scoped3A : memref<!tpu.dma_semaphore, #tpu.memory_space<semaphore_mem>>)
      %dma_wait3A = arith.constant 0 : i32
      %dma_wait3A_48 = arith.constant 0 : i32
      %dma_wait3A_49 = tpu.memref_slice %arg8[%dma_wait3A, %dma_wait3A_48] : memref<128x128xf32, #tpu.memory_space<vmem>> -> memref<104x128xf32, #tpu.memory_space<vmem>>
      %dma_wait3A_50 = arith.constant 0 : i32
      %dma_wait3A_51 = tpu.memref_slice %arg9[%add3A_11, %dma_wait3A_50] : memref<10016x128xf32, #tpu.memory_space<vmem_shared>> -> memref<104x128xf32, #tpu.memory_space<vmem_shared>>
      %dma_wait3A_52 = arith.constant 0 : i32
      %dma_wait3A_53 = tpu.memref_slice %arg9[%add3A_11, %dma_wait3A_52] : memref<10016x128xf32, #tpu.memory_space<vmem_shared>> -> memref<104x128xf32, #tpu.memory_space<vmem_shared>>
      %dma_wait3A_54 = arith.constant 0 : i32
      %dma_wait3A_55 = arith.constant 0 : i32
      %dma_wait3A_56 = tpu.memref_slice %arg8[%dma_wait3A_54, %dma_wait3A_55] : memref<128x128xf32, #tpu.memory_space<vmem>> -> memref<104x128xf32, #tpu.memory_space<vmem>>
      tpu.wait_dma2 semaphore(%run_scoped3A : memref<!tpu.dma_semaphore, #tpu.memory_space<semaphore_mem>>) src(%dma_wait3A_56 : memref<104x128xf32, #tpu.memory_space<vmem>>) dst(%dma_wait3A_53 : memref<104x128xf32, #tpu.memory_space<vmem_shared>>)
      tpu.yield
    }) : () -> ()
    %add3A_12 = arith.constant 104 : i32
    %add3A_13 = arith.addi %mul3A_9, %add3A_12 : i32
    "tpu.region"() ({
      %run_scoped3A = tpu.sem_alloc : memref<!tpu.dma_semaphore, #tpu.memory_space<semaphore_mem>>
      %dma_start3A = arith.constant 0 : i32
      %dma_start3A_39 = arith.constant 0 : i32
      %dma_start3A_40 = tpu.memref_slice %arg8[%dma_start3A, %dma_start3A_39] : memref<128x128xf32, #tpu.memory_space<vmem>> -> memref<104x128xf32, #tpu.memory_space<vmem>>
      %dma_start3A_41 = arith.constant 0 : i32
      %dma_start3A_42 = tpu.memref_slice %arg9[%add3A_13, %dma_start3A_41] : memref<10016x128xf32, #tpu.memory_space<vmem_shared>> -> memref<104x128xf32, #tpu.memory_space<vmem_shared>>
      %dma_start3A_43 = arith.constant 0 : i32
      %dma_start3A_44 = tpu.memref_slice %arg9[%add3A_13, %dma_start3A_43] : memref<10016x128xf32, #tpu.memory_space<vmem_shared>> -> memref<104x128xf32, #tpu.memory_space<vmem_shared>>
      %dma_start3A_45 = arith.constant 0 : i32
      %dma_start3A_46 = arith.constant 0 : i32
      %dma_start3A_47 = tpu.memref_slice %arg8[%dma_start3A_45, %dma_start3A_46] : memref<128x128xf32, #tpu.memory_space<vmem>> -> memref<104x128xf32, #tpu.memory_space<vmem>>
      tpu.enqueue_dma source(%dma_start3A_47 : memref<104x128xf32, #tpu.memory_space<vmem>>) target(%dma_start3A_44 : memref<104x128xf32, #tpu.memory_space<vmem_shared>>) target_semaphore(%run_scoped3A : memref<!tpu.dma_semaphore, #tpu.memory_space<semaphore_mem>>)
      %dma_wait3A = arith.constant 0 : i32
      %dma_wait3A_48 = arith.constant 0 : i32
      %dma_wait3A_49 = tpu.memref_slice %arg8[%dma_wait3A, %dma_wait3A_48] : memref<128x128xf32, #tpu.memory_space<vmem>> -> memref<104x128xf32, #tpu.memory_space<vmem>>
      %dma_wait3A_50 = arith.constant 0 : i32
      %dma_wait3A_51 = tpu.memref_slice %arg9[%add3A_13, %dma_wait3A_50] : memref<10016x128xf32, #tpu.memory_space<vmem_shared>> -> memref<104x128xf32, #tpu.memory_space<vmem_shared>>
      %dma_wait3A_52 = arith.constant 0 : i32
      %dma_wait3A_53 = tpu.memref_slice %arg9[%add3A_13, %dma_wait3A_52] : memref<10016x128xf32, #tpu.memory_space<vmem_shared>> -> memref<104x128xf32, #tpu.memory_space<vmem_shared>>
      %dma_wait3A_54 = arith.constant 0 : i32
      %dma_wait3A_55 = arith.constant 0 : i32
      %dma_wait3A_56 = tpu.memref_slice %arg8[%dma_wait3A_54, %dma_wait3A_55] : memref<128x128xf32, #tpu.memory_space<vmem>> -> memref<104x128xf32, #tpu.memory_space<vmem>>
      tpu.wait_dma2 semaphore(%run_scoped3A : memref<!tpu.dma_semaphore, #tpu.memory_space<semaphore_mem>>) src(%dma_wait3A_56 : memref<104x128xf32, #tpu.memory_space<vmem>>) dst(%dma_wait3A_53 : memref<104x128xf32, #tpu.memory_space<vmem_shared>>)
      tpu.yield
    }) : () -> ()
    %add3A_14 = arith.constant 208 : i32
    %add3A_15 = arith.addi %mul3A_9, %add3A_14 : i32
    "tpu.region"() ({
      %run_scoped3A = tpu.sem_alloc : memref<!tpu.dma_semaphore, #tpu.memory_space<semaphore_mem>>
      %dma_start3A = arith.constant 0 : i32
      %dma_start3A_39 = arith.constant 0 : i32
      %dma_start3A_40 = tpu.memref_slice %arg8[%dma_start3A, %dma_start3A_39] : memref<128x128xf32, #tpu.memory_space<vmem>> -> memref<104x128xf32, #tpu.memory_space<vmem>>
      %dma_start3A_41 = arith.constant 0 : i32
      %dma_start3A_42 = tpu.memref_slice %arg9[%add3A_15, %dma_start3A_41] : memref<10016x128xf32, #tpu.memory_space<vmem_shared>> -> memref<104x128xf32, #tpu.memory_space<vmem_shared>>
      %dma_start3A_43 = arith.constant 0 : i32
      %dma_start3A_44 = tpu.memref_slice %arg9[%add3A_15, %dma_start3A_43] : memref<10016x128xf32, #tpu.memory_space<vmem_shared>> -> memref<104x128xf32, #tpu.memory_space<vmem_shared>>
      %dma_start3A_45 = arith.constant 0 : i32
      %dma_start3A_46 = arith.constant 0 : i32
      %dma_start3A_47 = tpu.memref_slice %arg8[%dma_start3A_45, %dma_start3A_46] : memref<128x128xf32, #tpu.memory_space<vmem>> -> memref<104x128xf32, #tpu.memory_space<vmem>>
      tpu.enqueue_dma source(%dma_start3A_47 : memref<104x128xf32, #tpu.memory_space<vmem>>) target(%dma_start3A_44 : memref<104x128xf32, #tpu.memory_space<vmem_shared>>) target_semaphore(%run_scoped3A : memref<!tpu.dma_semaphore, #tpu.memory_space<semaphore_mem>>)
      %dma_wait3A = arith.constant 0 : i32
      %dma_wait3A_48 = arith.constant 0 : i32
      %dma_wait3A_49 = tpu.memref_slice %arg8[%dma_wait3A, %dma_wait3A_48] : memref<128x128xf32, #tpu.memory_space<vmem>> -> memref<104x128xf32, #tpu.memory_space<vmem>>
      %dma_wait3A_50 = arith.constant 0 : i32
      %dma_wait3A_51 = tpu.memref_slice %arg9[%add3A_15, %dma_wait3A_50] : memref<10016x128xf32, #tpu.memory_space<vmem_shared>> -> memref<104x128xf32, #tpu.memory_space<vmem_shared>>
      %dma_wait3A_52 = arith.constant 0 : i32
      %dma_wait3A_53 = tpu.memref_slice %arg9[%add3A_15, %dma_wait3A_52] : memref<10016x128xf32, #tpu.memory_space<vmem_shared>> -> memref<104x128xf32, #tpu.memory_space<vmem_shared>>
      %dma_wait3A_54 = arith.constant 0 : i32
      %dma_wait3A_55 = arith.constant 0 : i32
      %dma_wait3A_56 = tpu.memref_slice %arg8[%dma_wait3A_54, %dma_wait3A_55] : memref<128x128xf32, #tpu.memory_space<vmem>> -> memref<104x128xf32, #tpu.memory_space<vmem>>
      tpu.wait_dma2 semaphore(%run_scoped3A : memref<!tpu.dma_semaphore, #tpu.memory_space<semaphore_mem>>) src(%dma_wait3A_56 : memref<104x128xf32, #tpu.memory_space<vmem>>) dst(%dma_wait3A_53 : memref<104x128xf32, #tpu.memory_space<vmem_shared>>)
      tpu.yield
    }) : () -> ()
    %add3A_16 = arith.constant 312 : i32
    %add3A_17 = arith.addi %mul3A_9, %add3A_16 : i32
    "tpu.region"() ({
      %run_scoped3A = tpu.sem_alloc : memref<!tpu.dma_semaphore, #tpu.memory_space<semaphore_mem>>
      %dma_start3A = arith.constant 0 : i32
      %dma_start3A_39 = arith.constant 0 : i32
      %dma_start3A_40 = tpu.memref_slice %arg8[%dma_start3A, %dma_start3A_39] : memref<128x128xf32, #tpu.memory_space<vmem>> -> memref<104x128xf32, #tpu.memory_space<vmem>>
      %dma_start3A_41 = arith.constant 0 : i32
      %dma_start3A_42 = tpu.memref_slice %arg9[%add3A_17, %dma_start3A_41] : memref<10016x128xf32, #tpu.memory_space<vmem_shared>> -> memref<104x128xf32, #tpu.memory_space<vmem_shared>>
      %dma_start3A_43 = arith.constant 0 : i32
      %dma_start3A_44 = tpu.memref_slice %arg9[%add3A_17, %dma_start3A_43] : memref<10016x128xf32, #tpu.memory_space<vmem_shared>> -> memref<104x128xf32, #tpu.memory_space<vmem_shared>>
      %dma_start3A_45 = arith.constant 0 : i32
      %dma_start3A_46 = arith.constant 0 : i32
      %dma_start3A_47 = tpu.memref_slice %arg8[%dma_start3A_45, %dma_start3A_46] : memref<128x128xf32, #tpu.memory_space<vmem>> -> memref<104x128xf32, #tpu.memory_space<vmem>>
      tpu.enqueue_dma source(%dma_start3A_47 : memref<104x128xf32, #tpu.memory_space<vmem>>) target(%dma_start3A_44 : memref<104x128xf32, #tpu.memory_space<vmem_shared>>) target_semaphore(%run_scoped3A : memref<!tpu.dma_semaphore, #tpu.memory_space<semaphore_mem>>)
      %dma_wait3A = arith.constant 0 : i32
      %dma_wait3A_48 = arith.constant 0 : i32
      %dma_wait3A_49 = tpu.memref_slice %arg8[%dma_wait3A, %dma_wait3A_48] : memref<128x128xf32, #tpu.memory_space<vmem>> -> memref<104x128xf32, #tpu.memory_space<vmem>>
      %dma_wait3A_50 = arith.constant 0 : i32
      %dma_wait3A_51 = tpu.memref_slice %arg9[%add3A_17, %dma_wait3A_50] : memref<10016x128xf32, #tpu.memory_space<vmem_shared>> -> memref<104x128xf32, #tpu.memory_space<vmem_shared>>
      %dma_wait3A_52 = arith.constant 0 : i32
      %dma_wait3A_53 = tpu.memref_slice %arg9[%add3A_17, %dma_wait3A_52] : memref<10016x128xf32, #tpu.memory_space<vmem_shared>> -> memref<104x128xf32, #tpu.memory_space<vmem_shared>>
      %dma_wait3A_54 = arith.constant 0 : i32
      %dma_wait3A_55 = arith.constant 0 : i32
      %dma_wait3A_56 = tpu.memref_slice %arg8[%dma_wait3A_54, %dma_wait3A_55] : memref<128x128xf32, #tpu.memory_space<vmem>> -> memref<104x128xf32, #tpu.memory_space<vmem>>
      tpu.wait_dma2 semaphore(%run_scoped3A : memref<!tpu.dma_semaphore, #tpu.memory_space<semaphore_mem>>) src(%dma_wait3A_56 : memref<104x128xf32, #tpu.memory_space<vmem>>) dst(%dma_wait3A_53 : memref<104x128xf32, #tpu.memory_space<vmem_shared>>)
      tpu.yield
    }) : () -> ()
    %add3A_18 = arith.constant 416 : i32
    %add3A_19 = arith.addi %mul3A_9, %add3A_18 : i32
    "tpu.region"() ({
      %run_scoped3A = tpu.sem_alloc : memref<!tpu.dma_semaphore, #tpu.memory_space<semaphore_mem>>
      %dma_start3A = arith.constant 0 : i32
      %dma_start3A_39 = arith.constant 0 : i32
      %dma_start3A_40 = tpu.memref_slice %arg8[%dma_start3A, %dma_start3A_39] : memref<128x128xf32, #tpu.memory_space<vmem>> -> memref<104x128xf32, #tpu.memory_space<vmem>>
      %dma_start3A_41 = arith.constant 0 : i32
      %dma_start3A_42 = tpu.memref_slice %arg9[%add3A_19, %dma_start3A_41] : memref<10016x128xf32, #tpu.memory_space<vmem_shared>> -> memref<104x128xf32, #tpu.memory_space<vmem_shared>>
      %dma_start3A_43 = arith.constant 0 : i32
      %dma_start3A_44 = tpu.memref_slice %arg9[%add3A_19, %dma_start3A_43] : memref<10016x128xf32, #tpu.memory_space<vmem_shared>> -> memref<104x128xf32, #tpu.memory_space<vmem_shared>>
      %dma_start3A_45 = arith.constant 0 : i32
      %dma_start3A_46 = arith.constant 0 : i32
      %dma_start3A_47 = tpu.memref_slice %arg8[%dma_start3A_45, %dma_start3A_46] : memref<128x128xf32, #tpu.memory_space<vmem>> -> memref<104x128xf32, #tpu.memory_space<vmem>>
      tpu.enqueue_dma source(%dma_start3A_47 : memref<104x128xf32, #tpu.memory_space<vmem>>) target(%dma_start3A_44 : memref<104x128xf32, #tpu.memory_space<vmem_shared>>) target_semaphore(%run_scoped3A : memref<!tpu.dma_semaphore, #tpu.memory_space<semaphore_mem>>)
      %dma_wait3A = arith.constant 0 : i32
      %dma_wait3A_48 = arith.constant 0 : i32
      %dma_wait3A_49 = tpu.memref_slice %arg8[%dma_wait3A, %dma_wait3A_48] : memref<128x128xf32, #tpu.memory_space<vmem>> -> memref<104x128xf32, #tpu.memory_space<vmem>>
      %dma_wait3A_50 = arith.constant 0 : i32
      %dma_wait3A_51 = tpu.memref_slice %arg9[%add3A_19, %dma_wait3A_50] : memref<10016x128xf32, #tpu.memory_space<vmem_shared>> -> memref<104x128xf32, #tpu.memory_space<vmem_shared>>
      %dma_wait3A_52 = arith.constant 0 : i32
      %dma_wait3A_53 = tpu.memref_slice %arg9[%add3A_19, %dma_wait3A_52] : memref<10016x128xf32, #tpu.memory_space<vmem_shared>> -> memref<104x128xf32, #tpu.memory_space<vmem_shared>>
      %dma_wait3A_54 = arith.constant 0 : i32
      %dma_wait3A_55 = arith.constant 0 : i32
      %dma_wait3A_56 = tpu.memref_slice %arg8[%dma_wait3A_54, %dma_wait3A_55] : memref<128x128xf32, #tpu.memory_space<vmem>> -> memref<104x128xf32, #tpu.memory_space<vmem>>
      tpu.wait_dma2 semaphore(%run_scoped3A : memref<!tpu.dma_semaphore, #tpu.memory_space<semaphore_mem>>) src(%dma_wait3A_56 : memref<104x128xf32, #tpu.memory_space<vmem>>) dst(%dma_wait3A_53 : memref<104x128xf32, #tpu.memory_space<vmem_shared>>)
      tpu.yield
    }) : () -> ()
    %add3A_20 = arith.constant 520 : i32
    %add3A_21 = arith.addi %mul3A_9, %add3A_20 : i32
    "tpu.region"() ({
      %run_scoped3A = tpu.sem_alloc : memref<!tpu.dma_semaphore, #tpu.memory_space<semaphore_mem>>
      %dma_start3A = arith.constant 0 : i32
      %dma_start3A_39 = arith.constant 0 : i32
      %dma_start3A_40 = tpu.memref_slice %arg8[%dma_start3A, %dma_start3A_39] : memref<128x128xf32, #tpu.memory_space<vmem>> -> memref<104x128xf32, #tpu.memory_space<vmem>>
      %dma_start3A_41 = arith.constant 0 : i32
      %dma_start3A_42 = tpu.memref_slice %arg9[%add3A_21, %dma_start3A_41] : memref<10016x128xf32, #tpu.memory_space<vmem_shared>> -> memref<104x128xf32, #tpu.memory_space<vmem_shared>>
      %dma_start3A_43 = arith.constant 0 : i32
      %dma_start3A_44 = tpu.memref_slice %arg9[%add3A_21, %dma_start3A_43] : memref<10016x128xf32, #tpu.memory_space<vmem_shared>> -> memref<104x128xf32, #tpu.memory_space<vmem_shared>>
      %dma_start3A_45 = arith.constant 0 : i32
      %dma_start3A_46 = arith.constant 0 : i32
      %dma_start3A_47 = tpu.memref_slice %arg8[%dma_start3A_45, %dma_start3A_46] : memref<128x128xf32, #tpu.memory_space<vmem>> -> memref<104x128xf32, #tpu.memory_space<vmem>>
      tpu.enqueue_dma source(%dma_start3A_47 : memref<104x128xf32, #tpu.memory_space<vmem>>) target(%dma_start3A_44 : memref<104x128xf32, #tpu.memory_space<vmem_shared>>) target_semaphore(%run_scoped3A : memref<!tpu.dma_semaphore, #tpu.memory_space<semaphore_mem>>)
      %dma_wait3A = arith.constant 0 : i32
      %dma_wait3A_48 = arith.constant 0 : i32
      %dma_wait3A_49 = tpu.memref_slice %arg8[%dma_wait3A, %dma_wait3A_48] : memref<128x128xf32, #tpu.memory_space<vmem>> -> memref<104x128xf32, #tpu.memory_space<vmem>>
      %dma_wait3A_50 = arith.constant 0 : i32
      %dma_wait3A_51 = tpu.memref_slice %arg9[%add3A_21, %dma_wait3A_50] : memref<10016x128xf32, #tpu.memory_space<vmem_shared>> -> memref<104x128xf32, #tpu.memory_space<vmem_shared>>
      %dma_wait3A_52 = arith.constant 0 : i32
      %dma_wait3A_53 = tpu.memref_slice %arg9[%add3A_21, %dma_wait3A_52] : memref<10016x128xf32, #tpu.memory_space<vmem_shared>> -> memref<104x128xf32, #tpu.memory_space<vmem_shared>>
      %dma_wait3A_54 = arith.constant 0 : i32
      %dma_wait3A_55 = arith.constant 0 : i32
      %dma_wait3A_56 = tpu.memref_slice %arg8[%dma_wait3A_54, %dma_wait3A_55] : memref<128x128xf32, #tpu.memory_space<vmem>> -> memref<104x128xf32, #tpu.memory_space<vmem>>
      tpu.wait_dma2 semaphore(%run_scoped3A : memref<!tpu.dma_semaphore, #tpu.memory_space<semaphore_mem>>) src(%dma_wait3A_56 : memref<104x128xf32, #tpu.memory_space<vmem>>) dst(%dma_wait3A_53 : memref<104x128xf32, #tpu.memory_space<vmem_shared>>)
      tpu.yield
    }) : () -> ()
    %eq3A = arith.constant 15 : i32
    %eq3A_22 = arith.cmpi eq, %arg1, %eq3A : i32
    %convert_element_type3A = arith.extui %eq3A_22 : i1 to i32
    %cond3A = arith.constant 0 : i32
    %cond3A_23 = arith.cmpi ne, %convert_element_type3A, %cond3A : i32
    scf.if %cond3A_23 {
      "tpu.region"() ({
        %run_scoped3A = tpu.sem_alloc : memref<!tpu.dma_semaphore, #tpu.memory_space<semaphore_mem>>
        %dma_start3A = arith.constant 0 : i32
        %dma_start3A_39 = arith.constant 0 : i32
        %dma_start3A_40 = tpu.memref_slice %arg8[%dma_start3A, %dma_start3A_39] : memref<128x128xf32, #tpu.memory_space<vmem>> -> memref<16x128xf32, #tpu.memory_space<vmem>>
        %dma_start3A_41 = arith.constant 9984 : i32
        %dma_start3A_42 = arith.constant 0 : i32
        %dma_start3A_43 = tpu.memref_slice %arg9[%dma_start3A_41, %dma_start3A_42] : memref<10016x128xf32, #tpu.memory_space<vmem_shared>> -> memref<16x128xf32, #tpu.memory_space<vmem_shared>>
        %dma_start3A_44 = arith.constant 9984 : i32
        %dma_start3A_45 = arith.constant 0 : i32
        %dma_start3A_46 = tpu.memref_slice %arg9[%dma_start3A_44, %dma_start3A_45] : memref<10016x128xf32, #tpu.memory_space<vmem_shared>> -> memref<16x128xf32, #tpu.memory_space<vmem_shared>>
        %dma_start3A_47 = arith.constant 0 : i32
        %dma_start3A_48 = arith.constant 0 : i32
        %dma_start3A_49 = tpu.memref_slice %arg8[%dma_start3A_47, %dma_start3A_48] : memref<128x128xf32, #tpu.memory_space<vmem>> -> memref<16x128xf32, #tpu.memory_space<vmem>>
        tpu.enqueue_dma source(%dma_start3A_49 : memref<16x128xf32, #tpu.memory_space<vmem>>) target(%dma_start3A_46 : memref<16x128xf32, #tpu.memory_space<vmem_shared>>) target_semaphore(%run_scoped3A : memref<!tpu.dma_semaphore, #tpu.memory_space<semaphore_mem>>)
        %dma_wait3A = arith.constant 0 : i32
        %dma_wait3A_50 = arith.constant 0 : i32
        %dma_wait3A_51 = tpu.memref_slice %arg8[%dma_wait3A, %dma_wait3A_50] : memref<128x128xf32, #tpu.memory_space<vmem>> -> memref<16x128xf32, #tpu.memory_space<vmem>>
        %dma_wait3A_52 = arith.constant 9984 : i32
        %dma_wait3A_53 = arith.constant 0 : i32
        %dma_wait3A_54 = tpu.memref_slice %arg9[%dma_wait3A_52, %dma_wait3A_53] : memref<10016x128xf32, #tpu.memory_space<vmem_shared>> -> memref<16x128xf32, #tpu.memory_space<vmem_shared>>
        %dma_wait3A_55 = arith.constant 9984 : i32
        %dma_wait3A_56 = arith.constant 0 : i32
        %dma_wait3A_57 = tpu.memref_slice %arg9[%dma_wait3A_55, %dma_wait3A_56] : memref<10016x128xf32, #tpu.memory_space<vmem_shared>> -> memref<16x128xf32, #tpu.memory_space<vmem_shared>>
        %dma_wait3A_58 = arith.constant 0 : i32
        %dma_wait3A_59 = arith.constant 0 : i32
        %dma_wait3A_60 = tpu.memref_slice %arg8[%dma_wait3A_58, %dma_wait3A_59] : memref<128x128xf32, #tpu.memory_space<vmem>> -> memref<16x128xf32, #tpu.memory_space<vmem>>
        tpu.wait_dma2 semaphore(%run_scoped3A : memref<!tpu.dma_semaphore, #tpu.memory_space<semaphore_mem>>) src(%dma_wait3A_60 : memref<16x128xf32, #tpu.memory_space<vmem>>) dst(%dma_wait3A_57 : memref<16x128xf32, #tpu.memory_space<vmem_shared>>)
        tpu.yield
      }) : () -> ()
    } else {
    }
    "tpu.region"() ({
      %run_scoped3A = tpu.sem_alloc : memref<!tpu.dma_semaphore, #tpu.memory_space<semaphore_mem>>
      %dma_start3A = arith.constant 0 : i32
      %dma_start3A_39 = arith.constant 0 : i32
      %dma_start3A_40 = tpu.memref_slice %arg3[%add3A, %dma_start3A, %dma_start3A_39] : memref<32x79x128xi32, #tpu.memory_space<hbm>> -> memref<1x79x128xi32, #tpu.memory_space<hbm>>
      %dma_start3A_41 = tpu.memref_squeeze %dma_start3A_40 : memref<1x79x128xi32, #tpu.memory_space<hbm>> -> memref<79x128xi32, #tpu.memory_space<hbm>>
      %dma_start3A_42 = arith.constant 0 : i32
      %dma_start3A_43 = arith.constant 0 : i32
      %dma_start3A_44 = tpu.memref_slice %arg3[%add3A, %dma_start3A_42, %dma_start3A_43] : memref<32x79x128xi32, #tpu.memory_space<hbm>> -> memref<1x79x128xi32, #tpu.memory_space<hbm>>
      %dma_start3A_45 = tpu.memref_squeeze %dma_start3A_44 : memref<1x79x128xi32, #tpu.memory_space<hbm>> -> memref<79x128xi32, #tpu.memory_space<hbm>>
      tpu.enqueue_dma source(%dma_start3A_45 : memref<79x128xi32, #tpu.memory_space<hbm>>) target(%arg6 : memref<79x128xi32, #tpu.memory_space<vmem>>) target_semaphore(%run_scoped3A : memref<!tpu.dma_semaphore, #tpu.memory_space<semaphore_mem>>)
      %dma_wait3A = arith.constant 0 : i32
      %dma_wait3A_46 = arith.constant 0 : i32
      %dma_wait3A_47 = tpu.memref_slice %arg3[%add3A, %dma_wait3A, %dma_wait3A_46] : memref<32x79x128xi32, #tpu.memory_space<hbm>> -> memref<1x79x128xi32, #tpu.memory_space<hbm>>
      %dma_wait3A_48 = tpu.memref_squeeze %dma_wait3A_47 : memref<1x79x128xi32, #tpu.memory_space<hbm>> -> memref<79x128xi32, #tpu.memory_space<hbm>>
      %dma_wait3A_49 = arith.constant 0 : i32
      %dma_wait3A_50 = arith.constant 0 : i32
      %dma_wait3A_51 = tpu.memref_slice %arg3[%add3A, %dma_wait3A_49, %dma_wait3A_50] : memref<32x79x128xi32, #tpu.memory_space<hbm>> -> memref<1x79x128xi32, #tpu.memory_space<hbm>>
      %dma_wait3A_52 = tpu.memref_squeeze %dma_wait3A_51 : memref<1x79x128xi32, #tpu.memory_space<hbm>> -> memref<79x128xi32, #tpu.memory_space<hbm>>
      tpu.wait_dma2 semaphore(%run_scoped3A : memref<!tpu.dma_semaphore, #tpu.memory_space<semaphore_mem>>) src(%dma_wait3A_52 : memref<79x128xi32, #tpu.memory_space<hbm>>) dst(%arg6 : memref<79x128xi32, #tpu.memory_space<vmem>>)
      tpu.yield
    }) : () -> ()
    "tpu.region"() ({
      %run_scoped3A = tpu.sem_alloc : memref<!tpu.dma_semaphore, #tpu.memory_space<semaphore_mem>>
      %dma_start3A = arith.constant 0 : i32
      %dma_start3A_39 = arith.constant 0 : i32
      %dma_start3A_40 = tpu.memref_slice %arg4[%add3A, %dma_start3A, %dma_start3A_39] : memref<32x79x128xi32, #tpu.memory_space<hbm>> -> memref<1x79x128xi32, #tpu.memory_space<hbm>>
      %dma_start3A_41 = tpu.memref_squeeze %dma_start3A_40 : memref<1x79x128xi32, #tpu.memory_space<hbm>> -> memref<79x128xi32, #tpu.memory_space<hbm>>
      %dma_start3A_42 = arith.constant 0 : i32
      %dma_start3A_43 = arith.constant 0 : i32
      %dma_start3A_44 = tpu.memref_slice %arg4[%add3A, %dma_start3A_42, %dma_start3A_43] : memref<32x79x128xi32, #tpu.memory_space<hbm>> -> memref<1x79x128xi32, #tpu.memory_space<hbm>>
      %dma_start3A_45 = tpu.memref_squeeze %dma_start3A_44 : memref<1x79x128xi32, #tpu.memory_space<hbm>> -> memref<79x128xi32, #tpu.memory_space<hbm>>
      tpu.enqueue_dma source(%dma_start3A_45 : memref<79x128xi32, #tpu.memory_space<hbm>>) target(%arg7 : memref<79x128xi32, #tpu.memory_space<vmem>>) target_semaphore(%run_scoped3A : memref<!tpu.dma_semaphore, #tpu.memory_space<semaphore_mem>>)
      %dma_wait3A = arith.constant 0 : i32
      %dma_wait3A_46 = arith.constant 0 : i32
      %dma_wait3A_47 = tpu.memref_slice %arg4[%add3A, %dma_wait3A, %dma_wait3A_46] : memref<32x79x128xi32, #tpu.memory_space<hbm>> -> memref<1x79x128xi32, #tpu.memory_space<hbm>>
      %dma_wait3A_48 = tpu.memref_squeeze %dma_wait3A_47 : memref<1x79x128xi32, #tpu.memory_space<hbm>> -> memref<79x128xi32, #tpu.memory_space<hbm>>
      %dma_wait3A_49 = arith.constant 0 : i32
      %dma_wait3A_50 = arith.constant 0 : i32
      %dma_wait3A_51 = tpu.memref_slice %arg4[%add3A, %dma_wait3A_49, %dma_wait3A_50] : memref<32x79x128xi32, #tpu.memory_space<hbm>> -> memref<1x79x128xi32, #tpu.memory_space<hbm>>
      %dma_wait3A_52 = tpu.memref_squeeze %dma_wait3A_51 : memref<1x79x128xi32, #tpu.memory_space<hbm>> -> memref<79x128xi32, #tpu.memory_space<hbm>>
      tpu.wait_dma2 semaphore(%run_scoped3A : memref<!tpu.dma_semaphore, #tpu.memory_space<semaphore_mem>>) src(%dma_wait3A_52 : memref<79x128xi32, #tpu.memory_space<hbm>>) dst(%arg7 : memref<79x128xi32, #tpu.memory_space<vmem>>)
      tpu.yield
    }) : () -> ()
    %barrier3A = arith.constant 0 : index
    tpu.barrier barrier_id(%barrier3A)
    %scan3A_24 = arith.constant 0 : i32
    %scan3A_25 = arith.constant 0 : i32
    %scan3A_26 = arith.constant 79 : i32
    %scan3A_27 = arith.addi %scan3A_25, %scan3A_26 : i32
    %scan3A_28 = arith.constant 1 : i32
    %scan3A_29 = scf.for %scan3A_39 = %scan3A_25 to %scan3A_27 step %scan3A_28 iter_args(%scan3A_40 = %scan3A_24) -> (i32)  : i32 {
      %dma_start3A = arith.constant 0 : i32
      %dma_start3A_41 = tpu.memref_slice %arg6[%scan3A_39, %dma_start3A] : memref<79x128xi32, #tpu.memory_space<vmem>> -> memref<1x128xi32, #tpu.memory_space<vmem>>
      %dma_start3A_42 = tpu.memref_squeeze %dma_start3A_41 : memref<1x128xi32, #tpu.memory_space<vmem>> -> memref<128xi32, #tpu.memory_space<vmem>>
      %dma_start3A_43 = arith.constant 0 : i32
      %dma_start3A_44 = arith.constant 0 : i32
      %dma_start3A_45 = tpu.memref_slice %arg2[%dma_start3A_43, %dma_start3A_44] : memref<10000x128xf32, #tpu.memory_space<hbm>> -> memref<10000x128xf32, #tpu.memory_space<hbm>>
      tpu.enqueue_indirect_dma source(%dma_start3A_45 : memref<10000x128xf32, #tpu.memory_space<hbm>>) target(%arg8 : memref<128x128xf32, #tpu.memory_space<vmem>>) offsets(%dma_start3A_42 : memref<128xi32, #tpu.memory_space<vmem>>) semaphore(%arg10 : memref<!tpu.dma_semaphore, #tpu.memory_space<semaphore_mem>>)
      %dma_wait3A = arith.constant 0 : i32
      %dma_wait3A_46 = tpu.memref_slice %arg6[%scan3A_39, %dma_wait3A] : memref<79x128xi32, #tpu.memory_space<vmem>> -> memref<1x128xi32, #tpu.memory_space<vmem>>
      %dma_wait3A_47 = tpu.memref_squeeze %dma_wait3A_46 : memref<1x128xi32, #tpu.memory_space<vmem>> -> memref<128xi32, #tpu.memory_space<vmem>>
      %dma_wait3A_48 = arith.constant 0 : i32
      %dma_wait3A_49 = arith.constant 0 : i32
      %dma_wait3A_50 = tpu.memref_slice %arg2[%dma_wait3A_48, %dma_wait3A_49] : memref<10000x128xf32, #tpu.memory_space<hbm>> -> memref<10000x128xf32, #tpu.memory_space<hbm>>
      tpu.wait_indirect_dma semaphore(%arg10 : memref<!tpu.dma_semaphore, #tpu.memory_space<semaphore_mem>>) src(%dma_wait3A_50 : memref<10000x128xf32, #tpu.memory_space<hbm>>) dst(%arg8 : memref<128x128xf32, #tpu.memory_space<vmem>>)
      "tpu.region"() ({
        %run_scoped3A = tpu.sem_alloc : memref<!tpu.dma_semaphore, #tpu.memory_space<semaphore_mem>>
        %dma_start3A_52 = arith.constant 0 : i32
        %dma_start3A_53 = tpu.memref_slice %arg7[%scan3A_39, %dma_start3A_52] : memref<79x128xi32, #tpu.memory_space<vmem>> -> memref<1x128xi32, #tpu.memory_space<vmem>>
        %dma_start3A_54 = tpu.memref_squeeze %dma_start3A_53 : memref<1x128xi32, #tpu.memory_space<vmem>> -> memref<128xi32, #tpu.memory_space<vmem>>
        %dma_start3A_55 = arith.constant 0 : i32
        %dma_start3A_56 = arith.constant 0 : i32
        %dma_start3A_57 = tpu.memref_slice %arg9[%dma_start3A_55, %dma_start3A_56] : memref<10016x128xf32, #tpu.memory_space<vmem_shared>> -> memref<10016x128xf32, #tpu.memory_space<vmem_shared>>
        tpu.enqueue_indirect_dma source(%arg8 : memref<128x128xf32, #tpu.memory_space<vmem>>) target(%dma_start3A_57 : memref<10016x128xf32, #tpu.memory_space<vmem_shared>>) offsets(%dma_start3A_54 : memref<128xi32, #tpu.memory_space<vmem>>) semaphore(%run_scoped3A : memref<!tpu.dma_semaphore, #tpu.memory_space<semaphore_mem>>) {add = true}
        %dma_wait3A_58 = arith.constant 0 : i32
        %dma_wait3A_59 = tpu.memref_slice %arg7[%scan3A_39, %dma_wait3A_58] : memref<79x128xi32, #tpu.memory_space<vmem>> -> memref<1x128xi32, #tpu.memory_space<vmem>>
        %dma_wait3A_60 = tpu.memref_squeeze %dma_wait3A_59 : memref<1x128xi32, #tpu.memory_space<vmem>> -> memref<128xi32, #tpu.memory_space<vmem>>
        %dma_wait3A_61 = arith.constant 0 : i32
        %dma_wait3A_62 = arith.constant 0 : i32
        %dma_wait3A_63 = tpu.memref_slice %arg9[%dma_wait3A_61, %dma_wait3A_62] : memref<10016x128xf32, #tpu.memory_space<vmem_shared>> -> memref<10016x128xf32, #tpu.memory_space<vmem_shared>>
        tpu.wait_indirect_dma semaphore(%run_scoped3A : memref<!tpu.dma_semaphore, #tpu.memory_space<semaphore_mem>>) src(%arg8 : memref<128x128xf32, #tpu.memory_space<vmem>>) dst(%dma_wait3A_63 : memref<10016x128xf32, #tpu.memory_space<vmem_shared>>)
        tpu.yield
      }) : () -> ()
      %scan3A_51 = arith.constant 0 : i32
      scf.yield %scan3A_51 : i32
    }
    %scan3A_30 = arith.constant 79 : i32
    %barrier3A_31 = arith.constant 0 : index
    tpu.barrier barrier_id(%barrier3A_31)
    %mul3A_32 = arith.constant 624 : i32
    %mul3A_33 = arith.muli %arg1, %mul3A_32 : i32
    "tpu.region"() ({
      %run_scoped3A = tpu.sem_alloc : memref<!tpu.dma_semaphore, #tpu.memory_space<semaphore_mem>>
      %dma_start3A = arith.constant 0 : i32
      %dma_start3A_39 = tpu.memref_slice %arg5[%arg0, %mul3A_33, %dma_start3A] : memref<2x10000x128xf32, #tpu.memory_space<hbm>> -> memref<1x624x128xf32, #tpu.memory_space<hbm>>
      %dma_start3A_40 = tpu.memref_squeeze %dma_start3A_39 : memref<1x624x128xf32, #tpu.memory_space<hbm>> -> memref<624x128xf32, #tpu.memory_space<hbm>>
      %dma_start3A_41 = arith.constant 0 : i32
      %dma_start3A_42 = tpu.memref_slice %arg9[%mul3A_33, %dma_start3A_41] : memref<10016x128xf32, #tpu.memory_space<vmem_shared>> -> memref<624x128xf32, #tpu.memory_space<vmem_shared>>
      tpu.enqueue_dma source(%dma_start3A_42 : memref<624x128xf32, #tpu.memory_space<vmem_shared>>) target(%dma_start3A_40 : memref<624x128xf32, #tpu.memory_space<hbm>>) target_semaphore(%run_scoped3A : memref<!tpu.dma_semaphore, #tpu.memory_space<semaphore_mem>>)
      %dma_wait3A = arith.constant 0 : i32
      %dma_wait3A_43 = tpu.memref_slice %arg5[%arg0, %mul3A_33, %dma_wait3A] : memref<2x10000x128xf32, #tpu.memory_space<hbm>> -> memref<1x624x128xf32, #tpu.memory_space<hbm>>
      %dma_wait3A_44 = tpu.memref_squeeze %dma_wait3A_43 : memref<1x624x128xf32, #tpu.memory_space<hbm>> -> memref<624x128xf32, #tpu.memory_space<hbm>>
      %dma_wait3A_45 = arith.constant 0 : i32
      %dma_wait3A_46 = tpu.memref_slice %arg9[%mul3A_33, %dma_wait3A_45] : memref<10016x128xf32, #tpu.memory_space<vmem_shared>> -> memref<624x128xf32, #tpu.memory_space<vmem_shared>>
      tpu.wait_dma2 semaphore(%run_scoped3A : memref<!tpu.dma_semaphore, #tpu.memory_space<semaphore_mem>>) src(%dma_wait3A_46 : memref<624x128xf32, #tpu.memory_space<vmem_shared>>) dst(%dma_wait3A_44 : memref<624x128xf32, #tpu.memory_space<hbm>>)
      tpu.yield
    }) : () -> ()
    %eq3A_34 = arith.constant 15 : i32
    %eq3A_35 = arith.cmpi eq, %arg1, %eq3A_34 : i32
    %convert_element_type3A_36 = arith.extui %eq3A_35 : i1 to i32
    %cond3A_37 = arith.constant 0 : i32
    %cond3A_38 = arith.cmpi ne, %convert_element_type3A_36, %cond3A_37 : i32
    scf.if %cond3A_38 {
      "tpu.region"() ({
        %run_scoped3A = tpu.sem_alloc : memref<!tpu.dma_semaphore, #tpu.memory_space<semaphore_mem>>
        %dma_start3A = arith.constant 9984 : i32
        %dma_start3A_39 = arith.constant 0 : i32
        %dma_start3A_40 = tpu.memref_slice %arg5[%arg0, %dma_start3A, %dma_start3A_39] : memref<2x10000x128xf32, #tpu.memory_space<hbm>> -> memref<1x16x128xf32, #tpu.memory_space<hbm>>
        %dma_start3A_41 = tpu.memref_squeeze %dma_start3A_40 : memref<1x16x128xf32, #tpu.memory_space<hbm>> -> memref<16x128xf32, #tpu.memory_space<hbm>>
        %dma_start3A_42 = arith.constant 9984 : i32
        %dma_start3A_43 = arith.constant 0 : i32
        %dma_start3A_44 = tpu.memref_slice %arg9[%dma_start3A_42, %dma_start3A_43] : memref<10016x128xf32, #tpu.memory_space<vmem_shared>> -> memref<16x128xf32, #tpu.memory_space<vmem_shared>>
        tpu.enqueue_dma source(%dma_start3A_44 : memref<16x128xf32, #tpu.memory_space<vmem_shared>>) target(%dma_start3A_41 : memref<16x128xf32, #tpu.memory_space<hbm>>) target_semaphore(%run_scoped3A : memref<!tpu.dma_semaphore, #tpu.memory_space<semaphore_mem>>)
        %dma_wait3A = arith.constant 9984 : i32
        %dma_wait3A_45 = arith.constant 0 : i32
        %dma_wait3A_46 = tpu.memref_slice %arg5[%arg0, %dma_wait3A, %dma_wait3A_45] : memref<2x10000x128xf32, #tpu.memory_space<hbm>> -> memref<1x16x128xf32, #tpu.memory_space<hbm>>
        %dma_wait3A_47 = tpu.memref_squeeze %dma_wait3A_46 : memref<1x16x128xf32, #tpu.memory_space<hbm>> -> memref<16x128xf32, #tpu.memory_space<hbm>>
        %dma_wait3A_48 = arith.constant 9984 : i32
        %dma_wait3A_49 = arith.constant 0 : i32
        %dma_wait3A_50 = tpu.memref_slice %arg9[%dma_wait3A_48, %dma_wait3A_49] : memref<10016x128xf32, #tpu.memory_space<vmem_shared>> -> memref<16x128xf32, #tpu.memory_space<vmem_shared>>
        tpu.wait_dma2 semaphore(%run_scoped3A : memref<!tpu.dma_semaphore, #tpu.memory_space<semaphore_mem>>) src(%dma_wait3A_50 : memref<16x128xf32, #tpu.memory_space<vmem_shared>>) dst(%dma_wait3A_47 : memref<16x128xf32, #tpu.memory_space<hbm>>)
        tpu.yield
      }) : () -> ()
    } else {
    }
    return
  }
}

#map = affine_map<(d0, d1) -> (0, 0)>
#map1 = affine_map<(d0, d1) -> (0, 0, 0)>
module attributes {stable_mosaic.version = 14 : i64} {
  func.func @k(%arg0: i32, %arg1: i32, %arg2: memref<10000x128xf32, #tpu.memory_space<hbm>>, %arg3: memref<32x79x128xi32, #tpu.memory_space<hbm>>, %arg4: memref<32x79x128xi32, #tpu.memory_space<hbm>>, %arg5: memref<2x10000x128xf32, #tpu.memory_space<hbm>>, %arg6: memref<79x128xi32, #tpu.memory_space<vmem>>, %arg7: memref<79x128xi32, #tpu.memory_space<vmem>>, %arg8: memref<128x128xf32, #tpu.memory_space<vmem>>, %arg9: memref<10016x128xf32, #tpu.memory_space<vmem_shared>>, %arg10: memref<!tpu.dma_semaphore, #tpu.memory_space<semaphore_mem>>) attributes {dimension_semantics = [#tpu.dimension_semantics<core_parallel>, #tpu.dimension_semantics<subcore_parallel>], iteration_bounds = array<i64: 2, 16>, scalar_prefetch = 0 : i64, scratch_operands = 5 : i64, tpu.core_type = #tpu.core_type<sc_vector_subcore>, window_params = [{transform_indices = #map}, {transform_indices = #map1}, {transform_indices = #map1}, {transform_indices = #map1}]} {
    %mul3A = arith.constant 16 : i32
    %mul3A_0 = arith.muli %arg0, %mul3A : i32
    %add3A = arith.addi %mul3A_0, %arg1 : i32
    %broadcast_in_dim3A = arith.constant 0.000000e+00 : f32
    %broadcast_in_dim3A_1 = vector.broadcast %broadcast_in_dim3A : f32 to vector<16xf32>
    %scan3A = arith.constant 0 : i32
    %scan3A_2 = arith.constant 0 : i32
    %scan3A_3 = arith.constant 128 : i32
    %scan3A_4 = arith.addi %scan3A_2, %scan3A_3 : i32
    %scan3A_5 = arith.constant 1 : i32
    %scan3A_6 = scf.for %scan3A_39 = %scan3A_2 to %scan3A_4 step %scan3A_5 iter_args(%scan3A_40 = %scan3A) -> (i32)  : i32 {
      %swap3A = arith.index_cast %scan3A_39 : i32 to index
      %swap3A_41 = arith.constant 0 : index
      %swap3A_42 = tpu.vector_load %arg8[%swap3A, %swap3A_41] {strides = array<i32>} : memref<128x128xf32, #tpu.memory_space<vmem>>, vector<1x16xf32>,
      %swap3A_43 = vector.shape_cast %swap3A_42 : vector<1x16xf32> to vector<16xf32>
      %swap3A_44 = vector.shape_cast %broadcast_in_dim3A_1 : vector<16xf32> to vector<1x16xf32>
      tpu.vector_store %arg8[%swap3A, %swap3A_41], %swap3A_44 {strides = array<i32>} : memref<128x128xf32, #tpu.memory_space<vmem>>, vector<1x16xf32>,
      %swap3A_45 = arith.index_cast %scan3A_39 : i32 to index
      %swap3A_46 = arith.constant 16 : index
      %swap3A_47 = tpu.vector_load %arg8[%swap3A_45, %swap3A_46] {strides = array<i32>} : memref<128x128xf32, #tpu.memory_space<vmem>>, vector<1x16xf32>,
      %swap3A_48 = vector.shape_cast %swap3A_47 : vector<1x16xf32> to vector<16xf32>
      %swap3A_49 = vector.shape_cast %broadcast_in_dim3A_1 : vector<16xf32> to vector<1x16xf32>
      tpu.vector_store %arg8[%swap3A_45, %swap3A_46], %swap3A_49 {strides = array<i32>} : memref<128x128xf32, #tpu.memory_space<vmem>>, vector<1x16xf32>,
      %swap3A_50 = arith.index_cast %scan3A_39 : i32 to index
      %swap3A_51 = arith.constant 32 : index
      %swap3A_52 = tpu.vector_load %arg8[%swap3A_50, %swap3A_51] {strides = array<i32>} : memref<128x128xf32, #tpu.memory_space<vmem>>, vector<1x16xf32>,
      %swap3A_53 = vector.shape_cast %swap3A_52 : vector<1x16xf32> to vector<16xf32>
      %swap3A_54 = vector.shape_cast %broadcast_in_dim3A_1 : vector<16xf32> to vector<1x16xf32>
      tpu.vector_store %arg8[%swap3A_50, %swap3A_51], %swap3A_54 {strides = array<i32>} : memref<128x128xf32, #tpu.memory_space<vmem>>, vector<1x16xf32>,
      %swap3A_55 = arith.index_cast %scan3A_39 : i32 to index
      %swap3A_56 = arith.constant 48 : index
      %swap3A_57 = tpu.vector_load %arg8[%swap3A_55, %swap3A_56] {strides = array<i32>} : memref<128x128xf32, #tpu.memory_space<vmem>>, vector<1x16xf32>,
      %swap3A_58 = vector.shape_cast %swap3A_57 : vector<1x16xf32> to vector<16xf32>
      %swap3A_59 = vector.shape_cast %broadcast_in_dim3A_1 : vector<16xf32> to vector<1x16xf32>
      tpu.vector_store %arg8[%swap3A_55, %swap3A_56], %swap3A_59 {strides = array<i32>} : memref<128x128xf32, #tpu.memory_space<vmem>>, vector<1x16xf32>,
      %swap3A_60 = arith.index_cast %scan3A_39 : i32 to index
      %swap3A_61 = arith.constant 64 : index
      %swap3A_62 = tpu.vector_load %arg8[%swap3A_60, %swap3A_61] {strides = array<i32>} : memref<128x128xf32, #tpu.memory_space<vmem>>, vector<1x16xf32>,
      %swap3A_63 = vector.shape_cast %swap3A_62 : vector<1x16xf32> to vector<16xf32>
      %swap3A_64 = vector.shape_cast %broadcast_in_dim3A_1 : vector<16xf32> to vector<1x16xf32>
      tpu.vector_store %arg8[%swap3A_60, %swap3A_61], %swap3A_64 {strides = array<i32>} : memref<128x128xf32, #tpu.memory_space<vmem>>, vector<1x16xf32>,
      %swap3A_65 = arith.index_cast %scan3A_39 : i32 to index
      %swap3A_66 = arith.constant 80 : index
      %swap3A_67 = tpu.vector_load %arg8[%swap3A_65, %swap3A_66] {strides = array<i32>} : memref<128x128xf32, #tpu.memory_space<vmem>>, vector<1x16xf32>,
      %swap3A_68 = vector.shape_cast %swap3A_67 : vector<1x16xf32> to vector<16xf32>
      %swap3A_69 = vector.shape_cast %broadcast_in_dim3A_1 : vector<16xf32> to vector<1x16xf32>
      tpu.vector_store %arg8[%swap3A_65, %swap3A_66], %swap3A_69 {strides = array<i32>} : memref<128x128xf32, #tpu.memory_space<vmem>>, vector<1x16xf32>,
      %swap3A_70 = arith.index_cast %scan3A_39 : i32 to index
      %swap3A_71 = arith.constant 96 : index
      %swap3A_72 = tpu.vector_load %arg8[%swap3A_70, %swap3A_71] {strides = array<i32>} : memref<128x128xf32, #tpu.memory_space<vmem>>, vector<1x16xf32>,
      %swap3A_73 = vector.shape_cast %swap3A_72 : vector<1x16xf32> to vector<16xf32>
      %swap3A_74 = vector.shape_cast %broadcast_in_dim3A_1 : vector<16xf32> to vector<1x16xf32>
      tpu.vector_store %arg8[%swap3A_70, %swap3A_71], %swap3A_74 {strides = array<i32>} : memref<128x128xf32, #tpu.memory_space<vmem>>, vector<1x16xf32>,
      %swap3A_75 = arith.index_cast %scan3A_39 : i32 to index
      %swap3A_76 = arith.constant 112 : index
      %swap3A_77 = tpu.vector_load %arg8[%swap3A_75, %swap3A_76] {strides = array<i32>} : memref<128x128xf32, #tpu.memory_space<vmem>>, vector<1x16xf32>,
      %swap3A_78 = vector.shape_cast %swap3A_77 : vector<1x16xf32> to vector<16xf32>
      %swap3A_79 = vector.shape_cast %broadcast_in_dim3A_1 : vector<16xf32> to vector<1x16xf32>
      tpu.vector_store %arg8[%swap3A_75, %swap3A_76], %swap3A_79 {strides = array<i32>} : memref<128x128xf32, #tpu.memory_space<vmem>>, vector<1x16xf32>,
      %scan3A_80 = arith.constant 0 : i32
      scf.yield %scan3A_80 : i32
    }
    %scan3A_7 = arith.constant 128 : i32
    %mul3A_8 = arith.constant 624 : i32
    %mul3A_9 = arith.muli %arg1, %mul3A_8 : i32
    %add3A_10 = arith.constant 0 : i32
    %add3A_11 = arith.addi %mul3A_9, %add3A_10 : i32
    "tpu.region"() ({
      %run_scoped3A = tpu.sem_alloc : memref<!tpu.dma_semaphore, #tpu.memory_space<semaphore_mem>>
      %dma_start3A = arith.constant 0 : i32
      %dma_start3A_39 = arith.constant 0 : i32
      %dma_start3A_40 = tpu.memref_slice %arg8[%dma_start3A, %dma_start3A_39] : memref<128x128xf32, #tpu.memory_space<vmem>> -> memref<104x128xf32, #tpu.memory_space<vmem>>
      %dma_start3A_41 = arith.constant 0 : i32
      %dma_start3A_42 = tpu.memref_slice %arg9[%add3A_11, %dma_start3A_41] : memref<10016x128xf32, #tpu.memory_space<vmem_shared>> -> memref<104x128xf32, #tpu.memory_space<vmem_shared>>
      %dma_start3A_43 = arith.constant 0 : i32
      %dma_start3A_44 = tpu.memref_slice %arg9[%add3A_11, %dma_start3A_43] : memref<10016x128xf32, #tpu.memory_space<vmem_shared>> -> memref<104x128xf32, #tpu.memory_space<vmem_shared>>
      %dma_start3A_45 = arith.constant 0 : i32
      %dma_start3A_46 = arith.constant 0 : i32
      %dma_start3A_47 = tpu.memref_slice %arg8[%dma_start3A_45, %dma_start3A_46] : memref<128x128xf32, #tpu.memory_space<vmem>> -> memref<104x128xf32, #tpu.memory_space<vmem>>
      tpu.enqueue_dma source(%dma_start3A_47 : memref<104x128xf32, #tpu.memory_space<vmem>>) target(%dma_start3A_44 : memref<104x128xf32, #tpu.memory_space<vmem_shared>>) target_semaphore(%run_scoped3A : memref<!tpu.dma_semaphore, #tpu.memory_space<semaphore_mem>>)
      %dma_wait3A = arith.constant 0 : i32
      %dma_wait3A_48 = arith.constant 0 : i32
      %dma_wait3A_49 = tpu.memref_slice %arg8[%dma_wait3A, %dma_wait3A_48] : memref<128x128xf32, #tpu.memory_space<vmem>> -> memref<104x128xf32, #tpu.memory_space<vmem>>
      %dma_wait3A_50 = arith.constant 0 : i32
      %dma_wait3A_51 = tpu.memref_slice %arg9[%add3A_11, %dma_wait3A_50] : memref<10016x128xf32, #tpu.memory_space<vmem_shared>> -> memref<104x128xf32, #tpu.memory_space<vmem_shared>>
      %dma_wait3A_52 = arith.constant 0 : i32
      %dma_wait3A_53 = tpu.memref_slice %arg9[%add3A_11, %dma_wait3A_52] : memref<10016x128xf32, #tpu.memory_space<vmem_shared>> -> memref<104x128xf32, #tpu.memory_space<vmem_shared>>
      %dma_wait3A_54 = arith.constant 0 : i32
      %dma_wait3A_55 = arith.constant 0 : i32
      %dma_wait3A_56 = tpu.memref_slice %arg8[%dma_wait3A_54, %dma_wait3A_55] : memref<128x128xf32, #tpu.memory_space<vmem>> -> memref<104x128xf32, #tpu.memory_space<vmem>>
      tpu.wait_dma2 semaphore(%run_scoped3A : memref<!tpu.dma_semaphore, #tpu.memory_space<semaphore_mem>>) src(%dma_wait3A_56 : memref<104x128xf32, #tpu.memory_space<vmem>>) dst(%dma_wait3A_53 : memref<104x128xf32, #tpu.memory_space<vmem_shared>>)
      tpu.yield
    }) : () -> ()
    %add3A_12 = arith.constant 104 : i32
    %add3A_13 = arith.addi %mul3A_9, %add3A_12 : i32
    "tpu.region"() ({
      %run_scoped3A = tpu.sem_alloc : memref<!tpu.dma_semaphore, #tpu.memory_space<semaphore_mem>>
      %dma_start3A = arith.constant 0 : i32
      %dma_start3A_39 = arith.constant 0 : i32
      %dma_start3A_40 = tpu.memref_slice %arg8[%dma_start3A, %dma_start3A_39] : memref<128x128xf32, #tpu.memory_space<vmem>> -> memref<104x128xf32, #tpu.memory_space<vmem>>
      %dma_start3A_41 = arith.constant 0 : i32
      %dma_start3A_42 = tpu.memref_slice %arg9[%add3A_13, %dma_start3A_41] : memref<10016x128xf32, #tpu.memory_space<vmem_shared>> -> memref<104x128xf32, #tpu.memory_space<vmem_shared>>
      %dma_start3A_43 = arith.constant 0 : i32
      %dma_start3A_44 = tpu.memref_slice %arg9[%add3A_13, %dma_start3A_43] : memref<10016x128xf32, #tpu.memory_space<vmem_shared>> -> memref<104x128xf32, #tpu.memory_space<vmem_shared>>
      %dma_start3A_45 = arith.constant 0 : i32
      %dma_start3A_46 = arith.constant 0 : i32
      %dma_start3A_47 = tpu.memref_slice %arg8[%dma_start3A_45, %dma_start3A_46] : memref<128x128xf32, #tpu.memory_space<vmem>> -> memref<104x128xf32, #tpu.memory_space<vmem>>
      tpu.enqueue_dma source(%dma_start3A_47 : memref<104x128xf32, #tpu.memory_space<vmem>>) target(%dma_start3A_44 : memref<104x128xf32, #tpu.memory_space<vmem_shared>>) target_semaphore(%run_scoped3A : memref<!tpu.dma_semaphore, #tpu.memory_space<semaphore_mem>>)
      %dma_wait3A = arith.constant 0 : i32
      %dma_wait3A_48 = arith.constant 0 : i32
      %dma_wait3A_49 = tpu.memref_slice %arg8[%dma_wait3A, %dma_wait3A_48] : memref<128x128xf32, #tpu.memory_space<vmem>> -> memref<104x128xf32, #tpu.memory_space<vmem>>
      %dma_wait3A_50 = arith.constant 0 : i32
      %dma_wait3A_51 = tpu.memref_slice %arg9[%add3A_13, %dma_wait3A_50] : memref<10016x128xf32, #tpu.memory_space<vmem_shared>> -> memref<104x128xf32, #tpu.memory_space<vmem_shared>>
      %dma_wait3A_52 = arith.constant 0 : i32
      %dma_wait3A_53 = tpu.memref_slice %arg9[%add3A_13, %dma_wait3A_52] : memref<10016x128xf32, #tpu.memory_space<vmem_shared>> -> memref<104x128xf32, #tpu.memory_space<vmem_shared>>
      %dma_wait3A_54 = arith.constant 0 : i32
      %dma_wait3A_55 = arith.constant 0 : i32
      %dma_wait3A_56 = tpu.memref_slice %arg8[%dma_wait3A_54, %dma_wait3A_55] : memref<128x128xf32, #tpu.memory_space<vmem>> -> memref<104x128xf32, #tpu.memory_space<vmem>>
      tpu.wait_dma2 semaphore(%run_scoped3A : memref<!tpu.dma_semaphore, #tpu.memory_space<semaphore_mem>>) src(%dma_wait3A_56 : memref<104x128xf32, #tpu.memory_space<vmem>>) dst(%dma_wait3A_53 : memref<104x128xf32, #tpu.memory_space<vmem_shared>>)
      tpu.yield
    }) : () -> ()
    %add3A_14 = arith.constant 208 : i32
    %add3A_15 = arith.addi %mul3A_9, %add3A_14 : i32
    "tpu.region"() ({
      %run_scoped3A = tpu.sem_alloc : memref<!tpu.dma_semaphore, #tpu.memory_space<semaphore_mem>>
      %dma_start3A = arith.constant 0 : i32
      %dma_start3A_39 = arith.constant 0 : i32
      %dma_start3A_40 = tpu.memref_slice %arg8[%dma_start3A, %dma_start3A_39] : memref<128x128xf32, #tpu.memory_space<vmem>> -> memref<104x128xf32, #tpu.memory_space<vmem>>
      %dma_start3A_41 = arith.constant 0 : i32
      %dma_start3A_42 = tpu.memref_slice %arg9[%add3A_15, %dma_start3A_41] : memref<10016x128xf32, #tpu.memory_space<vmem_shared>> -> memref<104x128xf32, #tpu.memory_space<vmem_shared>>
      %dma_start3A_43 = arith.constant 0 : i32
      %dma_start3A_44 = tpu.memref_slice %arg9[%add3A_15, %dma_start3A_43] : memref<10016x128xf32, #tpu.memory_space<vmem_shared>> -> memref<104x128xf32, #tpu.memory_space<vmem_shared>>
      %dma_start3A_45 = arith.constant 0 : i32
      %dma_start3A_46 = arith.constant 0 : i32
      %dma_start3A_47 = tpu.memref_slice %arg8[%dma_start3A_45, %dma_start3A_46] : memref<128x128xf32, #tpu.memory_space<vmem>> -> memref<104x128xf32, #tpu.memory_space<vmem>>
      tpu.enqueue_dma source(%dma_start3A_47 : memref<104x128xf32, #tpu.memory_space<vmem>>) target(%dma_start3A_44 : memref<104x128xf32, #tpu.memory_space<vmem_shared>>) target_semaphore(%run_scoped3A : memref<!tpu.dma_semaphore, #tpu.memory_space<semaphore_mem>>)
      %dma_wait3A = arith.constant 0 : i32
      %dma_wait3A_48 = arith.constant 0 : i32
      %dma_wait3A_49 = tpu.memref_slice %arg8[%dma_wait3A, %dma_wait3A_48] : memref<128x128xf32, #tpu.memory_space<vmem>> -> memref<104x128xf32, #tpu.memory_space<vmem>>
      %dma_wait3A_50 = arith.constant 0 : i32
      %dma_wait3A_51 = tpu.memref_slice %arg9[%add3A_15, %dma_wait3A_50] : memref<10016x128xf32, #tpu.memory_space<vmem_shared>> -> memref<104x128xf32, #tpu.memory_space<vmem_shared>>
      %dma_wait3A_52 = arith.constant 0 : i32
      %dma_wait3A_53 = tpu.memref_slice %arg9[%add3A_15, %dma_wait3A_52] : memref<10016x128xf32, #tpu.memory_space<vmem_shared>> -> memref<104x128xf32, #tpu.memory_space<vmem_shared>>
      %dma_wait3A_54 = arith.constant 0 : i32
      %dma_wait3A_55 = arith.constant 0 : i32
      %dma_wait3A_56 = tpu.memref_slice %arg8[%dma_wait3A_54, %dma_wait3A_55] : memref<128x128xf32, #tpu.memory_space<vmem>> -> memref<104x128xf32, #tpu.memory_space<vmem>>
      tpu.wait_dma2 semaphore(%run_scoped3A : memref<!tpu.dma_semaphore, #tpu.memory_space<semaphore_mem>>) src(%dma_wait3A_56 : memref<104x128xf32, #tpu.memory_space<vmem>>) dst(%dma_wait3A_53 : memref<104x128xf32, #tpu.memory_space<vmem_shared>>)
      tpu.yield
    }) : () -> ()
    %add3A_16 = arith.constant 312 : i32
    %add3A_17 = arith.addi %mul3A_9, %add3A_16 : i32
    "tpu.region"() ({
      %run_scoped3A = tpu.sem_alloc : memref<!tpu.dma_semaphore, #tpu.memory_space<semaphore_mem>>
      %dma_start3A = arith.constant 0 : i32
      %dma_start3A_39 = arith.constant 0 : i32
      %dma_start3A_40 = tpu.memref_slice %arg8[%dma_start3A, %dma_start3A_39] : memref<128x128xf32, #tpu.memory_space<vmem>> -> memref<104x128xf32, #tpu.memory_space<vmem>>
      %dma_start3A_41 = arith.constant 0 : i32
      %dma_start3A_42 = tpu.memref_slice %arg9[%add3A_17, %dma_start3A_41] : memref<10016x128xf32, #tpu.memory_space<vmem_shared>> -> memref<104x128xf32, #tpu.memory_space<vmem_shared>>
      %dma_start3A_43 = arith.constant 0 : i32
      %dma_start3A_44 = tpu.memref_slice %arg9[%add3A_17, %dma_start3A_43] : memref<10016x128xf32, #tpu.memory_space<vmem_shared>> -> memref<104x128xf32, #tpu.memory_space<vmem_shared>>
      %dma_start3A_45 = arith.constant 0 : i32
      %dma_start3A_46 = arith.constant 0 : i32
      %dma_start3A_47 = tpu.memref_slice %arg8[%dma_start3A_45, %dma_start3A_46] : memref<128x128xf32, #tpu.memory_space<vmem>> -> memref<104x128xf32, #tpu.memory_space<vmem>>
      tpu.enqueue_dma source(%dma_start3A_47 : memref<104x128xf32, #tpu.memory_space<vmem>>) target(%dma_start3A_44 : memref<104x128xf32, #tpu.memory_space<vmem_shared>>) target_semaphore(%run_scoped3A : memref<!tpu.dma_semaphore, #tpu.memory_space<semaphore_mem>>)
      %dma_wait3A = arith.constant 0 : i32
      %dma_wait3A_48 = arith.constant 0 : i32
      %dma_wait3A_49 = tpu.memref_slice %arg8[%dma_wait3A, %dma_wait3A_48] : memref<128x128xf32, #tpu.memory_space<vmem>> -> memref<104x128xf32, #tpu.memory_space<vmem>>
      %dma_wait3A_50 = arith.constant 0 : i32
      %dma_wait3A_51 = tpu.memref_slice %arg9[%add3A_17, %dma_wait3A_50] : memref<10016x128xf32, #tpu.memory_space<vmem_shared>> -> memref<104x128xf32, #tpu.memory_space<vmem_shared>>
      %dma_wait3A_52 = arith.constant 0 : i32
      %dma_wait3A_53 = tpu.memref_slice %arg9[%add3A_17, %dma_wait3A_52] : memref<10016x128xf32, #tpu.memory_space<vmem_shared>> -> memref<104x128xf32, #tpu.memory_space<vmem_shared>>
      %dma_wait3A_54 = arith.constant 0 : i32
      %dma_wait3A_55 = arith.constant 0 : i32
      %dma_wait3A_56 = tpu.memref_slice %arg8[%dma_wait3A_54, %dma_wait3A_55] : memref<128x128xf32, #tpu.memory_space<vmem>> -> memref<104x128xf32, #tpu.memory_space<vmem>>
      tpu.wait_dma2 semaphore(%run_scoped3A : memref<!tpu.dma_semaphore, #tpu.memory_space<semaphore_mem>>) src(%dma_wait3A_56 : memref<104x128xf32, #tpu.memory_space<vmem>>) dst(%dma_wait3A_53 : memref<104x128xf32, #tpu.memory_space<vmem_shared>>)
      tpu.yield
    }) : () -> ()
    %add3A_18 = arith.constant 416 : i32
    %add3A_19 = arith.addi %mul3A_9, %add3A_18 : i32
    "tpu.region"() ({
      %run_scoped3A = tpu.sem_alloc : memref<!tpu.dma_semaphore, #tpu.memory_space<semaphore_mem>>
      %dma_start3A = arith.constant 0 : i32
      %dma_start3A_39 = arith.constant 0 : i32
      %dma_start3A_40 = tpu.memref_slice %arg8[%dma_start3A, %dma_start3A_39] : memref<128x128xf32, #tpu.memory_space<vmem>> -> memref<104x128xf32, #tpu.memory_space<vmem>>
      %dma_start3A_41 = arith.constant 0 : i32
      %dma_start3A_42 = tpu.memref_slice %arg9[%add3A_19, %dma_start3A_41] : memref<10016x128xf32, #tpu.memory_space<vmem_shared>> -> memref<104x128xf32, #tpu.memory_space<vmem_shared>>
      %dma_start3A_43 = arith.constant 0 : i32
      %dma_start3A_44 = tpu.memref_slice %arg9[%add3A_19, %dma_start3A_43] : memref<10016x128xf32, #tpu.memory_space<vmem_shared>> -> memref<104x128xf32, #tpu.memory_space<vmem_shared>>
      %dma_start3A_45 = arith.constant 0 : i32
      %dma_start3A_46 = arith.constant 0 : i32
      %dma_start3A_47 = tpu.memref_slice %arg8[%dma_start3A_45, %dma_start3A_46] : memref<128x128xf32, #tpu.memory_space<vmem>> -> memref<104x128xf32, #tpu.memory_space<vmem>>
      tpu.enqueue_dma source(%dma_start3A_47 : memref<104x128xf32, #tpu.memory_space<vmem>>) target(%dma_start3A_44 : memref<104x128xf32, #tpu.memory_space<vmem_shared>>) target_semaphore(%run_scoped3A : memref<!tpu.dma_semaphore, #tpu.memory_space<semaphore_mem>>)
      %dma_wait3A = arith.constant 0 : i32
      %dma_wait3A_48 = arith.constant 0 : i32
      %dma_wait3A_49 = tpu.memref_slice %arg8[%dma_wait3A, %dma_wait3A_48] : memref<128x128xf32, #tpu.memory_space<vmem>> -> memref<104x128xf32, #tpu.memory_space<vmem>>
      %dma_wait3A_50 = arith.constant 0 : i32
      %dma_wait3A_51 = tpu.memref_slice %arg9[%add3A_19, %dma_wait3A_50] : memref<10016x128xf32, #tpu.memory_space<vmem_shared>> -> memref<104x128xf32, #tpu.memory_space<vmem_shared>>
      %dma_wait3A_52 = arith.constant 0 : i32
      %dma_wait3A_53 = tpu.memref_slice %arg9[%add3A_19, %dma_wait3A_52] : memref<10016x128xf32, #tpu.memory_space<vmem_shared>> -> memref<104x128xf32, #tpu.memory_space<vmem_shared>>
      %dma_wait3A_54 = arith.constant 0 : i32
      %dma_wait3A_55 = arith.constant 0 : i32
      %dma_wait3A_56 = tpu.memref_slice %arg8[%dma_wait3A_54, %dma_wait3A_55] : memref<128x128xf32, #tpu.memory_space<vmem>> -> memref<104x128xf32, #tpu.memory_space<vmem>>
      tpu.wait_dma2 semaphore(%run_scoped3A : memref<!tpu.dma_semaphore, #tpu.memory_space<semaphore_mem>>) src(%dma_wait3A_56 : memref<104x128xf32, #tpu.memory_space<vmem>>) dst(%dma_wait3A_53 : memref<104x128xf32, #tpu.memory_space<vmem_shared>>)
      tpu.yield
    }) : () -> ()
    %add3A_20 = arith.constant 520 : i32
    %add3A_21 = arith.addi %mul3A_9, %add3A_20 : i32
    "tpu.region"() ({
      %run_scoped3A = tpu.sem_alloc : memref<!tpu.dma_semaphore, #tpu.memory_space<semaphore_mem>>
      %dma_start3A = arith.constant 0 : i32
      %dma_start3A_39 = arith.constant 0 : i32
      %dma_start3A_40 = tpu.memref_slice %arg8[%dma_start3A, %dma_start3A_39] : memref<128x128xf32, #tpu.memory_space<vmem>> -> memref<104x128xf32, #tpu.memory_space<vmem>>
      %dma_start3A_41 = arith.constant 0 : i32
      %dma_start3A_42 = tpu.memref_slice %arg9[%add3A_21, %dma_start3A_41] : memref<10016x128xf32, #tpu.memory_space<vmem_shared>> -> memref<104x128xf32, #tpu.memory_space<vmem_shared>>
      %dma_start3A_43 = arith.constant 0 : i32
      %dma_start3A_44 = tpu.memref_slice %arg9[%add3A_21, %dma_start3A_43] : memref<10016x128xf32, #tpu.memory_space<vmem_shared>> -> memref<104x128xf32, #tpu.memory_space<vmem_shared>>
      %dma_start3A_45 = arith.constant 0 : i32
      %dma_start3A_46 = arith.constant 0 : i32
      %dma_start3A_47 = tpu.memref_slice %arg8[%dma_start3A_45, %dma_start3A_46] : memref<128x128xf32, #tpu.memory_space<vmem>> -> memref<104x128xf32, #tpu.memory_space<vmem>>
      tpu.enqueue_dma source(%dma_start3A_47 : memref<104x128xf32, #tpu.memory_space<vmem>>) target(%dma_start3A_44 : memref<104x128xf32, #tpu.memory_space<vmem_shared>>) target_semaphore(%run_scoped3A : memref<!tpu.dma_semaphore, #tpu.memory_space<semaphore_mem>>)
      %dma_wait3A = arith.constant 0 : i32
      %dma_wait3A_48 = arith.constant 0 : i32
      %dma_wait3A_49 = tpu.memref_slice %arg8[%dma_wait3A, %dma_wait3A_48] : memref<128x128xf32, #tpu.memory_space<vmem>> -> memref<104x128xf32, #tpu.memory_space<vmem>>
      %dma_wait3A_50 = arith.constant 0 : i32
      %dma_wait3A_51 = tpu.memref_slice %arg9[%add3A_21, %dma_wait3A_50] : memref<10016x128xf32, #tpu.memory_space<vmem_shared>> -> memref<104x128xf32, #tpu.memory_space<vmem_shared>>
      %dma_wait3A_52 = arith.constant 0 : i32
      %dma_wait3A_53 = tpu.memref_slice %arg9[%add3A_21, %dma_wait3A_52] : memref<10016x128xf32, #tpu.memory_space<vmem_shared>> -> memref<104x128xf32, #tpu.memory_space<vmem_shared>>
      %dma_wait3A_54 = arith.constant 0 : i32
      %dma_wait3A_55 = arith.constant 0 : i32
      %dma_wait3A_56 = tpu.memref_slice %arg8[%dma_wait3A_54, %dma_wait3A_55] : memref<128x128xf32, #tpu.memory_space<vmem>> -> memref<104x128xf32, #tpu.memory_space<vmem>>
      tpu.wait_dma2 semaphore(%run_scoped3A : memref<!tpu.dma_semaphore, #tpu.memory_space<semaphore_mem>>) src(%dma_wait3A_56 : memref<104x128xf32, #tpu.memory_space<vmem>>) dst(%dma_wait3A_53 : memref<104x128xf32, #tpu.memory_space<vmem_shared>>)
      tpu.yield
    }) : () -> ()
    %eq3A = arith.constant 15 : i32
    %eq3A_22 = arith.cmpi eq, %arg1, %eq3A : i32
    %convert_element_type3A = arith.extui %eq3A_22 : i1 to i32
    %cond3A = arith.constant 0 : i32
    %cond3A_23 = arith.cmpi ne, %convert_element_type3A, %cond3A : i32
    scf.if %cond3A_23 {
      "tpu.region"() ({
        %run_scoped3A = tpu.sem_alloc : memref<!tpu.dma_semaphore, #tpu.memory_space<semaphore_mem>>
        %dma_start3A = arith.constant 0 : i32
        %dma_start3A_39 = arith.constant 0 : i32
        %dma_start3A_40 = tpu.memref_slice %arg8[%dma_start3A, %dma_start3A_39] : memref<128x128xf32, #tpu.memory_space<vmem>> -> memref<16x128xf32, #tpu.memory_space<vmem>>
        %dma_start3A_41 = arith.constant 9984 : i32
        %dma_start3A_42 = arith.constant 0 : i32
        %dma_start3A_43 = tpu.memref_slice %arg9[%dma_start3A_41, %dma_start3A_42] : memref<10016x128xf32, #tpu.memory_space<vmem_shared>> -> memref<16x128xf32, #tpu.memory_space<vmem_shared>>
        %dma_start3A_44 = arith.constant 9984 : i32
        %dma_start3A_45 = arith.constant 0 : i32
        %dma_start3A_46 = tpu.memref_slice %arg9[%dma_start3A_44, %dma_start3A_45] : memref<10016x128xf32, #tpu.memory_space<vmem_shared>> -> memref<16x128xf32, #tpu.memory_space<vmem_shared>>
        %dma_start3A_47 = arith.constant 0 : i32
        %dma_start3A_48 = arith.constant 0 : i32
        %dma_start3A_49 = tpu.memref_slice %arg8[%dma_start3A_47, %dma_start3A_48] : memref<128x128xf32, #tpu.memory_space<vmem>> -> memref<16x128xf32, #tpu.memory_space<vmem>>
        tpu.enqueue_dma source(%dma_start3A_49 : memref<16x128xf32, #tpu.memory_space<vmem>>) target(%dma_start3A_46 : memref<16x128xf32, #tpu.memory_space<vmem_shared>>) target_semaphore(%run_scoped3A : memref<!tpu.dma_semaphore, #tpu.memory_space<semaphore_mem>>)
        %dma_wait3A = arith.constant 0 : i32
        %dma_wait3A_50 = arith.constant 0 : i32
        %dma_wait3A_51 = tpu.memref_slice %arg8[%dma_wait3A, %dma_wait3A_50] : memref<128x128xf32, #tpu.memory_space<vmem>> -> memref<16x128xf32, #tpu.memory_space<vmem>>
        %dma_wait3A_52 = arith.constant 9984 : i32
        %dma_wait3A_53 = arith.constant 0 : i32
        %dma_wait3A_54 = tpu.memref_slice %arg9[%dma_wait3A_52, %dma_wait3A_53] : memref<10016x128xf32, #tpu.memory_space<vmem_shared>> -> memref<16x128xf32, #tpu.memory_space<vmem_shared>>
        %dma_wait3A_55 = arith.constant 9984 : i32
        %dma_wait3A_56 = arith.constant 0 : i32
        %dma_wait3A_57 = tpu.memref_slice %arg9[%dma_wait3A_55, %dma_wait3A_56] : memref<10016x128xf32, #tpu.memory_space<vmem_shared>> -> memref<16x128xf32, #tpu.memory_space<vmem_shared>>
        %dma_wait3A_58 = arith.constant 0 : i32
        %dma_wait3A_59 = arith.constant 0 : i32
        %dma_wait3A_60 = tpu.memref_slice %arg8[%dma_wait3A_58, %dma_wait3A_59] : memref<128x128xf32, #tpu.memory_space<vmem>> -> memref<16x128xf32, #tpu.memory_space<vmem>>
        tpu.wait_dma2 semaphore(%run_scoped3A : memref<!tpu.dma_semaphore, #tpu.memory_space<semaphore_mem>>) src(%dma_wait3A_60 : memref<16x128xf32, #tpu.memory_space<vmem>>) dst(%dma_wait3A_57 : memref<16x128xf32, #tpu.memory_space<vmem_shared>>)
        tpu.yield
      }) : () -> ()
    } else {
    }
    "tpu.region"() ({
      %run_scoped3A = tpu.sem_alloc : memref<!tpu.dma_semaphore, #tpu.memory_space<semaphore_mem>>
      %dma_start3A = arith.constant 0 : i32
      %dma_start3A_39 = arith.constant 0 : i32
      %dma_start3A_40 = tpu.memref_slice %arg3[%add3A, %dma_start3A, %dma_start3A_39] : memref<32x79x128xi32, #tpu.memory_space<hbm>> -> memref<1x79x128xi32, #tpu.memory_space<hbm>>
      %dma_start3A_41 = tpu.memref_squeeze %dma_start3A_40 : memref<1x79x128xi32, #tpu.memory_space<hbm>> -> memref<79x128xi32, #tpu.memory_space<hbm>>
      %dma_start3A_42 = arith.constant 0 : i32
      %dma_start3A_43 = arith.constant 0 : i32
      %dma_start3A_44 = tpu.memref_slice %arg3[%add3A, %dma_start3A_42, %dma_start3A_43] : memref<32x79x128xi32, #tpu.memory_space<hbm>> -> memref<1x79x128xi32, #tpu.memory_space<hbm>>
      %dma_start3A_45 = tpu.memref_squeeze %dma_start3A_44 : memref<1x79x128xi32, #tpu.memory_space<hbm>> -> memref<79x128xi32, #tpu.memory_space<hbm>>
      tpu.enqueue_dma source(%dma_start3A_45 : memref<79x128xi32, #tpu.memory_space<hbm>>) target(%arg6 : memref<79x128xi32, #tpu.memory_space<vmem>>) target_semaphore(%run_scoped3A : memref<!tpu.dma_semaphore, #tpu.memory_space<semaphore_mem>>)
      %dma_wait3A = arith.constant 0 : i32
      %dma_wait3A_46 = arith.constant 0 : i32
      %dma_wait3A_47 = tpu.memref_slice %arg3[%add3A, %dma_wait3A, %dma_wait3A_46] : memref<32x79x128xi32, #tpu.memory_space<hbm>> -> memref<1x79x128xi32, #tpu.memory_space<hbm>>
      %dma_wait3A_48 = tpu.memref_squeeze %dma_wait3A_47 : memref<1x79x128xi32, #tpu.memory_space<hbm>> -> memref<79x128xi32, #tpu.memory_space<hbm>>
      %dma_wait3A_49 = arith.constant 0 : i32
      %dma_wait3A_50 = arith.constant 0 : i32
      %dma_wait3A_51 = tpu.memref_slice %arg3[%add3A, %dma_wait3A_49, %dma_wait3A_50] : memref<32x79x128xi32, #tpu.memory_space<hbm>> -> memref<1x79x128xi32, #tpu.memory_space<hbm>>
      %dma_wait3A_52 = tpu.memref_squeeze %dma_wait3A_51 : memref<1x79x128xi32, #tpu.memory_space<hbm>> -> memref<79x128xi32, #tpu.memory_space<hbm>>
      tpu.wait_dma2 semaphore(%run_scoped3A : memref<!tpu.dma_semaphore, #tpu.memory_space<semaphore_mem>>) src(%dma_wait3A_52 : memref<79x128xi32, #tpu.memory_space<hbm>>) dst(%arg6 : memref<79x128xi32, #tpu.memory_space<vmem>>)
      tpu.yield
    }) : () -> ()
    "tpu.region"() ({
      %run_scoped3A = tpu.sem_alloc : memref<!tpu.dma_semaphore, #tpu.memory_space<semaphore_mem>>
      %dma_start3A = arith.constant 0 : i32
      %dma_start3A_39 = arith.constant 0 : i32
      %dma_start3A_40 = tpu.memref_slice %arg4[%add3A, %dma_start3A, %dma_start3A_39] : memref<32x79x128xi32, #tpu.memory_space<hbm>> -> memref<1x79x128xi32, #tpu.memory_space<hbm>>
      %dma_start3A_41 = tpu.memref_squeeze %dma_start3A_40 : memref<1x79x128xi32, #tpu.memory_space<hbm>> -> memref<79x128xi32, #tpu.memory_space<hbm>>
      %dma_start3A_42 = arith.constant 0 : i32
      %dma_start3A_43 = arith.constant 0 : i32
      %dma_start3A_44 = tpu.memref_slice %arg4[%add3A, %dma_start3A_42, %dma_start3A_43] : memref<32x79x128xi32, #tpu.memory_space<hbm>> -> memref<1x79x128xi32, #tpu.memory_space<hbm>>
      %dma_start3A_45 = tpu.memref_squeeze %dma_start3A_44 : memref<1x79x128xi32, #tpu.memory_space<hbm>> -> memref<79x128xi32, #tpu.memory_space<hbm>>
      tpu.enqueue_dma source(%dma_start3A_45 : memref<79x128xi32, #tpu.memory_space<hbm>>) target(%arg7 : memref<79x128xi32, #tpu.memory_space<vmem>>) target_semaphore(%run_scoped3A : memref<!tpu.dma_semaphore, #tpu.memory_space<semaphore_mem>>)
      %dma_wait3A = arith.constant 0 : i32
      %dma_wait3A_46 = arith.constant 0 : i32
      %dma_wait3A_47 = tpu.memref_slice %arg4[%add3A, %dma_wait3A, %dma_wait3A_46] : memref<32x79x128xi32, #tpu.memory_space<hbm>> -> memref<1x79x128xi32, #tpu.memory_space<hbm>>
      %dma_wait3A_48 = tpu.memref_squeeze %dma_wait3A_47 : memref<1x79x128xi32, #tpu.memory_space<hbm>> -> memref<79x128xi32, #tpu.memory_space<hbm>>
      %dma_wait3A_49 = arith.constant 0 : i32
      %dma_wait3A_50 = arith.constant 0 : i32
      %dma_wait3A_51 = tpu.memref_slice %arg4[%add3A, %dma_wait3A_49, %dma_wait3A_50] : memref<32x79x128xi32, #tpu.memory_space<hbm>> -> memref<1x79x128xi32, #tpu.memory_space<hbm>>
      %dma_wait3A_52 = tpu.memref_squeeze %dma_wait3A_51 : memref<1x79x128xi32, #tpu.memory_space<hbm>> -> memref<79x128xi32, #tpu.memory_space<hbm>>
      tpu.wait_dma2 semaphore(%run_scoped3A : memref<!tpu.dma_semaphore, #tpu.memory_space<semaphore_mem>>) src(%dma_wait3A_52 : memref<79x128xi32, #tpu.memory_space<hbm>>) dst(%arg7 : memref<79x128xi32, #tpu.memory_space<vmem>>)
      tpu.yield
    }) : () -> ()
    %barrier3A = arith.constant 0 : index
    tpu.barrier barrier_id(%barrier3A)
    %scan3A_24 = arith.constant 0 : i32
    %scan3A_25 = arith.constant 0 : i32
    %scan3A_26 = arith.constant 79 : i32
    %scan3A_27 = arith.addi %scan3A_25, %scan3A_26 : i32
    %scan3A_28 = arith.constant 1 : i32
    %scan3A_29 = scf.for %scan3A_39 = %scan3A_25 to %scan3A_27 step %scan3A_28 iter_args(%scan3A_40 = %scan3A_24) -> (i32)  : i32 {
      %dma_start3A = arith.constant 0 : i32
      %dma_start3A_41 = tpu.memref_slice %arg6[%scan3A_39, %dma_start3A] : memref<79x128xi32, #tpu.memory_space<vmem>> -> memref<1x128xi32, #tpu.memory_space<vmem>>
      %dma_start3A_42 = tpu.memref_squeeze %dma_start3A_41 : memref<1x128xi32, #tpu.memory_space<vmem>> -> memref<128xi32, #tpu.memory_space<vmem>>
      %dma_start3A_43 = arith.constant 0 : i32
      %dma_start3A_44 = arith.constant 0 : i32
      %dma_start3A_45 = tpu.memref_slice %arg2[%dma_start3A_43, %dma_start3A_44] : memref<10000x128xf32, #tpu.memory_space<hbm>> -> memref<10000x128xf32, #tpu.memory_space<hbm>>
      tpu.enqueue_indirect_dma source(%dma_start3A_45 : memref<10000x128xf32, #tpu.memory_space<hbm>>) target(%arg8 : memref<128x128xf32, #tpu.memory_space<vmem>>) offsets(%dma_start3A_42 : memref<128xi32, #tpu.memory_space<vmem>>) semaphore(%arg10 : memref<!tpu.dma_semaphore, #tpu.memory_space<semaphore_mem>>)
      %dma_wait3A = arith.constant 0 : i32
      %dma_wait3A_46 = tpu.memref_slice %arg6[%scan3A_39, %dma_wait3A] : memref<79x128xi32, #tpu.memory_space<vmem>> -> memref<1x128xi32, #tpu.memory_space<vmem>>
      %dma_wait3A_47 = tpu.memref_squeeze %dma_wait3A_46 : memref<1x128xi32, #tpu.memory_space<vmem>> -> memref<128xi32, #tpu.memory_space<vmem>>
      %dma_wait3A_48 = arith.constant 0 : i32
      %dma_wait3A_49 = arith.constant 0 : i32
      %dma_wait3A_50 = tpu.memref_slice %arg2[%dma_wait3A_48, %dma_wait3A_49] : memref<10000x128xf32, #tpu.memory_space<hbm>> -> memref<10000x128xf32, #tpu.memory_space<hbm>>
      tpu.wait_indirect_dma semaphore(%arg10 : memref<!tpu.dma_semaphore, #tpu.memory_space<semaphore_mem>>) src(%dma_wait3A_50 : memref<10000x128xf32, #tpu.memory_space<hbm>>) dst(%arg8 : memref<128x128xf32, #tpu.memory_space<vmem>>)
      "tpu.region"() ({
        %run_scoped3A = tpu.sem_alloc : memref<!tpu.dma_semaphore, #tpu.memory_space<semaphore_mem>>
        %dma_start3A_52 = arith.constant 0 : i32
        %dma_start3A_53 = tpu.memref_slice %arg7[%scan3A_39, %dma_start3A_52] : memref<79x128xi32, #tpu.memory_space<vmem>> -> memref<1x128xi32, #tpu.memory_space<vmem>>
        %dma_start3A_54 = tpu.memref_squeeze %dma_start3A_53 : memref<1x128xi32, #tpu.memory_space<vmem>> -> memref<128xi32, #tpu.memory_space<vmem>>
        %dma_start3A_55 = arith.constant 0 : i32
        %dma_start3A_56 = arith.constant 0 : i32
        %dma_start3A_57 = tpu.memref_slice %arg9[%dma_start3A_55, %dma_start3A_56] : memref<10016x128xf32, #tpu.memory_space<vmem_shared>> -> memref<10016x128xf32, #tpu.memory_space<vmem_shared>>
        tpu.enqueue_indirect_dma source(%arg8 : memref<128x128xf32, #tpu.memory_space<vmem>>) target(%dma_start3A_57 : memref<10016x128xf32, #tpu.memory_space<vmem_shared>>) offsets(%dma_start3A_54 : memref<128xi32, #tpu.memory_space<vmem>>) semaphore(%run_scoped3A : memref<!tpu.dma_semaphore, #tpu.memory_space<semaphore_mem>>) {add = true}
        %dma_wait3A_58 = arith.constant 0 : i32
        %dma_wait3A_59 = tpu.memref_slice %arg7[%scan3A_39, %dma_wait3A_58] : memref<79x128xi32, #tpu.memory_space<vmem>> -> memref<1x128xi32, #tpu.memory_space<vmem>>
        %dma_wait3A_60 = tpu.memref_squeeze %dma_wait3A_59 : memref<1x128xi32, #tpu.memory_space<vmem>> -> memref<128xi32, #tpu.memory_space<vmem>>
        %dma_wait3A_61 = arith.constant 0 : i32
        %dma_wait3A_62 = arith.constant 0 : i32
        %dma_wait3A_63 = tpu.memref_slice %arg9[%dma_wait3A_61, %dma_wait3A_62] : memref<10016x128xf32, #tpu.memory_space<vmem_shared>> -> memref<10016x128xf32, #tpu.memory_space<vmem_shared>>
        tpu.wait_indirect_dma semaphore(%run_scoped3A : memref<!tpu.dma_semaphore, #tpu.memory_space<semaphore_mem>>) src(%arg8 : memref<128x128xf32, #tpu.memory_space<vmem>>) dst(%dma_wait3A_63 : memref<10016x128xf32, #tpu.memory_space<vmem_shared>>)
        tpu.yield
      }) : () -> ()
      %scan3A_51 = arith.constant 0 : i32
      scf.yield %scan3A_51 : i32
    }
    %scan3A_30 = arith.constant 79 : i32
    %barrier3A_31 = arith.constant 0 : index
    tpu.barrier barrier_id(%barrier3A_31)
    %mul3A_32 = arith.constant 624 : i32
    %mul3A_33 = arith.muli %arg1, %mul3A_32 : i32
    "tpu.region"() ({
      %run_scoped3A = tpu.sem_alloc : memref<!tpu.dma_semaphore, #tpu.memory_space<semaphore_mem>>
      %dma_start3A = arith.constant 0 : i32
      %dma_start3A_39 = tpu.memref_slice %arg5[%arg0, %mul3A_33, %dma_start3A] : memref<2x10000x128xf32, #tpu.memory_space<hbm>> -> memref<1x624x128xf32, #tpu.memory_space<hbm>>
      %dma_start3A_40 = tpu.memref_squeeze %dma_start3A_39 : memref<1x624x128xf32, #tpu.memory_space<hbm>> -> memref<624x128xf32, #tpu.memory_space<hbm>>
      %dma_start3A_41 = arith.constant 0 : i32
      %dma_start3A_42 = tpu.memref_slice %arg9[%mul3A_33, %dma_start3A_41] : memref<10016x128xf32, #tpu.memory_space<vmem_shared>> -> memref<624x128xf32, #tpu.memory_space<vmem_shared>>
      tpu.enqueue_dma source(%dma_start3A_42 : memref<624x128xf32, #tpu.memory_space<vmem_shared>>) target(%dma_start3A_40 : memref<624x128xf32, #tpu.memory_space<hbm>>) target_semaphore(%run_scoped3A : memref<!tpu.dma_semaphore, #tpu.memory_space<semaphore_mem>>)
      %dma_wait3A = arith.constant 0 : i32
      %dma_wait3A_43 = tpu.memref_slice %arg5[%arg0, %mul3A_33, %dma_wait3A] : memref<2x10000x128xf32, #tpu.memory_space<hbm>> -> memref<1x624x128xf32, #tpu.memory_space<hbm>>
      %dma_wait3A_44 = tpu.memref_squeeze %dma_wait3A_43 : memref<1x624x128xf32, #tpu.memory_space<hbm>> -> memref<624x128xf32, #tpu.memory_space<hbm>>
      %dma_wait3A_45 = arith.constant 0 : i32
      %dma_wait3A_46 = tpu.memref_slice %arg9[%mul3A_33, %dma_wait3A_45] : memref<10016x128xf32, #tpu.memory_space<vmem_shared>> -> memref<624x128xf32, #tpu.memory_space<vmem_shared>>
      tpu.wait_dma2 semaphore(%run_scoped3A : memref<!tpu.dma_semaphore, #tpu.memory_space<semaphore_mem>>) src(%dma_wait3A_46 : memref<624x128xf32, #tpu.memory_space<vmem_shared>>) dst(%dma_wait3A_44 : memref<624x128xf32, #tpu.memory_space<hbm>>)
      tpu.yield
    }) : () -> ()
    %eq3A_34 = arith.constant 15 : i32
    %eq3A_35 = arith.cmpi eq, %arg1, %eq3A_34 : i32
    %convert_element_type3A_36 = arith.extui %eq3A_35 : i1 to i32
    %cond3A_37 = arith.constant 0 : i32
    %cond3A_38 = arith.cmpi ne, %convert_element_type3A_36, %cond3A_37 : i32
    scf.if %cond3A_38 {
      "tpu.region"() ({
        %run_scoped3A = tpu.sem_alloc : memref<!tpu.dma_semaphore, #tpu.memory_space<semaphore_mem>>
        %dma_start3A = arith.constant 9984 : i32
        %dma_start3A_39 = arith.constant 0 : i32
        %dma_start3A_40 = tpu.memref_slice %arg5[%arg0, %dma_start3A, %dma_start3A_39] : memref<2x10000x128xf32, #tpu.memory_space<hbm>> -> memref<1x16x128xf32, #tpu.memory_space<hbm>>
        %dma_start3A_41 = tpu.memref_squeeze %dma_start3A_40 : memref<1x16x128xf32, #tpu.memory_space<hbm>> -> memref<16x128xf32, #tpu.memory_space<hbm>>
        %dma_start3A_42 = arith.constant 9984 : i32
        %dma_start3A_43 = arith.constant 0 : i32
        %dma_start3A_44 = tpu.memref_slice %arg9[%dma_start3A_42, %dma_start3A_43] : memref<10016x128xf32, #tpu.memory_space<vmem_shared>> -> memref<16x128xf32, #tpu.memory_space<vmem_shared>>
        tpu.enqueue_dma source(%dma_start3A_44 : memref<16x128xf32, #tpu.memory_space<vmem_shared>>) target(%dma_start3A_41 : memref<16x128xf32, #tpu.memory_space<hbm>>) target_semaphore(%run_scoped3A : memref<!tpu.dma_semaphore, #tpu.memory_space<semaphore_mem>>)
        %dma_wait3A = arith.constant 9984 : i32
        %dma_wait3A_45 = arith.constant 0 : i32
        %dma_wait3A_46 = tpu.memref_slice %arg5[%arg0, %dma_wait3A, %dma_wait3A_45] : memref<2x10000x128xf32, #tpu.memory_space<hbm>> -> memref<1x16x128xf32, #tpu.memory_space<hbm>>
        %dma_wait3A_47 = tpu.memref_squeeze %dma_wait3A_46 : memref<1x16x128xf32, #tpu.memory_space<hbm>> -> memref<16x128xf32, #tpu.memory_space<hbm>>
        %dma_wait3A_48 = arith.constant 9984 : i32
        %dma_wait3A_49 = arith.constant 0 : i32
        %dma_wait3A_50 = tpu.memref_slice %arg9[%dma_wait3A_48, %dma_wait3A_49] : memref<10016x128xf32, #tpu.memory_space<vmem_shared>> -> memref<16x128xf32, #tpu.memory_space<vmem_shared>>
        tpu.wait_dma2 semaphore(%run_scoped3A : memref<!tpu.dma_semaphore, #tpu.memory_space<semaphore_mem>>) src(%dma_wait3A_50 : memref<16x128xf32, #tpu.memory_space<vmem_shared>>) dst(%dma_wait3A_47 : memref<16x128xf32, #tpu.memory_space<hbm>>)
        tpu.yield
      }) : () -> ()
    } else {
    }
    return
  }
}

#map = affine_map<(d0, d1) -> (0, 0)>
#map1 = affine_map<(d0, d1) -> (0, 0, 0)>
module attributes {stable_mosaic.version = 14 : i64} {
  func.func @k(%arg0: i32, %arg1: i32, %arg2: memref<10000x128xf32, #tpu.memory_space<hbm>>, %arg3: memref<32x79x128xi32, #tpu.memory_space<hbm>>, %arg4: memref<32x79x128xi32, #tpu.memory_space<hbm>>, %arg5: memref<2x10000x128xf32, #tpu.memory_space<hbm>>, %arg6: memref<79x128xi32, #tpu.memory_space<vmem>>, %arg7: memref<79x128xi32, #tpu.memory_space<vmem>>, %arg8: memref<128x128xf32, #tpu.memory_space<vmem>>, %arg9: memref<10016x128xf32, #tpu.memory_space<vmem_shared>>, %arg10: memref<!tpu.dma_semaphore, #tpu.memory_space<semaphore_mem>>) attributes {dimension_semantics = [#tpu.dimension_semantics<core_parallel>, #tpu.dimension_semantics<subcore_parallel>], iteration_bounds = array<i64: 2, 16>, scalar_prefetch = 0 : i64, scratch_operands = 5 : i64, tpu.core_type = #tpu.core_type<sc_vector_subcore>, window_params = [{transform_indices = #map}, {transform_indices = #map1}, {transform_indices = #map1}, {transform_indices = #map1}]} {
    %mul3A = arith.constant 16 : i32
    %mul3A_0 = arith.muli %arg0, %mul3A : i32
    %add3A = arith.addi %mul3A_0, %arg1 : i32
    %broadcast_in_dim3A = arith.constant 0.000000e+00 : f32
    %broadcast_in_dim3A_1 = vector.broadcast %broadcast_in_dim3A : f32 to vector<16xf32>
    %scan3A = arith.constant 0 : i32
    %scan3A_2 = arith.constant 0 : i32
    %scan3A_3 = arith.constant 128 : i32
    %scan3A_4 = arith.addi %scan3A_2, %scan3A_3 : i32
    %scan3A_5 = arith.constant 1 : i32
    %scan3A_6 = scf.for %scan3A_39 = %scan3A_2 to %scan3A_4 step %scan3A_5 iter_args(%scan3A_40 = %scan3A) -> (i32)  : i32 {
      %swap3A = arith.index_cast %scan3A_39 : i32 to index
      %swap3A_41 = arith.constant 0 : index
      %swap3A_42 = tpu.vector_load %arg8[%swap3A, %swap3A_41] {strides = array<i32>} : memref<128x128xf32, #tpu.memory_space<vmem>>, vector<1x16xf32>,
      %swap3A_43 = vector.shape_cast %swap3A_42 : vector<1x16xf32> to vector<16xf32>
      %swap3A_44 = vector.shape_cast %broadcast_in_dim3A_1 : vector<16xf32> to vector<1x16xf32>
      tpu.vector_store %arg8[%swap3A, %swap3A_41], %swap3A_44 {strides = array<i32>} : memref<128x128xf32, #tpu.memory_space<vmem>>, vector<1x16xf32>,
      %swap3A_45 = arith.index_cast %scan3A_39 : i32 to index
      %swap3A_46 = arith.constant 16 : index
      %swap3A_47 = tpu.vector_load %arg8[%swap3A_45, %swap3A_46] {strides = array<i32>} : memref<128x128xf32, #tpu.memory_space<vmem>>, vector<1x16xf32>,
      %swap3A_48 = vector.shape_cast %swap3A_47 : vector<1x16xf32> to vector<16xf32>
      %swap3A_49 = vector.shape_cast %broadcast_in_dim3A_1 : vector<16xf32> to vector<1x16xf32>
      tpu.vector_store %arg8[%swap3A_45, %swap3A_46], %swap3A_49 {strides = array<i32>} : memref<128x128xf32, #tpu.memory_space<vmem>>, vector<1x16xf32>,
      %swap3A_50 = arith.index_cast %scan3A_39 : i32 to index
      %swap3A_51 = arith.constant 32 : index
      %swap3A_52 = tpu.vector_load %arg8[%swap3A_50, %swap3A_51] {strides = array<i32>} : memref<128x128xf32, #tpu.memory_space<vmem>>, vector<1x16xf32>,
      %swap3A_53 = vector.shape_cast %swap3A_52 : vector<1x16xf32> to vector<16xf32>
      %swap3A_54 = vector.shape_cast %broadcast_in_dim3A_1 : vector<16xf32> to vector<1x16xf32>
      tpu.vector_store %arg8[%swap3A_50, %swap3A_51], %swap3A_54 {strides = array<i32>} : memref<128x128xf32, #tpu.memory_space<vmem>>, vector<1x16xf32>,
      %swap3A_55 = arith.index_cast %scan3A_39 : i32 to index
      %swap3A_56 = arith.constant 48 : index
      %swap3A_57 = tpu.vector_load %arg8[%swap3A_55, %swap3A_56] {strides = array<i32>} : memref<128x128xf32, #tpu.memory_space<vmem>>, vector<1x16xf32>,
      %swap3A_58 = vector.shape_cast %swap3A_57 : vector<1x16xf32> to vector<16xf32>
      %swap3A_59 = vector.shape_cast %broadcast_in_dim3A_1 : vector<16xf32> to vector<1x16xf32>
      tpu.vector_store %arg8[%swap3A_55, %swap3A_56], %swap3A_59 {strides = array<i32>} : memref<128x128xf32, #tpu.memory_space<vmem>>, vector<1x16xf32>,
      %swap3A_60 = arith.index_cast %scan3A_39 : i32 to index
      %swap3A_61 = arith.constant 64 : index
      %swap3A_62 = tpu.vector_load %arg8[%swap3A_60, %swap3A_61] {strides = array<i32>} : memref<128x128xf32, #tpu.memory_space<vmem>>, vector<1x16xf32>,
      %swap3A_63 = vector.shape_cast %swap3A_62 : vector<1x16xf32> to vector<16xf32>
      %swap3A_64 = vector.shape_cast %broadcast_in_dim3A_1 : vector<16xf32> to vector<1x16xf32>
      tpu.vector_store %arg8[%swap3A_60, %swap3A_61], %swap3A_64 {strides = array<i32>} : memref<128x128xf32, #tpu.memory_space<vmem>>, vector<1x16xf32>,
      %swap3A_65 = arith.index_cast %scan3A_39 : i32 to index
      %swap3A_66 = arith.constant 80 : index
      %swap3A_67 = tpu.vector_load %arg8[%swap3A_65, %swap3A_66] {strides = array<i32>} : memref<128x128xf32, #tpu.memory_space<vmem>>, vector<1x16xf32>,
      %swap3A_68 = vector.shape_cast %swap3A_67 : vector<1x16xf32> to vector<16xf32>
      %swap3A_69 = vector.shape_cast %broadcast_in_dim3A_1 : vector<16xf32> to vector<1x16xf32>
      tpu.vector_store %arg8[%swap3A_65, %swap3A_66], %swap3A_69 {strides = array<i32>} : memref<128x128xf32, #tpu.memory_space<vmem>>, vector<1x16xf32>,
      %swap3A_70 = arith.index_cast %scan3A_39 : i32 to index
      %swap3A_71 = arith.constant 96 : index
      %swap3A_72 = tpu.vector_load %arg8[%swap3A_70, %swap3A_71] {strides = array<i32>} : memref<128x128xf32, #tpu.memory_space<vmem>>, vector<1x16xf32>,
      %swap3A_73 = vector.shape_cast %swap3A_72 : vector<1x16xf32> to vector<16xf32>
      %swap3A_74 = vector.shape_cast %broadcast_in_dim3A_1 : vector<16xf32> to vector<1x16xf32>
      tpu.vector_store %arg8[%swap3A_70, %swap3A_71], %swap3A_74 {strides = array<i32>} : memref<128x128xf32, #tpu.memory_space<vmem>>, vector<1x16xf32>,
      %swap3A_75 = arith.index_cast %scan3A_39 : i32 to index
      %swap3A_76 = arith.constant 112 : index
      %swap3A_77 = tpu.vector_load %arg8[%swap3A_75, %swap3A_76] {strides = array<i32>} : memref<128x128xf32, #tpu.memory_space<vmem>>, vector<1x16xf32>,
      %swap3A_78 = vector.shape_cast %swap3A_77 : vector<1x16xf32> to vector<16xf32>
      %swap3A_79 = vector.shape_cast %broadcast_in_dim3A_1 : vector<16xf32> to vector<1x16xf32>
      tpu.vector_store %arg8[%swap3A_75, %swap3A_76], %swap3A_79 {strides = array<i32>} : memref<128x128xf32, #tpu.memory_space<vmem>>, vector<1x16xf32>,
      %scan3A_80 = arith.constant 0 : i32
      scf.yield %scan3A_80 : i32
    }
    %scan3A_7 = arith.constant 128 : i32
    %mul3A_8 = arith.constant 624 : i32
    %mul3A_9 = arith.muli %arg1, %mul3A_8 : i32
    %add3A_10 = arith.constant 0 : i32
    %add3A_11 = arith.addi %mul3A_9, %add3A_10 : i32
    "tpu.region"() ({
      %run_scoped3A = tpu.sem_alloc : memref<!tpu.dma_semaphore, #tpu.memory_space<semaphore_mem>>
      %dma_start3A = arith.constant 0 : i32
      %dma_start3A_39 = arith.constant 0 : i32
      %dma_start3A_40 = tpu.memref_slice %arg8[%dma_start3A, %dma_start3A_39] : memref<128x128xf32, #tpu.memory_space<vmem>> -> memref<104x128xf32, #tpu.memory_space<vmem>>
      %dma_start3A_41 = arith.constant 0 : i32
      %dma_start3A_42 = tpu.memref_slice %arg9[%add3A_11, %dma_start3A_41] : memref<10016x128xf32, #tpu.memory_space<vmem_shared>> -> memref<104x128xf32, #tpu.memory_space<vmem_shared>>
      %dma_start3A_43 = arith.constant 0 : i32
      %dma_start3A_44 = tpu.memref_slice %arg9[%add3A_11, %dma_start3A_43] : memref<10016x128xf32, #tpu.memory_space<vmem_shared>> -> memref<104x128xf32, #tpu.memory_space<vmem_shared>>
      %dma_start3A_45 = arith.constant 0 : i32
      %dma_start3A_46 = arith.constant 0 : i32
      %dma_start3A_47 = tpu.memref_slice %arg8[%dma_start3A_45, %dma_start3A_46] : memref<128x128xf32, #tpu.memory_space<vmem>> -> memref<104x128xf32, #tpu.memory_space<vmem>>
      tpu.enqueue_dma source(%dma_start3A_47 : memref<104x128xf32, #tpu.memory_space<vmem>>) target(%dma_start3A_44 : memref<104x128xf32, #tpu.memory_space<vmem_shared>>) target_semaphore(%run_scoped3A : memref<!tpu.dma_semaphore, #tpu.memory_space<semaphore_mem>>)
      %dma_wait3A = arith.constant 0 : i32
      %dma_wait3A_48 = arith.constant 0 : i32
      %dma_wait3A_49 = tpu.memref_slice %arg8[%dma_wait3A, %dma_wait3A_48] : memref<128x128xf32, #tpu.memory_space<vmem>> -> memref<104x128xf32, #tpu.memory_space<vmem>>
      %dma_wait3A_50 = arith.constant 0 : i32
      %dma_wait3A_51 = tpu.memref_slice %arg9[%add3A_11, %dma_wait3A_50] : memref<10016x128xf32, #tpu.memory_space<vmem_shared>> -> memref<104x128xf32, #tpu.memory_space<vmem_shared>>
      %dma_wait3A_52 = arith.constant 0 : i32
      %dma_wait3A_53 = tpu.memref_slice %arg9[%add3A_11, %dma_wait3A_52] : memref<10016x128xf32, #tpu.memory_space<vmem_shared>> -> memref<104x128xf32, #tpu.memory_space<vmem_shared>>
      %dma_wait3A_54 = arith.constant 0 : i32
      %dma_wait3A_55 = arith.constant 0 : i32
      %dma_wait3A_56 = tpu.memref_slice %arg8[%dma_wait3A_54, %dma_wait3A_55] : memref<128x128xf32, #tpu.memory_space<vmem>> -> memref<104x128xf32, #tpu.memory_space<vmem>>
      tpu.wait_dma2 semaphore(%run_scoped3A : memref<!tpu.dma_semaphore, #tpu.memory_space<semaphore_mem>>) src(%dma_wait3A_56 : memref<104x128xf32, #tpu.memory_space<vmem>>) dst(%dma_wait3A_53 : memref<104x128xf32, #tpu.memory_space<vmem_shared>>)
      tpu.yield
    }) : () -> ()
    %add3A_12 = arith.constant 104 : i32
    %add3A_13 = arith.addi %mul3A_9, %add3A_12 : i32
    "tpu.region"() ({
      %run_scoped3A = tpu.sem_alloc : memref<!tpu.dma_semaphore, #tpu.memory_space<semaphore_mem>>
      %dma_start3A = arith.constant 0 : i32
      %dma_start3A_39 = arith.constant 0 : i32
      %dma_start3A_40 = tpu.memref_slice %arg8[%dma_start3A, %dma_start3A_39] : memref<128x128xf32, #tpu.memory_space<vmem>> -> memref<104x128xf32, #tpu.memory_space<vmem>>
      %dma_start3A_41 = arith.constant 0 : i32
      %dma_start3A_42 = tpu.memref_slice %arg9[%add3A_13, %dma_start3A_41] : memref<10016x128xf32, #tpu.memory_space<vmem_shared>> -> memref<104x128xf32, #tpu.memory_space<vmem_shared>>
      %dma_start3A_43 = arith.constant 0 : i32
      %dma_start3A_44 = tpu.memref_slice %arg9[%add3A_13, %dma_start3A_43] : memref<10016x128xf32, #tpu.memory_space<vmem_shared>> -> memref<104x128xf32, #tpu.memory_space<vmem_shared>>
      %dma_start3A_45 = arith.constant 0 : i32
      %dma_start3A_46 = arith.constant 0 : i32
      %dma_start3A_47 = tpu.memref_slice %arg8[%dma_start3A_45, %dma_start3A_46] : memref<128x128xf32, #tpu.memory_space<vmem>> -> memref<104x128xf32, #tpu.memory_space<vmem>>
      tpu.enqueue_dma source(%dma_start3A_47 : memref<104x128xf32, #tpu.memory_space<vmem>>) target(%dma_start3A_44 : memref<104x128xf32, #tpu.memory_space<vmem_shared>>) target_semaphore(%run_scoped3A : memref<!tpu.dma_semaphore, #tpu.memory_space<semaphore_mem>>)
      %dma_wait3A = arith.constant 0 : i32
      %dma_wait3A_48 = arith.constant 0 : i32
      %dma_wait3A_49 = tpu.memref_slice %arg8[%dma_wait3A, %dma_wait3A_48] : memref<128x128xf32, #tpu.memory_space<vmem>> -> memref<104x128xf32, #tpu.memory_space<vmem>>
      %dma_wait3A_50 = arith.constant 0 : i32
      %dma_wait3A_51 = tpu.memref_slice %arg9[%add3A_13, %dma_wait3A_50] : memref<10016x128xf32, #tpu.memory_space<vmem_shared>> -> memref<104x128xf32, #tpu.memory_space<vmem_shared>>
      %dma_wait3A_52 = arith.constant 0 : i32
      %dma_wait3A_53 = tpu.memref_slice %arg9[%add3A_13, %dma_wait3A_52] : memref<10016x128xf32, #tpu.memory_space<vmem_shared>> -> memref<104x128xf32, #tpu.memory_space<vmem_shared>>
      %dma_wait3A_54 = arith.constant 0 : i32
      %dma_wait3A_55 = arith.constant 0 : i32
      %dma_wait3A_56 = tpu.memref_slice %arg8[%dma_wait3A_54, %dma_wait3A_55] : memref<128x128xf32, #tpu.memory_space<vmem>> -> memref<104x128xf32, #tpu.memory_space<vmem>>
      tpu.wait_dma2 semaphore(%run_scoped3A : memref<!tpu.dma_semaphore, #tpu.memory_space<semaphore_mem>>) src(%dma_wait3A_56 : memref<104x128xf32, #tpu.memory_space<vmem>>) dst(%dma_wait3A_53 : memref<104x128xf32, #tpu.memory_space<vmem_shared>>)
      tpu.yield
    }) : () -> ()
    %add3A_14 = arith.constant 208 : i32
    %add3A_15 = arith.addi %mul3A_9, %add3A_14 : i32
    "tpu.region"() ({
      %run_scoped3A = tpu.sem_alloc : memref<!tpu.dma_semaphore, #tpu.memory_space<semaphore_mem>>
      %dma_start3A = arith.constant 0 : i32
      %dma_start3A_39 = arith.constant 0 : i32
      %dma_start3A_40 = tpu.memref_slice %arg8[%dma_start3A, %dma_start3A_39] : memref<128x128xf32, #tpu.memory_space<vmem>> -> memref<104x128xf32, #tpu.memory_space<vmem>>
      %dma_start3A_41 = arith.constant 0 : i32
      %dma_start3A_42 = tpu.memref_slice %arg9[%add3A_15, %dma_start3A_41] : memref<10016x128xf32, #tpu.memory_space<vmem_shared>> -> memref<104x128xf32, #tpu.memory_space<vmem_shared>>
      %dma_start3A_43 = arith.constant 0 : i32
      %dma_start3A_44 = tpu.memref_slice %arg9[%add3A_15, %dma_start3A_43] : memref<10016x128xf32, #tpu.memory_space<vmem_shared>> -> memref<104x128xf32, #tpu.memory_space<vmem_shared>>
      %dma_start3A_45 = arith.constant 0 : i32
      %dma_start3A_46 = arith.constant 0 : i32
      %dma_start3A_47 = tpu.memref_slice %arg8[%dma_start3A_45, %dma_start3A_46] : memref<128x128xf32, #tpu.memory_space<vmem>> -> memref<104x128xf32, #tpu.memory_space<vmem>>
      tpu.enqueue_dma source(%dma_start3A_47 : memref<104x128xf32, #tpu.memory_space<vmem>>) target(%dma_start3A_44 : memref<104x128xf32, #tpu.memory_space<vmem_shared>>) target_semaphore(%run_scoped3A : memref<!tpu.dma_semaphore, #tpu.memory_space<semaphore_mem>>)
      %dma_wait3A = arith.constant 0 : i32
      %dma_wait3A_48 = arith.constant 0 : i32
      %dma_wait3A_49 = tpu.memref_slice %arg8[%dma_wait3A, %dma_wait3A_48] : memref<128x128xf32, #tpu.memory_space<vmem>> -> memref<104x128xf32, #tpu.memory_space<vmem>>
      %dma_wait3A_50 = arith.constant 0 : i32
      %dma_wait3A_51 = tpu.memref_slice %arg9[%add3A_15, %dma_wait3A_50] : memref<10016x128xf32, #tpu.memory_space<vmem_shared>> -> memref<104x128xf32, #tpu.memory_space<vmem_shared>>
      %dma_wait3A_52 = arith.constant 0 : i32
      %dma_wait3A_53 = tpu.memref_slice %arg9[%add3A_15, %dma_wait3A_52] : memref<10016x128xf32, #tpu.memory_space<vmem_shared>> -> memref<104x128xf32, #tpu.memory_space<vmem_shared>>
      %dma_wait3A_54 = arith.constant 0 : i32
      %dma_wait3A_55 = arith.constant 0 : i32
      %dma_wait3A_56 = tpu.memref_slice %arg8[%dma_wait3A_54, %dma_wait3A_55] : memref<128x128xf32, #tpu.memory_space<vmem>> -> memref<104x128xf32, #tpu.memory_space<vmem>>
      tpu.wait_dma2 semaphore(%run_scoped3A : memref<!tpu.dma_semaphore, #tpu.memory_space<semaphore_mem>>) src(%dma_wait3A_56 : memref<104x128xf32, #tpu.memory_space<vmem>>) dst(%dma_wait3A_53 : memref<104x128xf32, #tpu.memory_space<vmem_shared>>)
      tpu.yield
    }) : () -> ()
    %add3A_16 = arith.constant 312 : i32
    %add3A_17 = arith.addi %mul3A_9, %add3A_16 : i32
    "tpu.region"() ({
      %run_scoped3A = tpu.sem_alloc : memref<!tpu.dma_semaphore, #tpu.memory_space<semaphore_mem>>
      %dma_start3A = arith.constant 0 : i32
      %dma_start3A_39 = arith.constant 0 : i32
      %dma_start3A_40 = tpu.memref_slice %arg8[%dma_start3A, %dma_start3A_39] : memref<128x128xf32, #tpu.memory_space<vmem>> -> memref<104x128xf32, #tpu.memory_space<vmem>>
      %dma_start3A_41 = arith.constant 0 : i32
      %dma_start3A_42 = tpu.memref_slice %arg9[%add3A_17, %dma_start3A_41] : memref<10016x128xf32, #tpu.memory_space<vmem_shared>> -> memref<104x128xf32, #tpu.memory_space<vmem_shared>>
      %dma_start3A_43 = arith.constant 0 : i32
      %dma_start3A_44 = tpu.memref_slice %arg9[%add3A_17, %dma_start3A_43] : memref<10016x128xf32, #tpu.memory_space<vmem_shared>> -> memref<104x128xf32, #tpu.memory_space<vmem_shared>>
      %dma_start3A_45 = arith.constant 0 : i32
      %dma_start3A_46 = arith.constant 0 : i32
      %dma_start3A_47 = tpu.memref_slice %arg8[%dma_start3A_45, %dma_start3A_46] : memref<128x128xf32, #tpu.memory_space<vmem>> -> memref<104x128xf32, #tpu.memory_space<vmem>>
      tpu.enqueue_dma source(%dma_start3A_47 : memref<104x128xf32, #tpu.memory_space<vmem>>) target(%dma_start3A_44 : memref<104x128xf32, #tpu.memory_space<vmem_shared>>) target_semaphore(%run_scoped3A : memref<!tpu.dma_semaphore, #tpu.memory_space<semaphore_mem>>)
      %dma_wait3A = arith.constant 0 : i32
      %dma_wait3A_48 = arith.constant 0 : i32
      %dma_wait3A_49 = tpu.memref_slice %arg8[%dma_wait3A, %dma_wait3A_48] : memref<128x128xf32, #tpu.memory_space<vmem>> -> memref<104x128xf32, #tpu.memory_space<vmem>>
      %dma_wait3A_50 = arith.constant 0 : i32
      %dma_wait3A_51 = tpu.memref_slice %arg9[%add3A_17, %dma_wait3A_50] : memref<10016x128xf32, #tpu.memory_space<vmem_shared>> -> memref<104x128xf32, #tpu.memory_space<vmem_shared>>
      %dma_wait3A_52 = arith.constant 0 : i32
      %dma_wait3A_53 = tpu.memref_slice %arg9[%add3A_17, %dma_wait3A_52] : memref<10016x128xf32, #tpu.memory_space<vmem_shared>> -> memref<104x128xf32, #tpu.memory_space<vmem_shared>>
      %dma_wait3A_54 = arith.constant 0 : i32
      %dma_wait3A_55 = arith.constant 0 : i32
      %dma_wait3A_56 = tpu.memref_slice %arg8[%dma_wait3A_54, %dma_wait3A_55] : memref<128x128xf32, #tpu.memory_space<vmem>> -> memref<104x128xf32, #tpu.memory_space<vmem>>
      tpu.wait_dma2 semaphore(%run_scoped3A : memref<!tpu.dma_semaphore, #tpu.memory_space<semaphore_mem>>) src(%dma_wait3A_56 : memref<104x128xf32, #tpu.memory_space<vmem>>) dst(%dma_wait3A_53 : memref<104x128xf32, #tpu.memory_space<vmem_shared>>)
      tpu.yield
    }) : () -> ()
    %add3A_18 = arith.constant 416 : i32
    %add3A_19 = arith.addi %mul3A_9, %add3A_18 : i32
    "tpu.region"() ({
      %run_scoped3A = tpu.sem_alloc : memref<!tpu.dma_semaphore, #tpu.memory_space<semaphore_mem>>
      %dma_start3A = arith.constant 0 : i32
      %dma_start3A_39 = arith.constant 0 : i32
      %dma_start3A_40 = tpu.memref_slice %arg8[%dma_start3A, %dma_start3A_39] : memref<128x128xf32, #tpu.memory_space<vmem>> -> memref<104x128xf32, #tpu.memory_space<vmem>>
      %dma_start3A_41 = arith.constant 0 : i32
      %dma_start3A_42 = tpu.memref_slice %arg9[%add3A_19, %dma_start3A_41] : memref<10016x128xf32, #tpu.memory_space<vmem_shared>> -> memref<104x128xf32, #tpu.memory_space<vmem_shared>>
      %dma_start3A_43 = arith.constant 0 : i32
      %dma_start3A_44 = tpu.memref_slice %arg9[%add3A_19, %dma_start3A_43] : memref<10016x128xf32, #tpu.memory_space<vmem_shared>> -> memref<104x128xf32, #tpu.memory_space<vmem_shared>>
      %dma_start3A_45 = arith.constant 0 : i32
      %dma_start3A_46 = arith.constant 0 : i32
      %dma_start3A_47 = tpu.memref_slice %arg8[%dma_start3A_45, %dma_start3A_46] : memref<128x128xf32, #tpu.memory_space<vmem>> -> memref<104x128xf32, #tpu.memory_space<vmem>>
      tpu.enqueue_dma source(%dma_start3A_47 : memref<104x128xf32, #tpu.memory_space<vmem>>) target(%dma_start3A_44 : memref<104x128xf32, #tpu.memory_space<vmem_shared>>) target_semaphore(%run_scoped3A : memref<!tpu.dma_semaphore, #tpu.memory_space<semaphore_mem>>)
      %dma_wait3A = arith.constant 0 : i32
      %dma_wait3A_48 = arith.constant 0 : i32
      %dma_wait3A_49 = tpu.memref_slice %arg8[%dma_wait3A, %dma_wait3A_48] : memref<128x128xf32, #tpu.memory_space<vmem>> -> memref<104x128xf32, #tpu.memory_space<vmem>>
      %dma_wait3A_50 = arith.constant 0 : i32
      %dma_wait3A_51 = tpu.memref_slice %arg9[%add3A_19, %dma_wait3A_50] : memref<10016x128xf32, #tpu.memory_space<vmem_shared>> -> memref<104x128xf32, #tpu.memory_space<vmem_shared>>
      %dma_wait3A_52 = arith.constant 0 : i32
      %dma_wait3A_53 = tpu.memref_slice %arg9[%add3A_19, %dma_wait3A_52] : memref<10016x128xf32, #tpu.memory_space<vmem_shared>> -> memref<104x128xf32, #tpu.memory_space<vmem_shared>>
      %dma_wait3A_54 = arith.constant 0 : i32
      %dma_wait3A_55 = arith.constant 0 : i32
      %dma_wait3A_56 = tpu.memref_slice %arg8[%dma_wait3A_54, %dma_wait3A_55] : memref<128x128xf32, #tpu.memory_space<vmem>> -> memref<104x128xf32, #tpu.memory_space<vmem>>
      tpu.wait_dma2 semaphore(%run_scoped3A : memref<!tpu.dma_semaphore, #tpu.memory_space<semaphore_mem>>) src(%dma_wait3A_56 : memref<104x128xf32, #tpu.memory_space<vmem>>) dst(%dma_wait3A_53 : memref<104x128xf32, #tpu.memory_space<vmem_shared>>)
      tpu.yield
    }) : () -> ()
    %add3A_20 = arith.constant 520 : i32
    %add3A_21 = arith.addi %mul3A_9, %add3A_20 : i32
    "tpu.region"() ({
      %run_scoped3A = tpu.sem_alloc : memref<!tpu.dma_semaphore, #tpu.memory_space<semaphore_mem>>
      %dma_start3A = arith.constant 0 : i32
      %dma_start3A_39 = arith.constant 0 : i32
      %dma_start3A_40 = tpu.memref_slice %arg8[%dma_start3A, %dma_start3A_39] : memref<128x128xf32, #tpu.memory_space<vmem>> -> memref<104x128xf32, #tpu.memory_space<vmem>>
      %dma_start3A_41 = arith.constant 0 : i32
      %dma_start3A_42 = tpu.memref_slice %arg9[%add3A_21, %dma_start3A_41] : memref<10016x128xf32, #tpu.memory_space<vmem_shared>> -> memref<104x128xf32, #tpu.memory_space<vmem_shared>>
      %dma_start3A_43 = arith.constant 0 : i32
      %dma_start3A_44 = tpu.memref_slice %arg9[%add3A_21, %dma_start3A_43] : memref<10016x128xf32, #tpu.memory_space<vmem_shared>> -> memref<104x128xf32, #tpu.memory_space<vmem_shared>>
      %dma_start3A_45 = arith.constant 0 : i32
      %dma_start3A_46 = arith.constant 0 : i32
      %dma_start3A_47 = tpu.memref_slice %arg8[%dma_start3A_45, %dma_start3A_46] : memref<128x128xf32, #tpu.memory_space<vmem>> -> memref<104x128xf32, #tpu.memory_space<vmem>>
      tpu.enqueue_dma source(%dma_start3A_47 : memref<104x128xf32, #tpu.memory_space<vmem>>) target(%dma_start3A_44 : memref<104x128xf32, #tpu.memory_space<vmem_shared>>) target_semaphore(%run_scoped3A : memref<!tpu.dma_semaphore, #tpu.memory_space<semaphore_mem>>)
      %dma_wait3A = arith.constant 0 : i32
      %dma_wait3A_48 = arith.constant 0 : i32
      %dma_wait3A_49 = tpu.memref_slice %arg8[%dma_wait3A, %dma_wait3A_48] : memref<128x128xf32, #tpu.memory_space<vmem>> -> memref<104x128xf32, #tpu.memory_space<vmem>>
      %dma_wait3A_50 = arith.constant 0 : i32
      %dma_wait3A_51 = tpu.memref_slice %arg9[%add3A_21, %dma_wait3A_50] : memref<10016x128xf32, #tpu.memory_space<vmem_shared>> -> memref<104x128xf32, #tpu.memory_space<vmem_shared>>
      %dma_wait3A_52 = arith.constant 0 : i32
      %dma_wait3A_53 = tpu.memref_slice %arg9[%add3A_21, %dma_wait3A_52] : memref<10016x128xf32, #tpu.memory_space<vmem_shared>> -> memref<104x128xf32, #tpu.memory_space<vmem_shared>>
      %dma_wait3A_54 = arith.constant 0 : i32
      %dma_wait3A_55 = arith.constant 0 : i32
      %dma_wait3A_56 = tpu.memref_slice %arg8[%dma_wait3A_54, %dma_wait3A_55] : memref<128x128xf32, #tpu.memory_space<vmem>> -> memref<104x128xf32, #tpu.memory_space<vmem>>
      tpu.wait_dma2 semaphore(%run_scoped3A : memref<!tpu.dma_semaphore, #tpu.memory_space<semaphore_mem>>) src(%dma_wait3A_56 : memref<104x128xf32, #tpu.memory_space<vmem>>) dst(%dma_wait3A_53 : memref<104x128xf32, #tpu.memory_space<vmem_shared>>)
      tpu.yield
    }) : () -> ()
    %eq3A = arith.constant 15 : i32
    %eq3A_22 = arith.cmpi eq, %arg1, %eq3A : i32
    %convert_element_type3A = arith.extui %eq3A_22 : i1 to i32
    %cond3A = arith.constant 0 : i32
    %cond3A_23 = arith.cmpi ne, %convert_element_type3A, %cond3A : i32
    scf.if %cond3A_23 {
      "tpu.region"() ({
        %run_scoped3A = tpu.sem_alloc : memref<!tpu.dma_semaphore, #tpu.memory_space<semaphore_mem>>
        %dma_start3A = arith.constant 0 : i32
        %dma_start3A_39 = arith.constant 0 : i32
        %dma_start3A_40 = tpu.memref_slice %arg8[%dma_start3A, %dma_start3A_39] : memref<128x128xf32, #tpu.memory_space<vmem>> -> memref<16x128xf32, #tpu.memory_space<vmem>>
        %dma_start3A_41 = arith.constant 9984 : i32
        %dma_start3A_42 = arith.constant 0 : i32
        %dma_start3A_43 = tpu.memref_slice %arg9[%dma_start3A_41, %dma_start3A_42] : memref<10016x128xf32, #tpu.memory_space<vmem_shared>> -> memref<16x128xf32, #tpu.memory_space<vmem_shared>>
        %dma_start3A_44 = arith.constant 9984 : i32
        %dma_start3A_45 = arith.constant 0 : i32
        %dma_start3A_46 = tpu.memref_slice %arg9[%dma_start3A_44, %dma_start3A_45] : memref<10016x128xf32, #tpu.memory_space<vmem_shared>> -> memref<16x128xf32, #tpu.memory_space<vmem_shared>>
        %dma_start3A_47 = arith.constant 0 : i32
        %dma_start3A_48 = arith.constant 0 : i32
        %dma_start3A_49 = tpu.memref_slice %arg8[%dma_start3A_47, %dma_start3A_48] : memref<128x128xf32, #tpu.memory_space<vmem>> -> memref<16x128xf32, #tpu.memory_space<vmem>>
        tpu.enqueue_dma source(%dma_start3A_49 : memref<16x128xf32, #tpu.memory_space<vmem>>) target(%dma_start3A_46 : memref<16x128xf32, #tpu.memory_space<vmem_shared>>) target_semaphore(%run_scoped3A : memref<!tpu.dma_semaphore, #tpu.memory_space<semaphore_mem>>)
        %dma_wait3A = arith.constant 0 : i32
        %dma_wait3A_50 = arith.constant 0 : i32
        %dma_wait3A_51 = tpu.memref_slice %arg8[%dma_wait3A, %dma_wait3A_50] : memref<128x128xf32, #tpu.memory_space<vmem>> -> memref<16x128xf32, #tpu.memory_space<vmem>>
        %dma_wait3A_52 = arith.constant 9984 : i32
        %dma_wait3A_53 = arith.constant 0 : i32
        %dma_wait3A_54 = tpu.memref_slice %arg9[%dma_wait3A_52, %dma_wait3A_53] : memref<10016x128xf32, #tpu.memory_space<vmem_shared>> -> memref<16x128xf32, #tpu.memory_space<vmem_shared>>
        %dma_wait3A_55 = arith.constant 9984 : i32
        %dma_wait3A_56 = arith.constant 0 : i32
        %dma_wait3A_57 = tpu.memref_slice %arg9[%dma_wait3A_55, %dma_wait3A_56] : memref<10016x128xf32, #tpu.memory_space<vmem_shared>> -> memref<16x128xf32, #tpu.memory_space<vmem_shared>>
        %dma_wait3A_58 = arith.constant 0 : i32
        %dma_wait3A_59 = arith.constant 0 : i32
        %dma_wait3A_60 = tpu.memref_slice %arg8[%dma_wait3A_58, %dma_wait3A_59] : memref<128x128xf32, #tpu.memory_space<vmem>> -> memref<16x128xf32, #tpu.memory_space<vmem>>
        tpu.wait_dma2 semaphore(%run_scoped3A : memref<!tpu.dma_semaphore, #tpu.memory_space<semaphore_mem>>) src(%dma_wait3A_60 : memref<16x128xf32, #tpu.memory_space<vmem>>) dst(%dma_wait3A_57 : memref<16x128xf32, #tpu.memory_space<vmem_shared>>)
        tpu.yield
      }) : () -> ()
    } else {
    }
    "tpu.region"() ({
      %run_scoped3A = tpu.sem_alloc : memref<!tpu.dma_semaphore, #tpu.memory_space<semaphore_mem>>
      %dma_start3A = arith.constant 0 : i32
      %dma_start3A_39 = arith.constant 0 : i32
      %dma_start3A_40 = tpu.memref_slice %arg3[%add3A, %dma_start3A, %dma_start3A_39] : memref<32x79x128xi32, #tpu.memory_space<hbm>> -> memref<1x79x128xi32, #tpu.memory_space<hbm>>
      %dma_start3A_41 = tpu.memref_squeeze %dma_start3A_40 : memref<1x79x128xi32, #tpu.memory_space<hbm>> -> memref<79x128xi32, #tpu.memory_space<hbm>>
      %dma_start3A_42 = arith.constant 0 : i32
      %dma_start3A_43 = arith.constant 0 : i32
      %dma_start3A_44 = tpu.memref_slice %arg3[%add3A, %dma_start3A_42, %dma_start3A_43] : memref<32x79x128xi32, #tpu.memory_space<hbm>> -> memref<1x79x128xi32, #tpu.memory_space<hbm>>
      %dma_start3A_45 = tpu.memref_squeeze %dma_start3A_44 : memref<1x79x128xi32, #tpu.memory_space<hbm>> -> memref<79x128xi32, #tpu.memory_space<hbm>>
      tpu.enqueue_dma source(%dma_start3A_45 : memref<79x128xi32, #tpu.memory_space<hbm>>) target(%arg6 : memref<79x128xi32, #tpu.memory_space<vmem>>) target_semaphore(%run_scoped3A : memref<!tpu.dma_semaphore, #tpu.memory_space<semaphore_mem>>)
      %dma_wait3A = arith.constant 0 : i32
      %dma_wait3A_46 = arith.constant 0 : i32
      %dma_wait3A_47 = tpu.memref_slice %arg3[%add3A, %dma_wait3A, %dma_wait3A_46] : memref<32x79x128xi32, #tpu.memory_space<hbm>> -> memref<1x79x128xi32, #tpu.memory_space<hbm>>
      %dma_wait3A_48 = tpu.memref_squeeze %dma_wait3A_47 : memref<1x79x128xi32, #tpu.memory_space<hbm>> -> memref<79x128xi32, #tpu.memory_space<hbm>>
      %dma_wait3A_49 = arith.constant 0 : i32
      %dma_wait3A_50 = arith.constant 0 : i32
      %dma_wait3A_51 = tpu.memref_slice %arg3[%add3A, %dma_wait3A_49, %dma_wait3A_50] : memref<32x79x128xi32, #tpu.memory_space<hbm>> -> memref<1x79x128xi32, #tpu.memory_space<hbm>>
      %dma_wait3A_52 = tpu.memref_squeeze %dma_wait3A_51 : memref<1x79x128xi32, #tpu.memory_space<hbm>> -> memref<79x128xi32, #tpu.memory_space<hbm>>
      tpu.wait_dma2 semaphore(%run_scoped3A : memref<!tpu.dma_semaphore, #tpu.memory_space<semaphore_mem>>) src(%dma_wait3A_52 : memref<79x128xi32, #tpu.memory_space<hbm>>) dst(%arg6 : memref<79x128xi32, #tpu.memory_space<vmem>>)
      tpu.yield
    }) : () -> ()
    "tpu.region"() ({
      %run_scoped3A = tpu.sem_alloc : memref<!tpu.dma_semaphore, #tpu.memory_space<semaphore_mem>>
      %dma_start3A = arith.constant 0 : i32
      %dma_start3A_39 = arith.constant 0 : i32
      %dma_start3A_40 = tpu.memref_slice %arg4[%add3A, %dma_start3A, %dma_start3A_39] : memref<32x79x128xi32, #tpu.memory_space<hbm>> -> memref<1x79x128xi32, #tpu.memory_space<hbm>>
      %dma_start3A_41 = tpu.memref_squeeze %dma_start3A_40 : memref<1x79x128xi32, #tpu.memory_space<hbm>> -> memref<79x128xi32, #tpu.memory_space<hbm>>
      %dma_start3A_42 = arith.constant 0 : i32
      %dma_start3A_43 = arith.constant 0 : i32
      %dma_start3A_44 = tpu.memref_slice %arg4[%add3A, %dma_start3A_42, %dma_start3A_43] : memref<32x79x128xi32, #tpu.memory_space<hbm>> -> memref<1x79x128xi32, #tpu.memory_space<hbm>>
      %dma_start3A_45 = tpu.memref_squeeze %dma_start3A_44 : memref<1x79x128xi32, #tpu.memory_space<hbm>> -> memref<79x128xi32, #tpu.memory_space<hbm>>
      tpu.enqueue_dma source(%dma_start3A_45 : memref<79x128xi32, #tpu.memory_space<hbm>>) target(%arg7 : memref<79x128xi32, #tpu.memory_space<vmem>>) target_semaphore(%run_scoped3A : memref<!tpu.dma_semaphore, #tpu.memory_space<semaphore_mem>>)
      %dma_wait3A = arith.constant 0 : i32
      %dma_wait3A_46 = arith.constant 0 : i32
      %dma_wait3A_47 = tpu.memref_slice %arg4[%add3A, %dma_wait3A, %dma_wait3A_46] : memref<32x79x128xi32, #tpu.memory_space<hbm>> -> memref<1x79x128xi32, #tpu.memory_space<hbm>>
      %dma_wait3A_48 = tpu.memref_squeeze %dma_wait3A_47 : memref<1x79x128xi32, #tpu.memory_space<hbm>> -> memref<79x128xi32, #tpu.memory_space<hbm>>
      %dma_wait3A_49 = arith.constant 0 : i32
      %dma_wait3A_50 = arith.constant 0 : i32
      %dma_wait3A_51 = tpu.memref_slice %arg4[%add3A, %dma_wait3A_49, %dma_wait3A_50] : memref<32x79x128xi32, #tpu.memory_space<hbm>> -> memref<1x79x128xi32, #tpu.memory_space<hbm>>
      %dma_wait3A_52 = tpu.memref_squeeze %dma_wait3A_51 : memref<1x79x128xi32, #tpu.memory_space<hbm>> -> memref<79x128xi32, #tpu.memory_space<hbm>>
      tpu.wait_dma2 semaphore(%run_scoped3A : memref<!tpu.dma_semaphore, #tpu.memory_space<semaphore_mem>>) src(%dma_wait3A_52 : memref<79x128xi32, #tpu.memory_space<hbm>>) dst(%arg7 : memref<79x128xi32, #tpu.memory_space<vmem>>)
      tpu.yield
    }) : () -> ()
    %barrier3A = arith.constant 0 : index
    tpu.barrier barrier_id(%barrier3A)
    %scan3A_24 = arith.constant 0 : i32
    %scan3A_25 = arith.constant 0 : i32
    %scan3A_26 = arith.constant 79 : i32
    %scan3A_27 = arith.addi %scan3A_25, %scan3A_26 : i32
    %scan3A_28 = arith.constant 1 : i32
    %scan3A_29 = scf.for %scan3A_39 = %scan3A_25 to %scan3A_27 step %scan3A_28 iter_args(%scan3A_40 = %scan3A_24) -> (i32)  : i32 {
      %dma_start3A = arith.constant 0 : i32
      %dma_start3A_41 = tpu.memref_slice %arg6[%scan3A_39, %dma_start3A] : memref<79x128xi32, #tpu.memory_space<vmem>> -> memref<1x128xi32, #tpu.memory_space<vmem>>
      %dma_start3A_42 = tpu.memref_squeeze %dma_start3A_41 : memref<1x128xi32, #tpu.memory_space<vmem>> -> memref<128xi32, #tpu.memory_space<vmem>>
      %dma_start3A_43 = arith.constant 0 : i32
      %dma_start3A_44 = arith.constant 0 : i32
      %dma_start3A_45 = tpu.memref_slice %arg2[%dma_start3A_43, %dma_start3A_44] : memref<10000x128xf32, #tpu.memory_space<hbm>> -> memref<10000x128xf32, #tpu.memory_space<hbm>>
      tpu.enqueue_indirect_dma source(%dma_start3A_45 : memref<10000x128xf32, #tpu.memory_space<hbm>>) target(%arg8 : memref<128x128xf32, #tpu.memory_space<vmem>>) offsets(%dma_start3A_42 : memref<128xi32, #tpu.memory_space<vmem>>) semaphore(%arg10 : memref<!tpu.dma_semaphore, #tpu.memory_space<semaphore_mem>>)
      %dma_wait3A = arith.constant 0 : i32
      %dma_wait3A_46 = tpu.memref_slice %arg6[%scan3A_39, %dma_wait3A] : memref<79x128xi32, #tpu.memory_space<vmem>> -> memref<1x128xi32, #tpu.memory_space<vmem>>
      %dma_wait3A_47 = tpu.memref_squeeze %dma_wait3A_46 : memref<1x128xi32, #tpu.memory_space<vmem>> -> memref<128xi32, #tpu.memory_space<vmem>>
      %dma_wait3A_48 = arith.constant 0 : i32
      %dma_wait3A_49 = arith.constant 0 : i32
      %dma_wait3A_50 = tpu.memref_slice %arg2[%dma_wait3A_48, %dma_wait3A_49] : memref<10000x128xf32, #tpu.memory_space<hbm>> -> memref<10000x128xf32, #tpu.memory_space<hbm>>
      tpu.wait_indirect_dma semaphore(%arg10 : memref<!tpu.dma_semaphore, #tpu.memory_space<semaphore_mem>>) src(%dma_wait3A_50 : memref<10000x128xf32, #tpu.memory_space<hbm>>) dst(%arg8 : memref<128x128xf32, #tpu.memory_space<vmem>>)
      "tpu.region"() ({
        %run_scoped3A = tpu.sem_alloc : memref<!tpu.dma_semaphore, #tpu.memory_space<semaphore_mem>>
        %dma_start3A_52 = arith.constant 0 : i32
        %dma_start3A_53 = tpu.memref_slice %arg7[%scan3A_39, %dma_start3A_52] : memref<79x128xi32, #tpu.memory_space<vmem>> -> memref<1x128xi32, #tpu.memory_space<vmem>>
        %dma_start3A_54 = tpu.memref_squeeze %dma_start3A_53 : memref<1x128xi32, #tpu.memory_space<vmem>> -> memref<128xi32, #tpu.memory_space<vmem>>
        %dma_start3A_55 = arith.constant 0 : i32
        %dma_start3A_56 = arith.constant 0 : i32
        %dma_start3A_57 = tpu.memref_slice %arg9[%dma_start3A_55, %dma_start3A_56] : memref<10016x128xf32, #tpu.memory_space<vmem_shared>> -> memref<10016x128xf32, #tpu.memory_space<vmem_shared>>
        tpu.enqueue_indirect_dma source(%arg8 : memref<128x128xf32, #tpu.memory_space<vmem>>) target(%dma_start3A_57 : memref<10016x128xf32, #tpu.memory_space<vmem_shared>>) offsets(%dma_start3A_54 : memref<128xi32, #tpu.memory_space<vmem>>) semaphore(%run_scoped3A : memref<!tpu.dma_semaphore, #tpu.memory_space<semaphore_mem>>) {add = true}
        %dma_wait3A_58 = arith.constant 0 : i32
        %dma_wait3A_59 = tpu.memref_slice %arg7[%scan3A_39, %dma_wait3A_58] : memref<79x128xi32, #tpu.memory_space<vmem>> -> memref<1x128xi32, #tpu.memory_space<vmem>>
        %dma_wait3A_60 = tpu.memref_squeeze %dma_wait3A_59 : memref<1x128xi32, #tpu.memory_space<vmem>> -> memref<128xi32, #tpu.memory_space<vmem>>
        %dma_wait3A_61 = arith.constant 0 : i32
        %dma_wait3A_62 = arith.constant 0 : i32
        %dma_wait3A_63 = tpu.memref_slice %arg9[%dma_wait3A_61, %dma_wait3A_62] : memref<10016x128xf32, #tpu.memory_space<vmem_shared>> -> memref<10016x128xf32, #tpu.memory_space<vmem_shared>>
        tpu.wait_indirect_dma semaphore(%run_scoped3A : memref<!tpu.dma_semaphore, #tpu.memory_space<semaphore_mem>>) src(%arg8 : memref<128x128xf32, #tpu.memory_space<vmem>>) dst(%dma_wait3A_63 : memref<10016x128xf32, #tpu.memory_space<vmem_shared>>)
        tpu.yield
      }) : () -> ()
      %scan3A_51 = arith.constant 0 : i32
      scf.yield %scan3A_51 : i32
    }
    %scan3A_30 = arith.constant 79 : i32
    %barrier3A_31 = arith.constant 0 : index
    tpu.barrier barrier_id(%barrier3A_31)
    %mul3A_32 = arith.constant 624 : i32
    %mul3A_33 = arith.muli %arg1, %mul3A_32 : i32
    "tpu.region"() ({
      %run_scoped3A = tpu.sem_alloc : memref<!tpu.dma_semaphore, #tpu.memory_space<semaphore_mem>>
      %dma_start3A = arith.constant 0 : i32
      %dma_start3A_39 = tpu.memref_slice %arg5[%arg0, %mul3A_33, %dma_start3A] : memref<2x10000x128xf32, #tpu.memory_space<hbm>> -> memref<1x624x128xf32, #tpu.memory_space<hbm>>
      %dma_start3A_40 = tpu.memref_squeeze %dma_start3A_39 : memref<1x624x128xf32, #tpu.memory_space<hbm>> -> memref<624x128xf32, #tpu.memory_space<hbm>>
      %dma_start3A_41 = arith.constant 0 : i32
      %dma_start3A_42 = tpu.memref_slice %arg9[%mul3A_33, %dma_start3A_41] : memref<10016x128xf32, #tpu.memory_space<vmem_shared>> -> memref<624x128xf32, #tpu.memory_space<vmem_shared>>
      tpu.enqueue_dma source(%dma_start3A_42 : memref<624x128xf32, #tpu.memory_space<vmem_shared>>) target(%dma_start3A_40 : memref<624x128xf32, #tpu.memory_space<hbm>>) target_semaphore(%run_scoped3A : memref<!tpu.dma_semaphore, #tpu.memory_space<semaphore_mem>>)
      %dma_wait3A = arith.constant 0 : i32
      %dma_wait3A_43 = tpu.memref_slice %arg5[%arg0, %mul3A_33, %dma_wait3A] : memref<2x10000x128xf32, #tpu.memory_space<hbm>> -> memref<1x624x128xf32, #tpu.memory_space<hbm>>
      %dma_wait3A_44 = tpu.memref_squeeze %dma_wait3A_43 : memref<1x624x128xf32, #tpu.memory_space<hbm>> -> memref<624x128xf32, #tpu.memory_space<hbm>>
      %dma_wait3A_45 = arith.constant 0 : i32
      %dma_wait3A_46 = tpu.memref_slice %arg9[%mul3A_33, %dma_wait3A_45] : memref<10016x128xf32, #tpu.memory_space<vmem_shared>> -> memref<624x128xf32, #tpu.memory_space<vmem_shared>>
      tpu.wait_dma2 semaphore(%run_scoped3A : memref<!tpu.dma_semaphore, #tpu.memory_space<semaphore_mem>>) src(%dma_wait3A_46 : memref<624x128xf32, #tpu.memory_space<vmem_shared>>) dst(%dma_wait3A_44 : memref<624x128xf32, #tpu.memory_space<hbm>>)
      tpu.yield
    }) : () -> ()
    %eq3A_34 = arith.constant 15 : i32
    %eq3A_35 = arith.cmpi eq, %arg1, %eq3A_34 : i32
    %convert_element_type3A_36 = arith.extui %eq3A_35 : i1 to i32
    %cond3A_37 = arith.constant 0 : i32
    %cond3A_38 = arith.cmpi ne, %convert_element_type3A_36, %cond3A_37 : i32
    scf.if %cond3A_38 {
      "tpu.region"() ({
        %run_scoped3A = tpu.sem_alloc : memref<!tpu.dma_semaphore, #tpu.memory_space<semaphore_mem>>
        %dma_start3A = arith.constant 9984 : i32
        %dma_start3A_39 = arith.constant 0 : i32
        %dma_start3A_40 = tpu.memref_slice %arg5[%arg0, %dma_start3A, %dma_start3A_39] : memref<2x10000x128xf32, #tpu.memory_space<hbm>> -> memref<1x16x128xf32, #tpu.memory_space<hbm>>
        %dma_start3A_41 = tpu.memref_squeeze %dma_start3A_40 : memref<1x16x128xf32, #tpu.memory_space<hbm>> -> memref<16x128xf32, #tpu.memory_space<hbm>>
        %dma_start3A_42 = arith.constant 9984 : i32
        %dma_start3A_43 = arith.constant 0 : i32
        %dma_start3A_44 = tpu.memref_slice %arg9[%dma_start3A_42, %dma_start3A_43] : memref<10016x128xf32, #tpu.memory_space<vmem_shared>> -> memref<16x128xf32, #tpu.memory_space<vmem_shared>>
        tpu.enqueue_dma source(%dma_start3A_44 : memref<16x128xf32, #tpu.memory_space<vmem_shared>>) target(%dma_start3A_41 : memref<16x128xf32, #tpu.memory_space<hbm>>) target_semaphore(%run_scoped3A : memref<!tpu.dma_semaphore, #tpu.memory_space<semaphore_mem>>)
        %dma_wait3A = arith.constant 9984 : i32
        %dma_wait3A_45 = arith.constant 0 : i32
        %dma_wait3A_46 = tpu.memref_slice %arg5[%arg0, %dma_wait3A, %dma_wait3A_45] : memref<2x10000x128xf32, #tpu.memory_space<hbm>> -> memref<1x16x128xf32, #tpu.memory_space<hbm>>
        %dma_wait3A_47 = tpu.memref_squeeze %dma_wait3A_46 : memref<1x16x128xf32, #tpu.memory_space<hbm>> -> memref<16x128xf32, #tpu.memory_space<hbm>>
        %dma_wait3A_48 = arith.constant 9984 : i32
        %dma_wait3A_49 = arith.constant 0 : i32
        %dma_wait3A_50 = tpu.memref_slice %arg9[%dma_wait3A_48, %dma_wait3A_49] : memref<10016x128xf32, #tpu.memory_space<vmem_shared>> -> memref<16x128xf32, #tpu.memory_space<vmem_shared>>
        tpu.wait_dma2 semaphore(%run_scoped3A : memref<!tpu.dma_semaphore, #tpu.memory_space<semaphore_mem>>) src(%dma_wait3A_50 : memref<16x128xf32, #tpu.memory_space<vmem_shared>>) dst(%dma_wait3A_47 : memref<16x128xf32, #tpu.memory_space<hbm>>)
        tpu.yield
      }) : () -> ()
    } else {
    }
    return
  }
}

#map = affine_map<(d0, d1) -> (0, 0)>
#map1 = affine_map<(d0, d1) -> (0, 0, 0)>
module attributes {stable_mosaic.version = 14 : i64} {
  func.func @k(%arg0: i32, %arg1: i32, %arg2: memref<10000x128xf32, #tpu.memory_space<hbm>>, %arg3: memref<32x79x128xi32, #tpu.memory_space<hbm>>, %arg4: memref<32x79x128xi32, #tpu.memory_space<hbm>>, %arg5: memref<2x10000x128xf32, #tpu.memory_space<hbm>>, %arg6: memref<79x128xi32, #tpu.memory_space<vmem>>, %arg7: memref<79x128xi32, #tpu.memory_space<vmem>>, %arg8: memref<128x128xf32, #tpu.memory_space<vmem>>, %arg9: memref<10016x128xf32, #tpu.memory_space<vmem_shared>>, %arg10: memref<!tpu.dma_semaphore, #tpu.memory_space<semaphore_mem>>) attributes {dimension_semantics = [#tpu.dimension_semantics<core_parallel>, #tpu.dimension_semantics<subcore_parallel>], iteration_bounds = array<i64: 2, 16>, scalar_prefetch = 0 : i64, scratch_operands = 5 : i64, tpu.core_type = #tpu.core_type<sc_vector_subcore>, window_params = [{transform_indices = #map}, {transform_indices = #map1}, {transform_indices = #map1}, {transform_indices = #map1}]} {
    %mul3A = arith.constant 16 : i32
    %mul3A_0 = arith.muli %arg0, %mul3A : i32
    %add3A = arith.addi %mul3A_0, %arg1 : i32
    %broadcast_in_dim3A = arith.constant 0.000000e+00 : f32
    %broadcast_in_dim3A_1 = vector.broadcast %broadcast_in_dim3A : f32 to vector<16xf32>
    %scan3A = arith.constant 0 : i32
    %scan3A_2 = arith.constant 0 : i32
    %scan3A_3 = arith.constant 128 : i32
    %scan3A_4 = arith.addi %scan3A_2, %scan3A_3 : i32
    %scan3A_5 = arith.constant 1 : i32
    %scan3A_6 = scf.for %scan3A_39 = %scan3A_2 to %scan3A_4 step %scan3A_5 iter_args(%scan3A_40 = %scan3A) -> (i32)  : i32 {
      %swap3A = arith.index_cast %scan3A_39 : i32 to index
      %swap3A_41 = arith.constant 0 : index
      %swap3A_42 = tpu.vector_load %arg8[%swap3A, %swap3A_41] {strides = array<i32>} : memref<128x128xf32, #tpu.memory_space<vmem>>, vector<1x16xf32>,
      %swap3A_43 = vector.shape_cast %swap3A_42 : vector<1x16xf32> to vector<16xf32>
      %swap3A_44 = vector.shape_cast %broadcast_in_dim3A_1 : vector<16xf32> to vector<1x16xf32>
      tpu.vector_store %arg8[%swap3A, %swap3A_41], %swap3A_44 {strides = array<i32>} : memref<128x128xf32, #tpu.memory_space<vmem>>, vector<1x16xf32>,
      %swap3A_45 = arith.index_cast %scan3A_39 : i32 to index
      %swap3A_46 = arith.constant 16 : index
      %swap3A_47 = tpu.vector_load %arg8[%swap3A_45, %swap3A_46] {strides = array<i32>} : memref<128x128xf32, #tpu.memory_space<vmem>>, vector<1x16xf32>,
      %swap3A_48 = vector.shape_cast %swap3A_47 : vector<1x16xf32> to vector<16xf32>
      %swap3A_49 = vector.shape_cast %broadcast_in_dim3A_1 : vector<16xf32> to vector<1x16xf32>
      tpu.vector_store %arg8[%swap3A_45, %swap3A_46], %swap3A_49 {strides = array<i32>} : memref<128x128xf32, #tpu.memory_space<vmem>>, vector<1x16xf32>,
      %swap3A_50 = arith.index_cast %scan3A_39 : i32 to index
      %swap3A_51 = arith.constant 32 : index
      %swap3A_52 = tpu.vector_load %arg8[%swap3A_50, %swap3A_51] {strides = array<i32>} : memref<128x128xf32, #tpu.memory_space<vmem>>, vector<1x16xf32>,
      %swap3A_53 = vector.shape_cast %swap3A_52 : vector<1x16xf32> to vector<16xf32>
      %swap3A_54 = vector.shape_cast %broadcast_in_dim3A_1 : vector<16xf32> to vector<1x16xf32>
      tpu.vector_store %arg8[%swap3A_50, %swap3A_51], %swap3A_54 {strides = array<i32>} : memref<128x128xf32, #tpu.memory_space<vmem>>, vector<1x16xf32>,
      %swap3A_55 = arith.index_cast %scan3A_39 : i32 to index
      %swap3A_56 = arith.constant 48 : index
      %swap3A_57 = tpu.vector_load %arg8[%swap3A_55, %swap3A_56] {strides = array<i32>} : memref<128x128xf32, #tpu.memory_space<vmem>>, vector<1x16xf32>,
      %swap3A_58 = vector.shape_cast %swap3A_57 : vector<1x16xf32> to vector<16xf32>
      %swap3A_59 = vector.shape_cast %broadcast_in_dim3A_1 : vector<16xf32> to vector<1x16xf32>
      tpu.vector_store %arg8[%swap3A_55, %swap3A_56], %swap3A_59 {strides = array<i32>} : memref<128x128xf32, #tpu.memory_space<vmem>>, vector<1x16xf32>,
      %swap3A_60 = arith.index_cast %scan3A_39 : i32 to index
      %swap3A_61 = arith.constant 64 : index
      %swap3A_62 = tpu.vector_load %arg8[%swap3A_60, %swap3A_61] {strides = array<i32>} : memref<128x128xf32, #tpu.memory_space<vmem>>, vector<1x16xf32>,
      %swap3A_63 = vector.shape_cast %swap3A_62 : vector<1x16xf32> to vector<16xf32>
      %swap3A_64 = vector.shape_cast %broadcast_in_dim3A_1 : vector<16xf32> to vector<1x16xf32>
      tpu.vector_store %arg8[%swap3A_60, %swap3A_61], %swap3A_64 {strides = array<i32>} : memref<128x128xf32, #tpu.memory_space<vmem>>, vector<1x16xf32>,
      %swap3A_65 = arith.index_cast %scan3A_39 : i32 to index
      %swap3A_66 = arith.constant 80 : index
      %swap3A_67 = tpu.vector_load %arg8[%swap3A_65, %swap3A_66] {strides = array<i32>} : memref<128x128xf32, #tpu.memory_space<vmem>>, vector<1x16xf32>,
      %swap3A_68 = vector.shape_cast %swap3A_67 : vector<1x16xf32> to vector<16xf32>
      %swap3A_69 = vector.shape_cast %broadcast_in_dim3A_1 : vector<16xf32> to vector<1x16xf32>
      tpu.vector_store %arg8[%swap3A_65, %swap3A_66], %swap3A_69 {strides = array<i32>} : memref<128x128xf32, #tpu.memory_space<vmem>>, vector<1x16xf32>,
      %swap3A_70 = arith.index_cast %scan3A_39 : i32 to index
      %swap3A_71 = arith.constant 96 : index
      %swap3A_72 = tpu.vector_load %arg8[%swap3A_70, %swap3A_71] {strides = array<i32>} : memref<128x128xf32, #tpu.memory_space<vmem>>, vector<1x16xf32>,
      %swap3A_73 = vector.shape_cast %swap3A_72 : vector<1x16xf32> to vector<16xf32>
      %swap3A_74 = vector.shape_cast %broadcast_in_dim3A_1 : vector<16xf32> to vector<1x16xf32>
      tpu.vector_store %arg8[%swap3A_70, %swap3A_71], %swap3A_74 {strides = array<i32>} : memref<128x128xf32, #tpu.memory_space<vmem>>, vector<1x16xf32>,
      %swap3A_75 = arith.index_cast %scan3A_39 : i32 to index
      %swap3A_76 = arith.constant 112 : index
      %swap3A_77 = tpu.vector_load %arg8[%swap3A_75, %swap3A_76] {strides = array<i32>} : memref<128x128xf32, #tpu.memory_space<vmem>>, vector<1x16xf32>,
      %swap3A_78 = vector.shape_cast %swap3A_77 : vector<1x16xf32> to vector<16xf32>
      %swap3A_79 = vector.shape_cast %broadcast_in_dim3A_1 : vector<16xf32> to vector<1x16xf32>
      tpu.vector_store %arg8[%swap3A_75, %swap3A_76], %swap3A_79 {strides = array<i32>} : memref<128x128xf32, #tpu.memory_space<vmem>>, vector<1x16xf32>,
      %scan3A_80 = arith.constant 0 : i32
      scf.yield %scan3A_80 : i32
    }
    %scan3A_7 = arith.constant 128 : i32
    %mul3A_8 = arith.constant 624 : i32
    %mul3A_9 = arith.muli %arg1, %mul3A_8 : i32
    %add3A_10 = arith.constant 0 : i32
    %add3A_11 = arith.addi %mul3A_9, %add3A_10 : i32
    "tpu.region"() ({
      %run_scoped3A = tpu.sem_alloc : memref<!tpu.dma_semaphore, #tpu.memory_space<semaphore_mem>>
      %dma_start3A = arith.constant 0 : i32
      %dma_start3A_39 = arith.constant 0 : i32
      %dma_start3A_40 = tpu.memref_slice %arg8[%dma_start3A, %dma_start3A_39] : memref<128x128xf32, #tpu.memory_space<vmem>> -> memref<104x128xf32, #tpu.memory_space<vmem>>
      %dma_start3A_41 = arith.constant 0 : i32
      %dma_start3A_42 = tpu.memref_slice %arg9[%add3A_11, %dma_start3A_41] : memref<10016x128xf32, #tpu.memory_space<vmem_shared>> -> memref<104x128xf32, #tpu.memory_space<vmem_shared>>
      %dma_start3A_43 = arith.constant 0 : i32
      %dma_start3A_44 = tpu.memref_slice %arg9[%add3A_11, %dma_start3A_43] : memref<10016x128xf32, #tpu.memory_space<vmem_shared>> -> memref<104x128xf32, #tpu.memory_space<vmem_shared>>
      %dma_start3A_45 = arith.constant 0 : i32
      %dma_start3A_46 = arith.constant 0 : i32
      %dma_start3A_47 = tpu.memref_slice %arg8[%dma_start3A_45, %dma_start3A_46] : memref<128x128xf32, #tpu.memory_space<vmem>> -> memref<104x128xf32, #tpu.memory_space<vmem>>
      tpu.enqueue_dma source(%dma_start3A_47 : memref<104x128xf32, #tpu.memory_space<vmem>>) target(%dma_start3A_44 : memref<104x128xf32, #tpu.memory_space<vmem_shared>>) target_semaphore(%run_scoped3A : memref<!tpu.dma_semaphore, #tpu.memory_space<semaphore_mem>>)
      %dma_wait3A = arith.constant 0 : i32
      %dma_wait3A_48 = arith.constant 0 : i32
      %dma_wait3A_49 = tpu.memref_slice %arg8[%dma_wait3A, %dma_wait3A_48] : memref<128x128xf32, #tpu.memory_space<vmem>> -> memref<104x128xf32, #tpu.memory_space<vmem>>
      %dma_wait3A_50 = arith.constant 0 : i32
      %dma_wait3A_51 = tpu.memref_slice %arg9[%add3A_11, %dma_wait3A_50] : memref<10016x128xf32, #tpu.memory_space<vmem_shared>> -> memref<104x128xf32, #tpu.memory_space<vmem_shared>>
      %dma_wait3A_52 = arith.constant 0 : i32
      %dma_wait3A_53 = tpu.memref_slice %arg9[%add3A_11, %dma_wait3A_52] : memref<10016x128xf32, #tpu.memory_space<vmem_shared>> -> memref<104x128xf32, #tpu.memory_space<vmem_shared>>
      %dma_wait3A_54 = arith.constant 0 : i32
      %dma_wait3A_55 = arith.constant 0 : i32
      %dma_wait3A_56 = tpu.memref_slice %arg8[%dma_wait3A_54, %dma_wait3A_55] : memref<128x128xf32, #tpu.memory_space<vmem>> -> memref<104x128xf32, #tpu.memory_space<vmem>>
      tpu.wait_dma2 semaphore(%run_scoped3A : memref<!tpu.dma_semaphore, #tpu.memory_space<semaphore_mem>>) src(%dma_wait3A_56 : memref<104x128xf32, #tpu.memory_space<vmem>>) dst(%dma_wait3A_53 : memref<104x128xf32, #tpu.memory_space<vmem_shared>>)
      tpu.yield
    }) : () -> ()
    %add3A_12 = arith.constant 104 : i32
    %add3A_13 = arith.addi %mul3A_9, %add3A_12 : i32
    "tpu.region"() ({
      %run_scoped3A = tpu.sem_alloc : memref<!tpu.dma_semaphore, #tpu.memory_space<semaphore_mem>>
      %dma_start3A = arith.constant 0 : i32
      %dma_start3A_39 = arith.constant 0 : i32
      %dma_start3A_40 = tpu.memref_slice %arg8[%dma_start3A, %dma_start3A_39] : memref<128x128xf32, #tpu.memory_space<vmem>> -> memref<104x128xf32, #tpu.memory_space<vmem>>
      %dma_start3A_41 = arith.constant 0 : i32
      %dma_start3A_42 = tpu.memref_slice %arg9[%add3A_13, %dma_start3A_41] : memref<10016x128xf32, #tpu.memory_space<vmem_shared>> -> memref<104x128xf32, #tpu.memory_space<vmem_shared>>
      %dma_start3A_43 = arith.constant 0 : i32
      %dma_start3A_44 = tpu.memref_slice %arg9[%add3A_13, %dma_start3A_43] : memref<10016x128xf32, #tpu.memory_space<vmem_shared>> -> memref<104x128xf32, #tpu.memory_space<vmem_shared>>
      %dma_start3A_45 = arith.constant 0 : i32
      %dma_start3A_46 = arith.constant 0 : i32
      %dma_start3A_47 = tpu.memref_slice %arg8[%dma_start3A_45, %dma_start3A_46] : memref<128x128xf32, #tpu.memory_space<vmem>> -> memref<104x128xf32, #tpu.memory_space<vmem>>
      tpu.enqueue_dma source(%dma_start3A_47 : memref<104x128xf32, #tpu.memory_space<vmem>>) target(%dma_start3A_44 : memref<104x128xf32, #tpu.memory_space<vmem_shared>>) target_semaphore(%run_scoped3A : memref<!tpu.dma_semaphore, #tpu.memory_space<semaphore_mem>>)
      %dma_wait3A = arith.constant 0 : i32
      %dma_wait3A_48 = arith.constant 0 : i32
      %dma_wait3A_49 = tpu.memref_slice %arg8[%dma_wait3A, %dma_wait3A_48] : memref<128x128xf32, #tpu.memory_space<vmem>> -> memref<104x128xf32, #tpu.memory_space<vmem>>
      %dma_wait3A_50 = arith.constant 0 : i32
      %dma_wait3A_51 = tpu.memref_slice %arg9[%add3A_13, %dma_wait3A_50] : memref<10016x128xf32, #tpu.memory_space<vmem_shared>> -> memref<104x128xf32, #tpu.memory_space<vmem_shared>>
      %dma_wait3A_52 = arith.constant 0 : i32
      %dma_wait3A_53 = tpu.memref_slice %arg9[%add3A_13, %dma_wait3A_52] : memref<10016x128xf32, #tpu.memory_space<vmem_shared>> -> memref<104x128xf32, #tpu.memory_space<vmem_shared>>
      %dma_wait3A_54 = arith.constant 0 : i32
      %dma_wait3A_55 = arith.constant 0 : i32
      %dma_wait3A_56 = tpu.memref_slice %arg8[%dma_wait3A_54, %dma_wait3A_55] : memref<128x128xf32, #tpu.memory_space<vmem>> -> memref<104x128xf32, #tpu.memory_space<vmem>>
      tpu.wait_dma2 semaphore(%run_scoped3A : memref<!tpu.dma_semaphore, #tpu.memory_space<semaphore_mem>>) src(%dma_wait3A_56 : memref<104x128xf32, #tpu.memory_space<vmem>>) dst(%dma_wait3A_53 : memref<104x128xf32, #tpu.memory_space<vmem_shared>>)
      tpu.yield
    }) : () -> ()
    %add3A_14 = arith.constant 208 : i32
    %add3A_15 = arith.addi %mul3A_9, %add3A_14 : i32
    "tpu.region"() ({
      %run_scoped3A = tpu.sem_alloc : memref<!tpu.dma_semaphore, #tpu.memory_space<semaphore_mem>>
      %dma_start3A = arith.constant 0 : i32
      %dma_start3A_39 = arith.constant 0 : i32
      %dma_start3A_40 = tpu.memref_slice %arg8[%dma_start3A, %dma_start3A_39] : memref<128x128xf32, #tpu.memory_space<vmem>> -> memref<104x128xf32, #tpu.memory_space<vmem>>
      %dma_start3A_41 = arith.constant 0 : i32
      %dma_start3A_42 = tpu.memref_slice %arg9[%add3A_15, %dma_start3A_41] : memref<10016x128xf32, #tpu.memory_space<vmem_shared>> -> memref<104x128xf32, #tpu.memory_space<vmem_shared>>
      %dma_start3A_43 = arith.constant 0 : i32
      %dma_start3A_44 = tpu.memref_slice %arg9[%add3A_15, %dma_start3A_43] : memref<10016x128xf32, #tpu.memory_space<vmem_shared>> -> memref<104x128xf32, #tpu.memory_space<vmem_shared>>
      %dma_start3A_45 = arith.constant 0 : i32
      %dma_start3A_46 = arith.constant 0 : i32
      %dma_start3A_47 = tpu.memref_slice %arg8[%dma_start3A_45, %dma_start3A_46] : memref<128x128xf32, #tpu.memory_space<vmem>> -> memref<104x128xf32, #tpu.memory_space<vmem>>
      tpu.enqueue_dma source(%dma_start3A_47 : memref<104x128xf32, #tpu.memory_space<vmem>>) target(%dma_start3A_44 : memref<104x128xf32, #tpu.memory_space<vmem_shared>>) target_semaphore(%run_scoped3A : memref<!tpu.dma_semaphore, #tpu.memory_space<semaphore_mem>>)
      %dma_wait3A = arith.constant 0 : i32
      %dma_wait3A_48 = arith.constant 0 : i32
      %dma_wait3A_49 = tpu.memref_slice %arg8[%dma_wait3A, %dma_wait3A_48] : memref<128x128xf32, #tpu.memory_space<vmem>> -> memref<104x128xf32, #tpu.memory_space<vmem>>
      %dma_wait3A_50 = arith.constant 0 : i32
      %dma_wait3A_51 = tpu.memref_slice %arg9[%add3A_15, %dma_wait3A_50] : memref<10016x128xf32, #tpu.memory_space<vmem_shared>> -> memref<104x128xf32, #tpu.memory_space<vmem_shared>>
      %dma_wait3A_52 = arith.constant 0 : i32
      %dma_wait3A_53 = tpu.memref_slice %arg9[%add3A_15, %dma_wait3A_52] : memref<10016x128xf32, #tpu.memory_space<vmem_shared>> -> memref<104x128xf32, #tpu.memory_space<vmem_shared>>
      %dma_wait3A_54 = arith.constant 0 : i32
      %dma_wait3A_55 = arith.constant 0 : i32
      %dma_wait3A_56 = tpu.memref_slice %arg8[%dma_wait3A_54, %dma_wait3A_55] : memref<128x128xf32, #tpu.memory_space<vmem>> -> memref<104x128xf32, #tpu.memory_space<vmem>>
      tpu.wait_dma2 semaphore(%run_scoped3A : memref<!tpu.dma_semaphore, #tpu.memory_space<semaphore_mem>>) src(%dma_wait3A_56 : memref<104x128xf32, #tpu.memory_space<vmem>>) dst(%dma_wait3A_53 : memref<104x128xf32, #tpu.memory_space<vmem_shared>>)
      tpu.yield
    }) : () -> ()
    %add3A_16 = arith.constant 312 : i32
    %add3A_17 = arith.addi %mul3A_9, %add3A_16 : i32
    "tpu.region"() ({
      %run_scoped3A = tpu.sem_alloc : memref<!tpu.dma_semaphore, #tpu.memory_space<semaphore_mem>>
      %dma_start3A = arith.constant 0 : i32
      %dma_start3A_39 = arith.constant 0 : i32
      %dma_start3A_40 = tpu.memref_slice %arg8[%dma_start3A, %dma_start3A_39] : memref<128x128xf32, #tpu.memory_space<vmem>> -> memref<104x128xf32, #tpu.memory_space<vmem>>
      %dma_start3A_41 = arith.constant 0 : i32
      %dma_start3A_42 = tpu.memref_slice %arg9[%add3A_17, %dma_start3A_41] : memref<10016x128xf32, #tpu.memory_space<vmem_shared>> -> memref<104x128xf32, #tpu.memory_space<vmem_shared>>
      %dma_start3A_43 = arith.constant 0 : i32
      %dma_start3A_44 = tpu.memref_slice %arg9[%add3A_17, %dma_start3A_43] : memref<10016x128xf32, #tpu.memory_space<vmem_shared>> -> memref<104x128xf32, #tpu.memory_space<vmem_shared>>
      %dma_start3A_45 = arith.constant 0 : i32
      %dma_start3A_46 = arith.constant 0 : i32
      %dma_start3A_47 = tpu.memref_slice %arg8[%dma_start3A_45, %dma_start3A_46] : memref<128x128xf32, #tpu.memory_space<vmem>> -> memref<104x128xf32, #tpu.memory_space<vmem>>
      tpu.enqueue_dma source(%dma_start3A_47 : memref<104x128xf32, #tpu.memory_space<vmem>>) target(%dma_start3A_44 : memref<104x128xf32, #tpu.memory_space<vmem_shared>>) target_semaphore(%run_scoped3A : memref<!tpu.dma_semaphore, #tpu.memory_space<semaphore_mem>>)
      %dma_wait3A = arith.constant 0 : i32
      %dma_wait3A_48 = arith.constant 0 : i32
      %dma_wait3A_49 = tpu.memref_slice %arg8[%dma_wait3A, %dma_wait3A_48] : memref<128x128xf32, #tpu.memory_space<vmem>> -> memref<104x128xf32, #tpu.memory_space<vmem>>
      %dma_wait3A_50 = arith.constant 0 : i32
      %dma_wait3A_51 = tpu.memref_slice %arg9[%add3A_17, %dma_wait3A_50] : memref<10016x128xf32, #tpu.memory_space<vmem_shared>> -> memref<104x128xf32, #tpu.memory_space<vmem_shared>>
      %dma_wait3A_52 = arith.constant 0 : i32
      %dma_wait3A_53 = tpu.memref_slice %arg9[%add3A_17, %dma_wait3A_52] : memref<10016x128xf32, #tpu.memory_space<vmem_shared>> -> memref<104x128xf32, #tpu.memory_space<vmem_shared>>
      %dma_wait3A_54 = arith.constant 0 : i32
      %dma_wait3A_55 = arith.constant 0 : i32
      %dma_wait3A_56 = tpu.memref_slice %arg8[%dma_wait3A_54, %dma_wait3A_55] : memref<128x128xf32, #tpu.memory_space<vmem>> -> memref<104x128xf32, #tpu.memory_space<vmem>>
      tpu.wait_dma2 semaphore(%run_scoped3A : memref<!tpu.dma_semaphore, #tpu.memory_space<semaphore_mem>>) src(%dma_wait3A_56 : memref<104x128xf32, #tpu.memory_space<vmem>>) dst(%dma_wait3A_53 : memref<104x128xf32, #tpu.memory_space<vmem_shared>>)
      tpu.yield
    }) : () -> ()
    %add3A_18 = arith.constant 416 : i32
    %add3A_19 = arith.addi %mul3A_9, %add3A_18 : i32
    "tpu.region"() ({
      %run_scoped3A = tpu.sem_alloc : memref<!tpu.dma_semaphore, #tpu.memory_space<semaphore_mem>>
      %dma_start3A = arith.constant 0 : i32
      %dma_start3A_39 = arith.constant 0 : i32
      %dma_start3A_40 = tpu.memref_slice %arg8[%dma_start3A, %dma_start3A_39] : memref<128x128xf32, #tpu.memory_space<vmem>> -> memref<104x128xf32, #tpu.memory_space<vmem>>
      %dma_start3A_41 = arith.constant 0 : i32
      %dma_start3A_42 = tpu.memref_slice %arg9[%add3A_19, %dma_start3A_41] : memref<10016x128xf32, #tpu.memory_space<vmem_shared>> -> memref<104x128xf32, #tpu.memory_space<vmem_shared>>
      %dma_start3A_43 = arith.constant 0 : i32
      %dma_start3A_44 = tpu.memref_slice %arg9[%add3A_19, %dma_start3A_43] : memref<10016x128xf32, #tpu.memory_space<vmem_shared>> -> memref<104x128xf32, #tpu.memory_space<vmem_shared>>
      %dma_start3A_45 = arith.constant 0 : i32
      %dma_start3A_46 = arith.constant 0 : i32
      %dma_start3A_47 = tpu.memref_slice %arg8[%dma_start3A_45, %dma_start3A_46] : memref<128x128xf32, #tpu.memory_space<vmem>> -> memref<104x128xf32, #tpu.memory_space<vmem>>
      tpu.enqueue_dma source(%dma_start3A_47 : memref<104x128xf32, #tpu.memory_space<vmem>>) target(%dma_start3A_44 : memref<104x128xf32, #tpu.memory_space<vmem_shared>>) target_semaphore(%run_scoped3A : memref<!tpu.dma_semaphore, #tpu.memory_space<semaphore_mem>>)
      %dma_wait3A = arith.constant 0 : i32
      %dma_wait3A_48 = arith.constant 0 : i32
      %dma_wait3A_49 = tpu.memref_slice %arg8[%dma_wait3A, %dma_wait3A_48] : memref<128x128xf32, #tpu.memory_space<vmem>> -> memref<104x128xf32, #tpu.memory_space<vmem>>
      %dma_wait3A_50 = arith.constant 0 : i32
      %dma_wait3A_51 = tpu.memref_slice %arg9[%add3A_19, %dma_wait3A_50] : memref<10016x128xf32, #tpu.memory_space<vmem_shared>> -> memref<104x128xf32, #tpu.memory_space<vmem_shared>>
      %dma_wait3A_52 = arith.constant 0 : i32
      %dma_wait3A_53 = tpu.memref_slice %arg9[%add3A_19, %dma_wait3A_52] : memref<10016x128xf32, #tpu.memory_space<vmem_shared>> -> memref<104x128xf32, #tpu.memory_space<vmem_shared>>
      %dma_wait3A_54 = arith.constant 0 : i32
      %dma_wait3A_55 = arith.constant 0 : i32
      %dma_wait3A_56 = tpu.memref_slice %arg8[%dma_wait3A_54, %dma_wait3A_55] : memref<128x128xf32, #tpu.memory_space<vmem>> -> memref<104x128xf32, #tpu.memory_space<vmem>>
      tpu.wait_dma2 semaphore(%run_scoped3A : memref<!tpu.dma_semaphore, #tpu.memory_space<semaphore_mem>>) src(%dma_wait3A_56 : memref<104x128xf32, #tpu.memory_space<vmem>>) dst(%dma_wait3A_53 : memref<104x128xf32, #tpu.memory_space<vmem_shared>>)
      tpu.yield
    }) : () -> ()
    %add3A_20 = arith.constant 520 : i32
    %add3A_21 = arith.addi %mul3A_9, %add3A_20 : i32
    "tpu.region"() ({
      %run_scoped3A = tpu.sem_alloc : memref<!tpu.dma_semaphore, #tpu.memory_space<semaphore_mem>>
      %dma_start3A = arith.constant 0 : i32
      %dma_start3A_39 = arith.constant 0 : i32
      %dma_start3A_40 = tpu.memref_slice %arg8[%dma_start3A, %dma_start3A_39] : memref<128x128xf32, #tpu.memory_space<vmem>> -> memref<104x128xf32, #tpu.memory_space<vmem>>
      %dma_start3A_41 = arith.constant 0 : i32
      %dma_start3A_42 = tpu.memref_slice %arg9[%add3A_21, %dma_start3A_41] : memref<10016x128xf32, #tpu.memory_space<vmem_shared>> -> memref<104x128xf32, #tpu.memory_space<vmem_shared>>
      %dma_start3A_43 = arith.constant 0 : i32
      %dma_start3A_44 = tpu.memref_slice %arg9[%add3A_21, %dma_start3A_43] : memref<10016x128xf32, #tpu.memory_space<vmem_shared>> -> memref<104x128xf32, #tpu.memory_space<vmem_shared>>
      %dma_start3A_45 = arith.constant 0 : i32
      %dma_start3A_46 = arith.constant 0 : i32
      %dma_start3A_47 = tpu.memref_slice %arg8[%dma_start3A_45, %dma_start3A_46] : memref<128x128xf32, #tpu.memory_space<vmem>> -> memref<104x128xf32, #tpu.memory_space<vmem>>
      tpu.enqueue_dma source(%dma_start3A_47 : memref<104x128xf32, #tpu.memory_space<vmem>>) target(%dma_start3A_44 : memref<104x128xf32, #tpu.memory_space<vmem_shared>>) target_semaphore(%run_scoped3A : memref<!tpu.dma_semaphore, #tpu.memory_space<semaphore_mem>>)
      %dma_wait3A = arith.constant 0 : i32
      %dma_wait3A_48 = arith.constant 0 : i32
      %dma_wait3A_49 = tpu.memref_slice %arg8[%dma_wait3A, %dma_wait3A_48] : memref<128x128xf32, #tpu.memory_space<vmem>> -> memref<104x128xf32, #tpu.memory_space<vmem>>
      %dma_wait3A_50 = arith.constant 0 : i32
      %dma_wait3A_51 = tpu.memref_slice %arg9[%add3A_21, %dma_wait3A_50] : memref<10016x128xf32, #tpu.memory_space<vmem_shared>> -> memref<104x128xf32, #tpu.memory_space<vmem_shared>>
      %dma_wait3A_52 = arith.constant 0 : i32
      %dma_wait3A_53 = tpu.memref_slice %arg9[%add3A_21, %dma_wait3A_52] : memref<10016x128xf32, #tpu.memory_space<vmem_shared>> -> memref<104x128xf32, #tpu.memory_space<vmem_shared>>
      %dma_wait3A_54 = arith.constant 0 : i32
      %dma_wait3A_55 = arith.constant 0 : i32
      %dma_wait3A_56 = tpu.memref_slice %arg8[%dma_wait3A_54, %dma_wait3A_55] : memref<128x128xf32, #tpu.memory_space<vmem>> -> memref<104x128xf32, #tpu.memory_space<vmem>>
      tpu.wait_dma2 semaphore(%run_scoped3A : memref<!tpu.dma_semaphore, #tpu.memory_space<semaphore_mem>>) src(%dma_wait3A_56 : memref<104x128xf32, #tpu.memory_space<vmem>>) dst(%dma_wait3A_53 : memref<104x128xf32, #tpu.memory_space<vmem_shared>>)
      tpu.yield
    }) : () -> ()
    %eq3A = arith.constant 15 : i32
    %eq3A_22 = arith.cmpi eq, %arg1, %eq3A : i32
    %convert_element_type3A = arith.extui %eq3A_22 : i1 to i32
    %cond3A = arith.constant 0 : i32
    %cond3A_23 = arith.cmpi ne, %convert_element_type3A, %cond3A : i32
    scf.if %cond3A_23 {
      "tpu.region"() ({
        %run_scoped3A = tpu.sem_alloc : memref<!tpu.dma_semaphore, #tpu.memory_space<semaphore_mem>>
        %dma_start3A = arith.constant 0 : i32
        %dma_start3A_39 = arith.constant 0 : i32
        %dma_start3A_40 = tpu.memref_slice %arg8[%dma_start3A, %dma_start3A_39] : memref<128x128xf32, #tpu.memory_space<vmem>> -> memref<16x128xf32, #tpu.memory_space<vmem>>
        %dma_start3A_41 = arith.constant 9984 : i32
        %dma_start3A_42 = arith.constant 0 : i32
        %dma_start3A_43 = tpu.memref_slice %arg9[%dma_start3A_41, %dma_start3A_42] : memref<10016x128xf32, #tpu.memory_space<vmem_shared>> -> memref<16x128xf32, #tpu.memory_space<vmem_shared>>
        %dma_start3A_44 = arith.constant 9984 : i32
        %dma_start3A_45 = arith.constant 0 : i32
        %dma_start3A_46 = tpu.memref_slice %arg9[%dma_start3A_44, %dma_start3A_45] : memref<10016x128xf32, #tpu.memory_space<vmem_shared>> -> memref<16x128xf32, #tpu.memory_space<vmem_shared>>
        %dma_start3A_47 = arith.constant 0 : i32
        %dma_start3A_48 = arith.constant 0 : i32
        %dma_start3A_49 = tpu.memref_slice %arg8[%dma_start3A_47, %dma_start3A_48] : memref<128x128xf32, #tpu.memory_space<vmem>> -> memref<16x128xf32, #tpu.memory_space<vmem>>
        tpu.enqueue_dma source(%dma_start3A_49 : memref<16x128xf32, #tpu.memory_space<vmem>>) target(%dma_start3A_46 : memref<16x128xf32, #tpu.memory_space<vmem_shared>>) target_semaphore(%run_scoped3A : memref<!tpu.dma_semaphore, #tpu.memory_space<semaphore_mem>>)
        %dma_wait3A = arith.constant 0 : i32
        %dma_wait3A_50 = arith.constant 0 : i32
        %dma_wait3A_51 = tpu.memref_slice %arg8[%dma_wait3A, %dma_wait3A_50] : memref<128x128xf32, #tpu.memory_space<vmem>> -> memref<16x128xf32, #tpu.memory_space<vmem>>
        %dma_wait3A_52 = arith.constant 9984 : i32
        %dma_wait3A_53 = arith.constant 0 : i32
        %dma_wait3A_54 = tpu.memref_slice %arg9[%dma_wait3A_52, %dma_wait3A_53] : memref<10016x128xf32, #tpu.memory_space<vmem_shared>> -> memref<16x128xf32, #tpu.memory_space<vmem_shared>>
        %dma_wait3A_55 = arith.constant 9984 : i32
        %dma_wait3A_56 = arith.constant 0 : i32
        %dma_wait3A_57 = tpu.memref_slice %arg9[%dma_wait3A_55, %dma_wait3A_56] : memref<10016x128xf32, #tpu.memory_space<vmem_shared>> -> memref<16x128xf32, #tpu.memory_space<vmem_shared>>
        %dma_wait3A_58 = arith.constant 0 : i32
        %dma_wait3A_59 = arith.constant 0 : i32
        %dma_wait3A_60 = tpu.memref_slice %arg8[%dma_wait3A_58, %dma_wait3A_59] : memref<128x128xf32, #tpu.memory_space<vmem>> -> memref<16x128xf32, #tpu.memory_space<vmem>>
        tpu.wait_dma2 semaphore(%run_scoped3A : memref<!tpu.dma_semaphore, #tpu.memory_space<semaphore_mem>>) src(%dma_wait3A_60 : memref<16x128xf32, #tpu.memory_space<vmem>>) dst(%dma_wait3A_57 : memref<16x128xf32, #tpu.memory_space<vmem_shared>>)
        tpu.yield
      }) : () -> ()
    } else {
    }
    "tpu.region"() ({
      %run_scoped3A = tpu.sem_alloc : memref<!tpu.dma_semaphore, #tpu.memory_space<semaphore_mem>>
      %dma_start3A = arith.constant 0 : i32
      %dma_start3A_39 = arith.constant 0 : i32
      %dma_start3A_40 = tpu.memref_slice %arg3[%add3A, %dma_start3A, %dma_start3A_39] : memref<32x79x128xi32, #tpu.memory_space<hbm>> -> memref<1x79x128xi32, #tpu.memory_space<hbm>>
      %dma_start3A_41 = tpu.memref_squeeze %dma_start3A_40 : memref<1x79x128xi32, #tpu.memory_space<hbm>> -> memref<79x128xi32, #tpu.memory_space<hbm>>
      %dma_start3A_42 = arith.constant 0 : i32
      %dma_start3A_43 = arith.constant 0 : i32
      %dma_start3A_44 = tpu.memref_slice %arg3[%add3A, %dma_start3A_42, %dma_start3A_43] : memref<32x79x128xi32, #tpu.memory_space<hbm>> -> memref<1x79x128xi32, #tpu.memory_space<hbm>>
      %dma_start3A_45 = tpu.memref_squeeze %dma_start3A_44 : memref<1x79x128xi32, #tpu.memory_space<hbm>> -> memref<79x128xi32, #tpu.memory_space<hbm>>
      tpu.enqueue_dma source(%dma_start3A_45 : memref<79x128xi32, #tpu.memory_space<hbm>>) target(%arg6 : memref<79x128xi32, #tpu.memory_space<vmem>>) target_semaphore(%run_scoped3A : memref<!tpu.dma_semaphore, #tpu.memory_space<semaphore_mem>>)
      %dma_wait3A = arith.constant 0 : i32
      %dma_wait3A_46 = arith.constant 0 : i32
      %dma_wait3A_47 = tpu.memref_slice %arg3[%add3A, %dma_wait3A, %dma_wait3A_46] : memref<32x79x128xi32, #tpu.memory_space<hbm>> -> memref<1x79x128xi32, #tpu.memory_space<hbm>>
      %dma_wait3A_48 = tpu.memref_squeeze %dma_wait3A_47 : memref<1x79x128xi32, #tpu.memory_space<hbm>> -> memref<79x128xi32, #tpu.memory_space<hbm>>
      %dma_wait3A_49 = arith.constant 0 : i32
      %dma_wait3A_50 = arith.constant 0 : i32
      %dma_wait3A_51 = tpu.memref_slice %arg3[%add3A, %dma_wait3A_49, %dma_wait3A_50] : memref<32x79x128xi32, #tpu.memory_space<hbm>> -> memref<1x79x128xi32, #tpu.memory_space<hbm>>
      %dma_wait3A_52 = tpu.memref_squeeze %dma_wait3A_51 : memref<1x79x128xi32, #tpu.memory_space<hbm>> -> memref<79x128xi32, #tpu.memory_space<hbm>>
      tpu.wait_dma2 semaphore(%run_scoped3A : memref<!tpu.dma_semaphore, #tpu.memory_space<semaphore_mem>>) src(%dma_wait3A_52 : memref<79x128xi32, #tpu.memory_space<hbm>>) dst(%arg6 : memref<79x128xi32, #tpu.memory_space<vmem>>)
      tpu.yield
    }) : () -> ()
    "tpu.region"() ({
      %run_scoped3A = tpu.sem_alloc : memref<!tpu.dma_semaphore, #tpu.memory_space<semaphore_mem>>
      %dma_start3A = arith.constant 0 : i32
      %dma_start3A_39 = arith.constant 0 : i32
      %dma_start3A_40 = tpu.memref_slice %arg4[%add3A, %dma_start3A, %dma_start3A_39] : memref<32x79x128xi32, #tpu.memory_space<hbm>> -> memref<1x79x128xi32, #tpu.memory_space<hbm>>
      %dma_start3A_41 = tpu.memref_squeeze %dma_start3A_40 : memref<1x79x128xi32, #tpu.memory_space<hbm>> -> memref<79x128xi32, #tpu.memory_space<hbm>>
      %dma_start3A_42 = arith.constant 0 : i32
      %dma_start3A_43 = arith.constant 0 : i32
      %dma_start3A_44 = tpu.memref_slice %arg4[%add3A, %dma_start3A_42, %dma_start3A_43] : memref<32x79x128xi32, #tpu.memory_space<hbm>> -> memref<1x79x128xi32, #tpu.memory_space<hbm>>
      %dma_start3A_45 = tpu.memref_squeeze %dma_start3A_44 : memref<1x79x128xi32, #tpu.memory_space<hbm>> -> memref<79x128xi32, #tpu.memory_space<hbm>>
      tpu.enqueue_dma source(%dma_start3A_45 : memref<79x128xi32, #tpu.memory_space<hbm>>) target(%arg7 : memref<79x128xi32, #tpu.memory_space<vmem>>) target_semaphore(%run_scoped3A : memref<!tpu.dma_semaphore, #tpu.memory_space<semaphore_mem>>)
      %dma_wait3A = arith.constant 0 : i32
      %dma_wait3A_46 = arith.constant 0 : i32
      %dma_wait3A_47 = tpu.memref_slice %arg4[%add3A, %dma_wait3A, %dma_wait3A_46] : memref<32x79x128xi32, #tpu.memory_space<hbm>> -> memref<1x79x128xi32, #tpu.memory_space<hbm>>
      %dma_wait3A_48 = tpu.memref_squeeze %dma_wait3A_47 : memref<1x79x128xi32, #tpu.memory_space<hbm>> -> memref<79x128xi32, #tpu.memory_space<hbm>>
      %dma_wait3A_49 = arith.constant 0 : i32
      %dma_wait3A_50 = arith.constant 0 : i32
      %dma_wait3A_51 = tpu.memref_slice %arg4[%add3A, %dma_wait3A_49, %dma_wait3A_50] : memref<32x79x128xi32, #tpu.memory_space<hbm>> -> memref<1x79x128xi32, #tpu.memory_space<hbm>>
      %dma_wait3A_52 = tpu.memref_squeeze %dma_wait3A_51 : memref<1x79x128xi32, #tpu.memory_space<hbm>> -> memref<79x128xi32, #tpu.memory_space<hbm>>
      tpu.wait_dma2 semaphore(%run_scoped3A : memref<!tpu.dma_semaphore, #tpu.memory_space<semaphore_mem>>) src(%dma_wait3A_52 : memref<79x128xi32, #tpu.memory_space<hbm>>) dst(%arg7 : memref<79x128xi32, #tpu.memory_space<vmem>>)
      tpu.yield
    }) : () -> ()
    %barrier3A = arith.constant 0 : index
    tpu.barrier barrier_id(%barrier3A)
    %scan3A_24 = arith.constant 0 : i32
    %scan3A_25 = arith.constant 0 : i32
    %scan3A_26 = arith.constant 79 : i32
    %scan3A_27 = arith.addi %scan3A_25, %scan3A_26 : i32
    %scan3A_28 = arith.constant 1 : i32
    %scan3A_29 = scf.for %scan3A_39 = %scan3A_25 to %scan3A_27 step %scan3A_28 iter_args(%scan3A_40 = %scan3A_24) -> (i32)  : i32 {
      %dma_start3A = arith.constant 0 : i32
      %dma_start3A_41 = tpu.memref_slice %arg6[%scan3A_39, %dma_start3A] : memref<79x128xi32, #tpu.memory_space<vmem>> -> memref<1x128xi32, #tpu.memory_space<vmem>>
      %dma_start3A_42 = tpu.memref_squeeze %dma_start3A_41 : memref<1x128xi32, #tpu.memory_space<vmem>> -> memref<128xi32, #tpu.memory_space<vmem>>
      %dma_start3A_43 = arith.constant 0 : i32
      %dma_start3A_44 = arith.constant 0 : i32
      %dma_start3A_45 = tpu.memref_slice %arg2[%dma_start3A_43, %dma_start3A_44] : memref<10000x128xf32, #tpu.memory_space<hbm>> -> memref<10000x128xf32, #tpu.memory_space<hbm>>
      tpu.enqueue_indirect_dma source(%dma_start3A_45 : memref<10000x128xf32, #tpu.memory_space<hbm>>) target(%arg8 : memref<128x128xf32, #tpu.memory_space<vmem>>) offsets(%dma_start3A_42 : memref<128xi32, #tpu.memory_space<vmem>>) semaphore(%arg10 : memref<!tpu.dma_semaphore, #tpu.memory_space<semaphore_mem>>)
      %dma_wait3A = arith.constant 0 : i32
      %dma_wait3A_46 = tpu.memref_slice %arg6[%scan3A_39, %dma_wait3A] : memref<79x128xi32, #tpu.memory_space<vmem>> -> memref<1x128xi32, #tpu.memory_space<vmem>>
      %dma_wait3A_47 = tpu.memref_squeeze %dma_wait3A_46 : memref<1x128xi32, #tpu.memory_space<vmem>> -> memref<128xi32, #tpu.memory_space<vmem>>
      %dma_wait3A_48 = arith.constant 0 : i32
      %dma_wait3A_49 = arith.constant 0 : i32
      %dma_wait3A_50 = tpu.memref_slice %arg2[%dma_wait3A_48, %dma_wait3A_49] : memref<10000x128xf32, #tpu.memory_space<hbm>> -> memref<10000x128xf32, #tpu.memory_space<hbm>>
      tpu.wait_indirect_dma semaphore(%arg10 : memref<!tpu.dma_semaphore, #tpu.memory_space<semaphore_mem>>) src(%dma_wait3A_50 : memref<10000x128xf32, #tpu.memory_space<hbm>>) dst(%arg8 : memref<128x128xf32, #tpu.memory_space<vmem>>)
      "tpu.region"() ({
        %run_scoped3A = tpu.sem_alloc : memref<!tpu.dma_semaphore, #tpu.memory_space<semaphore_mem>>
        %dma_start3A_52 = arith.constant 0 : i32
        %dma_start3A_53 = tpu.memref_slice %arg7[%scan3A_39, %dma_start3A_52] : memref<79x128xi32, #tpu.memory_space<vmem>> -> memref<1x128xi32, #tpu.memory_space<vmem>>
        %dma_start3A_54 = tpu.memref_squeeze %dma_start3A_53 : memref<1x128xi32, #tpu.memory_space<vmem>> -> memref<128xi32, #tpu.memory_space<vmem>>
        %dma_start3A_55 = arith.constant 0 : i32
        %dma_start3A_56 = arith.constant 0 : i32
        %dma_start3A_57 = tpu.memref_slice %arg9[%dma_start3A_55, %dma_start3A_56] : memref<10016x128xf32, #tpu.memory_space<vmem_shared>> -> memref<10016x128xf32, #tpu.memory_space<vmem_shared>>
        tpu.enqueue_indirect_dma source(%arg8 : memref<128x128xf32, #tpu.memory_space<vmem>>) target(%dma_start3A_57 : memref<10016x128xf32, #tpu.memory_space<vmem_shared>>) offsets(%dma_start3A_54 : memref<128xi32, #tpu.memory_space<vmem>>) semaphore(%run_scoped3A : memref<!tpu.dma_semaphore, #tpu.memory_space<semaphore_mem>>) {add = true}
        %dma_wait3A_58 = arith.constant 0 : i32
        %dma_wait3A_59 = tpu.memref_slice %arg7[%scan3A_39, %dma_wait3A_58] : memref<79x128xi32, #tpu.memory_space<vmem>> -> memref<1x128xi32, #tpu.memory_space<vmem>>
        %dma_wait3A_60 = tpu.memref_squeeze %dma_wait3A_59 : memref<1x128xi32, #tpu.memory_space<vmem>> -> memref<128xi32, #tpu.memory_space<vmem>>
        %dma_wait3A_61 = arith.constant 0 : i32
        %dma_wait3A_62 = arith.constant 0 : i32
        %dma_wait3A_63 = tpu.memref_slice %arg9[%dma_wait3A_61, %dma_wait3A_62] : memref<10016x128xf32, #tpu.memory_space<vmem_shared>> -> memref<10016x128xf32, #tpu.memory_space<vmem_shared>>
        tpu.wait_indirect_dma semaphore(%run_scoped3A : memref<!tpu.dma_semaphore, #tpu.memory_space<semaphore_mem>>) src(%arg8 : memref<128x128xf32, #tpu.memory_space<vmem>>) dst(%dma_wait3A_63 : memref<10016x128xf32, #tpu.memory_space<vmem_shared>>)
        tpu.yield
      }) : () -> ()
      %scan3A_51 = arith.constant 0 : i32
      scf.yield %scan3A_51 : i32
    }
    %scan3A_30 = arith.constant 79 : i32
    %barrier3A_31 = arith.constant 0 : index
    tpu.barrier barrier_id(%barrier3A_31)
    %mul3A_32 = arith.constant 624 : i32
    %mul3A_33 = arith.muli %arg1, %mul3A_32 : i32
    "tpu.region"() ({
      %run_scoped3A = tpu.sem_alloc : memref<!tpu.dma_semaphore, #tpu.memory_space<semaphore_mem>>
      %dma_start3A = arith.constant 0 : i32
      %dma_start3A_39 = tpu.memref_slice %arg5[%arg0, %mul3A_33, %dma_start3A] : memref<2x10000x128xf32, #tpu.memory_space<hbm>> -> memref<1x624x128xf32, #tpu.memory_space<hbm>>
      %dma_start3A_40 = tpu.memref_squeeze %dma_start3A_39 : memref<1x624x128xf32, #tpu.memory_space<hbm>> -> memref<624x128xf32, #tpu.memory_space<hbm>>
      %dma_start3A_41 = arith.constant 0 : i32
      %dma_start3A_42 = tpu.memref_slice %arg9[%mul3A_33, %dma_start3A_41] : memref<10016x128xf32, #tpu.memory_space<vmem_shared>> -> memref<624x128xf32, #tpu.memory_space<vmem_shared>>
      tpu.enqueue_dma source(%dma_start3A_42 : memref<624x128xf32, #tpu.memory_space<vmem_shared>>) target(%dma_start3A_40 : memref<624x128xf32, #tpu.memory_space<hbm>>) target_semaphore(%run_scoped3A : memref<!tpu.dma_semaphore, #tpu.memory_space<semaphore_mem>>)
      %dma_wait3A = arith.constant 0 : i32
      %dma_wait3A_43 = tpu.memref_slice %arg5[%arg0, %mul3A_33, %dma_wait3A] : memref<2x10000x128xf32, #tpu.memory_space<hbm>> -> memref<1x624x128xf32, #tpu.memory_space<hbm>>
      %dma_wait3A_44 = tpu.memref_squeeze %dma_wait3A_43 : memref<1x624x128xf32, #tpu.memory_space<hbm>> -> memref<624x128xf32, #tpu.memory_space<hbm>>
      %dma_wait3A_45 = arith.constant 0 : i32
      %dma_wait3A_46 = tpu.memref_slice %arg9[%mul3A_33, %dma_wait3A_45] : memref<10016x128xf32, #tpu.memory_space<vmem_shared>> -> memref<624x128xf32, #tpu.memory_space<vmem_shared>>
      tpu.wait_dma2 semaphore(%run_scoped3A : memref<!tpu.dma_semaphore, #tpu.memory_space<semaphore_mem>>) src(%dma_wait3A_46 : memref<624x128xf32, #tpu.memory_space<vmem_shared>>) dst(%dma_wait3A_44 : memref<624x128xf32, #tpu.memory_space<hbm>>)
      tpu.yield
    }) : () -> ()
    %eq3A_34 = arith.constant 15 : i32
    %eq3A_35 = arith.cmpi eq, %arg1, %eq3A_34 : i32
    %convert_element_type3A_36 = arith.extui %eq3A_35 : i1 to i32
    %cond3A_37 = arith.constant 0 : i32
    %cond3A_38 = arith.cmpi ne, %convert_element_type3A_36, %cond3A_37 : i32
    scf.if %cond3A_38 {
      "tpu.region"() ({
        %run_scoped3A = tpu.sem_alloc : memref<!tpu.dma_semaphore, #tpu.memory_space<semaphore_mem>>
        %dma_start3A = arith.constant 9984 : i32
        %dma_start3A_39 = arith.constant 0 : i32
        %dma_start3A_40 = tpu.memref_slice %arg5[%arg0, %dma_start3A, %dma_start3A_39] : memref<2x10000x128xf32, #tpu.memory_space<hbm>> -> memref<1x16x128xf32, #tpu.memory_space<hbm>>
        %dma_start3A_41 = tpu.memref_squeeze %dma_start3A_40 : memref<1x16x128xf32, #tpu.memory_space<hbm>> -> memref<16x128xf32, #tpu.memory_space<hbm>>
        %dma_start3A_42 = arith.constant 9984 : i32
        %dma_start3A_43 = arith.constant 0 : i32
        %dma_start3A_44 = tpu.memref_slice %arg9[%dma_start3A_42, %dma_start3A_43] : memref<10016x128xf32, #tpu.memory_space<vmem_shared>> -> memref<16x128xf32, #tpu.memory_space<vmem_shared>>
        tpu.enqueue_dma source(%dma_start3A_44 : memref<16x128xf32, #tpu.memory_space<vmem_shared>>) target(%dma_start3A_41 : memref<16x128xf32, #tpu.memory_space<hbm>>) target_semaphore(%run_scoped3A : memref<!tpu.dma_semaphore, #tpu.memory_space<semaphore_mem>>)
        %dma_wait3A = arith.constant 9984 : i32
        %dma_wait3A_45 = arith.constant 0 : i32
        %dma_wait3A_46 = tpu.memref_slice %arg5[%arg0, %dma_wait3A, %dma_wait3A_45] : memref<2x10000x128xf32, #tpu.memory_space<hbm>> -> memref<1x16x128xf32, #tpu.memory_space<hbm>>
        %dma_wait3A_47 = tpu.memref_squeeze %dma_wait3A_46 : memref<1x16x128xf32, #tpu.memory_space<hbm>> -> memref<16x128xf32, #tpu.memory_space<hbm>>
        %dma_wait3A_48 = arith.constant 9984 : i32
        %dma_wait3A_49 = arith.constant 0 : i32
        %dma_wait3A_50 = tpu.memref_slice %arg9[%dma_wait3A_48, %dma_wait3A_49] : memref<10016x128xf32, #tpu.memory_space<vmem_shared>> -> memref<16x128xf32, #tpu.memory_space<vmem_shared>>
        tpu.wait_dma2 semaphore(%run_scoped3A : memref<!tpu.dma_semaphore, #tpu.memory_space<semaphore_mem>>) src(%dma_wait3A_50 : memref<16x128xf32, #tpu.memory_space<vmem_shared>>) dst(%dma_wait3A_47 : memref<16x128xf32, #tpu.memory_space<hbm>>)
        tpu.yield
      }) : () -> ()
    } else {
    }
    return
  }
}

module attributes {stable_mosaic.version = 14 : i64} {
  func.func @_proj_body_plain(%arg0: i32, %arg1: memref<1000x128xf32, #tpu.memory_space<vmem>>, %arg2: memref<128x128xf32, #tpu.memory_space<vmem>>, %arg3: memref<128x128xf32, #tpu.memory_space<vmem>>, %arg4: memref<1000x128xf32, #tpu.memory_space<vmem>>, %arg5: memref<1000x128xf32, #tpu.memory_space<vmem>>) attributes {dimension_semantics = [#tpu.dimension_semantics<arbitrary>], iteration_bounds = array<i64: 10>, scalar_prefetch = 0 : i64, scratch_operands = 0 : i64, tpu.core_type = #tpu.core_type<tc>, window_params = [{transform_indices = @transform_0, window_bounds = array<i64: 1000, 128>}, {pipeline_mode = #tpu.pipeline_mode<synchronous>, transform_indices = @transform_1, window_bounds = array<i64: 128, 128>}, {pipeline_mode = #tpu.pipeline_mode<synchronous>, transform_indices = @transform_2, window_bounds = array<i64: 128, 128>}, {transform_indices = @transform_3, window_bounds = array<i64: 1000, 128>}, {transform_indices = @transform_4, window_bounds = array<i64: 1000, 128>}]} {
    %get3A = arith.constant 0 : index
    %get3A_0 = arith.constant 0 : index
    %get3A_1 = vector.load %arg1[%get3A, %get3A_0] : memref<1000x128xf32, #tpu.memory_space<vmem>>, vector<1000x128xf32>
    %get3A_2 = arith.constant 0 : index
    %get3A_3 = arith.constant 0 : index
    %get3A_4 = vector.load %arg2[%get3A_2, %get3A_3] : memref<128x128xf32, #tpu.memory_space<vmem>>, vector<128x128xf32>
    %dot_general3A = arith.constant dense<0.000000e+00> : vector<1000x128xf32>
    %dot_general3A_5 = tpu.matmul %get3A_1, %get3A_4, %dot_general3A {dimension_numbers = #tpu.dot_dimension_numbers<[1], [0], [0], [1], [0, 0, 1, 1], [], []>, transpose_lhs_hint = false} : vector<1000x128xf32>, vector<128x128xf32>, vector<1000x128xf32> -> vector<1000x128xf32>
    %swap3A = arith.constant 0 : index
    %swap3A_6 = arith.constant 0 : index
    %swap3A_7 = vector.load %arg4[%swap3A, %swap3A_6] : memref<1000x128xf32, #tpu.memory_space<vmem>>, vector<1000x128xf32>
    tpu.vector_store %arg4[%swap3A, %swap3A_6], %dot_general3A_5 {strides = array<i32>} : memref<1000x128xf32, #tpu.memory_space<vmem>>, vector<1000x128xf32>,
    %get3A_8 = arith.constant 0 : index
    %get3A_9 = arith.constant 0 : index
    %get3A_10 = vector.load %arg3[%get3A_8, %get3A_9] : memref<128x128xf32, #tpu.memory_space<vmem>>, vector<128x128xf32>
    %dot_general3A_11 = arith.constant dense<0.000000e+00> : vector<1000x128xf32>
    %dot_general3A_12 = tpu.matmul %get3A_1, %get3A_10, %dot_general3A_11 {dimension_numbers = #tpu.dot_dimension_numbers<[1], [0], [0], [1], [0, 0, 1, 1], [], []>, transpose_lhs_hint = false} : vector<1000x128xf32>, vector<128x128xf32>, vector<1000x128xf32> -> vector<1000x128xf32>
    %swap3A_13 = arith.constant 0 : index
    %swap3A_14 = arith.constant 0 : index
    %swap3A_15 = vector.load %arg5[%swap3A_13, %swap3A_14] : memref<1000x128xf32, #tpu.memory_space<vmem>>, vector<1000x128xf32>
    tpu.vector_store %arg5[%swap3A_13, %swap3A_14], %dot_general3A_12 {strides = array<i32>} : memref<1000x128xf32, #tpu.memory_space<vmem>>, vector<1000x128xf32>,
    return
  }
  func.func @transform_0(%arg0: i32) -> (i32, i32) {
    %c0_i32 = arith.constant 0 : i32
    %c0_i32_0 = arith.constant 0 : i32
    return %arg0, %c0_i32 : i32, i32
  }
  func.func @transform_1(%arg0: i32) -> (i32, i32) {
    %c0_i32 = arith.constant 0 : i32
    %c0_i32_0 = arith.constant 0 : i32
    %c0_i32_1 = arith.constant 0 : i32
    return %c0_i32, %c0_i32_0 : i32, i32
  }
  func.func @transform_2(%arg0: i32) -> (i32, i32) {
    %c0_i32 = arith.constant 0 : i32
    %c0_i32_0 = arith.constant 0 : i32
    %c0_i32_1 = arith.constant 0 : i32
    return %c0_i32, %c0_i32_0 : i32, i32
  }
  func.func @transform_3(%arg0: i32) -> (i32, i32) {
    %c0_i32 = arith.constant 0 : i32
    %c0_i32_0 = arith.constant 0 : i32
    return %arg0, %c0_i32 : i32, i32
  }
  func.func @transform_4(%arg0: i32) -> (i32, i32) {
    %c0_i32 = arith.constant 0 : i32
    %c0_i32_0 = arith.constant 0 : i32
    return %arg0, %c0_i32 : i32, i32
  }
}

module attributes {stable_mosaic.version = 14 : i64} {
  func.func @_combine_body(%arg0: i32, %arg1: memref<2x1000x128xf32, #tpu.memory_space<vmem>>, %arg2: memref<2x1000x128xf32, #tpu.memory_space<vmem>>, %arg3: memref<1000x128xf32, #tpu.memory_space<vmem>>, %arg4: memref<1000x128xf32, #tpu.memory_space<vmem>>, %arg5: memref<2x128xf32, #tpu.memory_space<vmem>>) attributes {dimension_semantics = [#tpu.dimension_semantics<arbitrary>], iteration_bounds = array<i64: 10>, scalar_prefetch = 0 : i64, scratch_operands = 0 : i64, tpu.core_type = #tpu.core_type<tc>, window_params = [{transform_indices = @transform_0, window_bounds = array<i64: 2, 1000, 128>}, {transform_indices = @transform_1, window_bounds = array<i64: 2, 1000, 128>}, {transform_indices = @transform_2, window_bounds = array<i64: 1000, 128>}, {transform_indices = @transform_3, window_bounds = array<i64: 1000, 128>}, {pipeline_mode = #tpu.pipeline_mode<synchronous>, transform_indices = @transform_4, window_bounds = array<i64: 2, 128>}]} {
    %get3A = arith.constant 0 : index
    %get3A_0 = arith.constant 0 : index
    %get3A_1 = arith.constant 0 : index
    %get3A_2 = vector.load %arg1[%get3A, %get3A_0, %get3A_1] : memref<2x1000x128xf32, #tpu.memory_space<vmem>>, vector<1x1000x128xf32>
    %get3A_3 = vector.shape_cast %get3A_2 : vector<1x1000x128xf32> to vector<1000x128xf32>
    %get3A_4 = arith.constant 1 : index
    %get3A_5 = arith.constant 0 : index
    %get3A_6 = arith.constant 0 : index
    %get3A_7 = vector.load %arg1[%get3A_4, %get3A_5, %get3A_6] : memref<2x1000x128xf32, #tpu.memory_space<vmem>>, vector<1x1000x128xf32>
    %get3A_8 = vector.shape_cast %get3A_7 : vector<1x1000x128xf32> to vector<1000x128xf32>
    %add3A = arith.addf %get3A_3, %get3A_8 : vector<1000x128xf32>
    %get3A_9 = arith.constant 0 : index
    %get3A_10 = arith.constant 0 : index
    %get3A_11 = arith.constant 0 : index
    %get3A_12 = vector.load %arg2[%get3A_9, %get3A_10, %get3A_11] : memref<2x1000x128xf32, #tpu.memory_space<vmem>>, vector<1x1000x1xf32>
    %get3A_13 = vector.shape_cast %get3A_12 : vector<1x1000x1xf32> to vector<1000x1xf32>
    %get3A_14 = arith.constant 1 : index
    %get3A_15 = arith.constant 0 : index
    %get3A_16 = arith.constant 0 : index
    %get3A_17 = vector.load %arg2[%get3A_14, %get3A_15, %get3A_16] : memref<2x1000x128xf32, #tpu.memory_space<vmem>>, vector<1x1000x1xf32>
    %get3A_18 = vector.shape_cast %get3A_17 : vector<1x1000x1xf32> to vector<1000x1xf32>
    %add3A_19 = arith.addf %get3A_13, %get3A_18 : vector<1000x1xf32>
    %max3A = arith.constant 1.000000e+00 : f32
    %max3A_20 = vector.broadcast %max3A : f32 to vector<1000x1xf32>
    %max3A_21 = arith.maximumf %add3A_19, %max3A_20 : vector<1000x1xf32>
    %div3A = arith.constant 1.000000e+00 : f32
    %div3A_22 = vector.broadcast %div3A : f32 to vector<1000x1xf32>
    %div3A_23 = arith.divf %div3A_22, %max3A_21 : vector<1000x1xf32>
    %mul3A = vector.broadcast %div3A_23 : vector<1000x1xf32> to vector<1000x128xf32>
    %mul3A_24 = arith.mulf %add3A, %mul3A : vector<1000x128xf32>
    %get3A_25 = arith.constant 0 : index
    %get3A_26 = arith.constant 0 : index
    %get3A_27 = vector.load %arg3[%get3A_25, %get3A_26] : memref<1000x128xf32, #tpu.memory_space<vmem>>, vector<1000x128xf32>
    %add3A_28 = arith.addf %mul3A_24, %get3A_27 : vector<1000x128xf32>
    %max3A_29 = arith.constant 0.000000e+00 : f32
    %max3A_30 = vector.broadcast %max3A_29 : f32 to vector<1000x128xf32>
    %max3A_31 = arith.maximumf %add3A_28, %max3A_30 : vector<1000x128xf32>
    %swap3A = arith.constant 0 : index
    %swap3A_32 = arith.constant 0 : index
    %swap3A_33 = vector.load %arg4[%swap3A, %swap3A_32] : memref<1000x128xf32, #tpu.memory_space<vmem>>, vector<1000x128xf32>
    tpu.vector_store %arg4[%swap3A, %swap3A_32], %max3A_31 {strides = array<i32>} : memref<1000x128xf32, #tpu.memory_space<vmem>>, vector<1000x128xf32>,
    %reduce_sum3A = arith.constant dense<0.000000e+00> : vector<128xf32>
    %reduce_sum3A_34 = vector.multi_reduction <add>, %max3A_31, %reduce_sum3A [0] : vector<1000x128xf32> to vector<128xf32>
    %broadcast_in_dim3A = vector.shape_cast %reduce_sum3A_34 : vector<128xf32> to vector<1x128xf32>
    %mul3A_35 = arith.mulf %max3A_31, %max3A_31 : vector<1000x128xf32>
    %reduce_sum3A_36 = arith.constant dense<0.000000e+00> : vector<128xf32>
    %reduce_sum3A_37 = vector.multi_reduction <add>, %mul3A_35, %reduce_sum3A_36 [0] : vector<1000x128xf32> to vector<128xf32>
    %broadcast_in_dim3A_38 = vector.shape_cast %reduce_sum3A_37 : vector<128xf32> to vector<1x128xf32>
    %concatenate3A = tpu.concatenate %broadcast_in_dim3A, %broadcast_in_dim3A_38 in 0 : vector<1x128xf32>, vector<1x128xf32> -> vector<2x128xf32>
    %eq3A = arith.constant 0 : i32
    %eq3A_39 = arith.cmpi eq, %arg0, %eq3A : i32
    %convert_element_type3A = arith.extui %eq3A_39 : i1 to i32
    %cond3A = arith.constant 0 : i32
    %cond3A_40 = arith.cmpi ne, %convert_element_type3A, %cond3A : i32
    scf.if %cond3A_40 {
      %swap3A_45 = arith.constant 0 : index
      %swap3A_46 = arith.constant 0 : index
      %swap3A_47 = vector.load %arg5[%swap3A_45, %swap3A_46] : memref<2x128xf32, #tpu.memory_space<vmem>>, vector<2x128xf32>
      tpu.vector_store %arg5[%swap3A_45, %swap3A_46], %concatenate3A {strides = array<i32>} : memref<2x128xf32, #tpu.memory_space<vmem>>, vector<2x128xf32>,
    } else {
    }
    %gt3A = arith.constant 0 : i32
    %gt3A_41 = arith.cmpi sgt, %arg0, %gt3A : i32
    %convert_element_type3A_42 = arith.extui %gt3A_41 : i1 to i32
    %cond3A_43 = arith.constant 0 : i32
    %cond3A_44 = arith.cmpi ne, %convert_element_type3A_42, %cond3A_43 : i32
    scf.if %cond3A_44 {
      %get3A_45 = arith.constant 0 : index
      %get3A_46 = arith.constant 0 : index
      %get3A_47 = vector.load %arg5[%get3A_45, %get3A_46] : memref<2x128xf32, #tpu.memory_space<vmem>>, vector<2x128xf32>
      %add3A_48 = arith.addf %get3A_47, %concatenate3A : vector<2x128xf32>
      %swap3A_49 = arith.constant 0 : index
      %swap3A_50 = arith.constant 0 : index
      %swap3A_51 = vector.load %arg5[%swap3A_49, %swap3A_50] : memref<2x128xf32, #tpu.memory_space<vmem>>, vector<2x128xf32>
      tpu.vector_store %arg5[%swap3A_49, %swap3A_50], %add3A_48 {strides = array<i32>} : memref<2x128xf32, #tpu.memory_space<vmem>>, vector<2x128xf32>,
    } else {
    }
    return
  }
  func.func @transform_0(%arg0: i32) -> (i32, i32, i32) {
    %c0_i32 = arith.constant 0 : i32
    %c0_i32_0 = arith.constant 0 : i32
    %c0_i32_1 = arith.constant 0 : i32
    return %c0_i32, %arg0, %c0_i32_0 : i32, i32, i32
  }
  func.func @transform_1(%arg0: i32) -> (i32, i32, i32) {
    %c0_i32 = arith.constant 0 : i32
    %c0_i32_0 = arith.constant 0 : i32
    %c0_i32_1 = arith.constant 0 : i32
    return %c0_i32, %arg0, %c0_i32_0 : i32, i32, i32
  }
  func.func @transform_2(%arg0: i32) -> (i32, i32) {
    %c0_i32 = arith.constant 0 : i32
    %c0_i32_0 = arith.constant 0 : i32
    return %arg0, %c0_i32 : i32, i32
  }
  func.func @transform_3(%arg0: i32) -> (i32, i32) {
    %c0_i32 = arith.constant 0 : i32
    %c0_i32_0 = arith.constant 0 : i32
    return %arg0, %c0_i32 : i32, i32
  }
  func.func @transform_4(%arg0: i32) -> (i32, i32) {
    %c0_i32 = arith.constant 0 : i32
    %c0_i32_0 = arith.constant 0 : i32
    %c0_i32_1 = arith.constant 0 : i32
    return %c0_i32, %c0_i32_0 : i32, i32
  }
}

module attributes {stable_mosaic.version = 14 : i64} {
  func.func @_proj_body_affine(%arg0: i32, %arg1: memref<1000x128xf32, #tpu.memory_space<vmem>>, %arg2: memref<2x128xf32, #tpu.memory_space<vmem>>, %arg3: memref<1x128xf32, #tpu.memory_space<vmem>>, %arg4: memref<1x128xf32, #tpu.memory_space<vmem>>, %arg5: memref<128x128xf32, #tpu.memory_space<vmem>>, %arg6: memref<128x128xf32, #tpu.memory_space<vmem>>, %arg7: memref<1000x128xf32, #tpu.memory_space<vmem>>, %arg8: memref<1000x128xf32, #tpu.memory_space<vmem>>) attributes {dimension_semantics = [#tpu.dimension_semantics<arbitrary>], iteration_bounds = array<i64: 10>, scalar_prefetch = 0 : i64, scratch_operands = 0 : i64, tpu.core_type = #tpu.core_type<tc>, window_params = [{transform_indices = @transform_0, window_bounds = array<i64: 1000, 128>}, {pipeline_mode = #tpu.pipeline_mode<synchronous>, transform_indices = @transform_1, window_bounds = array<i64: 2, 128>}, {pipeline_mode = #tpu.pipeline_mode<synchronous>, transform_indices = @transform_2, window_bounds = array<i64: 1, 128>}, {pipeline_mode = #tpu.pipeline_mode<synchronous>, transform_indices = @transform_3, window_bounds = array<i64: 1, 128>}, {pipeline_mode = #tpu.pipeline_mode<synchronous>, transform_indices = @transform_4, window_bounds = array<i64: 128, 128>}, {pipeline_mode = #tpu.pipeline_mode<synchronous>, transform_indices = @transform_5, window_bounds = array<i64: 128, 128>}, {transform_indices = @transform_6, window_bounds = array<i64: 1000, 128>}, {transform_indices = @transform_7, window_bounds = array<i64: 1000, 128>}]} {
    %get3A = arith.constant 0 : index
    %get3A_0 = arith.constant 0 : index
    %get3A_1 = vector.load %arg2[%get3A, %get3A_0] : memref<2x128xf32, #tpu.memory_space<vmem>>, vector<2x128xf32>
    %slice3A = vector.extract_strided_slice %get3A_1 {offsets = [0, 0], sizes = [1, 128], strides = [1, 1]} : vector<2x128xf32> to vector<1x128xf32>
    %div3A = arith.constant 1.000000e+04 : f32
    %div3A_2 = vector.broadcast %div3A : f32 to vector<1x128xf32>
    %div3A_3 = arith.divf %slice3A, %div3A_2 : vector<1x128xf32>
    %slice3A_4 = vector.extract_strided_slice %get3A_1 {offsets = [1, 0], sizes = [1, 128], strides = [1, 1]} : vector<2x128xf32> to vector<1x128xf32>
    %div3A_5 = arith.constant 1.000000e+04 : f32
    %div3A_6 = vector.broadcast %div3A_5 : f32 to vector<1x128xf32>
    %div3A_7 = arith.divf %slice3A_4, %div3A_6 : vector<1x128xf32>
    %mul3A = arith.mulf %div3A_3, %div3A_3 : vector<1x128xf32>
    %sub3A = arith.subf %div3A_7, %mul3A : vector<1x128xf32>
    %get3A_8 = arith.constant 0 : index
    %get3A_9 = arith.constant 0 : index
    %get3A_10 = vector.load %arg3[%get3A_8, %get3A_9] : memref<1x128xf32, #tpu.memory_space<vmem>>, vector<1x128xf32>
    %add3A = arith.constant 9.99999974E-6 : f32
    %add3A_11 = vector.broadcast %add3A : f32 to vector<1x128xf32>
    %add3A_12 = arith.addf %sub3A, %add3A_11 : vector<1x128xf32>
    %rsqrt3A = math.rsqrt %add3A_12 : vector<1x128xf32>
    %mul3A_13 = arith.mulf %get3A_10, %rsqrt3A : vector<1x128xf32>
    %get3A_14 = arith.constant 0 : index
    %get3A_15 = arith.constant 0 : index
    %get3A_16 = vector.load %arg4[%get3A_14, %get3A_15] : memref<1x128xf32, #tpu.memory_space<vmem>>, vector<1x128xf32>
    %mul3A_17 = arith.mulf %div3A_3, %mul3A_13 : vector<1x128xf32>
    %sub3A_18 = arith.subf %get3A_16, %mul3A_17 : vector<1x128xf32>
    %get3A_19 = arith.constant 0 : index
    %get3A_20 = arith.constant 0 : index
    %get3A_21 = vector.load %arg1[%get3A_19, %get3A_20] : memref<1000x128xf32, #tpu.memory_space<vmem>>, vector<1000x128xf32>
    %mul3A_22 = vector.broadcast %mul3A_13 : vector<1x128xf32> to vector<1000x128xf32>
    %mul3A_23 = arith.mulf %get3A_21, %mul3A_22 : vector<1000x128xf32>
    %add3A_24 = vector.broadcast %sub3A_18 : vector<1x128xf32> to vector<1000x128xf32>
    %add3A_25 = arith.addf %mul3A_23, %add3A_24 : vector<1000x128xf32>
    %get3A_26 = arith.constant 0 : index
    %get3A_27 = arith.constant 0 : index
    %get3A_28 = vector.load %arg5[%get3A_26, %get3A_27] : memref<128x128xf32, #tpu.memory_space<vmem>>, vector<128x128xf32>
    %dot_general3A = arith.constant dense<0.000000e+00> : vector<1000x128xf32>
    %dot_general3A_29 = tpu.matmul %add3A_25, %get3A_28, %dot_general3A {dimension_numbers = #tpu.dot_dimension_numbers<[1], [0], [0], [1], [0, 0, 1, 1], [], []>, transpose_lhs_hint = false} : vector<1000x128xf32>, vector<128x128xf32>, vector<1000x128xf32> -> vector<1000x128xf32>
    %swap3A = arith.constant 0 : index
    %swap3A_30 = arith.constant 0 : index
    %swap3A_31 = vector.load %arg7[%swap3A, %swap3A_30] : memref<1000x128xf32, #tpu.memory_space<vmem>>, vector<1000x128xf32>
    tpu.vector_store %arg7[%swap3A, %swap3A_30], %dot_general3A_29 {strides = array<i32>} : memref<1000x128xf32, #tpu.memory_space<vmem>>, vector<1000x128xf32>,
    %get3A_32 = arith.constant 0 : index
    %get3A_33 = arith.constant 0 : index
    %get3A_34 = vector.load %arg6[%get3A_32, %get3A_33] : memref<128x128xf32, #tpu.memory_space<vmem>>, vector<128x128xf32>
    %dot_general3A_35 = arith.constant dense<0.000000e+00> : vector<1000x128xf32>
    %dot_general3A_36 = tpu.matmul %add3A_25, %get3A_34, %dot_general3A_35 {dimension_numbers = #tpu.dot_dimension_numbers<[1], [0], [0], [1], [0, 0, 1, 1], [], []>, transpose_lhs_hint = false} : vector<1000x128xf32>, vector<128x128xf32>, vector<1000x128xf32> -> vector<1000x128xf32>
    %swap3A_37 = arith.constant 0 : index
    %swap3A_38 = arith.constant 0 : index
    %swap3A_39 = vector.load %arg8[%swap3A_37, %swap3A_38] : memref<1000x128xf32, #tpu.memory_space<vmem>>, vector<1000x128xf32>
    tpu.vector_store %arg8[%swap3A_37, %swap3A_38], %dot_general3A_36 {strides = array<i32>} : memref<1000x128xf32, #tpu.memory_space<vmem>>, vector<1000x128xf32>,
    return
  }
  func.func @transform_0(%arg0: i32) -> (i32, i32) {
    %c0_i32 = arith.constant 0 : i32
    %c0_i32_0 = arith.constant 0 : i32
    return %arg0, %c0_i32 : i32, i32
  }
  func.func @transform_1(%arg0: i32) -> (i32, i32) {
    %c0_i32 = arith.constant 0 : i32
    %c0_i32_0 = arith.constant 0 : i32
    %c0_i32_1 = arith.constant 0 : i32
    return %c0_i32, %c0_i32_0 : i32, i32
  }
  func.func @transform_2(%arg0: i32) -> (i32, i32) {
    %c0_i32 = arith.constant 0 : i32
    %c0_i32_0 = arith.constant 0 : i32
    %c0_i32_1 = arith.constant 0 : i32
    return %c0_i32, %c0_i32_0 : i32, i32
  }
  func.func @transform_3(%arg0: i32) -> (i32, i32) {
    %c0_i32 = arith.constant 0 : i32
    %c0_i32_0 = arith.constant 0 : i32
    %c0_i32_1 = arith.constant 0 : i32
    return %c0_i32, %c0_i32_0 : i32, i32
  }
  func.func @transform_4(%arg0: i32) -> (i32, i32) {
    %c0_i32 = arith.constant 0 : i32
    %c0_i32_0 = arith.constant 0 : i32
    %c0_i32_1 = arith.constant 0 : i32
    return %c0_i32, %c0_i32_0 : i32, i32
  }
  func.func @transform_5(%arg0: i32) -> (i32, i32) {
    %c0_i32 = arith.constant 0 : i32
    %c0_i32_0 = arith.constant 0 : i32
    %c0_i32_1 = arith.constant 0 : i32
    return %c0_i32, %c0_i32_0 : i32, i32
  }
  func.func @transform_6(%arg0: i32) -> (i32, i32) {
    %c0_i32 = arith.constant 0 : i32
    %c0_i32_0 = arith.constant 0 : i32
    return %arg0, %c0_i32 : i32, i32
  }
  func.func @transform_7(%arg0: i32) -> (i32, i32) {
    %c0_i32 = arith.constant 0 : i32
    %c0_i32_0 = arith.constant 0 : i32
    return %arg0, %c0_i32 : i32, i32
  }
}

module attributes {stable_mosaic.version = 14 : i64} {
  func.func @_proj_body_affine(%arg0: i32, %arg1: memref<1000x128xf32, #tpu.memory_space<vmem>>, %arg2: memref<2x128xf32, #tpu.memory_space<vmem>>, %arg3: memref<1x128xf32, #tpu.memory_space<vmem>>, %arg4: memref<1x128xf32, #tpu.memory_space<vmem>>, %arg5: memref<128x128xf32, #tpu.memory_space<vmem>>, %arg6: memref<128x32xf32, #tpu.memory_space<vmem>>, %arg7: memref<1000x128xf32, #tpu.memory_space<vmem>>, %arg8: memref<1000x32xf32, #tpu.memory_space<vmem>>) attributes {dimension_semantics = [#tpu.dimension_semantics<arbitrary>], iteration_bounds = array<i64: 10>, scalar_prefetch = 0 : i64, scratch_operands = 0 : i64, tpu.core_type = #tpu.core_type<tc>, window_params = [{transform_indices = @transform_0, window_bounds = array<i64: 1000, 128>}, {pipeline_mode = #tpu.pipeline_mode<synchronous>, transform_indices = @transform_1, window_bounds = array<i64: 2, 128>}, {pipeline_mode = #tpu.pipeline_mode<synchronous>, transform_indices = @transform_2, window_bounds = array<i64: 1, 128>}, {pipeline_mode = #tpu.pipeline_mode<synchronous>, transform_indices = @transform_3, window_bounds = array<i64: 1, 128>}, {pipeline_mode = #tpu.pipeline_mode<synchronous>, transform_indices = @transform_4, window_bounds = array<i64: 128, 128>}, {pipeline_mode = #tpu.pipeline_mode<synchronous>, transform_indices = @transform_5, window_bounds = array<i64: 128, 32>}, {transform_indices = @transform_6, window_bounds = array<i64: 1000, 128>}, {transform_indices = @transform_7, window_bounds = array<i64: 1000, 32>}]} {
    %get3A = arith.constant 0 : index
    %get3A_0 = arith.constant 0 : index
    %get3A_1 = vector.load %arg2[%get3A, %get3A_0] : memref<2x128xf32, #tpu.memory_space<vmem>>, vector<2x128xf32>
    %slice3A = vector.extract_strided_slice %get3A_1 {offsets = [0, 0], sizes = [1, 128], strides = [1, 1]} : vector<2x128xf32> to vector<1x128xf32>
    %div3A = arith.constant 1.000000e+04 : f32
    %div3A_2 = vector.broadcast %div3A : f32 to vector<1x128xf32>
    %div3A_3 = arith.divf %slice3A, %div3A_2 : vector<1x128xf32>
    %slice3A_4 = vector.extract_strided_slice %get3A_1 {offsets = [1, 0], sizes = [1, 128], strides = [1, 1]} : vector<2x128xf32> to vector<1x128xf32>
    %div3A_5 = arith.constant 1.000000e+04 : f32
    %div3A_6 = vector.broadcast %div3A_5 : f32 to vector<1x128xf32>
    %div3A_7 = arith.divf %slice3A_4, %div3A_6 : vector<1x128xf32>
    %mul3A = arith.mulf %div3A_3, %div3A_3 : vector<1x128xf32>
    %sub3A = arith.subf %div3A_7, %mul3A : vector<1x128xf32>
    %get3A_8 = arith.constant 0 : index
    %get3A_9 = arith.constant 0 : index
    %get3A_10 = vector.load %arg3[%get3A_8, %get3A_9] : memref<1x128xf32, #tpu.memory_space<vmem>>, vector<1x128xf32>
    %add3A = arith.constant 9.99999974E-6 : f32
    %add3A_11 = vector.broadcast %add3A : f32 to vector<1x128xf32>
    %add3A_12 = arith.addf %sub3A, %add3A_11 : vector<1x128xf32>
    %rsqrt3A = math.rsqrt %add3A_12 : vector<1x128xf32>
    %mul3A_13 = arith.mulf %get3A_10, %rsqrt3A : vector<1x128xf32>
    %get3A_14 = arith.constant 0 : index
    %get3A_15 = arith.constant 0 : index
    %get3A_16 = vector.load %arg4[%get3A_14, %get3A_15] : memref<1x128xf32, #tpu.memory_space<vmem>>, vector<1x128xf32>
    %mul3A_17 = arith.mulf %div3A_3, %mul3A_13 : vector<1x128xf32>
    %sub3A_18 = arith.subf %get3A_16, %mul3A_17 : vector<1x128xf32>
    %get3A_19 = arith.constant 0 : index
    %get3A_20 = arith.constant 0 : index
    %get3A_21 = vector.load %arg1[%get3A_19, %get3A_20] : memref<1000x128xf32, #tpu.memory_space<vmem>>, vector<1000x128xf32>
    %mul3A_22 = vector.broadcast %mul3A_13 : vector<1x128xf32> to vector<1000x128xf32>
    %mul3A_23 = arith.mulf %get3A_21, %mul3A_22 : vector<1000x128xf32>
    %add3A_24 = vector.broadcast %sub3A_18 : vector<1x128xf32> to vector<1000x128xf32>
    %add3A_25 = arith.addf %mul3A_23, %add3A_24 : vector<1000x128xf32>
    %get3A_26 = arith.constant 0 : index
    %get3A_27 = arith.constant 0 : index
    %get3A_28 = vector.load %arg5[%get3A_26, %get3A_27] : memref<128x128xf32, #tpu.memory_space<vmem>>, vector<128x128xf32>
    %dot_general3A = arith.constant dense<0.000000e+00> : vector<1000x128xf32>
    %dot_general3A_29 = tpu.matmul %add3A_25, %get3A_28, %dot_general3A {dimension_numbers = #tpu.dot_dimension_numbers<[1], [0], [0], [1], [0, 0, 1, 1], [], []>, transpose_lhs_hint = false} : vector<1000x128xf32>, vector<128x128xf32>, vector<1000x128xf32> -> vector<1000x128xf32>
    %swap3A = arith.constant 0 : index
    %swap3A_30 = arith.constant 0 : index
    %swap3A_31 = vector.load %arg7[%swap3A, %swap3A_30] : memref<1000x128xf32, #tpu.memory_space<vmem>>, vector<1000x128xf32>
    tpu.vector_store %arg7[%swap3A, %swap3A_30], %dot_general3A_29 {strides = array<i32>} : memref<1000x128xf32, #tpu.memory_space<vmem>>, vector<1000x128xf32>,
    %get3A_32 = arith.constant 0 : index
    %get3A_33 = arith.constant 0 : index
    %get3A_34 = vector.load %arg6[%get3A_32, %get3A_33] : memref<128x32xf32, #tpu.memory_space<vmem>>, vector<128x32xf32>
    %dot_general3A_35 = arith.constant dense<0.000000e+00> : vector<1000x32xf32>
    %dot_general3A_36 = tpu.matmul %add3A_25, %get3A_34, %dot_general3A_35 {dimension_numbers = #tpu.dot_dimension_numbers<[1], [0], [0], [1], [0, 0, 1, 1], [], []>, transpose_lhs_hint = false} : vector<1000x128xf32>, vector<128x32xf32>, vector<1000x32xf32> -> vector<1000x32xf32>
    %swap3A_37 = arith.constant 0 : index
    %swap3A_38 = arith.constant 0 : index
    %swap3A_39 = vector.load %arg8[%swap3A_37, %swap3A_38] : memref<1000x32xf32, #tpu.memory_space<vmem>>, vector<1000x32xf32>
    tpu.vector_store %arg8[%swap3A_37, %swap3A_38], %dot_general3A_36 {strides = array<i32>} : memref<1000x32xf32, #tpu.memory_space<vmem>>, vector<1000x32xf32>,
    return
  }
  func.func @transform_0(%arg0: i32) -> (i32, i32) {
    %c0_i32 = arith.constant 0 : i32
    %c0_i32_0 = arith.constant 0 : i32
    return %arg0, %c0_i32 : i32, i32
  }
  func.func @transform_1(%arg0: i32) -> (i32, i32) {
    %c0_i32 = arith.constant 0 : i32
    %c0_i32_0 = arith.constant 0 : i32
    %c0_i32_1 = arith.constant 0 : i32
    return %c0_i32, %c0_i32_0 : i32, i32
  }
  func.func @transform_2(%arg0: i32) -> (i32, i32) {
    %c0_i32 = arith.constant 0 : i32
    %c0_i32_0 = arith.constant 0 : i32
    %c0_i32_1 = arith.constant 0 : i32
    return %c0_i32, %c0_i32_0 : i32, i32
  }
  func.func @transform_3(%arg0: i32) -> (i32, i32) {
    %c0_i32 = arith.constant 0 : i32
    %c0_i32_0 = arith.constant 0 : i32
    %c0_i32_1 = arith.constant 0 : i32
    return %c0_i32, %c0_i32_0 : i32, i32
  }
  func.func @transform_4(%arg0: i32) -> (i32, i32) {
    %c0_i32 = arith.constant 0 : i32
    %c0_i32_0 = arith.constant 0 : i32
    %c0_i32_1 = arith.constant 0 : i32
    return %c0_i32, %c0_i32_0 : i32, i32
  }
  func.func @transform_5(%arg0: i32) -> (i32, i32) {
    %c0_i32 = arith.constant 0 : i32
    %c0_i32_0 = arith.constant 0 : i32
    %c0_i32_1 = arith.constant 0 : i32
    return %c0_i32, %c0_i32_0 : i32, i32
  }
  func.func @transform_6(%arg0: i32) -> (i32, i32) {
    %c0_i32 = arith.constant 0 : i32
    %c0_i32_0 = arith.constant 0 : i32
    return %arg0, %c0_i32 : i32, i32
  }
  func.func @transform_7(%arg0: i32) -> (i32, i32) {
    %c0_i32 = arith.constant 0 : i32
    %c0_i32_0 = arith.constant 0 : i32
    return %arg0, %c0_i32 : i32, i32
  }
}

module attributes {stable_mosaic.version = 14 : i64} {
  func.func @_final_body(%arg0: i32, %arg1: memref<2x1000x128xf32, #tpu.memory_space<vmem>>, %arg2: memref<2x1000x128xf32, #tpu.memory_space<vmem>>, %arg3: memref<1000x32xf32, #tpu.memory_space<vmem>>, %arg4: memref<1000x32xf32, #tpu.memory_space<vmem>>) attributes {dimension_semantics = [#tpu.dimension_semantics<arbitrary>], iteration_bounds = array<i64: 10>, scalar_prefetch = 0 : i64, scratch_operands = 0 : i64, tpu.core_type = #tpu.core_type<tc>, window_params = [{transform_indices = @transform_0, window_bounds = array<i64: 2, 1000, 128>}, {transform_indices = @transform_1, window_bounds = array<i64: 2, 1000, 128>}, {transform_indices = @transform_2, window_bounds = array<i64: 1000, 32>}, {transform_indices = @transform_3, window_bounds = array<i64: 1000, 32>}]} {
    %get3A = arith.constant 0 : index
    %get3A_0 = arith.constant 0 : index
    %get3A_1 = arith.constant 0 : index
    %get3A_2 = vector.load %arg1[%get3A, %get3A_0, %get3A_1] : memref<2x1000x128xf32, #tpu.memory_space<vmem>>, vector<1x1000x128xf32>
    %get3A_3 = vector.shape_cast %get3A_2 : vector<1x1000x128xf32> to vector<1000x128xf32>
    %get3A_4 = arith.constant 1 : index
    %get3A_5 = arith.constant 0 : index
    %get3A_6 = arith.constant 0 : index
    %get3A_7 = vector.load %arg1[%get3A_4, %get3A_5, %get3A_6] : memref<2x1000x128xf32, #tpu.memory_space<vmem>>, vector<1x1000x128xf32>
    %get3A_8 = vector.shape_cast %get3A_7 : vector<1x1000x128xf32> to vector<1000x128xf32>
    %add3A = arith.addf %get3A_3, %get3A_8 : vector<1000x128xf32>
    %slice3A = vector.extract_strided_slice %add3A {offsets = [0, 0], sizes = [1000, 32], strides = [1, 1]} : vector<1000x128xf32> to vector<1000x32xf32>
    %get3A_9 = arith.constant 0 : index
    %get3A_10 = arith.constant 0 : index
    %get3A_11 = arith.constant 0 : index
    %get3A_12 = vector.load %arg2[%get3A_9, %get3A_10, %get3A_11] : memref<2x1000x128xf32, #tpu.memory_space<vmem>>, vector<1x1000x1xf32>
    %get3A_13 = vector.shape_cast %get3A_12 : vector<1x1000x1xf32> to vector<1000x1xf32>
    %get3A_14 = arith.constant 1 : index
    %get3A_15 = arith.constant 0 : index
    %get3A_16 = arith.constant 0 : index
    %get3A_17 = vector.load %arg2[%get3A_14, %get3A_15, %get3A_16] : memref<2x1000x128xf32, #tpu.memory_space<vmem>>, vector<1x1000x1xf32>
    %get3A_18 = vector.shape_cast %get3A_17 : vector<1x1000x1xf32> to vector<1000x1xf32>
    %add3A_19 = arith.addf %get3A_13, %get3A_18 : vector<1000x1xf32>
    %max3A = arith.constant 1.000000e+00 : f32
    %max3A_20 = vector.broadcast %max3A : f32 to vector<1000x1xf32>
    %max3A_21 = arith.maximumf %add3A_19, %max3A_20 : vector<1000x1xf32>
    %div3A = arith.constant 1.000000e+00 : f32
    %div3A_22 = vector.broadcast %div3A : f32 to vector<1000x1xf32>
    %div3A_23 = arith.divf %div3A_22, %max3A_21 : vector<1000x1xf32>
    %mul3A = vector.broadcast %div3A_23 : vector<1000x1xf32> to vector<1000x32xf32>
    %mul3A_24 = arith.mulf %slice3A, %mul3A : vector<1000x32xf32>
    %get3A_25 = arith.constant 0 : index
    %get3A_26 = arith.constant 0 : index
    %get3A_27 = vector.load %arg3[%get3A_25, %get3A_26] : memref<1000x32xf32, #tpu.memory_space<vmem>>, vector<1000x32xf32>
    %add3A_28 = arith.addf %mul3A_24, %get3A_27 : vector<1000x32xf32>
    %reduce_max3A = arith.constant dense<0xFF800000> : vector<1000xf32>
    %reduce_max3A_29 = vector.multi_reduction <maximumf>, %add3A_28, %reduce_max3A [1] : vector<1000x32xf32> to vector<1000xf32>
    %broadcast_in_dim3A = vector.shape_cast %reduce_max3A_29 : vector<1000xf32> to vector<1000x1xf32>
    %sub3A = vector.broadcast %broadcast_in_dim3A : vector<1000x1xf32> to vector<1000x32xf32>
    %sub3A_30 = arith.subf %add3A_28, %sub3A : vector<1000x32xf32>
    %exp3A = math.exp %sub3A_30 : vector<1000x32xf32>
    %reduce_sum3A = arith.constant dense<0.000000e+00> : vector<1000xf32>
    %reduce_sum3A_31 = vector.multi_reduction <add>, %exp3A, %reduce_sum3A [1] : vector<1000x32xf32> to vector<1000xf32>
    %broadcast_in_dim3A_32 = vector.shape_cast %reduce_sum3A_31 : vector<1000xf32> to vector<1000x1xf32>
    %log3A = math.log %broadcast_in_dim3A_32 : vector<1000x1xf32>
    %add3A_33 = arith.addf %log3A, %broadcast_in_dim3A : vector<1000x1xf32>
    %sub3A_34 = vector.broadcast %add3A_33 : vector<1000x1xf32> to vector<1000x32xf32>
    %sub3A_35 = arith.subf %add3A_28, %sub3A_34 : vector<1000x32xf32>
    %swap3A = arith.constant 0 : index
    %swap3A_36 = arith.constant 0 : index
    %swap3A_37 = vector.load %arg4[%swap3A, %swap3A_36] : memref<1000x32xf32, #tpu.memory_space<vmem>>, vector<1000x32xf32>
    tpu.vector_store %arg4[%swap3A, %swap3A_36], %sub3A_35 {strides = array<i32>} : memref<1000x32xf32, #tpu.memory_space<vmem>>, vector<1000x32xf32>,
    return
  }
  func.func @transform_0(%arg0: i32) -> (i32, i32, i32) {
    %c0_i32 = arith.constant 0 : i32
    %c0_i32_0 = arith.constant 0 : i32
    %c0_i32_1 = arith.constant 0 : i32
    return %c0_i32, %arg0, %c0_i32_0 : i32, i32, i32
  }
  func.func @transform_1(%arg0: i32) -> (i32, i32, i32) {
    %c0_i32 = arith.constant 0 : i32
    %c0_i32_0 = arith.constant 0 : i32
    %c0_i32_1 = arith.constant 0 : i32
    return %c0_i32, %arg0, %c0_i32_0 : i32, i32, i32
  }
  func.func @transform_2(%arg0: i32) -> (i32, i32) {
    %c0_i32 = arith.constant 0 : i32
    %c0_i32_0 = arith.constant 0 : i32
    return %arg0, %c0_i32 : i32, i32
  }
  func.func @transform_3(%arg0: i32) -> (i32, i32) {
    %c0_i32 = arith.constant 0 : i32
    %c0_i32_0 = arith.constant 0 : i32
    return %arg0, %c0_i32 : i32, i32
  }
}

</mosaic_0001>

<sc_bundles>
// kernel: kernel.18.cloned.1.call-start
scs
__scs_entry_jumppad:
0x0: {  	(pc) =	sbr.rel $0x88, $3  }
0x1: {  	(tag) =	ssettag $0x0;
	lr =	simm.s32 $0x1  }
0x2: {  	[smem:$0x3F8D] =	sst lr;
	_ =	strace $0xD0000000  }
0x3: {  	_ = 	snop  }
0x4: {  	_ = 	snop  }
0x5: {  	_ = 	snop  }
0x6: {  	_ = 	snop  }
0x7: {  	_ = 	snop  }
__scs_overlays_trampoline_lowered:
0x8: {  	[smem:$0x3F9C] =	sst s0  }
0x9: {  	[smem:$0x3F9D] =	sst s1  }
0xa: {  	[smem:$0x3F9E] =	sst s2  }
0xb: {  	[smem:$0x3F9F] =	sst s3  }
0xc: {  	[smem:$0x3FA0] =	sst s4  }
0xd: {  	[smem:$0x3FA1] =	sst s5  }
0xe: {  	[smem:$0x3FA2] =	sst s6  }
0xf: {  	[smem:$0x3FA3] =	sst s7  }
0x10: {  	[smem:$0x3FA4] =	sst s8  }
0x11: {  	[smem:$0x3FA5] =	sst s9;
	s0 =	simm.s32 @!p0 $0x0  }
0x12: {  	s1 =	sld [smem:$0x3F8B];
	s0 =	simm.s32 @p0 $0x1  }
0x13: {  	[smem:$0x3FA6] =	sst s0;
	s0 =	simm.s32 @!p1 $0x0  }
0x14: {  	s2 =	sld [smem:$0x3F8A];
	s0 =	simm.s32 @p1 $0x1  }
0x15: {  	[smem:$0x3FA7] =	sst s0;
	s0 =	simm.s32 @!p2 $0x0  }
0x16: {  	s3 =	sld [smem:$0x3FDB];
	s0 =	simm.s32 @p2 $0x1  }
0x17: {  	s4 =	simm.s32 $0x1BF5;
	[smem:$0x3FA9] =	sst s0  }
0x18: {  	s0 =	sld [smem:$0x3F8C];
	_ =	swait.ge [sflag:s4], $0x0  }
0x19: {  	s7 =	sld [smem:$0x3F8D]  }
0x1a: {  	s8 =	sadd.s32 $0xFFFFE003, lr  }
0x1b: {  	s9 =	sadd.s32 $0xFFFFFEF7, lr;
	s5 =	simm.s32 $0xFFFFFFFF;
	p2 =	slt.u32 s8, $0xFFFFF086  }
0x1c: {  	p1 =	slt.u32 s9, $0xF7A;
	s5 =	simm.s32 @!p2 $0x0  }
0x1d: {  	s5 =	simm.s32 @p1 $0x1;
	p0 =	seq.s32 s7, s2  }
0x1e: {  	s7 =	smul.u32 @!p0 $0xF7A, s2;
	p2 =	seq.s32 @!p0 s5, $0x0  }
0x1f: {  	s9 =	smul.u32 $0xF7A, s1;
	s8 =	simm.s32 @!p0 $0x1BF5;
	p2 =	por !p2, p0  }
0x20: {  	[sflag:s8] =	ssyncset.s32 @!p0 $0xFFFFF086;
	s6 =	sadd.s32 @!p0 s3, s7;
	s7 =	simm.s32 @!p0 $0x108  }
0x21: {  	s3 =	sadd.s32 s3, s9;
	s6 =	sadd.s32 @!p0 $0x88, s6;
	s7 =	simm.s32 @p2 $0x1082  }
0x22: {  	[simem:s7], [sflag:s8] =	dma.local @!p0 [hbm:s6], $0xF7A  }
0x23: {  	s9 =	sor.u32 $0xD0000000, s2;
	s6 =	simm.s32 $0x108;
	_ =	swait.ge @!p0 [sflag:s8], $0x0  }
0x24: {  	s3 =	sadd.s32 $0x88, s3;
	s6 =	simm.s32 @!p1 $0x1082;
	[sflag:s4] =	ssyncset.s32 $0xFFFFF086  }
0x25: {  	[simem:s6], [sflag:s4] =	dma.local [hbm:s3], $0xF7A  }
0x26: {  	[smem:$0x3F8D] =	sst s1;
	(tag) =	ssettag s2;
	_ =	strace s9  }
0x27: {  	s1 =	sld [smem:$0x3F9D]  }
0x28: {  	s2 =	sld [smem:$0x3F9E]  }
0x29: {  	s4 =	sld [smem:$0x3FA0]  }
0x2a: {  	p0 =	seq.s32 s5, $0x0;
	s5 =	sld [smem:$0x3FA1]  }
0x2b: {  	s6 =	sld [smem:$0x3FA2]  }
0x2c: {  	s7 =	sld [smem:$0x3FA3]  }
0x2d: {  	s3 =	simm.s32 $0x108;
	s8 =	sld [smem:$0x3FA4]  }
0x2e: {  	s3 =	simm.s32 @!p0 $0x1082;
	s9 =	sld [smem:$0x3FA5]  }
0x2f: {  	lr =	sadd.s32 s0, s3;
	s0 =	sld [smem:$0x3F9C]  }
0x30: {  	s3 =	sld [smem:$0x3F9F]  }
0x31: {  	[smem:$0x3FA8] =	sst s10  }
0x32: {  	s10 =	sld [smem:$0x3FA6];
	_ =	sdelay $0x3  }
0x33: {  	p0 =	seq.s32 s10, $0x1;
	s10 =	sld [smem:$0x3FA8];
	_ =	sdelay $0x3  }
0x34: {  	[smem:$0x3FA8] =	sst s10  }
0x35: {  	s10 =	sld [smem:$0x3FA7];
	_ =	sdelay $0x3  }
0x36: {  	p1 =	seq.s32 s10, $0x1;
	s10 =	sld [smem:$0x3FA8];
	_ =	sdelay $0x3  }
0x37: {  	[smem:$0x3FA8] =	sst s10  }
0x38: {  	s10 =	sld [smem:$0x3FA9]  }
0x39: {  	_ = 	snop;
	(pc) =	sbr.ind lr, $3  }
0x3a: {  	_ = 	snop  }
0x3b: {  	_ = 	snop  }
0x3c: {  	p2 =	seq.s32 s10, $0x1;
	s10 =	sld [smem:$0x3FA8]  }
0x3d: {  	_ =	shalt  }
0x3e: {  	_ =	shalt  }
0x3f: {  	_ =	shalt  }
0x40: {  	_ =	shalt  }
0x41: {  	_ =	shalt  }
0x42: {  	_ =	shalt  }
0x43: {  	_ =	shalt  }
0x44: {  	_ =	shalt  }
0x45: {  	_ =	shalt  }
0x46: {  	_ =	shalt  }
0x47: {  	_ =	shalt  }
0x48: {  	_ =	shalt  }
0x49: {  	_ =	shalt  }
0x4a: {  	_ =	shalt  }
0x4b: {  	_ =	shalt  }
0x4c: {  	_ =	shalt  }
0x4d: {  	_ =	shalt  }
0x4e: {  	_ =	shalt  }
0x4f: {  	_ =	shalt  }
0x50: {  	_ =	shalt  }
0x51: {  	_ =	shalt  }
0x52: {  	_ =	shalt  }
0x53: {  	_ =	shalt  }
0x54: {  	_ =	shalt  }
0x55: {  	_ =	shalt  }
0x56: {  	_ =	shalt  }
0x57: {  	_ =	shalt  }
0x58: {  	_ =	shalt  }
0x59: {  	_ =	shalt  }
0x5a: {  	_ =	shalt  }
0x5b: {  	_ =	shalt  }
0x5c: {  	_ =	shalt  }
0x5d: {  	_ =	shalt  }
0x5e: {  	_ =	shalt  }
0x5f: {  	_ =	shalt  }
0x60: {  	_ =	shalt  }
0x61: {  	_ =	shalt  }
0x62: {  	_ =	shalt  }
0x63: {  	_ =	shalt  }
0x64: {  	_ =	shalt  }
0x65: {  	_ =	shalt  }
0x66: {  	_ =	shalt  }
0x67: {  	_ =	shalt  }
0x68: {  	_ =	shalt  }
0x69: {  	_ =	shalt  }
0x6a: {  	_ =	shalt  }
0x6b: {  	_ =	shalt  }
0x6c: {  	_ =	shalt  }
0x6d: {  	_ =	shalt  }
0x6e: {  	_ =	shalt  }
0x6f: {  	_ =	shalt  }
0x70: {  	_ =	shalt  }
0x71: {  	_ =	shalt  }
0x72: {  	_ =	shalt  }
0x73: {  	_ =	shalt  }
0x74: {  	_ =	shalt  }
0x75: {  	_ =	shalt  }
0x76: {  	_ =	shalt  }
0x77: {  	_ =	shalt  }
0x78: {  	_ =	shalt  }
0x79: {  	_ =	shalt  }
0x7a: {  	_ =	shalt  }
0x7b: {  	_ =	shalt  }
0x7c: {  	_ =	shalt  }
0x7d: {  	_ =	shalt  }
0x7e: {  	_ =	shalt  }
0x7f: {  	_ =	shalt  }
0x80: {  	_ =	shalt  }
0x81: {  	_ =	shalt  }
0x82: {  	_ =	shalt  }
0x83: {  	_ =	shalt  }
0x84: {  	_ =	shalt  }
0x85: {  	_ =	shalt  }
0x86: {  	_ =	shalt  }
0x87: {  	_ =	shalt  }
.Lfunc_end0:
.L_simem_size_0:
called_computation_lowered:
.L_overlay_start_0:
0x88: {  	s2 =	sld [smem:$0x3FD9]  }
0x89: {  	s3 =	sld [smem:$0x3FFE];
	_ =	sdelay $0x1  }
0x8a: {  	s1 =	srdreg.scid  }
0x8b: {  	s0 =	sand.u32 $0x1, s1  }
0x8c: {  	s17 =	sshll.u32 s0, $0xA;
	s2 =	sadd.s32 s3, s2  }
0x8d: {  	s2 =	sadd.s32 s2, s17  }
0x8e: {  	[smem:$0x3FB4] =	sst s2  }
0x8f: {  	_ = 	snop  }
0x90: {  	(tm) =	ssettm $0x1  }
0x91: {  	s18 =	sld [smem:$0x3FFB];
	_ =	sdelay $0x3  }
0x92: {  	_ =	strace s18  }
0x93: {  	s2 =	sld [smem:$0x3FFC];
	_ =	sdelay $0x3  }
0x94: {  	_ =	strace s2  }
0x95: {  	s2 =	sld [smem:$0x3FFD];
	_ =	sdelay $0x3  }
0x96: {  	_ =	strace s2  }
0x97: {  	_ =	strace $0x8FFFFFFF  }
0x98: {  	s19 =	sld [smem:$0x3FDB];
	_ =	sdelay $0x1  }
0x99: {  	s20 =	simm.s32 $_scs_section_size  }
0x9a: {  	s4 =	simm.s32 $_size__tile_overlayer_lowered;
	s5 =	simm.s32 $_tile_overlayer_lowered  }
0x9b: {  	s6 =	simm.s32 $0x1BFF;
	s21 =	sshll.u32 s5, $0x1;
	s3 =	sadd.s32 s20, s19  }
0x9c: {  	s22 =	simm.s32 $0x0;
	s4 =	sshll.u32 s4, $0x1;
	s5 =	sadd.s32 s21, s3  }
0x9d: {  	[timem:s22], [sflag:s6] =	dma.local [hbm:s5], s4  }
0x9e: {  	_ =	swait.ge [sflag:s6], s4  }
0x9f: {  	s4 =	ssub.s32 $0x0, s4;
	[sflag:s6] =	ssyncset.done $0x0  }
0xa0: {  	[sflag:s6] =	ssyncadd.s32 s4;
	_ =	sdelay $0x1  }
0xa1: {  	s23 =	simm.s32 $0x1B8B  }
0xa2: {  	_ =	swait.ge [sflag:s23], $0x1  }
0xa3: {  	[sflag:s23] =	ssyncset.done $0x0  }
0xa4: {  	[sflag:s23] =	ssyncadd.s32 $0xFFFFFFFF  }
0xa5: {  	s4 =	sld [smem:$0x0]  }
0xa6: {  	s5 =	sand.u32 $0xFFFFFFFE, s1  }
0xa7: {  	p0 =	sne.s32 s1, s5  }
0xa8: {  	s5 =	sshll.u32 @p0 s5, $0xE  }
0xa9: {  	s5 =	sadd.s32 @p0 $0x11B8D, s5;
	s6 =	sshll.u32 @p0 s4, $0x11  }
0xaa: {  	s5 =	sor.u32 @p0 s6, s5  }
0xab: {  	[sflag:s5] =	ssyncadd.remote.s32 @p0 $0x1;
	_ =	sdelay $0x1  }
0xac: {  	s5 =	simm.s32 @p0 $0x1B8D  }
0xad: {  	_ =	swait.eq @p0 [sflag:s5], $0x1  }
0xae: {  	[sflag:s5] =	ssyncadd.s32 @p0 $0xFFFFFFFF  }
0xaf: {  	s6 =	sshll.u32 @!p0 s1, $0xE  }
0xb0: {  	s6 =	sor.u32 @!p0 $0x4000, s6;
	s5 =	simm.s32 @!p0 $0x1B8D  }
0xb1: {  	s4 =	sshll.u32 @!p0 s4, $0x11;
	s6 =	sadd.s32 @!p0 $0x11B8D, s6;
	_ =	swait.eq @!p0 [sflag:s5], $0x1  }
0xb2: {  	s4 =	sor.u32 @!p0 s4, s6;
	[sflag:s5] =	ssyncadd.s32 @!p0 $0xFFFFFFFF  }
0xb3: {  	s25 =	simm.s32 $0x1B8E;
	s24 =	sld [smem:$0x3FFE];
	[sflag:s4] =	ssyncadd.remote.s32 @!p0 $0x1  }
0xb4: {  	s26 =	simm.s32 $execute0_lowered;
	[smem:$0x3FD2] =	sst s25  }
0xb5: {  	s5 =	sshll.u32 s26, $0x1;
	_ =	strace $0x80000049;
	[dreg:$0x1] =	wrdreg $0xFFFFFFFF  }
0xb6: {  	s28 =	simm.s32 $_size_execute0_lowered;
	s3 =	sadd.s32 s3, s5;
	[dreg:$0x0] =	wrdreg $0x0  }
0xb7: {  	s5 =	sshll.u32 s28, $0x1;
	[dreg:$0x2] =	wrdreg s3  }
0xb8: {  	[dreg:$0x3] =	wrdreg s5  }
0xb9: {  	[dreg:$0x4] =	wrdreg $0xC0  }
0xba: {  	_ =	task [dreg:s22], $0x5FFFF  }
0xbb: {  	[dreg:$0x1] =	wrdreg $0xFFFFFFFF  }
0xbc: {  	[dreg:$0x0] =	wrdreg $0x60  }
0xbd: {  	[dreg:$0x2] =	wrdreg s24  }
0xbe: {  	[dreg:$0x3] =	wrdreg $0x68000  }
0xbf: {  	[dreg:$0x4] =	wrdreg $0x9  }
0xc0: {  	_ =	task.clear_ibuf [dreg:s22], $0x5FFFF;
	_ =	strace $0x90000049  }
0xc1: {  	s29 =	simm.s32 $0x9;
	_ =	strace $0x8000004B  }
0xc2: {  	_ =	swait.ge [sflag:s29], $0x1  }
0xc3: {  	[sflag:s29] =	ssyncadd.s32 $0xFFFFFFFF  }
0xc4: {  	_ =	strace $0x9000004B  }
0xc5: {  	_ =	sfence  }
0xc6: {  	s30 =	sld [smem:$0x0];
	_ =	sdelay $0x2  }
0xc7: {  	s31 =	sshll.u32 s1, $0xD;
	s1 =	sshrl.u32 s1, $0x2  }
0xc8: {  	s4 =	sand.u32 $0x4000, s31;
	s1 =	sadd.s32 s1, s30  }
0xc9: {  	s0 =	sor.u32 s4, s0;
	s1 =	sshll.u32 s1, $0x11  }
0xca: {  	s0 =	sor.u32 s1, s0  }
0xcb: {  	s0 =	sadd.s32 $0x8F2B, s0  }
0xcc: {  	[sflag:s0] =	ssyncadd.remote.s32 $0x1  }
0xcd: {  	_ =	sfence.sel $0xFFFF  }
0xce: {  	[dreg:$0x0] =	wrdreg $0xFFFFFFFF;
	(pc) =	sbr.abs _section_cstart, $3  }
0xcf: {  	[dreg:$0x1] =	wrdreg $0xFFFFFFFF  }
0xd0: {  	_ =	task.clear_ibuf [dreg:s22], $0x2FFFF;
	_ =	strace $0x9FFFFFFF  }
0xd1: {  	(tm) =	ssettm $0x7FFFFFFF  }
tec
execute0_lowered:
.L_overlay_start_1:
0x0: {  	(tag) =	ssettag $0x1  }
0x1: {  	s0 =	srdreg.scid;
	s4 =	rddreg [dreg:$0x0]  }
0x2: {  	s2 =	rddreg [dreg:$0x1];
	s1 =	stileid.u32  }
0x3: {  	s3 =	simm.s32 $0x0;
	s5 =	sand.u32 $0x1, s0;
	s0 =	rddreg [dreg:$0x2]  }
0x4: {  	s17 =	simm.s32 $0x80;
	[smem:$0x7FF] =	sst s3;
	s7 =	smul.u32 $0x4E000, s1  }
0x5: {  	s13 =	sadd.s32 $0x8F600, s4;
	s10 =	smul.u32 $0x13800, s1;
	p0 =	sne.s32 s1, $0xF  }
0x6: {  	s18 =	sshll.u32 s1, $0x6;
	s6 =	sshll.u32 s5, $0x4;
	_ =	strace $0x8000004A  }
0x7: {  	s30 =	ssub.s32 $0x2, s5;
	s12 =	smul.u32 $0x138800, s5;
	s18 =	sor.u32 $0x1C01, s18  }
0x8: {  	s6 =	sor.u32 s1, s6;
	s31 =	sshrl.u32 s30, $0x1;
	s7 =	sshrl.u32 s7, $0x2  }
0x9: {  	s6 =	smul.u32 $0x500, s6;
	s14 =	ssub.s32 s30, s31;
	s15 =	sadd.s32 s10, s12  }
0xa: {  	s10 =	sadd.s32 $0x138000, s2;
	s16 =	sshrl.u32 s12, $0x3;
	s15 =	sshrl.u32 s15, $0x3  }
0xb: {  	s14 =	smax.u32 s14, $0x1;
	s11 =	sadd.s32 s6, s4;
	s4 =	sadd.s32 s7, s2  }
0xc: {  	s12 =	sadd.s32 s13, s15;
	s13 =	sadd.s32 s13, s16;
	s15 =	simm.s32 $0x2800  }
0xd: {  	s16 =	simm.s32 $0x1;
	s5 =	sadd.s32 $0x3400, s4;
	s6 =	sadd.s32 $0x6800, s4  }
0xe: {  	s7 =	sadd.s32 $0x9C00, s4;
	s8 =	sadd.s32 $0xD000, s4;
	s9 =	sadd.s32 $0x10400, s4  }
0xf: {  	v0 =	vimm.f32 $0.0e+00;
	v1 =	vimm.f32 $1.000000000e+00;
	s11 =	sadd.s32 $0x6200, s11;
	s13 =	sadd.s32 $0x27000, s13;
	s19 =	sshrl.u32 s4, $0x3  }
.LBB2_1:
0x10: {  	s20 =	simm.s32 $0x0;
	s21 =	simm.s32 $0x200  }
.LBB2_2:
0x11: {  	p1 =	sne.s32 s21, $0xFE00;
	[tilespmem:s20+$0x2870] =	vst v0  }
0x12: {  	[tilespmem:s20+$0x2800] =	vst v0  }
0x13: {  	[tilespmem:s20+$0x2810] =	vst v0  }
.Ltmp0:
0x14: {  	[tilespmem:s20+$0x2820] =	vst v0;
	(pc) =	sbr.rel @p1 .LBB2_2-.Ltmp0, $4  }
0x15: {  	[tilespmem:s20+$0x2830] =	vst v0  }
0x16: {  	[tilespmem:s20+$0x2840] =	vst v0  }
0x17: {  	[tilespmem:s20+$0x2850] =	vst v0  }
0x18: {  	[tilespmem:s20+$0x2860] =	vst v0;
	s20 =	sshra.s32 s21, $0x2;
	s21 =	sadd.s32 $0x200, s21  }
0x19: {  	[tilespmem:s20+$0x2870] =	vst v0  }
0x1a: {  	[tilespmem:s20+$0x2800] =	vst v0  }
0x1b: {  	[tilespmem:s20+$0x2810] =	vst v0  }
0x1c: {  	[tilespmem:s20+$0x2820] =	vst v0  }
0x1d: {  	[tilespmem:s20+$0x2830] =	vst v0  }
0x1e: {  	[tilespmem:s20+$0x2840] =	vst v0  }
0x1f: {  	[tilespmem:s20+$0x2850] =	vst v0  }
0x20: {  	[tilespmem:s20+$0x2860] =	vst v0  }
0x21: {  	[spmem:s4] =	stream.linear.scatter [tilespmem:s15], [sflag:$0x1], $0x3400, $0x38;
	[tilespmem:$0x1A100] =	vst v63  }
0x22: {  	_ =	swait.ge [sflag:s16], $0x3400  }
0x23: {  	[sflag:s16] =	ssyncset.done $0x0  }
0x24: {  	[sflag:s16] =	ssyncadd.s32 $0xFFFFCC00  }
0x25: {  	[spmem:s5] =	stream.linear.scatter [tilespmem:s15], [sflag:$0x1], $0x3400, $0x38;
	[tilespmem:$0x1A100] =	vst v63  }
0x26: {  	_ =	swait.ge [sflag:s16], $0x3400  }
0x27: {  	[sflag:s16] =	ssyncset.done $0x0  }
0x28: {  	[sflag:s16] =	ssyncadd.s32 $0xFFFFCC00  }
0x29: {  	[spmem:s6] =	stream.linear.scatter [tilespmem:s15], [sflag:$0x1], $0x3400, $0x38;
	[tilespmem:$0x1A100] =	vst v63  }
0x2a: {  	_ =	swait.ge [sflag:s16], $0x3400  }
0x2b: {  	[sflag:s16] =	ssyncset.done $0x0  }
0x2c: {  	[sflag:s16] =	ssyncadd.s32 $0xFFFFCC00  }
0x2d: {  	[spmem:s7] =	stream.linear.scatter [tilespmem:s15], [sflag:$0x1], $0x3400, $0x38;
	[tilespmem:$0x1A100] =	vst v63  }
0x2e: {  	_ =	swait.ge [sflag:s16], $0x3400  }
0x2f: {  	[sflag:s16] =	ssyncset.done $0x0  }
0x30: {  	[sflag:s16] =	ssyncadd.s32 $0xFFFFCC00  }
0x31: {  	[spmem:s8] =	stream.linear.scatter [tilespmem:s15], [sflag:$0x1], $0x3400, $0x38;
	[tilespmem:$0x1A100] =	vst v63  }
0x32: {  	_ =	swait.ge [sflag:s16], $0x3400  }
0x33: {  	[sflag:s16] =	ssyncset.done $0x0  }
0x34: {  	[sflag:s16] =	ssyncadd.s32 $0xFFFFCC00  }
0x35: {  	[spmem:s9] =	stream.linear.scatter [tilespmem:s15], [sflag:$0x1], $0x3400, $0x38;
	[tilespmem:$0x1A100] =	vst v63  }
0x36: {  	_ =	swait.ge [sflag:s16], $0x3400  }
0x37: {  	[sflag:s16] =	ssyncset.done $0x0  }
0x38: {  	s20 =	simm.s32 @!p0 $0x2800;
	[sflag:s16] =	ssyncadd.s32 $0xFFFFCC00  }
0x39: {  	[spmem:s10] =	stream.linear.scatter @!p0 [tilespmem:s20], [sflag:$0x1], $0x800, $0x38;
	[tilespmem:$0x1A100] =	vst v63  }
0x3a: {  	s20 =	simm.s32 @!p0 $0x1  }
0x3b: {  	_ =	swait.ge @!p0 [sflag:s20], $0x800  }
0x3c: {  	[sflag:s20] =	ssyncset.done @!p0 $0x0  }
0x3d: {  	s21 =	simm.s32 $0x200;
	[sflag:s20] =	ssyncadd.s32 @!p0 $0xFFFFF800;
	s20 =	simm.s32 $0x0  }
.LBB2_4:
0x3e: {  	p1 =	sne.s32 s21, $0xFE00;
	[tilespmem:s20+$0x2870] =	vst v1  }
0x3f: {  	[tilespmem:s20+$0x2800] =	vst v1  }
0x40: {  	[tilespmem:s20+$0x2810] =	vst v1  }
.Ltmp1:
0x41: {  	[tilespmem:s20+$0x2820] =	vst v1;
	(pc) =	sbr.rel @p1 .LBB2_4-.Ltmp1, $4  }
0x42: {  	[tilespmem:s20+$0x2830] =	vst v1  }
0x43: {  	[tilespmem:s20+$0x2840] =	vst v1  }
0x44: {  	[tilespmem:s20+$0x2850] =	vst v1  }
0x45: {  	[tilespmem:s20+$0x2860] =	vst v1;
	s20 =	sshra.s32 s21, $0x2;
	s21 =	sadd.s32 $0x200, s21  }
0x46: {  	[tilespmem:s20+$0x2870] =	vst v1  }
0x47: {  	[tilespmem:s20+$0x2800] =	vst v1  }
0x48: {  	[tilespmem:s20+$0x2810] =	vst v1  }
0x49: {  	[tilespmem:s20+$0x2820] =	vst v1  }
0x4a: {  	[tilespmem:s20+$0x2830] =	vst v1  }
0x4b: {  	[tilespmem:s20+$0x2840] =	vst v1  }
0x4c: {  	[tilespmem:s20+$0x2850] =	vst v1  }
0x4d: {  	[tilespmem:s20+$0x2860] =	vst v1;
	s30 =	simm.s32 $0x0  }
0x4e: {  	[tilespmem:s30], [sflag:$0x1] =	stream.linear.gather [hbm4b:s11+s30], $0x2780, $0x38;
	[tilespmem:$0x1A100] =	vst v63  }
0x4f: {  	_ =	swait.ge [sflag:s16], $0x2780  }
0x50: {  	[sflag:s16] =	ssyncset.done $0x0  }
0x51: {  	[sflag:s16] =	ssyncadd.s32 $0xFFFFD880  }
0x52: {  	s31 =	simm.s32 $0x0;
	[bflag:$0x0] =	sbarrier.arrive $0xFFFF  }
0x53: {  	[spmem:s2] =	stream.indirect.scatter.add.f32 [tilespmem:s15], [sflag:$0x1], $0x80, s31, s17, $0xb8;
	[tilespmem:$0x1A100] =	vst v63  }
0x54: {  	_ =	swait.ge [sflag:s16], $0x4000  }
0x55: {  	s20 =	simm.s32 $0x200;
	[sflag:s16] =	ssyncset.done $0x0  }
.LBB2_6:
0x56: {  	s21 =	sshra.s32 s20, $0x2;
	[sflag:s16] =	ssyncadd.s32 $0xFFFFC000;
	p1 =	sne.s32 s20, $0x9C00  }
0x57: {  	[spmem:s2] =	stream.indirect.scatter.add.f32 [tilespmem:s15], [sflag:$0x1], $0x80, s21, s17, $0xb8;
	[tilespmem:$0x1A100] =	vst v63  }
.Ltmp2:
0x58: {  	_ = 	snop;
	(pc) =	sbr.rel @p1 .LBB2_6-.Ltmp2, $4  }
0x59: {  	_ = 	snop  }
0x5a: {  	s20 =	sadd.s32 $0x200, s20  }
0x5b: {  	_ =	swait.ge [sflag:s16], $0x4000  }
0x5c: {  	[sflag:s16] =	ssyncset.done $0x0  }
0x5d: {  	[sflag:s16] =	ssyncadd.s32 $0xFFFFC000  }
0x5e: {  	[bflag:$0x0] =	sbarrier.arrive $0xFFFF  }
0x5f: {  	[hbm:s12], [sflag:s18] =	dma.local [spmem:s19], $0x2700  }
0x60: {  	_ =	swait.ge [sflag:s16], $0x2700  }
0x61: {  	s3 =	sadd.s32 $0x1, s3;
	[sflag:s16] =	ssyncset.done $0x0  }
0x62: {  	s20 =	sshrl.u32 @!p0 s10, $0x3;
	p1 =	sne.s32 s3, s14;
	[sflag:s16] =	ssyncadd.s32 $0xFFFFD900  }
0x63: {  	[hbm:s13], [sflag:s18] =	dma.local @!p0 [spmem:s20], $0x100  }
.Ltmp3:
0x64: {  	_ = 	snop;
	(pc) =	sbr.rel @p1 .LBB2_1-.Ltmp3, $4  }
0x65: {  	s20 =	simm.s32 @!p0 $0x1  }
0x66: {  	_ =	swait.ge @!p0 [sflag:s20], $0x100  }
0x67: {  	[sflag:s20] =	ssyncset.done @!p0 $0x0  }
0x68: {  	[sflag:s20] =	ssyncadd.s32 @!p0 $0xFFFFFF00  }
0x69: {  	_ =	sfence.sel $0x180000  }
0x6a: {  	[bflag:$0x0] =	sbarrier.arrive $0xFFFF  }
0x6b: {  	p0 =	sne.s32 s1, $0x0;
	_ =	strace $0x9000004A  }
0x6c: {  	s0 =	sadd.s32 @!p0 $0x100000, s0;
	[bflag:$0x2] =	sbarrier.arrive $0xFFFF  }
0x6d: {  	[sflag:s0] =	ssyncadd.tile.s32 @!p0 $0x1;
	_ =	shalt  }
.Lfunc_end2:
_tile_overlayer_lowered:
.L_overlay_start_2:
0x6e: {  	(tag) =	ssettag $0x2  }
0x6f: {  	s0 =	rddreg [dreg:$0x0];
	s2 =	stileid.u32  }
0x70: {  	s1 =	rddreg [dreg:$0x1];
	p0 =	sne.s32 s2, $0x0  }
0x71: {  	s3 =	rddreg [dreg:$0x2];
	[bflag:$0x3] =	sbarrier.arrive $0xFFFF;
	s2 =	simm.s32 @!p0 $0x1C01  }
0x72: {  	[timem:s3], [sflag:s2] =	dma.local @!p0 [hbm:s0], s1  }
0x73: {  	s0 =	simm.s32 @!p0 $0x1  }
0x74: {  	_ =	swait.ge @!p0 [sflag:s0], s1  }
0x75: {  	s1 =	ssub.s32 @!p0 $0x0, s1;
	[sflag:s0] =	ssyncset.done @!p0 $0x0  }
0x76: {  	[sflag:s0] =	ssyncadd.s32 @!p0 s1  }
0x77: {  	[bflag:$0x3] =	sbarrier.arrive $0xFFFF  }
0x78: {  	_ =	shalt  }

// kernel: kernel.21.cloned.1.call-start
scs
__scs_entry_jumppad:
0x0: {  	(pc) =	sbr.rel $0x88, $3  }
0x1: {  	(tag) =	ssettag $0x0;
	lr =	simm.s32 $0x1  }
0x2: {  	[smem:$0x3F8D] =	sst lr;
	_ =	strace $0xD0000000  }
0x3: {  	_ = 	snop  }
0x4: {  	_ = 	snop  }
0x5: {  	_ = 	snop  }
0x6: {  	_ = 	snop  }
0x7: {  	_ = 	snop  }
__scs_overlays_trampoline_lowered:
0x8: {  	[smem:$0x3F9C] =	sst s0  }
0x9: {  	[smem:$0x3F9D] =	sst s1  }
0xa: {  	[smem:$0x3F9E] =	sst s2  }
0xb: {  	[smem:$0x3F9F] =	sst s3  }
0xc: {  	[smem:$0x3FA0] =	sst s4  }
0xd: {  	[smem:$0x3FA1] =	sst s5  }
0xe: {  	[smem:$0x3FA2] =	sst s6  }
0xf: {  	[smem:$0x3FA3] =	sst s7  }
0x10: {  	[smem:$0x3FA4] =	sst s8  }
0x11: {  	[smem:$0x3FA5] =	sst s9;
	s0 =	simm.s32 @!p0 $0x0  }
0x12: {  	s1 =	sld [smem:$0x3F8B];
	s0 =	simm.s32 @p0 $0x1  }
0x13: {  	[smem:$0x3FA6] =	sst s0;
	s0 =	simm.s32 @!p1 $0x0  }
0x14: {  	s2 =	sld [smem:$0x3F8A];
	s0 =	simm.s32 @p1 $0x1  }
0x15: {  	[smem:$0x3FA7] =	sst s0;
	s0 =	simm.s32 @!p2 $0x0  }
0x16: {  	s3 =	sld [smem:$0x3FDB];
	s0 =	simm.s32 @p2 $0x1  }
0x17: {  	s4 =	simm.s32 $0x1BF5;
	[smem:$0x3FA9] =	sst s0  }
0x18: {  	s0 =	sld [smem:$0x3F8C];
	_ =	swait.ge [sflag:s4], $0x0  }
0x19: {  	s7 =	sld [smem:$0x3F8D]  }
0x1a: {  	s8 =	sadd.s32 $0xFFFFE003, lr  }
0x1b: {  	s9 =	sadd.s32 $0xFFFFFEF7, lr;
	s5 =	simm.s32 $0xFFFFFFFF;
	p2 =	slt.u32 s8, $0xFFFFF086  }
0x1c: {  	p1 =	slt.u32 s9, $0xF7A;
	s5 =	simm.s32 @!p2 $0x0  }
0x1d: {  	s5 =	simm.s32 @p1 $0x1;
	p0 =	seq.s32 s7, s2  }
0x1e: {  	s7 =	smul.u32 @!p0 $0xF7A, s2;
	p2 =	seq.s32 @!p0 s5, $0x0  }
0x1f: {  	s9 =	smul.u32 $0xF7A, s1;
	s8 =	simm.s32 @!p0 $0x1BF5;
	p2 =	por !p2, p0  }
0x20: {  	[sflag:s8] =	ssyncset.s32 @!p0 $0xFFFFF086;
	s6 =	sadd.s32 @!p0 s3, s7;
	s7 =	simm.s32 @!p0 $0x108  }
0x21: {  	s3 =	sadd.s32 s3, s9;
	s6 =	sadd.s32 @!p0 $0x88, s6;
	s7 =	simm.s32 @p2 $0x1082  }
0x22: {  	[simem:s7], [sflag:s8] =	dma.local @!p0 [hbm:s6], $0xF7A  }
0x23: {  	s9 =	sor.u32 $0xD0000000, s2;
	s6 =	simm.s32 $0x108;
	_ =	swait.ge @!p0 [sflag:s8], $0x0  }
0x24: {  	s3 =	sadd.s32 $0x88, s3;
	s6 =	simm.s32 @!p1 $0x1082;
	[sflag:s4] =	ssyncset.s32 $0xFFFFF086  }
0x25: {  	[simem:s6], [sflag:s4] =	dma.local [hbm:s3], $0xF7A  }
0x26: {  	[smem:$0x3F8D] =	sst s1;
	(tag) =	ssettag s2;
	_ =	strace s9  }
0x27: {  	s1 =	sld [smem:$0x3F9D]  }
0x28: {  	s2 =	sld [smem:$0x3F9E]  }
0x29: {  	s4 =	sld [smem:$0x3FA0]  }
0x2a: {  	p0 =	seq.s32 s5, $0x0;
	s5 =	sld [smem:$0x3FA1]  }
0x2b: {  	s6 =	sld [smem:$0x3FA2]  }
0x2c: {  	s7 =	sld [smem:$0x3FA3]  }
0x2d: {  	s3 =	simm.s32 $0x108;
	s8 =	sld [smem:$0x3FA4]  }
0x2e: {  	s3 =	simm.s32 @!p0 $0x1082;
	s9 =	sld [smem:$0x3FA5]  }
0x2f: {  	lr =	sadd.s32 s0, s3;
	s0 =	sld [smem:$0x3F9C]  }
0x30: {  	s3 =	sld [smem:$0x3F9F]  }
0x31: {  	[smem:$0x3FA8] =	sst s10  }
0x32: {  	s10 =	sld [smem:$0x3FA6];
	_ =	sdelay $0x3  }
0x33: {  	p0 =	seq.s32 s10, $0x1;
	s10 =	sld [smem:$0x3FA8];
	_ =	sdelay $0x3  }
0x34: {  	[smem:$0x3FA8] =	sst s10  }
0x35: {  	s10 =	sld [smem:$0x3FA7];
	_ =	sdelay $0x3  }
0x36: {  	p1 =	seq.s32 s10, $0x1;
	s10 =	sld [smem:$0x3FA8];
	_ =	sdelay $0x3  }
0x37: {  	[smem:$0x3FA8] =	sst s10  }
0x38: {  	s10 =	sld [smem:$0x3FA9]  }
0x39: {  	_ = 	snop;
	(pc) =	sbr.ind lr, $3  }
0x3a: {  	_ = 	snop  }
0x3b: {  	_ = 	snop  }
0x3c: {  	p2 =	seq.s32 s10, $0x1;
	s10 =	sld [smem:$0x3FA8]  }
0x3d: {  	_ =	shalt  }
0x3e: {  	_ =	shalt  }
0x3f: {  	_ =	shalt  }
0x40: {  	_ =	shalt  }
0x41: {  	_ =	shalt  }
0x42: {  	_ =	shalt  }
0x43: {  	_ =	shalt  }
0x44: {  	_ =	shalt  }
0x45: {  	_ =	shalt  }
0x46: {  	_ =	shalt  }
0x47: {  	_ =	shalt  }
0x48: {  	_ =	shalt  }
0x49: {  	_ =	shalt  }
0x4a: {  	_ =	shalt  }
0x4b: {  	_ =	shalt  }
0x4c: {  	_ =	shalt  }
0x4d: {  	_ =	shalt  }
0x4e: {  	_ =	shalt  }
0x4f: {  	_ =	shalt  }
0x50: {  	_ =	shalt  }
0x51: {  	_ =	shalt  }
0x52: {  	_ =	shalt  }
0x53: {  	_ =	shalt  }
0x54: {  	_ =	shalt  }
0x55: {  	_ =	shalt  }
0x56: {  	_ =	shalt  }
0x57: {  	_ =	shalt  }
0x58: {  	_ =	shalt  }
0x59: {  	_ =	shalt  }
0x5a: {  	_ =	shalt  }
0x5b: {  	_ =	shalt  }
0x5c: {  	_ =	shalt  }
0x5d: {  	_ =	shalt  }
0x5e: {  	_ =	shalt  }
0x5f: {  	_ =	shalt  }
0x60: {  	_ =	shalt  }
0x61: {  	_ =	shalt  }
0x62: {  	_ =	shalt  }
0x63: {  	_ =	shalt  }
0x64: {  	_ =	shalt  }
0x65: {  	_ =	shalt  }
0x66: {  	_ =	shalt  }
0x67: {  	_ =	shalt  }
0x68: {  	_ =	shalt  }
0x69: {  	_ =	shalt  }
0x6a: {  	_ =	shalt  }
0x6b: {  	_ =	shalt  }
0x6c: {  	_ =	shalt  }
0x6d: {  	_ =	shalt  }
0x6e: {  	_ =	shalt  }
0x6f: {  	_ =	shalt  }
0x70: {  	_ =	shalt  }
0x71: {  	_ =	shalt  }
0x72: {  	_ =	shalt  }
0x73: {  	_ =	shalt  }
0x74: {  	_ =	shalt  }
0x75: {  	_ =	shalt  }
0x76: {  	_ =	shalt  }
0x77: {  	_ =	shalt  }
0x78: {  	_ =	shalt  }
0x79: {  	_ =	shalt  }
0x7a: {  	_ =	shalt  }
0x7b: {  	_ =	shalt  }
0x7c: {  	_ =	shalt  }
0x7d: {  	_ =	shalt  }
0x7e: {  	_ =	shalt  }
0x7f: {  	_ =	shalt  }
0x80: {  	_ =	shalt  }
0x81: {  	_ =	shalt  }
0x82: {  	_ =	shalt  }
0x83: {  	_ =	shalt  }
0x84: {  	_ =	shalt  }
0x85: {  	_ =	shalt  }
0x86: {  	_ =	shalt  }
0x87: {  	_ =	shalt  }
.Lfunc_end0:
.L_simem_size_0:
called_computation.1_lowered:
.L_overlay_start_0:
0x88: {  	s2 =	sld [smem:$0x3FD9]  }
0x89: {  	s3 =	sld [smem:$0x3FFE];
	_ =	sdelay $0x1  }
0x8a: {  	s1 =	srdreg.scid  }
0x8b: {  	s0 =	sand.u32 $0x1, s1  }
0x8c: {  	s16 =	sshll.u32 s0, $0xA;
	s2 =	sadd.s32 s3, s2  }
0x8d: {  	s2 =	sadd.s32 s2, s16  }
0x8e: {  	[smem:$0x3FB4] =	sst s2  }
0x8f: {  	_ = 	snop  }
0x90: {  	(tm) =	ssettm $0x1  }
0x91: {  	s17 =	sld [smem:$0x3FFB];
	_ =	sdelay $0x3  }
0x92: {  	_ =	strace s17  }
0x93: {  	s2 =	sld [smem:$0x3FFC];
	_ =	sdelay $0x3  }
0x94: {  	_ =	strace s2  }
0x95: {  	s2 =	sld [smem:$0x3FFD];
	_ =	sdelay $0x3  }
0x96: {  	_ =	strace s2  }
0x97: {  	_ =	strace $0x8FFFFFFF  }
0x98: {  	s18 =	sld [smem:$0x3FDB];
	_ =	sdelay $0x1  }
0x99: {  	s19 =	simm.s32 $_scs_section_size  }
0x9a: {  	s4 =	simm.s32 $_size__tile_overlayer_lowered;
	s5 =	simm.s32 $_tile_overlayer_lowered  }
0x9b: {  	s22 =	simm.s32 $0x1BFF;
	s21 =	sshll.u32 s5, $0x1;
	s2 =	sadd.s32 s19, s18  }
0x9c: {  	s6 =	simm.s32 $0x0;
	s20 =	sshll.u32 s4, $0x1;
	s4 =	sadd.s32 s21, s2  }
0x9d: {  	[timem:s6], [sflag:s22] =	dma.local [hbm:s4], s20  }
0x9e: {  	_ =	swait.ge [sflag:s22], s20  }
0x9f: {  	s3 =	ssub.s32 $0x0, s20;
	[sflag:s22] =	ssyncset.done $0x0  }
0xa0: {  	[sflag:s22] =	ssyncadd.s32 s3;
	_ =	sdelay $0x1  }
0xa1: {  	s23 =	simm.s32 $0x1B8B  }
0xa2: {  	_ =	swait.ge [sflag:s23], $0x1  }
0xa3: {  	[sflag:s23] =	ssyncset.done $0x0  }
0xa4: {  	s25 =	simm.s32 $0x1B8E;
	s24 =	sld [smem:$0x3FFE];
	[sflag:s23] =	ssyncadd.s32 $0xFFFFFFFF  }
0xa5: {  	s26 =	simm.s32 $execute0_lowered;
	[smem:$0x3FD2] =	sst s25  }
0xa6: {  	s4 =	sshll.u32 s26, $0x1;
	_ =	strace $0x80000046;
	[dreg:$0x1] =	wrdreg $0xFFFFFFFF  }
0xa7: {  	s28 =	simm.s32 $_size_execute0_lowered;
	s2 =	sadd.s32 s2, s4;
	[dreg:$0x0] =	wrdreg $0x0  }
0xa8: {  	s4 =	sshll.u32 s28, $0x1;
	[dreg:$0x2] =	wrdreg s2  }
0xa9: {  	[dreg:$0x3] =	wrdreg s4  }
0xaa: {  	[dreg:$0x4] =	wrdreg $0xC0  }
0xab: {  	_ =	task [dreg:s6], $0x5FFFF  }
0xac: {  	[dreg:$0x1] =	wrdreg $0xFFFFFFFF  }
0xad: {  	[dreg:$0x0] =	wrdreg $0x60  }
0xae: {  	[dreg:$0x2] =	wrdreg s24  }
0xaf: {  	[dreg:$0x3] =	wrdreg $0x90000  }
0xb0: {  	[dreg:$0x4] =	wrdreg $0xA  }
0xb1: {  	_ =	task.clear_ibuf [dreg:s6], $0x5FFFF;
	_ =	strace $0x90000046  }
0xb2: {  	s29 =	simm.s32 $0xA;
	_ =	strace $0x80000048  }
0xb3: {  	_ =	swait.ge [sflag:s29], $0x1  }
0xb4: {  	[sflag:s29] =	ssyncadd.s32 $0xFFFFFFFF  }
0xb5: {  	_ =	strace $0x90000048  }
0xb6: {  	_ =	sfence  }
0xb7: {  	s30 =	sld [smem:$0x0];
	_ =	sdelay $0x2  }
0xb8: {  	s31 =	sshll.u32 s1, $0xD;
	s1 =	sshrl.u32 s1, $0x2  }
0xb9: {  	s3 =	sand.u32 $0x4000, s31;
	s1 =	sadd.s32 s1, s30  }
0xba: {  	s0 =	sor.u32 s3, s0;
	s1 =	sshll.u32 s1, $0x11  }
0xbb: {  	s0 =	sor.u32 s1, s0  }
0xbc: {  	s0 =	sadd.s32 $0x8F2B, s0  }
0xbd: {  	[sflag:s0] =	ssyncadd.remote.s32 $0x1  }
0xbe: {  	_ =	sfence.sel $0xFFFF  }
0xbf: {  	[dreg:$0x0] =	wrdreg $0xFFFFFFFF;
	(pc) =	sbr.abs _section_cstart, $3  }
0xc0: {  	[dreg:$0x1] =	wrdreg $0xFFFFFFFF  }
0xc1: {  	_ =	task.clear_ibuf [dreg:s6], $0x2FFFF;
	_ =	strace $0x9FFFFFFF  }
0xc2: {  	(tm) =	ssettm $0x7FFFFFFF  }
0xc3: {  	_ =	shalt  }
tec
execute0_lowered:
.L_overlay_start_1:
0x0: {  	(tag) =	ssettag $0x1  }
0x1: {  	s0 =	srdreg.scid;
	s5 =	rddreg [dreg:$0x0]  }
0x2: {  	s2 =	rddreg [dreg:$0x1];
	s3 =	simm.s32 $0x0;
	s18 =	simm.s32 $0x2  }
0x3: {  	s19 =	simm.s32 $0x2800;
	s20 =	simm.s32 $0x80;
	s21 =	simm.s32 $0x1  }
0x4: {  	s7 =	sand.u32 $0x1, s0;
	s0 =	stileid.u32;
	[smem:$0x7FF] =	sst s3  }
0x5: {  	s14 =	sadd.s32 $0x41400, s5;
	s11 =	sadd.s32 $0x138000, s2;
	s8 =	smul.u32 $0x4E000, s0  }
0x6: {  	s1 =	sshll.u32 s7, $0x4;
	s31 =	ssub.s32 $0x2, s7;
	s15 =	smul.u32 $0x138800, s7  }
0x7: {  	s17 =	smul.u32 $0x13800, s0;
	p0 =	sne.s32 s0, $0xF;
	s4 =	sor.u32 s0, s1  }
0x8: {  	s1 =	rddreg [dreg:$0x2];
	_ =	strace $0x80000047;
	s9 =	sshrl.u32 s31, $0x1  }
0x9: {  	s6 =	smul.u32 $0x500, s4;
	s4 =	sadd.s32 $0x1A200, s5;
	s8 =	sshrl.u32 s8, $0x2  }
0xa: {  	s16 =	ssub.s32 s31, s9;
	s17 =	sadd.s32 s17, s15;
	s15 =	sshrl.u32 s15, $0x3  }
0xb: {  	s17 =	sshrl.u32 s17, $0x3;
	s15 =	sadd.s32 s14, s15;
	s16 =	smax.u32 s16, $0x1  }
0xc: {  	s13 =	sadd.s32 s6, s5;
	s5 =	sadd.s32 s8, s2;
	s14 =	sadd.s32 s14, s17  }
0xd: {  	s15 =	sadd.s32 $0x27000, s15;
	s17 =	simm.s32 $0x5000;
	s6 =	sadd.s32 $0x3400, s5  }
0xe: {  	s7 =	sadd.s32 $0x6800, s5;
	s8 =	sadd.s32 $0x9C00, s5;
	s9 =	sadd.s32 $0xD000, s5  }
0xf: {  	v0 =	vimm.f32 $0.0e+00;
	s10 =	sadd.s32 $0x10400, s5;
	s12 =	sadd.s32 $0x10200, s13;
	s13 =	sadd.s32 $0x6200, s13  }
.LBB2_1:
0x10: {  	s22 =	simm.s32 $0x0;
	s23 =	simm.s32 $0x200  }
.LBB2_2:
0x11: {  	p1 =	sne.s32 s23, $0xFE00;
	[tilespmem:s22+$0x5070] =	vst v0  }
0x12: {  	[tilespmem:s22+$0x5000] =	vst v0  }
0x13: {  	[tilespmem:s22+$0x5010] =	vst v0  }
.Ltmp0:
0x14: {  	[tilespmem:s22+$0x5020] =	vst v0;
	(pc) =	sbr.rel @p1 .LBB2_2-.Ltmp0, $4  }
0x15: {  	[tilespmem:s22+$0x5030] =	vst v0  }
0x16: {  	[tilespmem:s22+$0x5040] =	vst v0  }
0x17: {  	[tilespmem:s22+$0x5050] =	vst v0  }
0x18: {  	[tilespmem:s22+$0x5060] =	vst v0;
	s22 =	sshra.s32 s23, $0x2;
	s23 =	sadd.s32 $0x200, s23  }
0x19: {  	[tilespmem:s22+$0x5070] =	vst v0  }
0x1a: {  	[tilespmem:s22+$0x5000] =	vst v0  }
0x1b: {  	[tilespmem:s22+$0x5010] =	vst v0  }
0x1c: {  	[tilespmem:s22+$0x5020] =	vst v0  }
0x1d: {  	[tilespmem:s22+$0x5030] =	vst v0  }
0x1e: {  	[tilespmem:s22+$0x5040] =	vst v0  }
0x1f: {  	[tilespmem:s22+$0x5050] =	vst v0  }
0x20: {  	[tilespmem:s22+$0x5060] =	vst v0  }
0x21: {  	[spmem:s5] =	stream.linear.scatter [tilespmem:s17], [sflag:$0x2], $0x3400, $0x38;
	[tilespmem:$0x1C900] =	vst v63  }
0x22: {  	_ =	swait.ge [sflag:s18], $0x3400  }
0x23: {  	[sflag:s18] =	ssyncset.done $0x0  }
0x24: {  	[sflag:s18] =	ssyncadd.s32 $0xFFFFCC00  }
0x25: {  	[spmem:s6] =	stream.linear.scatter [tilespmem:s17], [sflag:$0x2], $0x3400, $0x38;
	[tilespmem:$0x1C900] =	vst v63  }
0x26: {  	_ =	swait.ge [sflag:s18], $0x3400  }
0x27: {  	[sflag:s18] =	ssyncset.done $0x0  }
0x28: {  	[sflag:s18] =	ssyncadd.s32 $0xFFFFCC00  }
0x29: {  	[spmem:s7] =	stream.linear.scatter [tilespmem:s17], [sflag:$0x2], $0x3400, $0x38;
	[tilespmem:$0x1C900] =	vst v63  }
0x2a: {  	_ =	swait.ge [sflag:s18], $0x3400  }
0x2b: {  	[sflag:s18] =	ssyncset.done $0x0  }
0x2c: {  	[sflag:s18] =	ssyncadd.s32 $0xFFFFCC00  }
0x2d: {  	[spmem:s8] =	stream.linear.scatter [tilespmem:s17], [sflag:$0x2], $0x3400, $0x38;
	[tilespmem:$0x1C900] =	vst v63  }
0x2e: {  	_ =	swait.ge [sflag:s18], $0x3400  }
0x2f: {  	[sflag:s18] =	ssyncset.done $0x0  }
0x30: {  	[sflag:s18] =	ssyncadd.s32 $0xFFFFCC00  }
0x31: {  	[spmem:s9] =	stream.linear.scatter [tilespmem:s17], [sflag:$0x2], $0x3400, $0x38;
	[tilespmem:$0x1C900] =	vst v63  }
0x32: {  	_ =	swait.ge [sflag:s18], $0x3400  }
0x33: {  	[sflag:s18] =	ssyncset.done $0x0  }
0x34: {  	[sflag:s18] =	ssyncadd.s32 $0xFFFFCC00  }
0x35: {  	[spmem:s10] =	stream.linear.scatter [tilespmem:s17], [sflag:$0x2], $0x3400, $0x38;
	[tilespmem:$0x1C900] =	vst v63  }
0x36: {  	_ =	swait.ge [sflag:s18], $0x3400  }
0x37: {  	[sflag:s18] =	ssyncset.done $0x0  }
0x38: {  	s22 =	simm.s32 @!p0 $0x5000;
	[sflag:s18] =	ssyncadd.s32 $0xFFFFCC00  }
0x39: {  	[spmem:s11] =	stream.linear.scatter @!p0 [tilespmem:s22], [sflag:$0x2], $0x800, $0x38;
	[tilespmem:$0x1C900] =	vst v63  }
0x3a: {  	s22 =	simm.s32 @!p0 $0x2  }
0x3b: {  	_ =	swait.ge @!p0 [sflag:s22], $0x800  }
0x3c: {  	[sflag:s22] =	ssyncset.done @!p0 $0x0  }
0x3d: {  	s29 =	simm.s32 $0x0;
	[sflag:s22] =	ssyncadd.s32 @!p0 $0xFFFFF800  }
0x3e: {  	[tilespmem:s29], [sflag:$0x2] =	stream.linear.gather [hbm4b:s12+s29], $0x2780, $0x38;
	[tilespmem:$0x1C900] =	vst v63  }
0x3f: {  	_ =	swait.ge [sflag:s18], $0x2780  }
0x40: {  	[sflag:s18] =	ssyncset.done $0x0  }
0x41: {  	[sflag:s18] =	ssyncadd.s32 $0xFFFFD880  }
0x42: {  	[tilespmem:s19], [sflag:$0x2] =	stream.linear.gather [hbm4b:s13+s29], $0x2780, $0x38;
	[tilespmem:$0x1C900] =	vst v63  }
0x43: {  	_ =	swait.ge [sflag:s18], $0x2780  }
0x44: {  	[sflag:s18] =	ssyncset.done $0x0  }
0x45: {  	[sflag:s18] =	ssyncadd.s32 $0xFFFFD880  }
0x46: {  	s30 =	simm.s32 $0x0;
	[bflag:$0x0] =	sbarrier.arrive $0xFFFF  }
0x47: {  	[tilespmem:s17], [sflag:$0x1] =	stream.indirect.gather [hbm4b:s4+s20], $0x80, s30, s20, $0xb8;
	[tilespmem:$0x1C900] =	vst v63  }
0x48: {  	_ =	swait.ge [sflag:s21], $0x4000  }
0x49: {  	[sflag:s21] =	ssyncset.done $0x0  }
0x4a: {  	s31 =	simm.s32 $0x2800;
	[sflag:s21] =	ssyncadd.s32 $0xFFFFC000  }
0x4b: {  	[spmem:s2] =	stream.indirect.scatter.add.f32 [tilespmem:s17], [sflag:$0x2], $0x80, s31, s20, $0xb8;
	[tilespmem:$0x1C900] =	vst v63  }
0x4c: {  	_ =	swait.ge [sflag:s18], $0x4000  }
0x4d: {  	s23 =	simm.s32 $0x400;
	s22 =	simm.s32 $0x200;
	[sflag:s18] =	ssyncset.done $0x0  }
.LBB2_4:
0x4e: {  	s24 =	sshra.s32 s22, $0x2  }
0x4f: {  	[sflag:s18] =	ssyncadd.s32 $0xFFFFC000;
	s22 =	smov.u32 s23;
	s25 =	sadd.s32 $0x200, s23  }
0x50: {  	[tilespmem:s17], [sflag:$0x1] =	stream.indirect.gather [hbm4b:s4+s20], $0x80, s24, s20, $0xb8;
	[tilespmem:$0x1C900] =	vst v63  }
0x51: {  	p1 =	sne.s32 s23, $0x9C00;
	_ =	swait.ge [sflag:s21], $0x4000  }
.Ltmp1:
0x52: {  	[sflag:s21] =	ssyncset.done $0x0;
	(pc) =	sbr.rel @p1 .LBB2_4-.Ltmp1, $4  }
0x53: {  	s23 =	sadd.s32 $0x2800, s24;
	[sflag:s21] =	ssyncadd.s32 $0xFFFFC000  }
0x54: {  	[spmem:s2] =	stream.indirect.scatter.add.f32 [tilespmem:s17], [sflag:$0x2], $0x80, s23, s20, $0xb8;
	[tilespmem:$0x1C900] =	vst v63  }
0x55: {  	_ =	swait.ge [sflag:s18], $0x4000  }
0x56: {  	s23 =	smov.u32 s25;
	[sflag:s18] =	ssyncset.done $0x0  }
0x57: {  	s22 =	sshra.s32 s22, $0x2;
	[sflag:s18] =	ssyncadd.s32 $0xFFFFC000  }
0x58: {  	[tilespmem:s17], [sflag:$0x1] =	stream.indirect.gather [hbm4b:s4+s20], $0x80, s22, s20, $0xb8;
	[tilespmem:$0x1C900] =	vst v63  }
0x59: {  	_ =	swait.ge [sflag:s21], $0x4000  }
0x5a: {  	[sflag:s21] =	ssyncset.done $0x0  }
0x5b: {  	s22 =	sadd.s32 $0x2800, s22;
	[sflag:s21] =	ssyncadd.s32 $0xFFFFC000  }
0x5c: {  	[spmem:s2] =	stream.indirect.scatter.add.f32 [tilespmem:s17], [sflag:$0x2], $0x80, s22, s20, $0xb8;
	[tilespmem:$0x1C900] =	vst v63  }
0x5d: {  	_ =	swait.ge [sflag:s18], $0x4000  }
0x5e: {  	[sflag:s18] =	ssyncset.done $0x0  }
0x5f: {  	s31 =	sshll.u32 s0, $0x6;
	[sflag:s18] =	ssyncadd.s32 $0xFFFFC000  }
0x60: {  	s23 =	sshrl.u32 s5, $0x3;
	s22 =	sor.u32 $0x1C02, s31;
	[bflag:$0x0] =	sbarrier.arrive $0xFFFF  }
0x61: {  	[hbm:s14], [sflag:s22] =	dma.local [spmem:s23], $0x2700  }
0x62: {  	_ =	swait.ge [sflag:s18], $0x2700  }
0x63: {  	s3 =	sadd.s32 $0x1, s3;
	[sflag:s18] =	ssyncset.done $0x0  }
0x64: {  	p1 =	sne.s32 s3, s16;
	s23 =	sshrl.u32 @!p0 s11, $0x3;
	[sflag:s18] =	ssyncadd.s32 $0xFFFFD900  }
0x65: {  	[hbm:s15], [sflag:s22] =	dma.local @!p0 [spmem:s23], $0x100  }
.Ltmp2:
0x66: {  	_ = 	snop;
	(pc) =	sbr.rel @p1 .LBB2_1-.Ltmp2, $4  }
0x67: {  	s22 =	simm.s32 @!p0 $0x2  }
0x68: {  	_ =	swait.ge @!p0 [sflag:s22], $0x100  }
0x69: {  	[sflag:s22] =	ssyncset.done @!p0 $0x0  }
0x6a: {  	[sflag:s22] =	ssyncadd.s32 @!p0 $0xFFFFFF00  }
0x6b: {  	_ =	sfence.sel $0x180000  }
0x6c: {  	[bflag:$0x0] =	sbarrier.arrive $0xFFFF  }
0x6d: {  	p0 =	sne.s32 s0, $0x0;
	_ =	strace $0x90000047  }
0x6e: {  	s0 =	sadd.s32 @!p0 $0x100000, s1;
	[bflag:$0x2] =	sbarrier.arrive $0xFFFF  }
0x6f: {  	[sflag:s0] =	ssyncadd.tile.s32 @!p0 $0x1;
	_ =	shalt  }
.Lfunc_end2:
_tile_overlayer_lowered:
.L_overlay_start_2:
0x70: {  	(tag) =	ssettag $0x2  }
0x71: {  	s0 =	rddreg [dreg:$0x0];
	s2 =	stileid.u32  }
0x72: {  	s1 =	rddreg [dreg:$0x1];
	p0 =	sne.s32 s2, $0x0  }
0x73: {  	s3 =	rddreg [dreg:$0x2];
	[bflag:$0x3] =	sbarrier.arrive $0xFFFF;
	s2 =	simm.s32 @!p0 $0x1C02  }
0x74: {  	[timem:s3], [sflag:s2] =	dma.local @!p0 [hbm:s0], s1  }
0x75: {  	s0 =	simm.s32 @!p0 $0x2  }
0x76: {  	_ =	swait.ge @!p0 [sflag:s0], s1  }
0x77: {  	s1 =	ssub.s32 @!p0 $0x0, s1;
	[sflag:s0] =	ssyncset.done @!p0 $0x0  }
0x78: {  	[sflag:s0] =	ssyncadd.s32 @!p0 s1  }
0x79: {  	[bflag:$0x3] =	sbarrier.arrive $0xFFFF  }
0x7a: {  	_ =	shalt  }

// kernel: kernel.24.cloned.1.call-start
scs
__scs_entry_jumppad:
0x0: {  	(pc) =	sbr.rel $0x88, $3  }
0x1: {  	(tag) =	ssettag $0x0;
	lr =	simm.s32 $0x1  }
0x2: {  	[smem:$0x3F8D] =	sst lr;
	_ =	strace $0xD0000000  }
0x3: {  	_ = 	snop  }
0x4: {  	_ = 	snop  }
0x5: {  	_ = 	snop  }
0x6: {  	_ = 	snop  }
0x7: {  	_ = 	snop  }
__scs_overlays_trampoline_lowered:
0x8: {  	[smem:$0x3F9C] =	sst s0  }
0x9: {  	[smem:$0x3F9D] =	sst s1  }
0xa: {  	[smem:$0x3F9E] =	sst s2  }
0xb: {  	[smem:$0x3F9F] =	sst s3  }
0xc: {  	[smem:$0x3FA0] =	sst s4  }
0xd: {  	[smem:$0x3FA1] =	sst s5  }
0xe: {  	[smem:$0x3FA2] =	sst s6  }
0xf: {  	[smem:$0x3FA3] =	sst s7  }
0x10: {  	[smem:$0x3FA4] =	sst s8  }
0x11: {  	[smem:$0x3FA5] =	sst s9;
	s0 =	simm.s32 @!p0 $0x0  }
0x12: {  	s1 =	sld [smem:$0x3F8B];
	s0 =	simm.s32 @p0 $0x1  }
0x13: {  	[smem:$0x3FA6] =	sst s0;
	s0 =	simm.s32 @!p1 $0x0  }
0x14: {  	s2 =	sld [smem:$0x3F8A];
	s0 =	simm.s32 @p1 $0x1  }
0x15: {  	[smem:$0x3FA7] =	sst s0;
	s0 =	simm.s32 @!p2 $0x0  }
0x16: {  	s3 =	sld [smem:$0x3FDB];
	s0 =	simm.s32 @p2 $0x1  }
0x17: {  	s4 =	simm.s32 $0x1BF5;
	[smem:$0x3FA9] =	sst s0  }
0x18: {  	s0 =	sld [smem:$0x3F8C];
	_ =	swait.ge [sflag:s4], $0x0  }
0x19: {  	s7 =	sld [smem:$0x3F8D]  }
0x1a: {  	s8 =	sadd.s32 $0xFFFFE003, lr  }
0x1b: {  	s9 =	sadd.s32 $0xFFFFFEF7, lr;
	s5 =	simm.s32 $0xFFFFFFFF;
	p2 =	slt.u32 s8, $0xFFFFF086  }
0x1c: {  	p1 =	slt.u32 s9, $0xF7A;
	s5 =	simm.s32 @!p2 $0x0  }
0x1d: {  	s5 =	simm.s32 @p1 $0x1;
	p0 =	seq.s32 s7, s2  }
0x1e: {  	s7 =	smul.u32 @!p0 $0xF7A, s2;
	p2 =	seq.s32 @!p0 s5, $0x0  }
0x1f: {  	s9 =	smul.u32 $0xF7A, s1;
	s8 =	simm.s32 @!p0 $0x1BF5;
	p2 =	por !p2, p0  }
0x20: {  	[sflag:s8] =	ssyncset.s32 @!p0 $0xFFFFF086;
	s6 =	sadd.s32 @!p0 s3, s7;
	s7 =	simm.s32 @!p0 $0x108  }
0x21: {  	s3 =	sadd.s32 s3, s9;
	s6 =	sadd.s32 @!p0 $0x88, s6;
	s7 =	simm.s32 @p2 $0x1082  }
0x22: {  	[simem:s7], [sflag:s8] =	dma.local @!p0 [hbm:s6], $0xF7A  }
0x23: {  	s9 =	sor.u32 $0xD0000000, s2;
	s6 =	simm.s32 $0x108;
	_ =	swait.ge @!p0 [sflag:s8], $0x0  }
0x24: {  	s3 =	sadd.s32 $0x88, s3;
	s6 =	simm.s32 @!p1 $0x1082;
	[sflag:s4] =	ssyncset.s32 $0xFFFFF086  }
0x25: {  	[simem:s6], [sflag:s4] =	dma.local [hbm:s3], $0xF7A  }
0x26: {  	[smem:$0x3F8D] =	sst s1;
	(tag) =	ssettag s2;
	_ =	strace s9  }
0x27: {  	s1 =	sld [smem:$0x3F9D]  }
0x28: {  	s2 =	sld [smem:$0x3F9E]  }
0x29: {  	s4 =	sld [smem:$0x3FA0]  }
0x2a: {  	p0 =	seq.s32 s5, $0x0;
	s5 =	sld [smem:$0x3FA1]  }
0x2b: {  	s6 =	sld [smem:$0x3FA2]  }
0x2c: {  	s7 =	sld [smem:$0x3FA3]  }
0x2d: {  	s3 =	simm.s32 $0x108;
	s8 =	sld [smem:$0x3FA4]  }
0x2e: {  	s3 =	simm.s32 @!p0 $0x1082;
	s9 =	sld [smem:$0x3FA5]  }
0x2f: {  	lr =	sadd.s32 s0, s3;
	s0 =	sld [smem:$0x3F9C]  }
0x30: {  	s3 =	sld [smem:$0x3F9F]  }
0x31: {  	[smem:$0x3FA8] =	sst s10  }
0x32: {  	s10 =	sld [smem:$0x3FA6];
	_ =	sdelay $0x3  }
0x33: {  	p0 =	seq.s32 s10, $0x1;
	s10 =	sld [smem:$0x3FA8];
	_ =	sdelay $0x3  }
0x34: {  	[smem:$0x3FA8] =	sst s10  }
0x35: {  	s10 =	sld [smem:$0x3FA7];
	_ =	sdelay $0x3  }
0x36: {  	p1 =	seq.s32 s10, $0x1;
	s10 =	sld [smem:$0x3FA8];
	_ =	sdelay $0x3  }
0x37: {  	[smem:$0x3FA8] =	sst s10  }
0x38: {  	s10 =	sld [smem:$0x3FA9]  }
0x39: {  	_ = 	snop;
	(pc) =	sbr.ind lr, $3  }
0x3a: {  	_ = 	snop  }
0x3b: {  	_ = 	snop  }
0x3c: {  	p2 =	seq.s32 s10, $0x1;
	s10 =	sld [smem:$0x3FA8]  }
0x3d: {  	_ =	shalt  }
0x3e: {  	_ =	shalt  }
0x3f: {  	_ =	shalt  }
0x40: {  	_ =	shalt  }
0x41: {  	_ =	shalt  }
0x42: {  	_ =	shalt  }
0x43: {  	_ =	shalt  }
0x44: {  	_ =	shalt  }
0x45: {  	_ =	shalt  }
0x46: {  	_ =	shalt  }
0x47: {  	_ =	shalt  }
0x48: {  	_ =	shalt  }
0x49: {  	_ =	shalt  }
0x4a: {  	_ =	shalt  }
0x4b: {  	_ =	shalt  }
0x4c: {  	_ =	shalt  }
0x4d: {  	_ =	shalt  }
0x4e: {  	_ =	shalt  }
0x4f: {  	_ =	shalt  }
0x50: {  	_ =	shalt  }
0x51: {  	_ =	shalt  }
0x52: {  	_ =	shalt  }
0x53: {  	_ =	shalt  }
0x54: {  	_ =	shalt  }
0x55: {  	_ =	shalt  }
0x56: {  	_ =	shalt  }
0x57: {  	_ =	shalt  }
0x58: {  	_ =	shalt  }
0x59: {  	_ =	shalt  }
0x5a: {  	_ =	shalt  }
0x5b: {  	_ =	shalt  }
0x5c: {  	_ =	shalt  }
0x5d: {  	_ =	shalt  }
0x5e: {  	_ =	shalt  }
0x5f: {  	_ =	shalt  }
0x60: {  	_ =	shalt  }
0x61: {  	_ =	shalt  }
0x62: {  	_ =	shalt  }
0x63: {  	_ =	shalt  }
0x64: {  	_ =	shalt  }
0x65: {  	_ =	shalt  }
0x66: {  	_ =	shalt  }
0x67: {  	_ =	shalt  }
0x68: {  	_ =	shalt  }
0x69: {  	_ =	shalt  }
0x6a: {  	_ =	shalt  }
0x6b: {  	_ =	shalt  }
0x6c: {  	_ =	shalt  }
0x6d: {  	_ =	shalt  }
0x6e: {  	_ =	shalt  }
0x6f: {  	_ =	shalt  }
0x70: {  	_ =	shalt  }
0x71: {  	_ =	shalt  }
0x72: {  	_ =	shalt  }
0x73: {  	_ =	shalt  }
0x74: {  	_ =	shalt  }
0x75: {  	_ =	shalt  }
0x76: {  	_ =	shalt  }
0x77: {  	_ =	shalt  }
0x78: {  	_ =	shalt  }
0x79: {  	_ =	shalt  }
0x7a: {  	_ =	shalt  }
0x7b: {  	_ =	shalt  }
0x7c: {  	_ =	shalt  }
0x7d: {  	_ =	shalt  }
0x7e: {  	_ =	shalt  }
0x7f: {  	_ =	shalt  }
0x80: {  	_ =	shalt  }
0x81: {  	_ =	shalt  }
0x82: {  	_ =	shalt  }
0x83: {  	_ =	shalt  }
0x84: {  	_ =	shalt  }
0x85: {  	_ =	shalt  }
0x86: {  	_ =	shalt  }
0x87: {  	_ =	shalt  }
.Lfunc_end0:
.L_simem_size_0:
called_computation.2_lowered:
.L_overlay_start_0:
0x88: {  	s2 =	sld [smem:$0x3FD9]  }
0x89: {  	s3 =	sld [smem:$0x3FFE];
	_ =	sdelay $0x1  }
0x8a: {  	s1 =	srdreg.scid  }
0x8b: {  	s0 =	sand.u32 $0x1, s1  }
0x8c: {  	s16 =	sshll.u32 s0, $0xA;
	s2 =	sadd.s32 s3, s2  }
0x8d: {  	s2 =	sadd.s32 s2, s16  }
0x8e: {  	[smem:$0x3FB4] =	sst s2  }
0x8f: {  	_ = 	snop  }
0x90: {  	(tm) =	ssettm $0x1  }
0x91: {  	s17 =	sld [smem:$0x3FFB];
	_ =	sdelay $0x3  }
0x92: {  	_ =	strace s17  }
0x93: {  	s2 =	sld [smem:$0x3FFC];
	_ =	sdelay $0x3  }
0x94: {  	_ =	strace s2  }
0x95: {  	s2 =	sld [smem:$0x3FFD];
	_ =	sdelay $0x3  }
0x96: {  	_ =	strace s2  }
0x97: {  	_ =	strace $0x8FFFFFFF  }
0x98: {  	s18 =	sld [smem:$0x3FDB];
	_ =	sdelay $0x1  }
0x99: {  	s19 =	simm.s32 $_scs_section_size  }
0x9a: {  	s4 =	simm.s32 $_size__tile_overlayer_lowered;
	s5 =	simm.s32 $_tile_overlayer_lowered  }
0x9b: {  	s22 =	simm.s32 $0x1BFF;
	s21 =	sshll.u32 s5, $0x1;
	s2 =	sadd.s32 s19, s18  }
0x9c: {  	s6 =	simm.s32 $0x0;
	s20 =	sshll.u32 s4, $0x1;
	s4 =	sadd.s32 s21, s2  }
0x9d: {  	[timem:s6], [sflag:s22] =	dma.local [hbm:s4], s20  }
0x9e: {  	_ =	swait.ge [sflag:s22], s20  }
0x9f: {  	s3 =	ssub.s32 $0x0, s20;
	[sflag:s22] =	ssyncset.done $0x0  }
0xa0: {  	[sflag:s22] =	ssyncadd.s32 s3;
	_ =	sdelay $0x1  }
0xa1: {  	s23 =	simm.s32 $0x1B8B  }
0xa2: {  	_ =	swait.ge [sflag:s23], $0x1  }
0xa3: {  	[sflag:s23] =	ssyncset.done $0x0  }
0xa4: {  	s25 =	simm.s32 $0x1B8E;
	s24 =	sld [smem:$0x3FFE];
	[sflag:s23] =	ssyncadd.s32 $0xFFFFFFFF  }
0xa5: {  	s26 =	simm.s32 $execute0_lowered;
	[smem:$0x3FD2] =	sst s25  }
0xa6: {  	s4 =	sshll.u32 s26, $0x1;
	_ =	strace $0x8000004C;
	[dreg:$0x1] =	wrdreg $0xFFFFFFFF  }
0xa7: {  	s28 =	simm.s32 $_size_execute0_lowered;
	s2 =	sadd.s32 s2, s4;
	[dreg:$0x0] =	wrdreg $0x0  }
0xa8: {  	s4 =	sshll.u32 s28, $0x1;
	[dreg:$0x2] =	wrdreg s2  }
0xa9: {  	[dreg:$0x3] =	wrdreg s4  }
0xaa: {  	[dreg:$0x4] =	wrdreg $0xC0  }
0xab: {  	_ =	task [dreg:s6], $0x5FFFF  }
0xac: {  	[dreg:$0x1] =	wrdreg $0xFFFFFFFF  }
0xad: {  	[dreg:$0x0] =	wrdreg $0x60  }
0xae: {  	[dreg:$0x2] =	wrdreg s24  }
0xaf: {  	[dreg:$0x3] =	wrdreg $0x90000  }
0xb0: {  	[dreg:$0x4] =	wrdreg $0x9  }
0xb1: {  	_ =	task.clear_ibuf [dreg:s6], $0x5FFFF;
	_ =	strace $0x9000004C  }
0xb2: {  	s29 =	simm.s32 $0x9;
	_ =	strace $0x8000004E  }
0xb3: {  	_ =	swait.ge [sflag:s29], $0x1  }
0xb4: {  	[sflag:s29] =	ssyncadd.s32 $0xFFFFFFFF  }
0xb5: {  	_ =	strace $0x9000004E  }
0xb6: {  	_ =	sfence  }
0xb7: {  	s30 =	sld [smem:$0x0];
	_ =	sdelay $0x2  }
0xb8: {  	s31 =	sshll.u32 s1, $0xD;
	s1 =	sshrl.u32 s1, $0x2  }
0xb9: {  	s3 =	sand.u32 $0x4000, s31;
	s1 =	sadd.s32 s1, s30  }
0xba: {  	s0 =	sor.u32 s3, s0;
	s1 =	sshll.u32 s1, $0x11  }
0xbb: {  	s0 =	sor.u32 s1, s0  }
0xbc: {  	s0 =	sadd.s32 $0x8F2B, s0  }
0xbd: {  	[sflag:s0] =	ssyncadd.remote.s32 $0x1  }
0xbe: {  	_ =	sfence.sel $0xFFFF  }
0xbf: {  	[dreg:$0x0] =	wrdreg $0xFFFFFFFF;
	(pc) =	sbr.abs _section_cstart, $3  }
0xc0: {  	[dreg:$0x1] =	wrdreg $0xFFFFFFFF  }
0xc1: {  	_ =	task.clear_ibuf [dreg:s6], $0x2FFFF;
	_ =	strace $0x9FFFFFFF  }
0xc2: {  	(tm) =	ssettm $0x7FFFFFFF  }
0xc3: {  	_ =	shalt  }
tec
execute0_lowered:
.L_overlay_start_1:
0x0: {  	(tag) =	ssettag $0x1  }
0x1: {  	s0 =	srdreg.scid;
	s5 =	rddreg [dreg:$0x0]  }
0x2: {  	s2 =	rddreg [dreg:$0x1];
	s3 =	simm.s32 $0x0;
	s18 =	simm.s32 $0x2  }
0x3: {  	s19 =	simm.s32 $0x2800;
	s20 =	simm.s32 $0x80;
	s21 =	simm.s32 $0x1  }
0x4: {  	s7 =	sand.u32 $0x1, s0;
	s0 =	stileid.u32;
	[smem:$0x7FF] =	sst s3  }
0x5: {  	s14 =	sadd.s32 $0x41400, s5;
	s11 =	sadd.s32 $0x138000, s2;
	s8 =	smul.u32 $0x4E000, s0  }
0x6: {  	s1 =	sshll.u32 s7, $0x4;
	s31 =	ssub.s32 $0x2, s7;
	s15 =	smul.u32 $0x138800, s7  }
0x7: {  	s17 =	smul.u32 $0x13800, s0;
	p0 =	sne.s32 s0, $0xF;
	s4 =	sor.u32 s0, s1  }
0x8: {  	s1 =	rddreg [dreg:$0x2];
	_ =	strace $0x8000004D;
	s9 =	sshrl.u32 s31, $0x1  }
0x9: {  	s6 =	smul.u32 $0x500, s4;
	s4 =	sadd.s32 $0x1A200, s5;
	s8 =	sshrl.u32 s8, $0x2  }
0xa: {  	s16 =	ssub.s32 s31, s9;
	s17 =	sadd.s32 s17, s15;
	s15 =	sshrl.u32 s15, $0x3  }
0xb: {  	s17 =	sshrl.u32 s17, $0x3;
	s15 =	sadd.s32 s14, s15;
	s16 =	smax.u32 s16, $0x1  }
0xc: {  	s13 =	sadd.s32 s6, s5;
	s5 =	sadd.s32 s8, s2;
	s14 =	sadd.s32 s14, s17  }
0xd: {  	s15 =	sadd.s32 $0x27000, s15;
	s17 =	simm.s32 $0x5000;
	s6 =	sadd.s32 $0x3400, s5  }
0xe: {  	s7 =	sadd.s32 $0x6800, s5;
	s8 =	sadd.s32 $0x9C00, s5;
	s9 =	sadd.s32 $0xD000, s5  }
0xf: {  	v0 =	vimm.f32 $0.0e+00;
	s10 =	sadd.s32 $0x10400, s5;
	s12 =	sadd.s32 $0x10200, s13;
	s13 =	sadd.s32 $0x6200, s13  }
.LBB2_1:
0x10: {  	s22 =	simm.s32 $0x0;
	s23 =	simm.s32 $0x200  }
.LBB2_2:
0x11: {  	p1 =	sne.s32 s23, $0xFE00;
	[tilespmem:s22+$0x5070] =	vst v0  }
0x12: {  	[tilespmem:s22+$0x5000] =	vst v0  }
0x13: {  	[tilespmem:s22+$0x5010] =	vst v0  }
.Ltmp0:
0x14: {  	[tilespmem:s22+$0x5020] =	vst v0;
	(pc) =	sbr.rel @p1 .LBB2_2-.Ltmp0, $4  }
0x15: {  	[tilespmem:s22+$0x5030] =	vst v0  }
0x16: {  	[tilespmem:s22+$0x5040] =	vst v0  }
0x17: {  	[tilespmem:s22+$0x5050] =	vst v0  }
0x18: {  	[tilespmem:s22+$0x5060] =	vst v0;
	s22 =	sshra.s32 s23, $0x2;
	s23 =	sadd.s32 $0x200, s23  }
0x19: {  	[tilespmem:s22+$0x5070] =	vst v0  }
0x1a: {  	[tilespmem:s22+$0x5000] =	vst v0  }
0x1b: {  	[tilespmem:s22+$0x5010] =	vst v0  }
0x1c: {  	[tilespmem:s22+$0x5020] =	vst v0  }
0x1d: {  	[tilespmem:s22+$0x5030] =	vst v0  }
0x1e: {  	[tilespmem:s22+$0x5040] =	vst v0  }
0x1f: {  	[tilespmem:s22+$0x5050] =	vst v0  }
0x20: {  	[tilespmem:s22+$0x5060] =	vst v0  }
0x21: {  	[spmem:s5] =	stream.linear.scatter [tilespmem:s17], [sflag:$0x2], $0x3400, $0x38;
	[tilespmem:$0x1C900] =	vst v63  }
0x22: {  	_ =	swait.ge [sflag:s18], $0x3400  }
0x23: {  	[sflag:s18] =	ssyncset.done $0x0  }
0x24: {  	[sflag:s18] =	ssyncadd.s32 $0xFFFFCC00  }
0x25: {  	[spmem:s6] =	stream.linear.scatter [tilespmem:s17], [sflag:$0x2], $0x3400, $0x38;
	[tilespmem:$0x1C900] =	vst v63  }
0x26: {  	_ =	swait.ge [sflag:s18], $0x3400  }
0x27: {  	[sflag:s18] =	ssyncset.done $0x0  }
0x28: {  	[sflag:s18] =	ssyncadd.s32 $0xFFFFCC00  }
0x29: {  	[spmem:s7] =	stream.linear.scatter [tilespmem:s17], [sflag:$0x2], $0x3400, $0x38;
	[tilespmem:$0x1C900] =	vst v63  }
0x2a: {  	_ =	swait.ge [sflag:s18], $0x3400  }
0x2b: {  	[sflag:s18] =	ssyncset.done $0x0  }
0x2c: {  	[sflag:s18] =	ssyncadd.s32 $0xFFFFCC00  }
0x2d: {  	[spmem:s8] =	stream.linear.scatter [tilespmem:s17], [sflag:$0x2], $0x3400, $0x38;
	[tilespmem:$0x1C900] =	vst v63  }
0x2e: {  	_ =	swait.ge [sflag:s18], $0x3400  }
0x2f: {  	[sflag:s18] =	ssyncset.done $0x0  }
0x30: {  	[sflag:s18] =	ssyncadd.s32 $0xFFFFCC00  }
0x31: {  	[spmem:s9] =	stream.linear.scatter [tilespmem:s17], [sflag:$0x2], $0x3400, $0x38;
	[tilespmem:$0x1C900] =	vst v63  }
0x32: {  	_ =	swait.ge [sflag:s18], $0x3400  }
0x33: {  	[sflag:s18] =	ssyncset.done $0x0  }
0x34: {  	[sflag:s18] =	ssyncadd.s32 $0xFFFFCC00  }
0x35: {  	[spmem:s10] =	stream.linear.scatter [tilespmem:s17], [sflag:$0x2], $0x3400, $0x38;
	[tilespmem:$0x1C900] =	vst v63  }
0x36: {  	_ =	swait.ge [sflag:s18], $0x3400  }
0x37: {  	[sflag:s18] =	ssyncset.done $0x0  }
0x38: {  	s22 =	simm.s32 @!p0 $0x5000;
	[sflag:s18] =	ssyncadd.s32 $0xFFFFCC00  }
0x39: {  	[spmem:s11] =	stream.linear.scatter @!p0 [tilespmem:s22], [sflag:$0x2], $0x800, $0x38;
	[tilespmem:$0x1C900] =	vst v63  }
0x3a: {  	s22 =	simm.s32 @!p0 $0x2  }
0x3b: {  	_ =	swait.ge @!p0 [sflag:s22], $0x800  }
0x3c: {  	[sflag:s22] =	ssyncset.done @!p0 $0x0  }
0x3d: {  	s29 =	simm.s32 $0x0;
	[sflag:s22] =	ssyncadd.s32 @!p0 $0xFFFFF800  }
0x3e: {  	[tilespmem:s29], [sflag:$0x2] =	stream.linear.gather [hbm4b:s12+s29], $0x2780, $0x38;
	[tilespmem:$0x1C900] =	vst v63  }
0x3f: {  	_ =	swait.ge [sflag:s18], $0x2780  }
0x40: {  	[sflag:s18] =	ssyncset.done $0x0  }
0x41: {  	[sflag:s18] =	ssyncadd.s32 $0xFFFFD880  }
0x42: {  	[tilespmem:s19], [sflag:$0x2] =	stream.linear.gather [hbm4b:s13+s29], $0x2780, $0x38;
	[tilespmem:$0x1C900] =	vst v63  }
0x43: {  	_ =	swait.ge [sflag:s18], $0x2780  }
0x44: {  	[sflag:s18] =	ssyncset.done $0x0  }
0x45: {  	[sflag:s18] =	ssyncadd.s32 $0xFFFFD880  }
0x46: {  	s30 =	simm.s32 $0x0;
	[bflag:$0x0] =	sbarrier.arrive $0xFFFF  }
0x47: {  	[tilespmem:s17], [sflag:$0x1] =	stream.indirect.gather [hbm4b:s4+s20], $0x80, s30, s20, $0xb8;
	[tilespmem:$0x1C900] =	vst v63  }
0x48: {  	_ =	swait.ge [sflag:s21], $0x4000  }
0x49: {  	[sflag:s21] =	ssyncset.done $0x0  }
0x4a: {  	s31 =	simm.s32 $0x2800;
	[sflag:s21] =	ssyncadd.s32 $0xFFFFC000  }
0x4b: {  	[spmem:s2] =	stream.indirect.scatter.add.f32 [tilespmem:s17], [sflag:$0x2], $0x80, s31, s20, $0xb8;
	[tilespmem:$0x1C900] =	vst v63  }
0x4c: {  	_ =	swait.ge [sflag:s18], $0x4000  }
0x4d: {  	s23 =	simm.s32 $0x400;
	s22 =	simm.s32 $0x200;
	[sflag:s18] =	ssyncset.done $0x0  }
.LBB2_4:
0x4e: {  	s24 =	sshra.s32 s22, $0x2  }
0x4f: {  	[sflag:s18] =	ssyncadd.s32 $0xFFFFC000;
	s22 =	smov.u32 s23;
	s25 =	sadd.s32 $0x200, s23  }
0x50: {  	[tilespmem:s17], [sflag:$0x1] =	stream.indirect.gather [hbm4b:s4+s20], $0x80, s24, s20, $0xb8;
	[tilespmem:$0x1C900] =	vst v63  }
0x51: {  	p1 =	sne.s32 s23, $0x9C00;
	_ =	swait.ge [sflag:s21], $0x4000  }
.Ltmp1:
0x52: {  	[sflag:s21] =	ssyncset.done $0x0;
	(pc) =	sbr.rel @p1 .LBB2_4-.Ltmp1, $4  }
0x53: {  	s23 =	sadd.s32 $0x2800, s24;
	[sflag:s21] =	ssyncadd.s32 $0xFFFFC000  }
0x54: {  	[spmem:s2] =	stream.indirect.scatter.add.f32 [tilespmem:s17], [sflag:$0x2], $0x80, s23, s20, $0xb8;
	[tilespmem:$0x1C900] =	vst v63  }
0x55: {  	_ =	swait.ge [sflag:s18], $0x4000  }
0x56: {  	s23 =	smov.u32 s25;
	[sflag:s18] =	ssyncset.done $0x0  }
0x57: {  	s22 =	sshra.s32 s22, $0x2;
	[sflag:s18] =	ssyncadd.s32 $0xFFFFC000  }
0x58: {  	[tilespmem:s17], [sflag:$0x1] =	stream.indirect.gather [hbm4b:s4+s20], $0x80, s22, s20, $0xb8;
	[tilespmem:$0x1C900] =	vst v63  }
0x59: {  	_ =	swait.ge [sflag:s21], $0x4000  }
0x5a: {  	[sflag:s21] =	ssyncset.done $0x0  }
0x5b: {  	s22 =	sadd.s32 $0x2800, s22;
	[sflag:s21] =	ssyncadd.s32 $0xFFFFC000  }
0x5c: {  	[spmem:s2] =	stream.indirect.scatter.add.f32 [tilespmem:s17], [sflag:$0x2], $0x80, s22, s20, $0xb8;
	[tilespmem:$0x1C900] =	vst v63  }
0x5d: {  	_ =	swait.ge [sflag:s18], $0x4000  }
0x5e: {  	[sflag:s18] =	ssyncset.done $0x0  }
0x5f: {  	s31 =	sshll.u32 s0, $0x6;
	[sflag:s18] =	ssyncadd.s32 $0xFFFFC000  }
0x60: {  	s23 =	sshrl.u32 s5, $0x3;
	s22 =	sor.u32 $0x1C02, s31;
	[bflag:$0x0] =	sbarrier.arrive $0xFFFF  }
0x61: {  	[hbm:s14], [sflag:s22] =	dma.local [spmem:s23], $0x2700  }
0x62: {  	_ =	swait.ge [sflag:s18], $0x2700  }
0x63: {  	s3 =	sadd.s32 $0x1, s3;
	[sflag:s18] =	ssyncset.done $0x0  }
0x64: {  	p1 =	sne.s32 s3, s16;
	s23 =	sshrl.u32 @!p0 s11, $0x3;
	[sflag:s18] =	ssyncadd.s32 $0xFFFFD900  }
0x65: {  	[hbm:s15], [sflag:s22] =	dma.local @!p0 [spmem:s23], $0x100  }
.Ltmp2:
0x66: {  	_ = 	snop;
	(pc) =	sbr.rel @p1 .LBB2_1-.Ltmp2, $4  }
0x67: {  	s22 =	simm.s32 @!p0 $0x2  }
0x68: {  	_ =	swait.ge @!p0 [sflag:s22], $0x100  }
0x69: {  	[sflag:s22] =	ssyncset.done @!p0 $0x0  }
0x6a: {  	[sflag:s22] =	ssyncadd.s32 @!p0 $0xFFFFFF00  }
0x6b: {  	_ =	sfence.sel $0x180000  }
0x6c: {  	[bflag:$0x0] =	sbarrier.arrive $0xFFFF  }
0x6d: {  	p0 =	sne.s32 s0, $0x0;
	_ =	strace $0x9000004D  }
0x6e: {  	s0 =	sadd.s32 @!p0 $0x100000, s1;
	[bflag:$0x2] =	sbarrier.arrive $0xFFFF  }
0x6f: {  	[sflag:s0] =	ssyncadd.tile.s32 @!p0 $0x1;
	_ =	shalt  }
.Lfunc_end2:
_tile_overlayer_lowered:
.L_overlay_start_2:
0x70: {  	(tag) =	ssettag $0x2  }
0x71: {  	s0 =	rddreg [dreg:$0x0];
	s2 =	stileid.u32  }
0x72: {  	s1 =	rddreg [dreg:$0x1];
	p0 =	sne.s32 s2, $0x0  }
0x73: {  	s3 =	rddreg [dreg:$0x2];
	[bflag:$0x3] =	sbarrier.arrive $0xFFFF;
	s2 =	simm.s32 @!p0 $0x1C02  }
0x74: {  	[timem:s3], [sflag:s2] =	dma.local @!p0 [hbm:s0], s1  }
0x75: {  	s0 =	simm.s32 @!p0 $0x2  }
0x76: {  	_ =	swait.ge @!p0 [sflag:s0], s1  }
0x77: {  	s1 =	ssub.s32 @!p0 $0x0, s1;
	[sflag:s0] =	ssyncset.done @!p0 $0x0  }
0x78: {  	[sflag:s0] =	ssyncadd.s32 @!p0 s1  }
0x79: {  	[bflag:$0x3] =	sbarrier.arrive $0xFFFF  }
0x7a: {  	_ =	shalt  }

// kernel: kernel.27.cloned.1.call-start
scs
__scs_entry_jumppad:
0x0: {  	(pc) =	sbr.rel $0x88, $3  }
0x1: {  	(tag) =	ssettag $0x0;
	lr =	simm.s32 $0x1  }
0x2: {  	[smem:$0x3F8D] =	sst lr;
	_ =	strace $0xD0000000  }
0x3: {  	_ = 	snop  }
0x4: {  	_ = 	snop  }
0x5: {  	_ = 	snop  }
0x6: {  	_ = 	snop  }
0x7: {  	_ = 	snop  }
__scs_overlays_trampoline_lowered:
0x8: {  	[smem:$0x3F9C] =	sst s0  }
0x9: {  	[smem:$0x3F9D] =	sst s1  }
0xa: {  	[smem:$0x3F9E] =	sst s2  }
0xb: {  	[smem:$0x3F9F] =	sst s3  }
0xc: {  	[smem:$0x3FA0] =	sst s4  }
0xd: {  	[smem:$0x3FA1] =	sst s5  }
0xe: {  	[smem:$0x3FA2] =	sst s6  }
0xf: {  	[smem:$0x3FA3] =	sst s7  }
0x10: {  	[smem:$0x3FA4] =	sst s8  }
0x11: {  	[smem:$0x3FA5] =	sst s9;
	s0 =	simm.s32 @!p0 $0x0  }
0x12: {  	s1 =	sld [smem:$0x3F8B];
	s0 =	simm.s32 @p0 $0x1  }
0x13: {  	[smem:$0x3FA6] =	sst s0;
	s0 =	simm.s32 @!p1 $0x0  }
0x14: {  	s2 =	sld [smem:$0x3F8A];
	s0 =	simm.s32 @p1 $0x1  }
0x15: {  	[smem:$0x3FA7] =	sst s0;
	s0 =	simm.s32 @!p2 $0x0  }
0x16: {  	s3 =	sld [smem:$0x3FDB];
	s0 =	simm.s32 @p2 $0x1  }
0x17: {  	s4 =	simm.s32 $0x1BF5;
	[smem:$0x3FA9] =	sst s0  }
0x18: {  	s0 =	sld [smem:$0x3F8C];
	_ =	swait.ge [sflag:s4], $0x0  }
0x19: {  	s7 =	sld [smem:$0x3F8D]  }
0x1a: {  	s8 =	sadd.s32 $0xFFFFE003, lr  }
0x1b: {  	s9 =	sadd.s32 $0xFFFFFEF7, lr;
	s5 =	simm.s32 $0xFFFFFFFF;
	p2 =	slt.u32 s8, $0xFFFFF086  }
0x1c: {  	p1 =	slt.u32 s9, $0xF7A;
	s5 =	simm.s32 @!p2 $0x0  }
0x1d: {  	s5 =	simm.s32 @p1 $0x1;
	p0 =	seq.s32 s7, s2  }
0x1e: {  	s7 =	smul.u32 @!p0 $0xF7A, s2;
	p2 =	seq.s32 @!p0 s5, $0x0  }
0x1f: {  	s9 =	smul.u32 $0xF7A, s1;
	s8 =	simm.s32 @!p0 $0x1BF5;
	p2 =	por !p2, p0  }
0x20: {  	[sflag:s8] =	ssyncset.s32 @!p0 $0xFFFFF086;
	s6 =	sadd.s32 @!p0 s3, s7;
	s7 =	simm.s32 @!p0 $0x108  }
0x21: {  	s3 =	sadd.s32 s3, s9;
	s6 =	sadd.s32 @!p0 $0x88, s6;
	s7 =	simm.s32 @p2 $0x1082  }
0x22: {  	[simem:s7], [sflag:s8] =	dma.local @!p0 [hbm:s6], $0xF7A  }
0x23: {  	s9 =	sor.u32 $0xD0000000, s2;
	s6 =	simm.s32 $0x108;
	_ =	swait.ge @!p0 [sflag:s8], $0x0  }
0x24: {  	s3 =	sadd.s32 $0x88, s3;
	s6 =	simm.s32 @!p1 $0x1082;
	[sflag:s4] =	ssyncset.s32 $0xFFFFF086  }
0x25: {  	[simem:s6], [sflag:s4] =	dma.local [hbm:s3], $0xF7A  }
0x26: {  	[smem:$0x3F8D] =	sst s1;
	(tag) =	ssettag s2;
	_ =	strace s9  }
0x27: {  	s1 =	sld [smem:$0x3F9D]  }
0x28: {  	s2 =	sld [smem:$0x3F9E]  }
0x29: {  	s4 =	sld [smem:$0x3FA0]  }
0x2a: {  	p0 =	seq.s32 s5, $0x0;
	s5 =	sld [smem:$0x3FA1]  }
0x2b: {  	s6 =	sld [smem:$0x3FA2]  }
0x2c: {  	s7 =	sld [smem:$0x3FA3]  }
0x2d: {  	s3 =	simm.s32 $0x108;
	s8 =	sld [smem:$0x3FA4]  }
0x2e: {  	s3 =	simm.s32 @!p0 $0x1082;
	s9 =	sld [smem:$0x3FA5]  }
0x2f: {  	lr =	sadd.s32 s0, s3;
	s0 =	sld [smem:$0x3F9C]  }
0x30: {  	s3 =	sld [smem:$0x3F9F]  }
0x31: {  	[smem:$0x3FA8] =	sst s10  }
0x32: {  	s10 =	sld [smem:$0x3FA6];
	_ =	sdelay $0x3  }
0x33: {  	p0 =	seq.s32 s10, $0x1;
	s10 =	sld [smem:$0x3FA8];
	_ =	sdelay $0x3  }
0x34: {  	[smem:$0x3FA8] =	sst s10  }
0x35: {  	s10 =	sld [smem:$0x3FA7];
	_ =	sdelay $0x3  }
0x36: {  	p1 =	seq.s32 s10, $0x1;
	s10 =	sld [smem:$0x3FA8];
	_ =	sdelay $0x3  }
0x37: {  	[smem:$0x3FA8] =	sst s10  }
0x38: {  	s10 =	sld [smem:$0x3FA9]  }
0x39: {  	_ = 	snop;
	(pc) =	sbr.ind lr, $3  }
0x3a: {  	_ = 	snop  }
0x3b: {  	_ = 	snop  }
0x3c: {  	p2 =	seq.s32 s10, $0x1;
	s10 =	sld [smem:$0x3FA8]  }
0x3d: {  	_ =	shalt  }
0x3e: {  	_ =	shalt  }
0x3f: {  	_ =	shalt  }
0x40: {  	_ =	shalt  }
0x41: {  	_ =	shalt  }
0x42: {  	_ =	shalt  }
0x43: {  	_ =	shalt  }
0x44: {  	_ =	shalt  }
0x45: {  	_ =	shalt  }
0x46: {  	_ =	shalt  }
0x47: {  	_ =	shalt  }
0x48: {  	_ =	shalt  }
0x49: {  	_ =	shalt  }
0x4a: {  	_ =	shalt  }
0x4b: {  	_ =	shalt  }
0x4c: {  	_ =	shalt  }
0x4d: {  	_ =	shalt  }
0x4e: {  	_ =	shalt  }
0x4f: {  	_ =	shalt  }
0x50: {  	_ =	shalt  }
0x51: {  	_ =	shalt  }
0x52: {  	_ =	shalt  }
0x53: {  	_ =	shalt  }
0x54: {  	_ =	shalt  }
0x55: {  	_ =	shalt  }
0x56: {  	_ =	shalt  }
0x57: {  	_ =	shalt  }
0x58: {  	_ =	shalt  }
0x59: {  	_ =	shalt  }
0x5a: {  	_ =	shalt  }
0x5b: {  	_ =	shalt  }
0x5c: {  	_ =	shalt  }
0x5d: {  	_ =	shalt  }
0x5e: {  	_ =	shalt  }
0x5f: {  	_ =	shalt  }
0x60: {  	_ =	shalt  }
0x61: {  	_ =	shalt  }
0x62: {  	_ =	shalt  }
0x63: {  	_ =	shalt  }
0x64: {  	_ =	shalt  }
0x65: {  	_ =	shalt  }
0x66: {  	_ =	shalt  }
0x67: {  	_ =	shalt  }
0x68: {  	_ =	shalt  }
0x69: {  	_ =	shalt  }
0x6a: {  	_ =	shalt  }
0x6b: {  	_ =	shalt  }
0x6c: {  	_ =	shalt  }
0x6d: {  	_ =	shalt  }
0x6e: {  	_ =	shalt  }
0x6f: {  	_ =	shalt  }
0x70: {  	_ =	shalt  }
0x71: {  	_ =	shalt  }
0x72: {  	_ =	shalt  }
0x73: {  	_ =	shalt  }
0x74: {  	_ =	shalt  }
0x75: {  	_ =	shalt  }
0x76: {  	_ =	shalt  }
0x77: {  	_ =	shalt  }
0x78: {  	_ =	shalt  }
0x79: {  	_ =	shalt  }
0x7a: {  	_ =	shalt  }
0x7b: {  	_ =	shalt  }
0x7c: {  	_ =	shalt  }
0x7d: {  	_ =	shalt  }
0x7e: {  	_ =	shalt  }
0x7f: {  	_ =	shalt  }
0x80: {  	_ =	shalt  }
0x81: {  	_ =	shalt  }
0x82: {  	_ =	shalt  }
0x83: {  	_ =	shalt  }
0x84: {  	_ =	shalt  }
0x85: {  	_ =	shalt  }
0x86: {  	_ =	shalt  }
0x87: {  	_ =	shalt  }
.Lfunc_end0:
.L_simem_size_0:
called_computation.3_lowered:
.L_overlay_start_0:
0x88: {  	s2 =	sld [smem:$0x3FD9]  }
0x89: {  	s3 =	sld [smem:$0x3FFE];
	_ =	sdelay $0x1  }
0x8a: {  	s1 =	srdreg.scid  }
0x8b: {  	s0 =	sand.u32 $0x1, s1  }
0x8c: {  	s16 =	sshll.u32 s0, $0xA;
	s2 =	sadd.s32 s3, s2  }
0x8d: {  	s2 =	sadd.s32 s2, s16  }
0x8e: {  	[smem:$0x3FB4] =	sst s2  }
0x8f: {  	_ = 	snop  }
0x90: {  	(tm) =	ssettm $0x1  }
0x91: {  	s17 =	sld [smem:$0x3FFB];
	_ =	sdelay $0x3  }
0x92: {  	_ =	strace s17  }
0x93: {  	s2 =	sld [smem:$0x3FFC];
	_ =	sdelay $0x3  }
0x94: {  	_ =	strace s2  }
0x95: {  	s2 =	sld [smem:$0x3FFD];
	_ =	sdelay $0x3  }
0x96: {  	_ =	strace s2  }
0x97: {  	_ =	strace $0x8FFFFFFF  }
0x98: {  	s18 =	sld [smem:$0x3FDB];
	_ =	sdelay $0x1  }
0x99: {  	s19 =	simm.s32 $_scs_section_size  }
0x9a: {  	s4 =	simm.s32 $_size__tile_overlayer_lowered;
	s5 =	simm.s32 $_tile_overlayer_lowered  }
0x9b: {  	s22 =	simm.s32 $0x1BFF;
	s21 =	sshll.u32 s5, $0x1;
	s2 =	sadd.s32 s19, s18  }
0x9c: {  	s6 =	simm.s32 $0x0;
	s20 =	sshll.u32 s4, $0x1;
	s4 =	sadd.s32 s21, s2  }
0x9d: {  	[timem:s6], [sflag:s22] =	dma.local [hbm:s4], s20  }
0x9e: {  	_ =	swait.ge [sflag:s22], s20  }
0x9f: {  	s3 =	ssub.s32 $0x0, s20;
	[sflag:s22] =	ssyncset.done $0x0  }
0xa0: {  	[sflag:s22] =	ssyncadd.s32 s3;
	_ =	sdelay $0x1  }
0xa1: {  	s23 =	simm.s32 $0x1B8B  }
0xa2: {  	_ =	swait.ge [sflag:s23], $0x1  }
0xa3: {  	[sflag:s23] =	ssyncset.done $0x0  }
0xa4: {  	s25 =	simm.s32 $0x1B8E;
	s24 =	sld [smem:$0x3FFE];
	[sflag:s23] =	ssyncadd.s32 $0xFFFFFFFF  }
0xa5: {  	s26 =	simm.s32 $execute0_lowered;
	[smem:$0x3FD2] =	sst s25  }
0xa6: {  	s4 =	sshll.u32 s26, $0x1;
	_ =	strace $0x8000004F;
	[dreg:$0x1] =	wrdreg $0xFFFFFFFF  }
0xa7: {  	s28 =	simm.s32 $_size_execute0_lowered;
	s2 =	sadd.s32 s2, s4;
	[dreg:$0x0] =	wrdreg $0x0  }
0xa8: {  	s4 =	sshll.u32 s28, $0x1;
	[dreg:$0x2] =	wrdreg s2  }
0xa9: {  	[dreg:$0x3] =	wrdreg s4  }
0xaa: {  	[dreg:$0x4] =	wrdreg $0xC0  }
0xab: {  	_ =	task [dreg:s6], $0x5FFFF  }
0xac: {  	[dreg:$0x1] =	wrdreg $0xFFFFFFFF  }
0xad: {  	[dreg:$0x0] =	wrdreg $0x60  }
0xae: {  	[dreg:$0x2] =	wrdreg s24  }
0xaf: {  	[dreg:$0x3] =	wrdreg $0x90000  }
0xb0: {  	[dreg:$0x4] =	wrdreg $0x9  }
0xb1: {  	_ =	task.clear_ibuf [dreg:s6], $0x5FFFF;
	_ =	strace $0x9000004F  }
0xb2: {  	s29 =	simm.s32 $0x9;
	_ =	strace $0x80000051  }
0xb3: {  	_ =	swait.ge [sflag:s29], $0x1  }
0xb4: {  	[sflag:s29] =	ssyncadd.s32 $0xFFFFFFFF  }
0xb5: {  	_ =	strace $0x90000051  }
0xb6: {  	_ =	sfence  }
0xb7: {  	s30 =	sld [smem:$0x0];
	_ =	sdelay $0x2  }
0xb8: {  	s31 =	sshll.u32 s1, $0xD;
	s1 =	sshrl.u32 s1, $0x2  }
0xb9: {  	s3 =	sand.u32 $0x4000, s31;
	s1 =	sadd.s32 s1, s30  }
0xba: {  	s0 =	sor.u32 s3, s0;
	s1 =	sshll.u32 s1, $0x11  }
0xbb: {  	s0 =	sor.u32 s1, s0  }
0xbc: {  	s0 =	sadd.s32 $0x8F2B, s0  }
0xbd: {  	[sflag:s0] =	ssyncadd.remote.s32 $0x1  }
0xbe: {  	_ =	sfence.sel $0xFFFF  }
0xbf: {  	[dreg:$0x0] =	wrdreg $0xFFFFFFFF;
	(pc) =	sbr.abs _section_cstart, $3  }
0xc0: {  	[dreg:$0x1] =	wrdreg $0xFFFFFFFF  }
0xc1: {  	_ =	task.clear_ibuf [dreg:s6], $0x2FFFF;
	_ =	strace $0x9FFFFFFF  }
0xc2: {  	(tm) =	ssettm $0x7FFFFFFF  }
0xc3: {  	_ =	shalt  }
tec
execute0_lowered:
.L_overlay_start_1:
0x0: {  	(tag) =	ssettag $0x1  }
0x1: {  	s0 =	srdreg.scid;
	s5 =	rddreg [dreg:$0x0]  }
0x2: {  	s2 =	rddreg [dreg:$0x1];
	s3 =	simm.s32 $0x0;
	s18 =	simm.s32 $0x2  }
0x3: {  	s19 =	simm.s32 $0x2800;
	s20 =	simm.s32 $0x80;
	s21 =	simm.s32 $0x1  }
0x4: {  	s7 =	sand.u32 $0x1, s0;
	s0 =	stileid.u32;
	[smem:$0x7FF] =	sst s3  }
0x5: {  	s14 =	sadd.s32 $0x41400, s5;
	s11 =	sadd.s32 $0x138000, s2;
	s8 =	smul.u32 $0x4E000, s0  }
0x6: {  	s1 =	sshll.u32 s7, $0x4;
	s31 =	ssub.s32 $0x2, s7;
	s15 =	smul.u32 $0x138800, s7  }
0x7: {  	s17 =	smul.u32 $0x13800, s0;
	p0 =	sne.s32 s0, $0xF;
	s4 =	sor.u32 s0, s1  }
0x8: {  	s1 =	rddreg [dreg:$0x2];
	_ =	strace $0x80000050;
	s9 =	sshrl.u32 s31, $0x1  }
0x9: {  	s6 =	smul.u32 $0x500, s4;
	s4 =	sadd.s32 $0x1A200, s5;
	s8 =	sshrl.u32 s8, $0x2  }
0xa: {  	s16 =	ssub.s32 s31, s9;
	s17 =	sadd.s32 s17, s15;
	s15 =	sshrl.u32 s15, $0x3  }
0xb: {  	s17 =	sshrl.u32 s17, $0x3;
	s15 =	sadd.s32 s14, s15;
	s16 =	smax.u32 s16, $0x1  }
0xc: {  	s13 =	sadd.s32 s6, s5;
	s5 =	sadd.s32 s8, s2;
	s14 =	sadd.s32 s14, s17  }
0xd: {  	s15 =	sadd.s32 $0x27000, s15;
	s17 =	simm.s32 $0x5000;
	s6 =	sadd.s32 $0x3400, s5  }
0xe: {  	s7 =	sadd.s32 $0x6800, s5;
	s8 =	sadd.s32 $0x9C00, s5;
	s9 =	sadd.s32 $0xD000, s5  }
0xf: {  	v0 =	vimm.f32 $0.0e+00;
	s10 =	sadd.s32 $0x10400, s5;
	s12 =	sadd.s32 $0x10200, s13;
	s13 =	sadd.s32 $0x6200, s13  }
.LBB2_1:
0x10: {  	s22 =	simm.s32 $0x0;
	s23 =	simm.s32 $0x200  }
.LBB2_2:
0x11: {  	p1 =	sne.s32 s23, $0xFE00;
	[tilespmem:s22+$0x5070] =	vst v0  }
0x12: {  	[tilespmem:s22+$0x5000] =	vst v0  }
0x13: {  	[tilespmem:s22+$0x5010] =	vst v0  }
.Ltmp0:
0x14: {  	[tilespmem:s22+$0x5020] =	vst v0;
	(pc) =	sbr.rel @p1 .LBB2_2-.Ltmp0, $4  }
0x15: {  	[tilespmem:s22+$0x5030] =	vst v0  }
0x16: {  	[tilespmem:s22+$0x5040] =	vst v0  }
0x17: {  	[tilespmem:s22+$0x5050] =	vst v0  }
0x18: {  	[tilespmem:s22+$0x5060] =	vst v0;
	s22 =	sshra.s32 s23, $0x2;
	s23 =	sadd.s32 $0x200, s23  }
0x19: {  	[tilespmem:s22+$0x5070] =	vst v0  }
0x1a: {  	[tilespmem:s22+$0x5000] =	vst v0  }
0x1b: {  	[tilespmem:s22+$0x5010] =	vst v0  }
0x1c: {  	[tilespmem:s22+$0x5020] =	vst v0  }
0x1d: {  	[tilespmem:s22+$0x5030] =	vst v0  }
0x1e: {  	[tilespmem:s22+$0x5040] =	vst v0  }
0x1f: {  	[tilespmem:s22+$0x5050] =	vst v0  }
0x20: {  	[tilespmem:s22+$0x5060] =	vst v0  }
0x21: {  	[spmem:s5] =	stream.linear.scatter [tilespmem:s17], [sflag:$0x2], $0x3400, $0x38;
	[tilespmem:$0x1C900] =	vst v63  }
0x22: {  	_ =	swait.ge [sflag:s18], $0x3400  }
0x23: {  	[sflag:s18] =	ssyncset.done $0x0  }
0x24: {  	[sflag:s18] =	ssyncadd.s32 $0xFFFFCC00  }
0x25: {  	[spmem:s6] =	stream.linear.scatter [tilespmem:s17], [sflag:$0x2], $0x3400, $0x38;
	[tilespmem:$0x1C900] =	vst v63  }
0x26: {  	_ =	swait.ge [sflag:s18], $0x3400  }
0x27: {  	[sflag:s18] =	ssyncset.done $0x0  }
0x28: {  	[sflag:s18] =	ssyncadd.s32 $0xFFFFCC00  }
0x29: {  	[spmem:s7] =	stream.linear.scatter [tilespmem:s17], [sflag:$0x2], $0x3400, $0x38;
	[tilespmem:$0x1C900] =	vst v63  }
0x2a: {  	_ =	swait.ge [sflag:s18], $0x3400  }
0x2b: {  	[sflag:s18] =	ssyncset.done $0x0  }
0x2c: {  	[sflag:s18] =	ssyncadd.s32 $0xFFFFCC00  }
0x2d: {  	[spmem:s8] =	stream.linear.scatter [tilespmem:s17], [sflag:$0x2], $0x3400, $0x38;
	[tilespmem:$0x1C900] =	vst v63  }
0x2e: {  	_ =	swait.ge [sflag:s18], $0x3400  }
0x2f: {  	[sflag:s18] =	ssyncset.done $0x0  }
0x30: {  	[sflag:s18] =	ssyncadd.s32 $0xFFFFCC00  }
0x31: {  	[spmem:s9] =	stream.linear.scatter [tilespmem:s17], [sflag:$0x2], $0x3400, $0x38;
	[tilespmem:$0x1C900] =	vst v63  }
0x32: {  	_ =	swait.ge [sflag:s18], $0x3400  }
0x33: {  	[sflag:s18] =	ssyncset.done $0x0  }
0x34: {  	[sflag:s18] =	ssyncadd.s32 $0xFFFFCC00  }
0x35: {  	[spmem:s10] =	stream.linear.scatter [tilespmem:s17], [sflag:$0x2], $0x3400, $0x38;
	[tilespmem:$0x1C900] =	vst v63  }
0x36: {  	_ =	swait.ge [sflag:s18], $0x3400  }
0x37: {  	[sflag:s18] =	ssyncset.done $0x0  }
0x38: {  	s22 =	simm.s32 @!p0 $0x5000;
	[sflag:s18] =	ssyncadd.s32 $0xFFFFCC00  }
0x39: {  	[spmem:s11] =	stream.linear.scatter @!p0 [tilespmem:s22], [sflag:$0x2], $0x800, $0x38;
	[tilespmem:$0x1C900] =	vst v63  }
0x3a: {  	s22 =	simm.s32 @!p0 $0x2  }
0x3b: {  	_ =	swait.ge @!p0 [sflag:s22], $0x800  }
0x3c: {  	[sflag:s22] =	ssyncset.done @!p0 $0x0  }
0x3d: {  	s29 =	simm.s32 $0x0;
	[sflag:s22] =	ssyncadd.s32 @!p0 $0xFFFFF800  }
0x3e: {  	[tilespmem:s29], [sflag:$0x2] =	stream.linear.gather [hbm4b:s12+s29], $0x2780, $0x38;
	[tilespmem:$0x1C900] =	vst v63  }
0x3f: {  	_ =	swait.ge [sflag:s18], $0x2780  }
0x40: {  	[sflag:s18] =	ssyncset.done $0x0  }
0x41: {  	[sflag:s18] =	ssyncadd.s32 $0xFFFFD880  }
0x42: {  	[tilespmem:s19], [sflag:$0x2] =	stream.linear.gather [hbm4b:s13+s29], $0x2780, $0x38;
	[tilespmem:$0x1C900] =	vst v63  }
0x43: {  	_ =	swait.ge [sflag:s18], $0x2780  }
0x44: {  	[sflag:s18] =	ssyncset.done $0x0  }
0x45: {  	[sflag:s18] =	ssyncadd.s32 $0xFFFFD880  }
0x46: {  	s30 =	simm.s32 $0x0;
	[bflag:$0x0] =	sbarrier.arrive $0xFFFF  }
0x47: {  	[tilespmem:s17], [sflag:$0x1] =	stream.indirect.gather [hbm4b:s4+s20], $0x80, s30, s20, $0xb8;
	[tilespmem:$0x1C900] =	vst v63  }
0x48: {  	_ =	swait.ge [sflag:s21], $0x4000  }
0x49: {  	[sflag:s21] =	ssyncset.done $0x0  }
0x4a: {  	s31 =	simm.s32 $0x2800;
	[sflag:s21] =	ssyncadd.s32 $0xFFFFC000  }
0x4b: {  	[spmem:s2] =	stream.indirect.scatter.add.f32 [tilespmem:s17], [sflag:$0x2], $0x80, s31, s20, $0xb8;
	[tilespmem:$0x1C900] =	vst v63  }
0x4c: {  	_ =	swait.ge [sflag:s18], $0x4000  }
0x4d: {  	s23 =	simm.s32 $0x400;
	s22 =	simm.s32 $0x200;
	[sflag:s18] =	ssyncset.done $0x0  }
.LBB2_4:
0x4e: {  	s24 =	sshra.s32 s22, $0x2  }
0x4f: {  	[sflag:s18] =	ssyncadd.s32 $0xFFFFC000;
	s22 =	smov.u32 s23;
	s25 =	sadd.s32 $0x200, s23  }
0x50: {  	[tilespmem:s17], [sflag:$0x1] =	stream.indirect.gather [hbm4b:s4+s20], $0x80, s24, s20, $0xb8;
	[tilespmem:$0x1C900] =	vst v63  }
0x51: {  	p1 =	sne.s32 s23, $0x9C00;
	_ =	swait.ge [sflag:s21], $0x4000  }
.Ltmp1:
0x52: {  	[sflag:s21] =	ssyncset.done $0x0;
	(pc) =	sbr.rel @p1 .LBB2_4-.Ltmp1, $4  }
0x53: {  	s23 =	sadd.s32 $0x2800, s24;
	[sflag:s21] =	ssyncadd.s32 $0xFFFFC000  }
0x54: {  	[spmem:s2] =	stream.indirect.scatter.add.f32 [tilespmem:s17], [sflag:$0x2], $0x80, s23, s20, $0xb8;
	[tilespmem:$0x1C900] =	vst v63  }
0x55: {  	_ =	swait.ge [sflag:s18], $0x4000  }
0x56: {  	s23 =	smov.u32 s25;
	[sflag:s18] =	ssyncset.done $0x0  }
0x57: {  	s22 =	sshra.s32 s22, $0x2;
	[sflag:s18] =	ssyncadd.s32 $0xFFFFC000  }
0x58: {  	[tilespmem:s17], [sflag:$0x1] =	stream.indirect.gather [hbm4b:s4+s20], $0x80, s22, s20, $0xb8;
	[tilespmem:$0x1C900] =	vst v63  }
0x59: {  	_ =	swait.ge [sflag:s21], $0x4000  }
0x5a: {  	[sflag:s21] =	ssyncset.done $0x0  }
0x5b: {  	s22 =	sadd.s32 $0x2800, s22;
	[sflag:s21] =	ssyncadd.s32 $0xFFFFC000  }
0x5c: {  	[spmem:s2] =	stream.indirect.scatter.add.f32 [tilespmem:s17], [sflag:$0x2], $0x80, s22, s20, $0xb8;
	[tilespmem:$0x1C900] =	vst v63  }
0x5d: {  	_ =	swait.ge [sflag:s18], $0x4000  }
0x5e: {  	[sflag:s18] =	ssyncset.done $0x0  }
0x5f: {  	s31 =	sshll.u32 s0, $0x6;
	[sflag:s18] =	ssyncadd.s32 $0xFFFFC000  }
0x60: {  	s23 =	sshrl.u32 s5, $0x3;
	s22 =	sor.u32 $0x1C02, s31;
	[bflag:$0x0] =	sbarrier.arrive $0xFFFF  }
0x61: {  	[hbm:s14], [sflag:s22] =	dma.local [spmem:s23], $0x2700  }
0x62: {  	_ =	swait.ge [sflag:s18], $0x2700  }
0x63: {  	s3 =	sadd.s32 $0x1, s3;
	[sflag:s18] =	ssyncset.done $0x0  }
0x64: {  	p1 =	sne.s32 s3, s16;
	s23 =	sshrl.u32 @!p0 s11, $0x3;
	[sflag:s18] =	ssyncadd.s32 $0xFFFFD900  }
0x65: {  	[hbm:s15], [sflag:s22] =	dma.local @!p0 [spmem:s23], $0x100  }
.Ltmp2:
0x66: {  	_ = 	snop;
	(pc) =	sbr.rel @p1 .LBB2_1-.Ltmp2, $4  }
0x67: {  	s22 =	simm.s32 @!p0 $0x2  }
0x68: {  	_ =	swait.ge @!p0 [sflag:s22], $0x100  }
0x69: {  	[sflag:s22] =	ssyncset.done @!p0 $0x0  }
0x6a: {  	[sflag:s22] =	ssyncadd.s32 @!p0 $0xFFFFFF00  }
0x6b: {  	_ =	sfence.sel $0x180000  }
0x6c: {  	[bflag:$0x0] =	sbarrier.arrive $0xFFFF  }
0x6d: {  	p0 =	sne.s32 s0, $0x0;
	_ =	strace $0x90000050  }
0x6e: {  	s0 =	sadd.s32 @!p0 $0x100000, s1;
	[bflag:$0x2] =	sbarrier.arrive $0xFFFF  }
0x6f: {  	[sflag:s0] =	ssyncadd.tile.s32 @!p0 $0x1;
	_ =	shalt  }
.Lfunc_end2:
_tile_overlayer_lowered:
.L_overlay_start_2:
0x70: {  	(tag) =	ssettag $0x2  }
0x71: {  	s0 =	rddreg [dreg:$0x0];
	s2 =	stileid.u32  }
0x72: {  	s1 =	rddreg [dreg:$0x1];
	p0 =	sne.s32 s2, $0x0  }
0x73: {  	s3 =	rddreg [dreg:$0x2];
	[bflag:$0x3] =	sbarrier.arrive $0xFFFF;
	s2 =	simm.s32 @!p0 $0x1C02  }
0x74: {  	[timem:s3], [sflag:s2] =	dma.local @!p0 [hbm:s0], s1  }
0x75: {  	s0 =	simm.s32 @!p0 $0x2  }
0x76: {  	_ =	swait.ge @!p0 [sflag:s0], s1  }
0x77: {  	s1 =	ssub.s32 @!p0 $0x0, s1;
	[sflag:s0] =	ssyncset.done @!p0 $0x0  }
0x78: {  	[sflag:s0] =	ssyncadd.s32 @!p0 s1  }
0x79: {  	[bflag:$0x3] =	sbarrier.arrive $0xFFFF  }
0x7a: {  	_ =	shalt  }

// kernel: kernel.30.cloned.1.call-start
scs
__scs_entry_jumppad:
0x0: {  	(pc) =	sbr.rel $0x88, $3  }
0x1: {  	(tag) =	ssettag $0x0;
	lr =	simm.s32 $0x1  }
0x2: {  	[smem:$0x3F8D] =	sst lr;
	_ =	strace $0xD0000000  }
0x3: {  	_ = 	snop  }
0x4: {  	_ = 	snop  }
0x5: {  	_ = 	snop  }
0x6: {  	_ = 	snop  }
0x7: {  	_ = 	snop  }
__scs_overlays_trampoline_lowered:
0x8: {  	[smem:$0x3F9C] =	sst s0  }
0x9: {  	[smem:$0x3F9D] =	sst s1  }
0xa: {  	[smem:$0x3F9E] =	sst s2  }
0xb: {  	[smem:$0x3F9F] =	sst s3  }
0xc: {  	[smem:$0x3FA0] =	sst s4  }
0xd: {  	[smem:$0x3FA1] =	sst s5  }
0xe: {  	[smem:$0x3FA2] =	sst s6  }
0xf: {  	[smem:$0x3FA3] =	sst s7  }
0x10: {  	[smem:$0x3FA4] =	sst s8  }
0x11: {  	[smem:$0x3FA5] =	sst s9;
	s0 =	simm.s32 @!p0 $0x0  }
0x12: {  	s1 =	sld [smem:$0x3F8B];
	s0 =	simm.s32 @p0 $0x1  }
0x13: {  	[smem:$0x3FA6] =	sst s0;
	s0 =	simm.s32 @!p1 $0x0  }
0x14: {  	s2 =	sld [smem:$0x3F8A];
	s0 =	simm.s32 @p1 $0x1  }
0x15: {  	[smem:$0x3FA7] =	sst s0;
	s0 =	simm.s32 @!p2 $0x0  }
0x16: {  	s3 =	sld [smem:$0x3FDB];
	s0 =	simm.s32 @p2 $0x1  }
0x17: {  	s4 =	simm.s32 $0x1BF5;
	[smem:$0x3FA9] =	sst s0  }
0x18: {  	s0 =	sld [smem:$0x3F8C];
	_ =	swait.ge [sflag:s4], $0x0  }
0x19: {  	s7 =	sld [smem:$0x3F8D]  }
0x1a: {  	s8 =	sadd.s32 $0xFFFFE003, lr  }
0x1b: {  	s9 =	sadd.s32 $0xFFFFFEF7, lr;
	s5 =	simm.s32 $0xFFFFFFFF;
	p2 =	slt.u32 s8, $0xFFFFF086  }
0x1c: {  	p1 =	slt.u32 s9, $0xF7A;
	s5 =	simm.s32 @!p2 $0x0  }
0x1d: {  	s5 =	simm.s32 @p1 $0x1;
	p0 =	seq.s32 s7, s2  }
0x1e: {  	s7 =	smul.u32 @!p0 $0xF7A, s2;
	p2 =	seq.s32 @!p0 s5, $0x0  }
0x1f: {  	s9 =	smul.u32 $0xF7A, s1;
	s8 =	simm.s32 @!p0 $0x1BF5;
	p2 =	por !p2, p0  }
0x20: {  	[sflag:s8] =	ssyncset.s32 @!p0 $0xFFFFF086;
	s6 =	sadd.s32 @!p0 s3, s7;
	s7 =	simm.s32 @!p0 $0x108  }
0x21: {  	s3 =	sadd.s32 s3, s9;
	s6 =	sadd.s32 @!p0 $0x88, s6;
	s7 =	simm.s32 @p2 $0x1082  }
0x22: {  	[simem:s7], [sflag:s8] =	dma.local @!p0 [hbm:s6], $0xF7A  }
0x23: {  	s9 =	sor.u32 $0xD0000000, s2;
	s6 =	simm.s32 $0x108;
	_ =	swait.ge @!p0 [sflag:s8], $0x0  }
0x24: {  	s3 =	sadd.s32 $0x88, s3;
	s6 =	simm.s32 @!p1 $0x1082;
	[sflag:s4] =	ssyncset.s32 $0xFFFFF086  }
0x25: {  	[simem:s6], [sflag:s4] =	dma.local [hbm:s3], $0xF7A  }
0x26: {  	[smem:$0x3F8D] =	sst s1;
	(tag) =	ssettag s2;
	_ =	strace s9  }
0x27: {  	s1 =	sld [smem:$0x3F9D]  }
0x28: {  	s2 =	sld [smem:$0x3F9E]  }
0x29: {  	s4 =	sld [smem:$0x3FA0]  }
0x2a: {  	p0 =	seq.s32 s5, $0x0;
	s5 =	sld [smem:$0x3FA1]  }
0x2b: {  	s6 =	sld [smem:$0x3FA2]  }
0x2c: {  	s7 =	sld [smem:$0x3FA3]  }
0x2d: {  	s3 =	simm.s32 $0x108;
	s8 =	sld [smem:$0x3FA4]  }
0x2e: {  	s3 =	simm.s32 @!p0 $0x1082;
	s9 =	sld [smem:$0x3FA5]  }
0x2f: {  	lr =	sadd.s32 s0, s3;
	s0 =	sld [smem:$0x3F9C]  }
0x30: {  	s3 =	sld [smem:$0x3F9F]  }
0x31: {  	[smem:$0x3FA8] =	sst s10  }
0x32: {  	s10 =	sld [smem:$0x3FA6];
	_ =	sdelay $0x3  }
0x33: {  	p0 =	seq.s32 s10, $0x1;
	s10 =	sld [smem:$0x3FA8];
	_ =	sdelay $0x3  }
0x34: {  	[smem:$0x3FA8] =	sst s10  }
0x35: {  	s10 =	sld [smem:$0x3FA7];
	_ =	sdelay $0x3  }
0x36: {  	p1 =	seq.s32 s10, $0x1;
	s10 =	sld [smem:$0x3FA8];
	_ =	sdelay $0x3  }
0x37: {  	[smem:$0x3FA8] =	sst s10  }
0x38: {  	s10 =	sld [smem:$0x3FA9]  }
0x39: {  	_ = 	snop;
	(pc) =	sbr.ind lr, $3  }
0x3a: {  	_ = 	snop  }
0x3b: {  	_ = 	snop  }
0x3c: {  	p2 =	seq.s32 s10, $0x1;
	s10 =	sld [smem:$0x3FA8]  }
0x3d: {  	_ =	shalt  }
0x3e: {  	_ =	shalt  }
0x3f: {  	_ =	shalt  }
0x40: {  	_ =	shalt  }
0x41: {  	_ =	shalt  }
0x42: {  	_ =	shalt  }
0x43: {  	_ =	shalt  }
0x44: {  	_ =	shalt  }
0x45: {  	_ =	shalt  }
0x46: {  	_ =	shalt  }
0x47: {  	_ =	shalt  }
0x48: {  	_ =	shalt  }
0x49: {  	_ =	shalt  }
0x4a: {  	_ =	shalt  }
0x4b: {  	_ =	shalt  }
0x4c: {  	_ =	shalt  }
0x4d: {  	_ =	shalt  }
0x4e: {  	_ =	shalt  }
0x4f: {  	_ =	shalt  }
0x50: {  	_ =	shalt  }
0x51: {  	_ =	shalt  }
0x52: {  	_ =	shalt  }
0x53: {  	_ =	shalt  }
0x54: {  	_ =	shalt  }
0x55: {  	_ =	shalt  }
0x56: {  	_ =	shalt  }
0x57: {  	_ =	shalt  }
0x58: {  	_ =	shalt  }
0x59: {  	_ =	shalt  }
0x5a: {  	_ =	shalt  }
0x5b: {  	_ =	shalt  }
0x5c: {  	_ =	shalt  }
0x5d: {  	_ =	shalt  }
0x5e: {  	_ =	shalt  }
0x5f: {  	_ =	shalt  }
0x60: {  	_ =	shalt  }
0x61: {  	_ =	shalt  }
0x62: {  	_ =	shalt  }
0x63: {  	_ =	shalt  }
0x64: {  	_ =	shalt  }
0x65: {  	_ =	shalt  }
0x66: {  	_ =	shalt  }
0x67: {  	_ =	shalt  }
0x68: {  	_ =	shalt  }
0x69: {  	_ =	shalt  }
0x6a: {  	_ =	shalt  }
0x6b: {  	_ =	shalt  }
0x6c: {  	_ =	shalt  }
0x6d: {  	_ =	shalt  }
0x6e: {  	_ =	shalt  }
0x6f: {  	_ =	shalt  }
0x70: {  	_ =	shalt  }
0x71: {  	_ =	shalt  }
0x72: {  	_ =	shalt  }
0x73: {  	_ =	shalt  }
0x74: {  	_ =	shalt  }
0x75: {  	_ =	shalt  }
0x76: {  	_ =	shalt  }
0x77: {  	_ =	shalt  }
0x78: {  	_ =	shalt  }
0x79: {  	_ =	shalt  }
0x7a: {  	_ =	shalt  }
0x7b: {  	_ =	shalt  }
0x7c: {  	_ =	shalt  }
0x7d: {  	_ =	shalt  }
0x7e: {  	_ =	shalt  }
0x7f: {  	_ =	shalt  }
0x80: {  	_ =	shalt  }
0x81: {  	_ =	shalt  }
0x82: {  	_ =	shalt  }
0x83: {  	_ =	shalt  }
0x84: {  	_ =	shalt  }
0x85: {  	_ =	shalt  }
0x86: {  	_ =	shalt  }
0x87: {  	_ =	shalt  }
.Lfunc_end0:
.L_simem_size_0:
called_computation.4_lowered:
.L_overlay_start_0:
0x88: {  	s2 =	sld [smem:$0x3FD9]  }
0x89: {  	s3 =	sld [smem:$0x3FFE];
	_ =	sdelay $0x1  }
0x8a: {  	s1 =	srdreg.scid  }
0x8b: {  	s0 =	sand.u32 $0x1, s1  }
0x8c: {  	s16 =	sshll.u32 s0, $0xA;
	s2 =	sadd.s32 s3, s2  }
0x8d: {  	s2 =	sadd.s32 s2, s16  }
0x8e: {  	[smem:$0x3FB4] =	sst s2  }
0x8f: {  	_ = 	snop  }
0x90: {  	(tm) =	ssettm $0x1  }
0x91: {  	s17 =	sld [smem:$0x3FFB];
	_ =	sdelay $0x3  }
0x92: {  	_ =	strace s17  }
0x93: {  	s2 =	sld [smem:$0x3FFC];
	_ =	sdelay $0x3  }
0x94: {  	_ =	strace s2  }
0x95: {  	s2 =	sld [smem:$0x3FFD];
	_ =	sdelay $0x3  }
0x96: {  	_ =	strace s2  }
0x97: {  	_ =	strace $0x8FFFFFFF  }
0x98: {  	s18 =	sld [smem:$0x3FDB];
	_ =	sdelay $0x1  }
0x99: {  	s19 =	simm.s32 $_scs_section_size  }
0x9a: {  	s4 =	simm.s32 $_size__tile_overlayer_lowered;
	s5 =	simm.s32 $_tile_overlayer_lowered  }
0x9b: {  	s22 =	simm.s32 $0x1BFF;
	s21 =	sshll.u32 s5, $0x1;
	s2 =	sadd.s32 s19, s18  }
0x9c: {  	s6 =	simm.s32 $0x0;
	s20 =	sshll.u32 s4, $0x1;
	s4 =	sadd.s32 s21, s2  }
0x9d: {  	[timem:s6], [sflag:s22] =	dma.local [hbm:s4], s20  }
0x9e: {  	_ =	swait.ge [sflag:s22], s20  }
0x9f: {  	s3 =	ssub.s32 $0x0, s20;
	[sflag:s22] =	ssyncset.done $0x0  }
0xa0: {  	[sflag:s22] =	ssyncadd.s32 s3;
	_ =	sdelay $0x1  }
0xa1: {  	s23 =	simm.s32 $0x1B8B  }
0xa2: {  	_ =	swait.ge [sflag:s23], $0x1  }
0xa3: {  	[sflag:s23] =	ssyncset.done $0x0  }
0xa4: {  	s25 =	simm.s32 $0x1B8E;
	s24 =	sld [smem:$0x3FFE];
	[sflag:s23] =	ssyncadd.s32 $0xFFFFFFFF  }
0xa5: {  	s26 =	simm.s32 $execute0_lowered;
	[smem:$0x3FD2] =	sst s25  }
0xa6: {  	s4 =	sshll.u32 s26, $0x1;
	_ =	strace $0x80000052;
	[dreg:$0x1] =	wrdreg $0xFFFFFFFF  }
0xa7: {  	s28 =	simm.s32 $_size_execute0_lowered;
	s2 =	sadd.s32 s2, s4;
	[dreg:$0x0] =	wrdreg $0x0  }
0xa8: {  	s4 =	sshll.u32 s28, $0x1;
	[dreg:$0x2] =	wrdreg s2  }
0xa9: {  	[dreg:$0x3] =	wrdreg s4  }
0xaa: {  	[dreg:$0x4] =	wrdreg $0xC0  }
0xab: {  	_ =	task [dreg:s6], $0x5FFFF  }
0xac: {  	[dreg:$0x1] =	wrdreg $0xFFFFFFFF  }
0xad: {  	[dreg:$0x0] =	wrdreg $0x60  }
0xae: {  	[dreg:$0x2] =	wrdreg s24  }
0xaf: {  	[dreg:$0x3] =	wrdreg $0x90000  }
0xb0: {  	[dreg:$0x4] =	wrdreg $0x9  }
0xb1: {  	_ =	task.clear_ibuf [dreg:s6], $0x5FFFF;
	_ =	strace $0x90000052  }
0xb2: {  	s29 =	simm.s32 $0x9;
	_ =	strace $0x80000054  }
0xb3: {  	_ =	swait.ge [sflag:s29], $0x1  }
0xb4: {  	[sflag:s29] =	ssyncadd.s32 $0xFFFFFFFF  }
0xb5: {  	_ =	strace $0x90000054  }
0xb6: {  	_ =	sfence  }
0xb7: {  	s30 =	sld [smem:$0x0];
	_ =	sdelay $0x2  }
0xb8: {  	s31 =	sshll.u32 s1, $0xD;
	s1 =	sshrl.u32 s1, $0x2  }
0xb9: {  	s3 =	sand.u32 $0x4000, s31;
	s1 =	sadd.s32 s1, s30  }
0xba: {  	s0 =	sor.u32 s3, s0;
	s1 =	sshll.u32 s1, $0x11  }
0xbb: {  	s0 =	sor.u32 s1, s0  }
0xbc: {  	s0 =	sadd.s32 $0x8F2B, s0  }
0xbd: {  	[sflag:s0] =	ssyncadd.remote.s32 $0x1  }
0xbe: {  	_ =	sfence.sel $0xFFFF  }
0xbf: {  	[dreg:$0x0] =	wrdreg $0xFFFFFFFF;
	(pc) =	sbr.abs _section_cstart, $3  }
0xc0: {  	[dreg:$0x1] =	wrdreg $0xFFFFFFFF  }
0xc1: {  	_ =	task.clear_ibuf [dreg:s6], $0x2FFFF;
	_ =	strace $0x9FFFFFFF  }
0xc2: {  	(tm) =	ssettm $0x7FFFFFFF  }
0xc3: {  	_ =	shalt  }
tec
execute0_lowered:
.L_overlay_start_1:
0x0: {  	(tag) =	ssettag $0x1  }
0x1: {  	s0 =	srdreg.scid;
	s5 =	rddreg [dreg:$0x0]  }
0x2: {  	s2 =	rddreg [dreg:$0x1];
	s3 =	simm.s32 $0x0;
	s18 =	simm.s32 $0x2  }
0x3: {  	s19 =	simm.s32 $0x2800;
	s20 =	simm.s32 $0x80;
	s21 =	simm.s32 $0x1  }
0x4: {  	s7 =	sand.u32 $0x1, s0;
	s0 =	stileid.u32;
	[smem:$0x7FF] =	sst s3  }
0x5: {  	s14 =	sadd.s32 $0x41400, s5;
	s11 =	sadd.s32 $0x138000, s2;
	s8 =	smul.u32 $0x4E000, s0  }
0x6: {  	s1 =	sshll.u32 s7, $0x4;
	s31 =	ssub.s32 $0x2, s7;
	s15 =	smul.u32 $0x138800, s7  }
0x7: {  	s17 =	smul.u32 $0x13800, s0;
	p0 =	sne.s32 s0, $0xF;
	s4 =	sor.u32 s0, s1  }
0x8: {  	s1 =	rddreg [dreg:$0x2];
	_ =	strace $0x80000053;
	s9 =	sshrl.u32 s31, $0x1  }
0x9: {  	s6 =	smul.u32 $0x500, s4;
	s4 =	sadd.s32 $0x1A200, s5;
	s8 =	sshrl.u32 s8, $0x2  }
0xa: {  	s16 =	ssub.s32 s31, s9;
	s17 =	sadd.s32 s17, s15;
	s15 =	sshrl.u32 s15, $0x3  }
0xb: {  	s17 =	sshrl.u32 s17, $0x3;
	s15 =	sadd.s32 s14, s15;
	s16 =	smax.u32 s16, $0x1  }
0xc: {  	s13 =	sadd.s32 s6, s5;
	s5 =	sadd.s32 s8, s2;
	s14 =	sadd.s32 s14, s17  }
0xd: {  	s15 =	sadd.s32 $0x27000, s15;
	s17 =	simm.s32 $0x5000;
	s6 =	sadd.s32 $0x3400, s5  }
0xe: {  	s7 =	sadd.s32 $0x6800, s5;
	s8 =	sadd.s32 $0x9C00, s5;
	s9 =	sadd.s32 $0xD000, s5  }
0xf: {  	v0 =	vimm.f32 $0.0e+00;
	s10 =	sadd.s32 $0x10400, s5;
	s12 =	sadd.s32 $0x10200, s13;
	s13 =	sadd.s32 $0x6200, s13  }
.LBB2_1:
0x10: {  	s22 =	simm.s32 $0x0;
	s23 =	simm.s32 $0x200  }
.LBB2_2:
0x11: {  	p1 =	sne.s32 s23, $0xFE00;
	[tilespmem:s22+$0x5070] =	vst v0  }
0x12: {  	[tilespmem:s22+$0x5000] =	vst v0  }
0x13: {  	[tilespmem:s22+$0x5010] =	vst v0  }
.Ltmp0:
0x14: {  	[tilespmem:s22+$0x5020] =	vst v0;
	(pc) =	sbr.rel @p1 .LBB2_2-.Ltmp0, $4  }
0x15: {  	[tilespmem:s22+$0x5030] =	vst v0  }
0x16: {  	[tilespmem:s22+$0x5040] =	vst v0  }
0x17: {  	[tilespmem:s22+$0x5050] =	vst v0  }
0x18: {  	[tilespmem:s22+$0x5060] =	vst v0;
	s22 =	sshra.s32 s23, $0x2;
	s23 =	sadd.s32 $0x200, s23  }
0x19: {  	[tilespmem:s22+$0x5070] =	vst v0  }
0x1a: {  	[tilespmem:s22+$0x5000] =	vst v0  }
0x1b: {  	[tilespmem:s22+$0x5010] =	vst v0  }
0x1c: {  	[tilespmem:s22+$0x5020] =	vst v0  }
0x1d: {  	[tilespmem:s22+$0x5030] =	vst v0  }
0x1e: {  	[tilespmem:s22+$0x5040] =	vst v0  }
0x1f: {  	[tilespmem:s22+$0x5050] =	vst v0  }
0x20: {  	[tilespmem:s22+$0x5060] =	vst v0  }
0x21: {  	[spmem:s5] =	stream.linear.scatter [tilespmem:s17], [sflag:$0x2], $0x3400, $0x38;
	[tilespmem:$0x1C900] =	vst v63  }
0x22: {  	_ =	swait.ge [sflag:s18], $0x3400  }
0x23: {  	[sflag:s18] =	ssyncset.done $0x0  }
0x24: {  	[sflag:s18] =	ssyncadd.s32 $0xFFFFCC00  }
0x25: {  	[spmem:s6] =	stream.linear.scatter [tilespmem:s17], [sflag:$0x2], $0x3400, $0x38;
	[tilespmem:$0x1C900] =	vst v63  }
0x26: {  	_ =	swait.ge [sflag:s18], $0x3400  }
0x27: {  	[sflag:s18] =	ssyncset.done $0x0  }
0x28: {  	[sflag:s18] =	ssyncadd.s32 $0xFFFFCC00  }
0x29: {  	[spmem:s7] =	stream.linear.scatter [tilespmem:s17], [sflag:$0x2], $0x3400, $0x38;
	[tilespmem:$0x1C900] =	vst v63  }
0x2a: {  	_ =	swait.ge [sflag:s18], $0x3400  }
0x2b: {  	[sflag:s18] =	ssyncset.done $0x0  }
0x2c: {  	[sflag:s18] =	ssyncadd.s32 $0xFFFFCC00  }
0x2d: {  	[spmem:s8] =	stream.linear.scatter [tilespmem:s17], [sflag:$0x2], $0x3400, $0x38;
	[tilespmem:$0x1C900] =	vst v63  }
0x2e: {  	_ =	swait.ge [sflag:s18], $0x3400  }
0x2f: {  	[sflag:s18] =	ssyncset.done $0x0  }
0x30: {  	[sflag:s18] =	ssyncadd.s32 $0xFFFFCC00  }
0x31: {  	[spmem:s9] =	stream.linear.scatter [tilespmem:s17], [sflag:$0x2], $0x3400, $0x38;
	[tilespmem:$0x1C900] =	vst v63  }
0x32: {  	_ =	swait.ge [sflag:s18], $0x3400  }
0x33: {  	[sflag:s18] =	ssyncset.done $0x0  }
0x34: {  	[sflag:s18] =	ssyncadd.s32 $0xFFFFCC00  }
0x35: {  	[spmem:s10] =	stream.linear.scatter [tilespmem:s17], [sflag:$0x2], $0x3400, $0x38;
	[tilespmem:$0x1C900] =	vst v63  }
0x36: {  	_ =	swait.ge [sflag:s18], $0x3400  }
0x37: {  	[sflag:s18] =	ssyncset.done $0x0  }
0x38: {  	s22 =	simm.s32 @!p0 $0x5000;
	[sflag:s18] =	ssyncadd.s32 $0xFFFFCC00  }
0x39: {  	[spmem:s11] =	stream.linear.scatter @!p0 [tilespmem:s22], [sflag:$0x2], $0x800, $0x38;
	[tilespmem:$0x1C900] =	vst v63  }
0x3a: {  	s22 =	simm.s32 @!p0 $0x2  }
0x3b: {  	_ =	swait.ge @!p0 [sflag:s22], $0x800  }
0x3c: {  	[sflag:s22] =	ssyncset.done @!p0 $0x0  }
0x3d: {  	s29 =	simm.s32 $0x0;
	[sflag:s22] =	ssyncadd.s32 @!p0 $0xFFFFF800  }
0x3e: {  	[tilespmem:s29], [sflag:$0x2] =	stream.linear.gather [hbm4b:s12+s29], $0x2780, $0x38;
	[tilespmem:$0x1C900] =	vst v63  }
0x3f: {  	_ =	swait.ge [sflag:s18], $0x2780  }
0x40: {  	[sflag:s18] =	ssyncset.done $0x0  }
0x41: {  	[sflag:s18] =	ssyncadd.s32 $0xFFFFD880  }
0x42: {  	[tilespmem:s19], [sflag:$0x2] =	stream.linear.gather [hbm4b:s13+s29], $0x2780, $0x38;
	[tilespmem:$0x1C900] =	vst v63  }
0x43: {  	_ =	swait.ge [sflag:s18], $0x2780  }
0x44: {  	[sflag:s18] =	ssyncset.done $0x0  }
0x45: {  	[sflag:s18] =	ssyncadd.s32 $0xFFFFD880  }
0x46: {  	s30 =	simm.s32 $0x0;
	[bflag:$0x0] =	sbarrier.arrive $0xFFFF  }
0x47: {  	[tilespmem:s17], [sflag:$0x1] =	stream.indirect.gather [hbm4b:s4+s20], $0x80, s30, s20, $0xb8;
	[tilespmem:$0x1C900] =	vst v63  }
0x48: {  	_ =	swait.ge [sflag:s21], $0x4000  }
0x49: {  	[sflag:s21] =	ssyncset.done $0x0  }
0x4a: {  	s31 =	simm.s32 $0x2800;
	[sflag:s21] =	ssyncadd.s32 $0xFFFFC000  }
0x4b: {  	[spmem:s2] =	stream.indirect.scatter.add.f32 [tilespmem:s17], [sflag:$0x2], $0x80, s31, s20, $0xb8;
	[tilespmem:$0x1C900] =	vst v63  }
0x4c: {  	_ =	swait.ge [sflag:s18], $0x4000  }
0x4d: {  	s23 =	simm.s32 $0x400;
	s22 =	simm.s32 $0x200;
	[sflag:s18] =	ssyncset.done $0x0  }
.LBB2_4:
0x4e: {  	s24 =	sshra.s32 s22, $0x2  }
0x4f: {  	[sflag:s18] =	ssyncadd.s32 $0xFFFFC000;
	s22 =	smov.u32 s23;
	s25 =	sadd.s32 $0x200, s23  }
0x50: {  	[tilespmem:s17], [sflag:$0x1] =	stream.indirect.gather [hbm4b:s4+s20], $0x80, s24, s20, $0xb8;
	[tilespmem:$0x1C900] =	vst v63  }
0x51: {  	p1 =	sne.s32 s23, $0x9C00;
	_ =	swait.ge [sflag:s21], $0x4000  }
.Ltmp1:
0x52: {  	[sflag:s21] =	ssyncset.done $0x0;
	(pc) =	sbr.rel @p1 .LBB2_4-.Ltmp1, $4  }
0x53: {  	s23 =	sadd.s32 $0x2800, s24;
	[sflag:s21] =	ssyncadd.s32 $0xFFFFC000  }
0x54: {  	[spmem:s2] =	stream.indirect.scatter.add.f32 [tilespmem:s17], [sflag:$0x2], $0x80, s23, s20, $0xb8;
	[tilespmem:$0x1C900] =	vst v63  }
0x55: {  	_ =	swait.ge [sflag:s18], $0x4000  }
0x56: {  	s23 =	smov.u32 s25;
	[sflag:s18] =	ssyncset.done $0x0  }
0x57: {  	s22 =	sshra.s32 s22, $0x2;
	[sflag:s18] =	ssyncadd.s32 $0xFFFFC000  }
0x58: {  	[tilespmem:s17], [sflag:$0x1] =	stream.indirect.gather [hbm4b:s4+s20], $0x80, s22, s20, $0xb8;
	[tilespmem:$0x1C900] =	vst v63  }
0x59: {  	_ =	swait.ge [sflag:s21], $0x4000  }
0x5a: {  	[sflag:s21] =	ssyncset.done $0x0  }
0x5b: {  	s22 =	sadd.s32 $0x2800, s22;
	[sflag:s21] =	ssyncadd.s32 $0xFFFFC000  }
0x5c: {  	[spmem:s2] =	stream.indirect.scatter.add.f32 [tilespmem:s17], [sflag:$0x2], $0x80, s22, s20, $0xb8;
	[tilespmem:$0x1C900] =	vst v63  }
0x5d: {  	_ =	swait.ge [sflag:s18], $0x4000  }
0x5e: {  	[sflag:s18] =	ssyncset.done $0x0  }
0x5f: {  	s31 =	sshll.u32 s0, $0x6;
	[sflag:s18] =	ssyncadd.s32 $0xFFFFC000  }
0x60: {  	s23 =	sshrl.u32 s5, $0x3;
	s22 =	sor.u32 $0x1C02, s31;
	[bflag:$0x0] =	sbarrier.arrive $0xFFFF  }
0x61: {  	[hbm:s14], [sflag:s22] =	dma.local [spmem:s23], $0x2700  }
0x62: {  	_ =	swait.ge [sflag:s18], $0x2700  }
0x63: {  	s3 =	sadd.s32 $0x1, s3;
	[sflag:s18] =	ssyncset.done $0x0  }
0x64: {  	p1 =	sne.s32 s3, s16;
	s23 =	sshrl.u32 @!p0 s11, $0x3;
	[sflag:s18] =	ssyncadd.s32 $0xFFFFD900  }
0x65: {  	[hbm:s15], [sflag:s22] =	dma.local @!p0 [spmem:s23], $0x100  }
.Ltmp2:
0x66: {  	_ = 	snop;
	(pc) =	sbr.rel @p1 .LBB2_1-.Ltmp2, $4  }
0x67: {  	s22 =	simm.s32 @!p0 $0x2  }
0x68: {  	_ =	swait.ge @!p0 [sflag:s22], $0x100  }
0x69: {  	[sflag:s22] =	ssyncset.done @!p0 $0x0  }
0x6a: {  	[sflag:s22] =	ssyncadd.s32 @!p0 $0xFFFFFF00  }
0x6b: {  	_ =	sfence.sel $0x180000  }
0x6c: {  	[bflag:$0x0] =	sbarrier.arrive $0xFFFF  }
0x6d: {  	p0 =	sne.s32 s0, $0x0;
	_ =	strace $0x90000053  }
0x6e: {  	s0 =	sadd.s32 @!p0 $0x100000, s1;
	[bflag:$0x2] =	sbarrier.arrive $0xFFFF  }
0x6f: {  	[sflag:s0] =	ssyncadd.tile.s32 @!p0 $0x1;
	_ =	shalt  }
.Lfunc_end2:
_tile_overlayer_lowered:
.L_overlay_start_2:
0x70: {  	(tag) =	ssettag $0x2  }
0x71: {  	s0 =	rddreg [dreg:$0x0];
	s2 =	stileid.u32  }
0x72: {  	s1 =	rddreg [dreg:$0x1];
	p0 =	sne.s32 s2, $0x0  }
0x73: {  	s3 =	rddreg [dreg:$0x2];
	[bflag:$0x3] =	sbarrier.arrive $0xFFFF;
	s2 =	simm.s32 @!p0 $0x1C02  }
0x74: {  	[timem:s3], [sflag:s2] =	dma.local @!p0 [hbm:s0], s1  }
0x75: {  	s0 =	simm.s32 @!p0 $0x2  }
0x76: {  	_ =	swait.ge @!p0 [sflag:s0], s1  }
0x77: {  	s1 =	ssub.s32 @!p0 $0x0, s1;
	[sflag:s0] =	ssyncset.done @!p0 $0x0  }
0x78: {  	[sflag:s0] =	ssyncadd.s32 @!p0 s1  }
0x79: {  	[bflag:$0x3] =	sbarrier.arrive $0xFFFF  }
0x7a: {  	_ =	shalt  }

// kernel: kernel.33.cloned.1.call-start
scs
__scs_entry_jumppad:
0x0: {  	(pc) =	sbr.rel $0x88, $3  }
0x1: {  	(tag) =	ssettag $0x0;
	lr =	simm.s32 $0x1  }
0x2: {  	[smem:$0x3F8D] =	sst lr;
	_ =	strace $0xD0000000  }
0x3: {  	_ = 	snop  }
0x4: {  	_ = 	snop  }
0x5: {  	_ = 	snop  }
0x6: {  	_ = 	snop  }
0x7: {  	_ = 	snop  }
__scs_overlays_trampoline_lowered:
0x8: {  	[smem:$0x3F9C] =	sst s0  }
0x9: {  	[smem:$0x3F9D] =	sst s1  }
0xa: {  	[smem:$0x3F9E] =	sst s2  }
0xb: {  	[smem:$0x3F9F] =	sst s3  }
0xc: {  	[smem:$0x3FA0] =	sst s4  }
0xd: {  	[smem:$0x3FA1] =	sst s5  }
0xe: {  	[smem:$0x3FA2] =	sst s6  }
0xf: {  	[smem:$0x3FA3] =	sst s7  }
0x10: {  	[smem:$0x3FA4] =	sst s8  }
0x11: {  	[smem:$0x3FA5] =	sst s9;
	s0 =	simm.s32 @!p0 $0x0  }
0x12: {  	s1 =	sld [smem:$0x3F8B];
	s0 =	simm.s32 @p0 $0x1  }
0x13: {  	[smem:$0x3FA6] =	sst s0;
	s0 =	simm.s32 @!p1 $0x0  }
0x14: {  	s2 =	sld [smem:$0x3F8A];
	s0 =	simm.s32 @p1 $0x1  }
0x15: {  	[smem:$0x3FA7] =	sst s0;
	s0 =	simm.s32 @!p2 $0x0  }
0x16: {  	s3 =	sld [smem:$0x3FDB];
	s0 =	simm.s32 @p2 $0x1  }
0x17: {  	s4 =	simm.s32 $0x1BF5;
	[smem:$0x3FA9] =	sst s0  }
0x18: {  	s0 =	sld [smem:$0x3F8C];
	_ =	swait.ge [sflag:s4], $0x0  }
0x19: {  	s7 =	sld [smem:$0x3F8D]  }
0x1a: {  	s8 =	sadd.s32 $0xFFFFE003, lr  }
0x1b: {  	s9 =	sadd.s32 $0xFFFFFEF7, lr;
	s5 =	simm.s32 $0xFFFFFFFF;
	p2 =	slt.u32 s8, $0xFFFFF086  }
0x1c: {  	p1 =	slt.u32 s9, $0xF7A;
	s5 =	simm.s32 @!p2 $0x0  }
0x1d: {  	s5 =	simm.s32 @p1 $0x1;
	p0 =	seq.s32 s7, s2  }
0x1e: {  	s7 =	smul.u32 @!p0 $0xF7A, s2;
	p2 =	seq.s32 @!p0 s5, $0x0  }
0x1f: {  	s9 =	smul.u32 $0xF7A, s1;
	s8 =	simm.s32 @!p0 $0x1BF5;
	p2 =	por !p2, p0  }
0x20: {  	[sflag:s8] =	ssyncset.s32 @!p0 $0xFFFFF086;
	s6 =	sadd.s32 @!p0 s3, s7;
	s7 =	simm.s32 @!p0 $0x108  }
0x21: {  	s3 =	sadd.s32 s3, s9;
	s6 =	sadd.s32 @!p0 $0x88, s6;
	s7 =	simm.s32 @p2 $0x1082  }
0x22: {  	[simem:s7], [sflag:s8] =	dma.local @!p0 [hbm:s6], $0xF7A  }
0x23: {  	s9 =	sor.u32 $0xD0000000, s2;
	s6 =	simm.s32 $0x108;
	_ =	swait.ge @!p0 [sflag:s8], $0x0  }
0x24: {  	s3 =	sadd.s32 $0x88, s3;
	s6 =	simm.s32 @!p1 $0x1082;
	[sflag:s4] =	ssyncset.s32 $0xFFFFF086  }
0x25: {  	[simem:s6], [sflag:s4] =	dma.local [hbm:s3], $0xF7A  }
0x26: {  	[smem:$0x3F8D] =	sst s1;
	(tag) =	ssettag s2;
	_ =	strace s9  }
0x27: {  	s1 =	sld [smem:$0x3F9D]  }
0x28: {  	s2 =	sld [smem:$0x3F9E]  }
0x29: {  	s4 =	sld [smem:$0x3FA0]  }
0x2a: {  	p0 =	seq.s32 s5, $0x0;
	s5 =	sld [smem:$0x3FA1]  }
0x2b: {  	s6 =	sld [smem:$0x3FA2]  }
0x2c: {  	s7 =	sld [smem:$0x3FA3]  }
0x2d: {  	s3 =	simm.s32 $0x108;
	s8 =	sld [smem:$0x3FA4]  }
0x2e: {  	s3 =	simm.s32 @!p0 $0x1082;
	s9 =	sld [smem:$0x3FA5]  }
0x2f: {  	lr =	sadd.s32 s0, s3;
	s0 =	sld [smem:$0x3F9C]  }
0x30: {  	s3 =	sld [smem:$0x3F9F]  }
0x31: {  	[smem:$0x3FA8] =	sst s10  }
0x32: {  	s10 =	sld [smem:$0x3FA6];
	_ =	sdelay $0x3  }
0x33: {  	p0 =	seq.s32 s10, $0x1;
	s10 =	sld [smem:$0x3FA8];
	_ =	sdelay $0x3  }
0x34: {  	[smem:$0x3FA8] =	sst s10  }
0x35: {  	s10 =	sld [smem:$0x3FA7];
	_ =	sdelay $0x3  }
0x36: {  	p1 =	seq.s32 s10, $0x1;
	s10 =	sld [smem:$0x3FA8];
	_ =	sdelay $0x3  }
0x37: {  	[smem:$0x3FA8] =	sst s10  }
0x38: {  	s10 =	sld [smem:$0x3FA9]  }
0x39: {  	_ = 	snop;
	(pc) =	sbr.ind lr, $3  }
0x3a: {  	_ = 	snop  }
0x3b: {  	_ = 	snop  }
0x3c: {  	p2 =	seq.s32 s10, $0x1;
	s10 =	sld [smem:$0x3FA8]  }
0x3d: {  	_ =	shalt  }
0x3e: {  	_ =	shalt  }
0x3f: {  	_ =	shalt  }
0x40: {  	_ =	shalt  }
0x41: {  	_ =	shalt  }
0x42: {  	_ =	shalt  }
0x43: {  	_ =	shalt  }
0x44: {  	_ =	shalt  }
0x45: {  	_ =	shalt  }
0x46: {  	_ =	shalt  }
0x47: {  	_ =	shalt  }
0x48: {  	_ =	shalt  }
0x49: {  	_ =	shalt  }
0x4a: {  	_ =	shalt  }
0x4b: {  	_ =	shalt  }
0x4c: {  	_ =	shalt  }
0x4d: {  	_ =	shalt  }
0x4e: {  	_ =	shalt  }
0x4f: {  	_ =	shalt  }
0x50: {  	_ =	shalt  }
0x51: {  	_ =	shalt  }
0x52: {  	_ =	shalt  }
0x53: {  	_ =	shalt  }
0x54: {  	_ =	shalt  }
0x55: {  	_ =	shalt  }
0x56: {  	_ =	shalt  }
0x57: {  	_ =	shalt  }
0x58: {  	_ =	shalt  }
0x59: {  	_ =	shalt  }
0x5a: {  	_ =	shalt  }
0x5b: {  	_ =	shalt  }
0x5c: {  	_ =	shalt  }
0x5d: {  	_ =	shalt  }
0x5e: {  	_ =	shalt  }
0x5f: {  	_ =	shalt  }
0x60: {  	_ =	shalt  }
0x61: {  	_ =	shalt  }
0x62: {  	_ =	shalt  }
0x63: {  	_ =	shalt  }
0x64: {  	_ =	shalt  }
0x65: {  	_ =	shalt  }
0x66: {  	_ =	shalt  }
0x67: {  	_ =	shalt  }
0x68: {  	_ =	shalt  }
0x69: {  	_ =	shalt  }
0x6a: {  	_ =	shalt  }
0x6b: {  	_ =	shalt  }
0x6c: {  	_ =	shalt  }
0x6d: {  	_ =	shalt  }
0x6e: {  	_ =	shalt  }
0x6f: {  	_ =	shalt  }
0x70: {  	_ =	shalt  }
0x71: {  	_ =	shalt  }
0x72: {  	_ =	shalt  }
0x73: {  	_ =	shalt  }
0x74: {  	_ =	shalt  }
0x75: {  	_ =	shalt  }
0x76: {  	_ =	shalt  }
0x77: {  	_ =	shalt  }
0x78: {  	_ =	shalt  }
0x79: {  	_ =	shalt  }
0x7a: {  	_ =	shalt  }
0x7b: {  	_ =	shalt  }
0x7c: {  	_ =	shalt  }
0x7d: {  	_ =	shalt  }
0x7e: {  	_ =	shalt  }
0x7f: {  	_ =	shalt  }
0x80: {  	_ =	shalt  }
0x81: {  	_ =	shalt  }
0x82: {  	_ =	shalt  }
0x83: {  	_ =	shalt  }
0x84: {  	_ =	shalt  }
0x85: {  	_ =	shalt  }
0x86: {  	_ =	shalt  }
0x87: {  	_ =	shalt  }
.Lfunc_end0:
.L_simem_size_0:
called_computation.5_lowered:
.L_overlay_start_0:
0x88: {  	s2 =	sld [smem:$0x3FD9]  }
0x89: {  	s3 =	sld [smem:$0x3FFE];
	_ =	sdelay $0x1  }
0x8a: {  	s1 =	srdreg.scid  }
0x8b: {  	s0 =	sand.u32 $0x1, s1  }
0x8c: {  	s16 =	sshll.u32 s0, $0xA;
	s2 =	sadd.s32 s3, s2  }
0x8d: {  	s2 =	sadd.s32 s2, s16  }
0x8e: {  	[smem:$0x3FB4] =	sst s2  }
0x8f: {  	_ = 	snop  }
0x90: {  	(tm) =	ssettm $0x1  }
0x91: {  	s17 =	sld [smem:$0x3FFB];
	_ =	sdelay $0x3  }
0x92: {  	_ =	strace s17  }
0x93: {  	s2 =	sld [smem:$0x3FFC];
	_ =	sdelay $0x3  }
0x94: {  	_ =	strace s2  }
0x95: {  	s2 =	sld [smem:$0x3FFD];
	_ =	sdelay $0x3  }
0x96: {  	_ =	strace s2  }
0x97: {  	_ =	strace $0x8FFFFFFF  }
0x98: {  	s18 =	sld [smem:$0x3FDB];
	_ =	sdelay $0x1  }
0x99: {  	s19 =	simm.s32 $_scs_section_size  }
0x9a: {  	s4 =	simm.s32 $_size__tile_overlayer_lowered;
	s5 =	simm.s32 $_tile_overlayer_lowered  }
0x9b: {  	s22 =	simm.s32 $0x1BFF;
	s21 =	sshll.u32 s5, $0x1;
	s2 =	sadd.s32 s19, s18  }
0x9c: {  	s6 =	simm.s32 $0x0;
	s20 =	sshll.u32 s4, $0x1;
	s4 =	sadd.s32 s21, s2  }
0x9d: {  	[timem:s6], [sflag:s22] =	dma.local [hbm:s4], s20  }
0x9e: {  	_ =	swait.ge [sflag:s22], s20  }
0x9f: {  	s3 =	ssub.s32 $0x0, s20;
	[sflag:s22] =	ssyncset.done $0x0  }
0xa0: {  	[sflag:s22] =	ssyncadd.s32 s3;
	_ =	sdelay $0x1  }
0xa1: {  	s23 =	simm.s32 $0x1B8B  }
0xa2: {  	_ =	swait.ge [sflag:s23], $0x1  }
0xa3: {  	[sflag:s23] =	ssyncset.done $0x0  }
0xa4: {  	s25 =	simm.s32 $0x1B8E;
	s24 =	sld [smem:$0x3FFE];
	[sflag:s23] =	ssyncadd.s32 $0xFFFFFFFF  }
0xa5: {  	s26 =	simm.s32 $execute0_lowered;
	[smem:$0x3FD2] =	sst s25  }
0xa6: {  	s4 =	sshll.u32 s26, $0x1;
	_ =	strace $0x80000055;
	[dreg:$0x1] =	wrdreg $0xFFFFFFFF  }
0xa7: {  	s28 =	simm.s32 $_size_execute0_lowered;
	s2 =	sadd.s32 s2, s4;
	[dreg:$0x0] =	wrdreg $0x0  }
0xa8: {  	s4 =	sshll.u32 s28, $0x1;
	[dreg:$0x2] =	wrdreg s2  }
0xa9: {  	[dreg:$0x3] =	wrdreg s4  }
0xaa: {  	[dreg:$0x4] =	wrdreg $0xC0  }
0xab: {  	_ =	task [dreg:s6], $0x5FFFF  }
0xac: {  	[dreg:$0x1] =	wrdreg $0xFFFFFFFF  }
0xad: {  	[dreg:$0x0] =	wrdreg $0x60  }
0xae: {  	[dreg:$0x2] =	wrdreg s24  }
0xaf: {  	[dreg:$0x3] =	wrdreg $0x90000  }
0xb0: {  	[dreg:$0x4] =	wrdreg $0x9  }
0xb1: {  	_ =	task.clear_ibuf [dreg:s6], $0x5FFFF;
	_ =	strace $0x90000055  }
0xb2: {  	s29 =	simm.s32 $0x9;
	_ =	strace $0x80000057  }
0xb3: {  	_ =	swait.ge [sflag:s29], $0x1  }
0xb4: {  	[sflag:s29] =	ssyncadd.s32 $0xFFFFFFFF  }
0xb5: {  	_ =	strace $0x90000057  }
0xb6: {  	_ =	sfence  }
0xb7: {  	s30 =	sld [smem:$0x0];
	_ =	sdelay $0x2  }
0xb8: {  	s31 =	sshll.u32 s1, $0xD;
	s1 =	sshrl.u32 s1, $0x2  }
0xb9: {  	s3 =	sand.u32 $0x4000, s31;
	s1 =	sadd.s32 s1, s30  }
0xba: {  	s0 =	sor.u32 s3, s0;
	s1 =	sshll.u32 s1, $0x11  }
0xbb: {  	s0 =	sor.u32 s1, s0  }
0xbc: {  	s0 =	sadd.s32 $0x8F2B, s0  }
0xbd: {  	[sflag:s0] =	ssyncadd.remote.s32 $0x1  }
0xbe: {  	_ =	sfence.sel $0xFFFF  }
0xbf: {  	[dreg:$0x0] =	wrdreg $0xFFFFFFFF;
	(pc) =	sbr.abs _section_cstart, $3  }
0xc0: {  	[dreg:$0x1] =	wrdreg $0xFFFFFFFF  }
0xc1: {  	_ =	task.clear_ibuf [dreg:s6], $0x2FFFF;
	_ =	strace $0x9FFFFFFF  }
0xc2: {  	(tm) =	ssettm $0x7FFFFFFF  }
0xc3: {  	_ =	shalt  }
tec
execute0_lowered:
.L_overlay_start_1:
0x0: {  	(tag) =	ssettag $0x1  }
0x1: {  	s0 =	srdreg.scid;
	s5 =	rddreg [dreg:$0x0]  }
0x2: {  	s2 =	rddreg [dreg:$0x1];
	s3 =	simm.s32 $0x0;
	s18 =	simm.s32 $0x2  }
0x3: {  	s19 =	simm.s32 $0x2800;
	s20 =	simm.s32 $0x80;
	s21 =	simm.s32 $0x1  }
0x4: {  	s7 =	sand.u32 $0x1, s0;
	s0 =	stileid.u32;
	[smem:$0x7FF] =	sst s3  }
0x5: {  	s14 =	sadd.s32 $0x41400, s5;
	s11 =	sadd.s32 $0x138000, s2;
	s8 =	smul.u32 $0x4E000, s0  }
0x6: {  	s1 =	sshll.u32 s7, $0x4;
	s31 =	ssub.s32 $0x2, s7;
	s15 =	smul.u32 $0x138800, s7  }
0x7: {  	s17 =	smul.u32 $0x13800, s0;
	p0 =	sne.s32 s0, $0xF;
	s4 =	sor.u32 s0, s1  }
0x8: {  	s1 =	rddreg [dreg:$0x2];
	_ =	strace $0x80000056;
	s9 =	sshrl.u32 s31, $0x1  }
0x9: {  	s6 =	smul.u32 $0x500, s4;
	s4 =	sadd.s32 $0x1A200, s5;
	s8 =	sshrl.u32 s8, $0x2  }
0xa: {  	s16 =	ssub.s32 s31, s9;
	s17 =	sadd.s32 s17, s15;
	s15 =	sshrl.u32 s15, $0x3  }
0xb: {  	s17 =	sshrl.u32 s17, $0x3;
	s15 =	sadd.s32 s14, s15;
	s16 =	smax.u32 s16, $0x1  }
0xc: {  	s13 =	sadd.s32 s6, s5;
	s5 =	sadd.s32 s8, s2;
	s14 =	sadd.s32 s14, s17  }
0xd: {  	s15 =	sadd.s32 $0x27000, s15;
	s17 =	simm.s32 $0x5000;
	s6 =	sadd.s32 $0x3400, s5  }
0xe: {  	s7 =	sadd.s32 $0x6800, s5;
	s8 =	sadd.s32 $0x9C00, s5;
	s9 =	sadd.s32 $0xD000, s5  }
0xf: {  	v0 =	vimm.f32 $0.0e+00;
	s10 =	sadd.s32 $0x10400, s5;
	s12 =	sadd.s32 $0x10200, s13;
	s13 =	sadd.s32 $0x6200, s13  }
.LBB2_1:
0x10: {  	s22 =	simm.s32 $0x0;
	s23 =	simm.s32 $0x200  }
.LBB2_2:
0x11: {  	p1 =	sne.s32 s23, $0xFE00;
	[tilespmem:s22+$0x5070] =	vst v0  }
0x12: {  	[tilespmem:s22+$0x5000] =	vst v0  }
0x13: {  	[tilespmem:s22+$0x5010] =	vst v0  }
.Ltmp0:
0x14: {  	[tilespmem:s22+$0x5020] =	vst v0;
	(pc) =	sbr.rel @p1 .LBB2_2-.Ltmp0, $4  }
0x15: {  	[tilespmem:s22+$0x5030] =	vst v0  }
0x16: {  	[tilespmem:s22+$0x5040] =	vst v0  }
0x17: {  	[tilespmem:s22+$0x5050] =	vst v0  }
0x18: {  	[tilespmem:s22+$0x5060] =	vst v0;
	s22 =	sshra.s32 s23, $0x2;
	s23 =	sadd.s32 $0x200, s23  }
0x19: {  	[tilespmem:s22+$0x5070] =	vst v0  }
0x1a: {  	[tilespmem:s22+$0x5000] =	vst v0  }
0x1b: {  	[tilespmem:s22+$0x5010] =	vst v0  }
0x1c: {  	[tilespmem:s22+$0x5020] =	vst v0  }
0x1d: {  	[tilespmem:s22+$0x5030] =	vst v0  }
0x1e: {  	[tilespmem:s22+$0x5040] =	vst v0  }
0x1f: {  	[tilespmem:s22+$0x5050] =	vst v0  }
0x20: {  	[tilespmem:s22+$0x5060] =	vst v0  }
0x21: {  	[spmem:s5] =	stream.linear.scatter [tilespmem:s17], [sflag:$0x2], $0x3400, $0x38;
	[tilespmem:$0x1C900] =	vst v63  }
0x22: {  	_ =	swait.ge [sflag:s18], $0x3400  }
0x23: {  	[sflag:s18] =	ssyncset.done $0x0  }
0x24: {  	[sflag:s18] =	ssyncadd.s32 $0xFFFFCC00  }
0x25: {  	[spmem:s6] =	stream.linear.scatter [tilespmem:s17], [sflag:$0x2], $0x3400, $0x38;
	[tilespmem:$0x1C900] =	vst v63  }
0x26: {  	_ =	swait.ge [sflag:s18], $0x3400  }
0x27: {  	[sflag:s18] =	ssyncset.done $0x0  }
0x28: {  	[sflag:s18] =	ssyncadd.s32 $0xFFFFCC00  }
0x29: {  	[spmem:s7] =	stream.linear.scatter [tilespmem:s17], [sflag:$0x2], $0x3400, $0x38;
	[tilespmem:$0x1C900] =	vst v63  }
0x2a: {  	_ =	swait.ge [sflag:s18], $0x3400  }
0x2b: {  	[sflag:s18] =	ssyncset.done $0x0  }
0x2c: {  	[sflag:s18] =	ssyncadd.s32 $0xFFFFCC00  }
0x2d: {  	[spmem:s8] =	stream.linear.scatter [tilespmem:s17], [sflag:$0x2], $0x3400, $0x38;
	[tilespmem:$0x1C900] =	vst v63  }
0x2e: {  	_ =	swait.ge [sflag:s18], $0x3400  }
0x2f: {  	[sflag:s18] =	ssyncset.done $0x0  }
0x30: {  	[sflag:s18] =	ssyncadd.s32 $0xFFFFCC00  }
0x31: {  	[spmem:s9] =	stream.linear.scatter [tilespmem:s17], [sflag:$0x2], $0x3400, $0x38;
	[tilespmem:$0x1C900] =	vst v63  }
0x32: {  	_ =	swait.ge [sflag:s18], $0x3400  }
0x33: {  	[sflag:s18] =	ssyncset.done $0x0  }
0x34: {  	[sflag:s18] =	ssyncadd.s32 $0xFFFFCC00  }
0x35: {  	[spmem:s10] =	stream.linear.scatter [tilespmem:s17], [sflag:$0x2], $0x3400, $0x38;
	[tilespmem:$0x1C900] =	vst v63  }
0x36: {  	_ =	swait.ge [sflag:s18], $0x3400  }
0x37: {  	[sflag:s18] =	ssyncset.done $0x0  }
0x38: {  	s22 =	simm.s32 @!p0 $0x5000;
	[sflag:s18] =	ssyncadd.s32 $0xFFFFCC00  }
0x39: {  	[spmem:s11] =	stream.linear.scatter @!p0 [tilespmem:s22], [sflag:$0x2], $0x800, $0x38;
	[tilespmem:$0x1C900] =	vst v63  }
0x3a: {  	s22 =	simm.s32 @!p0 $0x2  }
0x3b: {  	_ =	swait.ge @!p0 [sflag:s22], $0x800  }
0x3c: {  	[sflag:s22] =	ssyncset.done @!p0 $0x0  }
0x3d: {  	s29 =	simm.s32 $0x0;
	[sflag:s22] =	ssyncadd.s32 @!p0 $0xFFFFF800  }
0x3e: {  	[tilespmem:s29], [sflag:$0x2] =	stream.linear.gather [hbm4b:s12+s29], $0x2780, $0x38;
	[tilespmem:$0x1C900] =	vst v63  }
0x3f: {  	_ =	swait.ge [sflag:s18], $0x2780  }
0x40: {  	[sflag:s18] =	ssyncset.done $0x0  }
0x41: {  	[sflag:s18] =	ssyncadd.s32 $0xFFFFD880  }
0x42: {  	[tilespmem:s19], [sflag:$0x2] =	stream.linear.gather [hbm4b:s13+s29], $0x2780, $0x38;
	[tilespmem:$0x1C900] =	vst v63  }
0x43: {  	_ =	swait.ge [sflag:s18], $0x2780  }
0x44: {  	[sflag:s18] =	ssyncset.done $0x0  }
0x45: {  	[sflag:s18] =	ssyncadd.s32 $0xFFFFD880  }
0x46: {  	s30 =	simm.s32 $0x0;
	[bflag:$0x0] =	sbarrier.arrive $0xFFFF  }
0x47: {  	[tilespmem:s17], [sflag:$0x1] =	stream.indirect.gather [hbm4b:s4+s20], $0x80, s30, s20, $0xb8;
	[tilespmem:$0x1C900] =	vst v63  }
0x48: {  	_ =	swait.ge [sflag:s21], $0x4000  }
0x49: {  	[sflag:s21] =	ssyncset.done $0x0  }
0x4a: {  	s31 =	simm.s32 $0x2800;
	[sflag:s21] =	ssyncadd.s32 $0xFFFFC000  }
0x4b: {  	[spmem:s2] =	stream.indirect.scatter.add.f32 [tilespmem:s17], [sflag:$0x2], $0x80, s31, s20, $0xb8;
	[tilespmem:$0x1C900] =	vst v63  }
0x4c: {  	_ =	swait.ge [sflag:s18], $0x4000  }
0x4d: {  	s23 =	simm.s32 $0x400;
	s22 =	simm.s32 $0x200;
	[sflag:s18] =	ssyncset.done $0x0  }
.LBB2_4:
0x4e: {  	s24 =	sshra.s32 s22, $0x2  }
0x4f: {  	[sflag:s18] =	ssyncadd.s32 $0xFFFFC000;
	s22 =	smov.u32 s23;
	s25 =	sadd.s32 $0x200, s23  }
0x50: {  	[tilespmem:s17], [sflag:$0x1] =	stream.indirect.gather [hbm4b:s4+s20], $0x80, s24, s20, $0xb8;
	[tilespmem:$0x1C900] =	vst v63  }
0x51: {  	p1 =	sne.s32 s23, $0x9C00;
	_ =	swait.ge [sflag:s21], $0x4000  }
.Ltmp1:
0x52: {  	[sflag:s21] =	ssyncset.done $0x0;
	(pc) =	sbr.rel @p1 .LBB2_4-.Ltmp1, $4  }
0x53: {  	s23 =	sadd.s32 $0x2800, s24;
	[sflag:s21] =	ssyncadd.s32 $0xFFFFC000  }
0x54: {  	[spmem:s2] =	stream.indirect.scatter.add.f32 [tilespmem:s17], [sflag:$0x2], $0x80, s23, s20, $0xb8;
	[tilespmem:$0x1C900] =	vst v63  }
0x55: {  	_ =	swait.ge [sflag:s18], $0x4000  }
0x56: {  	s23 =	smov.u32 s25;
	[sflag:s18] =	ssyncset.done $0x0  }
0x57: {  	s22 =	sshra.s32 s22, $0x2;
	[sflag:s18] =	ssyncadd.s32 $0xFFFFC000  }
0x58: {  	[tilespmem:s17], [sflag:$0x1] =	stream.indirect.gather [hbm4b:s4+s20], $0x80, s22, s20, $0xb8;
	[tilespmem:$0x1C900] =	vst v63  }
0x59: {  	_ =	swait.ge [sflag:s21], $0x4000  }
0x5a: {  	[sflag:s21] =	ssyncset.done $0x0  }
0x5b: {  	s22 =	sadd.s32 $0x2800, s22;
	[sflag:s21] =	ssyncadd.s32 $0xFFFFC000  }
0x5c: {  	[spmem:s2] =	stream.indirect.scatter.add.f32 [tilespmem:s17], [sflag:$0x2], $0x80, s22, s20, $0xb8;
	[tilespmem:$0x1C900] =	vst v63  }
0x5d: {  	_ =	swait.ge [sflag:s18], $0x4000  }
0x5e: {  	[sflag:s18] =	ssyncset.done $0x0  }
0x5f: {  	s31 =	sshll.u32 s0, $0x6;
	[sflag:s18] =	ssyncadd.s32 $0xFFFFC000  }
0x60: {  	s23 =	sshrl.u32 s5, $0x3;
	s22 =	sor.u32 $0x1C02, s31;
	[bflag:$0x0] =	sbarrier.arrive $0xFFFF  }
0x61: {  	[hbm:s14], [sflag:s22] =	dma.local [spmem:s23], $0x2700  }
0x62: {  	_ =	swait.ge [sflag:s18], $0x2700  }
0x63: {  	s3 =	sadd.s32 $0x1, s3;
	[sflag:s18] =	ssyncset.done $0x0  }
0x64: {  	p1 =	sne.s32 s3, s16;
	s23 =	sshrl.u32 @!p0 s11, $0x3;
	[sflag:s18] =	ssyncadd.s32 $0xFFFFD900  }
0x65: {  	[hbm:s15], [sflag:s22] =	dma.local @!p0 [spmem:s23], $0x100  }
.Ltmp2:
0x66: {  	_ = 	snop;
	(pc) =	sbr.rel @p1 .LBB2_1-.Ltmp2, $4  }
0x67: {  	s22 =	simm.s32 @!p0 $0x2  }
0x68: {  	_ =	swait.ge @!p0 [sflag:s22], $0x100  }
0x69: {  	[sflag:s22] =	ssyncset.done @!p0 $0x0  }
0x6a: {  	[sflag:s22] =	ssyncadd.s32 @!p0 $0xFFFFFF00  }
0x6b: {  	_ =	sfence.sel $0x180000  }
0x6c: {  	[bflag:$0x0] =	sbarrier.arrive $0xFFFF  }
0x6d: {  	p0 =	sne.s32 s0, $0x0;
	_ =	strace $0x90000056  }
0x6e: {  	s0 =	sadd.s32 @!p0 $0x100000, s1;
	[bflag:$0x2] =	sbarrier.arrive $0xFFFF  }
0x6f: {  	[sflag:s0] =	ssyncadd.tile.s32 @!p0 $0x1;
	_ =	shalt  }
.Lfunc_end2:
_tile_overlayer_lowered:
.L_overlay_start_2:
0x70: {  	(tag) =	ssettag $0x2  }
0x71: {  	s0 =	rddreg [dreg:$0x0];
	s2 =	stileid.u32  }
0x72: {  	s1 =	rddreg [dreg:$0x1];
	p0 =	sne.s32 s2, $0x0  }
0x73: {  	s3 =	rddreg [dreg:$0x2];
	[bflag:$0x3] =	sbarrier.arrive $0xFFFF;
	s2 =	simm.s32 @!p0 $0x1C02  }
0x74: {  	[timem:s3], [sflag:s2] =	dma.local @!p0 [hbm:s0], s1  }
0x75: {  	s0 =	simm.s32 @!p0 $0x2  }
0x76: {  	_ =	swait.ge @!p0 [sflag:s0], s1  }
0x77: {  	s1 =	ssub.s32 @!p0 $0x0, s1;
	[sflag:s0] =	ssyncset.done @!p0 $0x0  }
0x78: {  	[sflag:s0] =	ssyncadd.s32 @!p0 s1  }
0x79: {  	[bflag:$0x3] =	sbarrier.arrive $0xFFFF  }
0x7a: {  	_ =	shalt  }

</sc_bundles>
